<compile_context>
chip_gen: v7x
topology: tpu7x:2x2x1
jax: 0.10.2.dev20260603
libtpu: 0.0.44.dev20260713+nightly
codegen_flags: <defaults>
</compile_context>

<pallas_src>
import functools

import jax
import jax.numpy as jnp
from jax import lax
from jax.experimental import pallas as pl
from jax.experimental.pallas import tpu as pltpu
from jax.experimental.pallas import tpu_sc as plsc

N = 10000
E = 320000
D_IN = 128
D_HID = 256
N_GPS = 64
N_OUT = 128

NPAD = 10240
NW = 32
RT = NPAD // 16
CKG = 120
CHG = 84
EPADG = NW * CHG * CKG
CHD = 80
EPADD = NW * CHD * 128

_mesh = plsc.VectorSubcoreMesh(core_axis_name="c", subcore_axis_name="s")


@functools.partial(
    pl.kernel,
    out_type=jax.ShapeDtypeStruct((2, NPAD), jnp.float32),
    mesh=_mesh,
    scratch_types=[
        pltpu.VMEM((CHD, 128), jnp.int32),
        pltpu.VMEM((128,), jnp.float32),
        pltpu.VMEM((RT,), jnp.float32),
        pltpu.VMEM_SHARED((NPAD,), jnp.float32),
    ],
)
def _deg_kernel(dst_hbm, out_hbm, didx, ones, zbuf, acc):
    c = lax.axis_index("c")
    s = lax.axis_index("s")
    w = s * 2 + c
    z16 = jnp.zeros((16,), jnp.float32)
    o16 = jnp.full((16,), 1.0, jnp.float32)
    for j in range(RT // 16):
        zbuf[pl.ds(j * 16, 16)] = z16
    for j in range(8):
        ones[pl.ds(j * 16, 16)] = o16
    pltpu.sync_copy(zbuf, acc.at[pl.ds(s * RT, RT)])
    plsc.subcore_barrier()
    pltpu.sync_copy(dst_hbm.at[w], didx)

    def body(j, carry):
        pltpu.sync_copy(ones, acc.at[didx.at[j]], add=True)
        return carry

    lax.fori_loop(0, CHD, body, 0)
    plsc.subcore_barrier()
    pltpu.sync_copy(acc.at[pl.ds(s * RT, RT)], zbuf)
    pltpu.sync_copy(zbuf, out_hbm.at[c, pl.ds(s * RT, RT)])


@functools.partial(
    pl.kernel,
    out_type=jax.ShapeDtypeStruct((2, NPAD, 128), jnp.float32),
    mesh=_mesh,
    scratch_types=[
        pltpu.VMEM((3, CKG), jnp.int32),
        pltpu.VMEM((3, CKG), jnp.int32),
        pltpu.VMEM((CKG, 128), jnp.float32),
        pltpu.VMEM((CKG, 128), jnp.float32),
        pltpu.VMEM((CKG, 128), jnp.float32),
        pltpu.VMEM_SHARED((NPAD, 128), jnp.float32),
        pltpu.SemaphoreType.DMA,
        pltpu.SemaphoreType.DMA,
        pltpu.SemaphoreType.DMA,
        pltpu.SemaphoreType.DMA,
        pltpu.SemaphoreType.DMA,
        pltpu.SemaphoreType.DMA,
        pltpu.SemaphoreType.DMA,
        pltpu.SemaphoreType.DMA,
        pltpu.SemaphoreType.DMA,
    ],
)
def _agg_kernel(tab_hbm, src_hbm, dst_hbm, out_hbm, sidx, didx,
                rows0, rows1, rows2, acc, sg0, sg1, sg2, ss0, ss1, ss2,
                sx0, sx1, sx2):
    c = lax.axis_index("c")
    s = lax.axis_index("s")
    w = s * 2 + c
    rows = (rows0, rows1, rows2)
    sg = (sg0, sg1, sg2)
    ss = (ss0, ss1, ss2)
    sx = (sx0, sx1, sx2)
    z16 = jnp.zeros((16,), jnp.float32)

    def zrow(i, carry):
        for j in range(8):
            rows0[i, pl.ds(j * 16, 16)] = z16
        return carry

    lax.fori_loop(0, 80, zrow, 0)

    def zacc(i, carry):
        pltpu.sync_copy(rows0.at[pl.ds(0, 80)],
                        acc.at[pl.ds(s * RT + i * 80, 80)])
        return carry

    lax.fori_loop(0, RT // 80, zacc, 0)
    plsc.subcore_barrier()

    pltpu.sync_copy(src_hbm.at[w, 0], sidx.at[0])
    pltpu.sync_copy(dst_hbm.at[w, 0], didx.at[0])
    pltpu.sync_copy(src_hbm.at[w, 1], sidx.at[1])
    pltpu.sync_copy(dst_hbm.at[w, 1], didx.at[1])
    pltpu.async_copy(tab_hbm.at[sidx.at[0]], rows0, sg0)
    pltpu.async_copy(tab_hbm.at[sidx.at[1]], rows1, sg1)

    nsteps = CHG // 3

    def body(i, carry):
        for b in range(3):
            j = 3 * i + b
            p = (b + 2) % 3
            more = (i > 0) if b == 0 else True
            free = True if b == 0 else (i < nsteps - 1)

            @pl.when(more)
            def _():
                pltpu.make_async_copy(
                    rows[p], acc.at[didx.at[p]], ss[p]).wait()

            @pl.when(free)
            def _():
                pltpu.async_copy(src_hbm.at[w, j + 2], sidx.at[p], sx[p])
                pltpu.async_copy(dst_hbm.at[w, j + 2], didx.at[p], sx[p])

            pltpu.make_async_copy(tab_hbm.at[sidx.at[b]], rows[b],
                                  sg[b]).wait()

            @pl.when(free)
            def _():
                pltpu.make_async_copy(
                    src_hbm.at[w, j + 2], sidx.at[p], sx[p]).wait()
                pltpu.make_async_copy(
                    dst_hbm.at[w, j + 2], didx.at[p], sx[p]).wait()
                pltpu.async_copy(tab_hbm.at[sidx.at[p]], rows[p], sg[p])

            pltpu.async_copy(rows[b], acc.at[didx.at[b]], ss[b], add=True)
        return carry

    lax.fori_loop(0, nsteps, body, 0)
    lastp = (CHG - 1) % 3
    pltpu.make_async_copy(rows[lastp], acc.at[didx.at[lastp]],
                          ss[lastp]).wait()
    plsc.subcore_barrier()

    def wb(i, carry):
        pltpu.sync_copy(acc.at[pl.ds(s * RT + i * 80, 80)],
                        rows0.at[pl.ds(0, 80)])
        pltpu.sync_copy(rows0.at[pl.ds(0, 80)],
                        out_hbm.at[c, pl.ds(s * RT + i * 80, 80)])
        return carry

    lax.fori_loop(0, RT // 80, wb, 0)


@functools.partial(
    pl.kernel,
    out_type=jax.ShapeDtypeStruct((NW, CHD, 16, 128), jnp.float32),
    mesh=_mesh,
    scratch_types=[
        pltpu.VMEM((CHD, 128), jnp.int32),
        pltpu.VMEM((CHD, 128), jnp.int32),
        pltpu.VMEM((128, 128), jnp.float32),
        pltpu.VMEM((128, 128), jnp.float32),
        pltpu.VMEM((128, 128), jnp.float32),
        pltpu.VMEM((128, 128), jnp.float32),
        pltpu.VMEM((16, 128), jnp.float32),
        pltpu.VMEM((16, 128), jnp.float32),
        pltpu.SemaphoreType.DMA,
        pltpu.SemaphoreType.DMA,
        pltpu.SemaphoreType.DMA,
        pltpu.SemaphoreType.DMA,
    ],
)
def _edge_kernel(zn_hbm, src_hbm, dst_hbm, out_hbm, sidx, didx,
                 zs0, zd0, zs1, zd1, pb0, pb1, sg0, sg1, so0, so1):
    c = lax.axis_index("c")
    s = lax.axis_index("s")
    w = s * 2 + c
    pltpu.sync_copy(src_hbm.at[w], sidx)
    pltpu.sync_copy(dst_hbm.at[w], didx)

    def _compute(zs, zd, pbuf):
        @plsc.parallel_loop(0, 16, unroll=4)
        def _edot(r):
            for k in range(8):
                e = r * 8 + k
                p = zs[e, pl.ds(0, 16)] * zd[e, pl.ds(0, 16)]
                for b in range(1, 4):
                    p = p + zs[e, pl.ds(b * 16, 16)] * zd[e, pl.ds(b * 16, 16)]
                pbuf[r, pl.ds(k * 16, 16)] = p

    pltpu.async_copy(zn_hbm.at[sidx.at[0]], zs0, sg0)
    pltpu.async_copy(zn_hbm.at[didx.at[0]], zd0, sg0)
    pltpu.async_copy(zn_hbm.at[sidx.at[1]], zs1, sg1)
    pltpu.async_copy(zn_hbm.at[didx.at[1]], zd1, sg1)

    def body(i, carry):
        j0 = 2 * i
        j1 = j0 + 1
        pltpu.make_async_copy(zn_hbm.at[sidx.at[j0]], zs0, sg0).wait()
        pltpu.make_async_copy(zn_hbm.at[didx.at[j0]], zd0, sg0).wait()

        @pl.when(i > 0)
        def _():
            pltpu.make_async_copy(pb0, out_hbm.at[w, j0], so0).wait()

        _compute(zs0, zd0, pb0)
        pltpu.async_copy(pb0, out_hbm.at[w, j0], so0)

        @pl.when(i < CHD // 2 - 1)
        def _():
            pltpu.async_copy(zn_hbm.at[sidx.at[j0 + 2]], zs0, sg0)
            pltpu.async_copy(zn_hbm.at[didx.at[j0 + 2]], zd0, sg0)

        pltpu.make_async_copy(zn_hbm.at[sidx.at[j1]], zs1, sg1).wait()
        pltpu.make_async_copy(zn_hbm.at[didx.at[j1]], zd1, sg1).wait()

        @pl.when(i > 0)
        def _():
            pltpu.make_async_copy(pb1, out_hbm.at[w, j1], so1).wait()

        _compute(zs1, zd1, pb1)
        pltpu.async_copy(pb1, out_hbm.at[w, j1], so1)

        @pl.when(i < CHD // 2 - 1)
        def _():
            pltpu.async_copy(zn_hbm.at[sidx.at[j1 + 2]], zs1, sg1)
            pltpu.async_copy(zn_hbm.at[didx.at[j1 + 2]], zd1, sg1)

        return carry

    lax.fori_loop(0, CHD // 2, body, 0)
    pltpu.make_async_copy(pb0, out_hbm.at[w, CHD - 2], so0).wait()
    pltpu.make_async_copy(pb1, out_hbm.at[w, CHD - 1], so1).wait()


_BR = 2048


def _tc1_body(degp_ref, x_ref, t1_ref, dinv_ref):
    deg = degp_ref[:, 0:1] + degp_ref[:, 1:2] + 1.0
    dinv = lax.rsqrt(jnp.maximum(deg, 1.0))
    t1_ref[...] = jnp.log1p(x_ref[...]) * dinv
    dinv_ref[...] = dinv


def _tc1(degp_t, x_pad):
    return pl.pallas_call(
        _tc1_body,
        grid=(NPAD // _BR,),
        in_specs=[
            pl.BlockSpec((_BR, 2), lambda i: (i, 0)),
            pl.BlockSpec((_BR, D_IN), lambda i: (i, 0)),
        ],
        out_specs=[
            pl.BlockSpec((_BR, D_IN), lambda i: (i, 0)),
            pl.BlockSpec((_BR, 1), lambda i: (i, 0)),
        ],
        out_shape=[
            jax.ShapeDtypeStruct((NPAD, D_IN), jnp.float32),
            jax.ShapeDtypeStruct((NPAD, 1), jnp.float32),
        ],
    )(degp_t, x_pad)


def _tc2_body(p_ref, t1_ref, dinv_ref, w1_ref, wmu_ref, wls_ref,
              t2_ref):
    dv = dinv_ref[...]
    agg1 = (p_ref[0] + p_ref[1] + t1_ref[...]) * dv
    h = jnp.maximum(
        jnp.dot(agg1, w1_ref[...], preferred_element_type=jnp.float32), 0.0)
    hm = jnp.dot(h, wmu_ref[...], preferred_element_type=jnp.float32)
    hs = jnp.dot(h, wls_ref[...], preferred_element_type=jnp.float32)
    t2_ref[...] = jnp.concatenate([hm, hs], axis=1) * dv


def _tc2(parts, t1, dinv, W1, W_mu, W_logstd):
    return pl.pallas_call(
        _tc2_body,
        grid=(NPAD // _BR,),
        in_specs=[
            pl.BlockSpec((2, _BR, D_IN), lambda i: (0, i, 0)),
            pl.BlockSpec((_BR, D_IN), lambda i: (i, 0)),
            pl.BlockSpec((_BR, 1), lambda i: (i, 0)),
            pl.BlockSpec((D_IN, D_HID), lambda i: (0, 0)),
            pl.BlockSpec((D_HID, N_GPS), lambda i: (0, 0)),
            pl.BlockSpec((D_HID, N_GPS), lambda i: (0, 0)),
        ],
        out_specs=pl.BlockSpec((_BR, 2 * N_GPS), lambda i: (i, 0)),
        out_shape=jax.ShapeDtypeStruct((NPAD, 2 * N_GPS), jnp.float32),
    )(parts, t1, dinv, W1, W_mu, W_logstd)


def _tc3_body(q_ref, t2_ref, dinv_ref, wge_ref, mask_ref,
              mu_ref, ls_ref, zn_ref, gep_ref):
    dv = dinv_ref[...]
    m = (q_ref[0] + q_ref[1] + t2_ref[...]) * dv
    mu = m[:, :N_GPS]
    ls = m[:, N_GPS:]
    nrm = jnp.sqrt(jnp.sum(mu * mu, axis=1, keepdims=True))
    zn = mu / (nrm + 1e-8)
    wm = wge_ref[...] * mask_ref[...]
    gl = jnp.dot(mu, wm, preferred_element_type=jnp.float32)
    gmax = jnp.max(gl, axis=1, keepdims=True)
    ge = jnp.exp(gl - gmax)
    gep = ge / jnp.sum(ge, axis=1, keepdims=True)
    mu_ref[...] = mu
    ls_ref[...] = ls
    zn_ref[...] = jnp.concatenate([zn, jnp.zeros_like(zn)], axis=1)
    gep_ref[...] = gep


def _tc3(parts, t2, dinv, W_ge, mask):
    return pl.pallas_call(
        _tc3_body,
        grid=(NPAD // _BR,),
        in_specs=[
            pl.BlockSpec((2, _BR, 2 * N_GPS), lambda i: (0, i, 0)),
            pl.BlockSpec((_BR, 2 * N_GPS), lambda i: (i, 0)),
            pl.BlockSpec((_BR, 1), lambda i: (i, 0)),
            pl.BlockSpec((N_GPS, N_OUT), lambda i: (0, 0)),
            pl.BlockSpec((N_GPS, N_OUT), lambda i: (0, 0)),
        ],
        out_specs=[
            pl.BlockSpec((_BR, N_GPS), lambda i: (i, 0)),
            pl.BlockSpec((_BR, N_GPS), lambda i: (i, 0)),
            pl.BlockSpec((_BR, 2 * N_GPS), lambda i: (i, 0)),
            pl.BlockSpec((_BR, N_OUT), lambda i: (i, 0)),
        ],
        out_shape=[
            jax.ShapeDtypeStruct((NPAD, N_GPS), jnp.float32),
            jax.ShapeDtypeStruct((NPAD, N_GPS), jnp.float32),
            jax.ShapeDtypeStruct((NPAD, 2 * N_GPS), jnp.float32),
            jax.ShapeDtypeStruct((NPAD, N_OUT), jnp.float32),
        ],
    )(parts, t2, dinv, W_ge, mask)


_R16 = NW * CHD * 16
_BRE = 4096


def _tc4_body(p_ref, out_ref):
    p = p_ref[...]
    cols = [jnp.sum(p[:, k * 16:(k + 1) * 16], axis=1) for k in range(8)]
    out_ref[...] = jnp.stack(cols, axis=0)


def _tc4(pfold):
    return pl.pallas_call(
        _tc4_body,
        grid=(_R16 // _BRE,),
        in_specs=[pl.BlockSpec((_BRE, 128), lambda i: (i, 0))],
        out_specs=pl.BlockSpec((8, _BRE), lambda i: (0, i)),
        out_shape=jax.ShapeDtypeStruct((8, _R16), jnp.float32),
    )(pfold)


def kernel(x, edge_index, W1, W_mu, W_logstd, W_ge, mask):
    src = edge_index[0]
    dst = edge_index[1]
    padg = (N + jnp.arange(EPADG - E, dtype=jnp.int32) % (NPAD - N)).astype(
        jnp.int32)
    srcg = jnp.concatenate([src, padg]).reshape(NW, CHG, CKG)
    dstg = jnp.concatenate([dst, padg]).reshape(NW, CHG, CKG)
    padd = (N + jnp.arange(EPADD - E, dtype=jnp.int32) % (NPAD - N)).astype(
        jnp.int32)
    srcd = jnp.concatenate([src, padd]).reshape(NW, CHD, 128)
    dstd = jnp.concatenate([dst, padd]).reshape(NW, CHD, 128)
    x_pad = jnp.pad(x, ((0, NPAD - N), (0, 0)))

    deg_parts = _deg_kernel(dstd)
    t1, dinv = _tc1(deg_parts.T, x_pad)
    parts1 = _agg_kernel(t1, srcg, dstg)
    t2 = _tc2(parts1, t1, dinv, W1, W_mu, W_logstd)
    parts2 = _agg_kernel(t2, srcg, dstg)
    mu_p, ls_p, zn_p, gep_p = _tc3(parts2, t2, dinv, W_ge, mask)
    pfold = _edge_kernel(zn_p, srcd, dstd).reshape(_R16, 128)
    out4 = _tc4(pfold)
    elog = (out4.reshape(8, NW * CHD, 16)
            .transpose(1, 2, 0).reshape(-1)[:E])
    return (elog, gep_p[:N], mu_p[:N], ls_p[:N])

# --- scband reference (transcript-rebuilt; emitter-appended) ---
"""Pipeline reference for scband-vgpgae-9526237463138 (READ-ONLY COPY).

The authoritative reference and input builder live on the scoring server;
editing this copy changes nothing except your own understanding.
"""

import jax, jax.numpy as jnp
import numpy as np

N = 10000
E = 320000
D_IN = 128
D_HID = 256
N_GPS = 64
N_OUT = 128


def setup_inputs(seed: int = 0) -> dict:
    key = jax.random.key(seed)
    ks = jax.random.split(key, 8)
    x = jax.random.uniform(ks[0], (N, D_IN), dtype=jnp.float32) * 5.0  # count-like positive data
    edge_index = jax.random.randint(ks[1], (2, E), 0, N, dtype=jnp.int32)
    W1 = jax.random.normal(ks[2], (D_IN, D_HID), dtype=jnp.float32) * 0.05
    W_mu = jax.random.normal(ks[3], (D_HID, N_GPS), dtype=jnp.float32) * 0.05
    W_logstd = jax.random.normal(ks[4], (D_HID, N_GPS), dtype=jnp.float32) * 0.05
    W_ge = jax.random.normal(ks[5], (N_GPS, N_OUT), dtype=jnp.float32) * 0.05
    # gene program mask for the masked gene-expression decoder (binary, ~20% density)
    mask = (jax.random.uniform(ks[6], (N_GPS, N_OUT)) < 0.2).astype(jnp.float32)
    return {"x": x, "edge_index": edge_index, "W1": W1, "W_mu": W_mu,
            "W_logstd": W_logstd, "W_ge": W_ge, "mask": mask}


def reference(x, edge_index, W1, W_mu, W_logstd, W_ge, mask):
    n = x.shape[0]
    src, dst = edge_index[0], edge_index[1]
    loop = jnp.arange(n, dtype=src.dtype)
    src_f = jnp.concatenate([src, loop])
    dst_f = jnp.concatenate([dst, loop])
    # symmetric GCN normalization with self-loops
    deg = jnp.zeros((n,), dtype=jnp.float32).at[dst_f].add(1.0)
    dinv = jax.lax.rsqrt(jnp.maximum(deg, 1.0))
    norm = dinv[src_f] * dinv[dst_f]

    def gcn(h, W):
        hw = h @ W
        msg = hw[src_f] * norm[:, None]
        return jnp.zeros((n, W.shape[1]), dtype=hw.dtype).at[dst_f].add(msg)

    # log variational transform for numerical stability
    x_enc = jnp.log1p(x)
    # graph encoder: 1 hidden GCN layer, then GCN mu / logstd heads
    h = jax.nn.relu(gcn(x_enc, W1))
    mu = gcn(h, W_mu)
    logstd = gcn(h, W_logstd)
    z = mu  # deterministic reference (use posterior mean)
    # cosine-similarity graph decoder evaluated on input edges
    zn = z / (jnp.linalg.norm(z, axis=-1, keepdims=True) + 1e-8)
    edge_recon_logits = jnp.sum(zn[src] * zn[dst], axis=-1)
    # masked linear gene expression decoder (NB mean fractions via softmax)
    ge_logits = z @ (W_ge * mask)
    gene_expr_dec_params = jax.nn.softmax(ge_logits, axis=-1)
    return (edge_recon_logits, gene_expr_dec_params, mu, logstd)

if __name__ == "__main__":
    import jax
    _d = setup_inputs()
    print(jax.jit(kernel)(*tuple(_d.values())))

</pallas_src>

<mosaic_0001>
#map = affine_map<(d0, d1) -> (0, 0, 0)>
#map1 = affine_map<(d0, d1) -> (0, 0)>
module attributes {stable_mosaic.version = 14 : i64} {
  func.func @_deg_kernel(%arg0: i32, %arg1: i32, %arg2: memref<32x80x128xi32, #tpu.memory_space<hbm>>, %arg3: memref<2x10240xf32, #tpu.memory_space<hbm>>, %arg4: memref<80x128xi32, #tpu.memory_space<vmem>>, %arg5: memref<128xf32, #tpu.memory_space<vmem>>, %arg6: memref<640xf32, #tpu.memory_space<vmem>>, %arg7: memref<10240xf32, #tpu.memory_space<vmem_shared>>) attributes {dimension_semantics = [#tpu.dimension_semantics<core_parallel>, #tpu.dimension_semantics<subcore_parallel>], iteration_bounds = array<i64: 2, 16>, scalar_prefetch = 0 : i64, scratch_operands = 4 : i64, tpu.core_type = #tpu.core_type<sc_vector_subcore>, window_params = [{transform_indices = #map}, {transform_indices = #map1}]} {
    %mul3A = arith.constant 2 : i32
    %mul3A_0 = arith.muli %arg1, %mul3A : i32
    %add3A = arith.addi %mul3A_0, %arg0 : i32
    %broadcast_in_dim3A = arith.constant 0.000000e+00 : f32
    %broadcast_in_dim3A_1 = vector.broadcast %broadcast_in_dim3A : f32 to vector<16xf32>
    %broadcast_in_dim3A_2 = arith.constant 1.000000e+00 : f32
    %broadcast_in_dim3A_3 = vector.broadcast %broadcast_in_dim3A_2 : f32 to vector<16xf32>
    %swap3A = arith.constant 0 : index
    %swap3A_4 = tpu.vector_load %arg6[%swap3A] {strides = array<i32>} : memref<640xf32, #tpu.memory_space<vmem>>, vector<16xf32>,
    %swap3A_5 = vector.shape_cast %swap3A_4 : vector<16xf32> to vector<16xf32>
    %swap3A_6 = vector.shape_cast %broadcast_in_dim3A_1 : vector<16xf32> to vector<16xf32>
    tpu.vector_store %arg6[%swap3A], %swap3A_6 {strides = array<i32>} : memref<640xf32, #tpu.memory_space<vmem>>, vector<16xf32>,
    %swap3A_7 = arith.constant 16 : index
    %swap3A_8 = tpu.vector_load %arg6[%swap3A_7] {strides = array<i32>} : memref<640xf32, #tpu.memory_space<vmem>>, vector<16xf32>,
    %swap3A_9 = vector.shape_cast %swap3A_8 : vector<16xf32> to vector<16xf32>
    %swap3A_10 = vector.shape_cast %broadcast_in_dim3A_1 : vector<16xf32> to vector<16xf32>
    tpu.vector_store %arg6[%swap3A_7], %swap3A_10 {strides = array<i32>} : memref<640xf32, #tpu.memory_space<vmem>>, vector<16xf32>,
    %swap3A_11 = arith.constant 32 : index
    %swap3A_12 = tpu.vector_load %arg6[%swap3A_11] {strides = array<i32>} : memref<640xf32, #tpu.memory_space<vmem>>, vector<16xf32>,
    %swap3A_13 = vector.shape_cast %swap3A_12 : vector<16xf32> to vector<16xf32>
    %swap3A_14 = vector.shape_cast %broadcast_in_dim3A_1 : vector<16xf32> to vector<16xf32>
    tpu.vector_store %arg6[%swap3A_11], %swap3A_14 {strides = array<i32>} : memref<640xf32, #tpu.memory_space<vmem>>, vector<16xf32>,
    %swap3A_15 = arith.constant 48 : index
    %swap3A_16 = tpu.vector_load %arg6[%swap3A_15] {strides = array<i32>} : memref<640xf32, #tpu.memory_space<vmem>>, vector<16xf32>,
    %swap3A_17 = vector.shape_cast %swap3A_16 : vector<16xf32> to vector<16xf32>
    %swap3A_18 = vector.shape_cast %broadcast_in_dim3A_1 : vector<16xf32> to vector<16xf32>
    tpu.vector_store %arg6[%swap3A_15], %swap3A_18 {strides = array<i32>} : memref<640xf32, #tpu.memory_space<vmem>>, vector<16xf32>,
    %swap3A_19 = arith.constant 64 : index
    %swap3A_20 = tpu.vector_load %arg6[%swap3A_19] {strides = array<i32>} : memref<640xf32, #tpu.memory_space<vmem>>, vector<16xf32>,
    %swap3A_21 = vector.shape_cast %swap3A_20 : vector<16xf32> to vector<16xf32>
    %swap3A_22 = vector.shape_cast %broadcast_in_dim3A_1 : vector<16xf32> to vector<16xf32>
    tpu.vector_store %arg6[%swap3A_19], %swap3A_22 {strides = array<i32>} : memref<640xf32, #tpu.memory_space<vmem>>, vector<16xf32>,
    %swap3A_23 = arith.constant 80 : index
    %swap3A_24 = tpu.vector_load %arg6[%swap3A_23] {strides = array<i32>} : memref<640xf32, #tpu.memory_space<vmem>>, vector<16xf32>,
    %swap3A_25 = vector.shape_cast %swap3A_24 : vector<16xf32> to vector<16xf32>
    %swap3A_26 = vector.shape_cast %broadcast_in_dim3A_1 : vector<16xf32> to vector<16xf32>
    tpu.vector_store %arg6[%swap3A_23], %swap3A_26 {strides = array<i32>} : memref<640xf32, #tpu.memory_space<vmem>>, vector<16xf32>,
    %swap3A_27 = arith.constant 96 : index
    %swap3A_28 = tpu.vector_load %arg6[%swap3A_27] {strides = array<i32>} : memref<640xf32, #tpu.memory_space<vmem>>, vector<16xf32>,
    %swap3A_29 = vector.shape_cast %swap3A_28 : vector<16xf32> to vector<16xf32>
    %swap3A_30 = vector.shape_cast %broadcast_in_dim3A_1 : vector<16xf32> to vector<16xf32>
    tpu.vector_store %arg6[%swap3A_27], %swap3A_30 {strides = array<i32>} : memref<640xf32, #tpu.memory_space<vmem>>, vector<16xf32>,
    %swap3A_31 = arith.constant 112 : index
    %swap3A_32 = tpu.vector_load %arg6[%swap3A_31] {strides = array<i32>} : memref<640xf32, #tpu.memory_space<vmem>>, vector<16xf32>,
    %swap3A_33 = vector.shape_cast %swap3A_32 : vector<16xf32> to vector<16xf32>
    %swap3A_34 = vector.shape_cast %broadcast_in_dim3A_1 : vector<16xf32> to vector<16xf32>
    tpu.vector_store %arg6[%swap3A_31], %swap3A_34 {strides = array<i32>} : memref<640xf32, #tpu.memory_space<vmem>>, vector<16xf32>,
    %swap3A_35 = arith.constant 128 : index
    %swap3A_36 = tpu.vector_load %arg6[%swap3A_35] {strides = array<i32>} : memref<640xf32, #tpu.memory_space<vmem>>, vector<16xf32>,
    %swap3A_37 = vector.shape_cast %swap3A_36 : vector<16xf32> to vector<16xf32>
    %swap3A_38 = vector.shape_cast %broadcast_in_dim3A_1 : vector<16xf32> to vector<16xf32>
    tpu.vector_store %arg6[%swap3A_35], %swap3A_38 {strides = array<i32>} : memref<640xf32, #tpu.memory_space<vmem>>, vector<16xf32>,
    %swap3A_39 = arith.constant 144 : index
    %swap3A_40 = tpu.vector_load %arg6[%swap3A_39] {strides = array<i32>} : memref<640xf32, #tpu.memory_space<vmem>>, vector<16xf32>,
    %swap3A_41 = vector.shape_cast %swap3A_40 : vector<16xf32> to vector<16xf32>
    %swap3A_42 = vector.shape_cast %broadcast_in_dim3A_1 : vector<16xf32> to vector<16xf32>
    tpu.vector_store %arg6[%swap3A_39], %swap3A_42 {strides = array<i32>} : memref<640xf32, #tpu.memory_space<vmem>>, vector<16xf32>,
    %swap3A_43 = arith.constant 160 : index
    %swap3A_44 = tpu.vector_load %arg6[%swap3A_43] {strides = array<i32>} : memref<640xf32, #tpu.memory_space<vmem>>, vector<16xf32>,
    %swap3A_45 = vector.shape_cast %swap3A_44 : vector<16xf32> to vector<16xf32>
    %swap3A_46 = vector.shape_cast %broadcast_in_dim3A_1 : vector<16xf32> to vector<16xf32>
    tpu.vector_store %arg6[%swap3A_43], %swap3A_46 {strides = array<i32>} : memref<640xf32, #tpu.memory_space<vmem>>, vector<16xf32>,
    %swap3A_47 = arith.constant 176 : index
    %swap3A_48 = tpu.vector_load %arg6[%swap3A_47] {strides = array<i32>} : memref<640xf32, #tpu.memory_space<vmem>>, vector<16xf32>,
    %swap3A_49 = vector.shape_cast %swap3A_48 : vector<16xf32> to vector<16xf32>
    %swap3A_50 = vector.shape_cast %broadcast_in_dim3A_1 : vector<16xf32> to vector<16xf32>
    tpu.vector_store %arg6[%swap3A_47], %swap3A_50 {strides = array<i32>} : memref<640xf32, #tpu.memory_space<vmem>>, vector<16xf32>,
    %swap3A_51 = arith.constant 192 : index
    %swap3A_52 = tpu.vector_load %arg6[%swap3A_51] {strides = array<i32>} : memref<640xf32, #tpu.memory_space<vmem>>, vector<16xf32>,
    %swap3A_53 = vector.shape_cast %swap3A_52 : vector<16xf32> to vector<16xf32>
    %swap3A_54 = vector.shape_cast %broadcast_in_dim3A_1 : vector<16xf32> to vector<16xf32>
    tpu.vector_store %arg6[%swap3A_51], %swap3A_54 {strides = array<i32>} : memref<640xf32, #tpu.memory_space<vmem>>, vector<16xf32>,
    %swap3A_55 = arith.constant 208 : index
    %swap3A_56 = tpu.vector_load %arg6[%swap3A_55] {strides = array<i32>} : memref<640xf32, #tpu.memory_space<vmem>>, vector<16xf32>,
    %swap3A_57 = vector.shape_cast %swap3A_56 : vector<16xf32> to vector<16xf32>
    %swap3A_58 = vector.shape_cast %broadcast_in_dim3A_1 : vector<16xf32> to vector<16xf32>
    tpu.vector_store %arg6[%swap3A_55], %swap3A_58 {strides = array<i32>} : memref<640xf32, #tpu.memory_space<vmem>>, vector<16xf32>,
    %swap3A_59 = arith.constant 224 : index
    %swap3A_60 = tpu.vector_load %arg6[%swap3A_59] {strides = array<i32>} : memref<640xf32, #tpu.memory_space<vmem>>, vector<16xf32>,
    %swap3A_61 = vector.shape_cast %swap3A_60 : vector<16xf32> to vector<16xf32>
    %swap3A_62 = vector.shape_cast %broadcast_in_dim3A_1 : vector<16xf32> to vector<16xf32>
    tpu.vector_store %arg6[%swap3A_59], %swap3A_62 {strides = array<i32>} : memref<640xf32, #tpu.memory_space<vmem>>, vector<16xf32>,
    %swap3A_63 = arith.constant 240 : index
    %swap3A_64 = tpu.vector_load %arg6[%swap3A_63] {strides = array<i32>} : memref<640xf32, #tpu.memory_space<vmem>>, vector<16xf32>,
    %swap3A_65 = vector.shape_cast %swap3A_64 : vector<16xf32> to vector<16xf32>
    %swap3A_66 = vector.shape_cast %broadcast_in_dim3A_1 : vector<16xf32> to vector<16xf32>
    tpu.vector_store %arg6[%swap3A_63], %swap3A_66 {strides = array<i32>} : memref<640xf32, #tpu.memory_space<vmem>>, vector<16xf32>,
    %swap3A_67 = arith.constant 256 : index
    %swap3A_68 = tpu.vector_load %arg6[%swap3A_67] {strides = array<i32>} : memref<640xf32, #tpu.memory_space<vmem>>, vector<16xf32>,
    %swap3A_69 = vector.shape_cast %swap3A_68 : vector<16xf32> to vector<16xf32>
    %swap3A_70 = vector.shape_cast %broadcast_in_dim3A_1 : vector<16xf32> to vector<16xf32>
    tpu.vector_store %arg6[%swap3A_67], %swap3A_70 {strides = array<i32>} : memref<640xf32, #tpu.memory_space<vmem>>, vector<16xf32>,
    %swap3A_71 = arith.constant 272 : index
    %swap3A_72 = tpu.vector_load %arg6[%swap3A_71] {strides = array<i32>} : memref<640xf32, #tpu.memory_space<vmem>>, vector<16xf32>,
    %swap3A_73 = vector.shape_cast %swap3A_72 : vector<16xf32> to vector<16xf32>
    %swap3A_74 = vector.shape_cast %broadcast_in_dim3A_1 : vector<16xf32> to vector<16xf32>
    tpu.vector_store %arg6[%swap3A_71], %swap3A_74 {strides = array<i32>} : memref<640xf32, #tpu.memory_space<vmem>>, vector<16xf32>,
    %swap3A_75 = arith.constant 288 : index
    %swap3A_76 = tpu.vector_load %arg6[%swap3A_75] {strides = array<i32>} : memref<640xf32, #tpu.memory_space<vmem>>, vector<16xf32>,
    %swap3A_77 = vector.shape_cast %swap3A_76 : vector<16xf32> to vector<16xf32>
    %swap3A_78 = vector.shape_cast %broadcast_in_dim3A_1 : vector<16xf32> to vector<16xf32>
    tpu.vector_store %arg6[%swap3A_75], %swap3A_78 {strides = array<i32>} : memref<640xf32, #tpu.memory_space<vmem>>, vector<16xf32>,
    %swap3A_79 = arith.constant 304 : index
    %swap3A_80 = tpu.vector_load %arg6[%swap3A_79] {strides = array<i32>} : memref<640xf32, #tpu.memory_space<vmem>>, vector<16xf32>,
    %swap3A_81 = vector.shape_cast %swap3A_80 : vector<16xf32> to vector<16xf32>
    %swap3A_82 = vector.shape_cast %broadcast_in_dim3A_1 : vector<16xf32> to vector<16xf32>
    tpu.vector_store %arg6[%swap3A_79], %swap3A_82 {strides = array<i32>} : memref<640xf32, #tpu.memory_space<vmem>>, vector<16xf32>,
    %swap3A_83 = arith.constant 320 : index
    %swap3A_84 = tpu.vector_load %arg6[%swap3A_83] {strides = array<i32>} : memref<640xf32, #tpu.memory_space<vmem>>, vector<16xf32>,
    %swap3A_85 = vector.shape_cast %swap3A_84 : vector<16xf32> to vector<16xf32>
    %swap3A_86 = vector.shape_cast %broadcast_in_dim3A_1 : vector<16xf32> to vector<16xf32>
    tpu.vector_store %arg6[%swap3A_83], %swap3A_86 {strides = array<i32>} : memref<640xf32, #tpu.memory_space<vmem>>, vector<16xf32>,
    %swap3A_87 = arith.constant 336 : index
    %swap3A_88 = tpu.vector_load %arg6[%swap3A_87] {strides = array<i32>} : memref<640xf32, #tpu.memory_space<vmem>>, vector<16xf32>,
    %swap3A_89 = vector.shape_cast %swap3A_88 : vector<16xf32> to vector<16xf32>
    %swap3A_90 = vector.shape_cast %broadcast_in_dim3A_1 : vector<16xf32> to vector<16xf32>
    tpu.vector_store %arg6[%swap3A_87], %swap3A_90 {strides = array<i32>} : memref<640xf32, #tpu.memory_space<vmem>>, vector<16xf32>,
    %swap3A_91 = arith.constant 352 : index
    %swap3A_92 = tpu.vector_load %arg6[%swap3A_91] {strides = array<i32>} : memref<640xf32, #tpu.memory_space<vmem>>, vector<16xf32>,
    %swap3A_93 = vector.shape_cast %swap3A_92 : vector<16xf32> to vector<16xf32>
    %swap3A_94 = vector.shape_cast %broadcast_in_dim3A_1 : vector<16xf32> to vector<16xf32>
    tpu.vector_store %arg6[%swap3A_91], %swap3A_94 {strides = array<i32>} : memref<640xf32, #tpu.memory_space<vmem>>, vector<16xf32>,
    %swap3A_95 = arith.constant 368 : index
    %swap3A_96 = tpu.vector_load %arg6[%swap3A_95] {strides = array<i32>} : memref<640xf32, #tpu.memory_space<vmem>>, vector<16xf32>,
    %swap3A_97 = vector.shape_cast %swap3A_96 : vector<16xf32> to vector<16xf32>
    %swap3A_98 = vector.shape_cast %broadcast_in_dim3A_1 : vector<16xf32> to vector<16xf32>
    tpu.vector_store %arg6[%swap3A_95], %swap3A_98 {strides = array<i32>} : memref<640xf32, #tpu.memory_space<vmem>>, vector<16xf32>,
    %swap3A_99 = arith.constant 384 : index
    %swap3A_100 = tpu.vector_load %arg6[%swap3A_99] {strides = array<i32>} : memref<640xf32, #tpu.memory_space<vmem>>, vector<16xf32>,
    %swap3A_101 = vector.shape_cast %swap3A_100 : vector<16xf32> to vector<16xf32>
    %swap3A_102 = vector.shape_cast %broadcast_in_dim3A_1 : vector<16xf32> to vector<16xf32>
    tpu.vector_store %arg6[%swap3A_99], %swap3A_102 {strides = array<i32>} : memref<640xf32, #tpu.memory_space<vmem>>, vector<16xf32>,
    %swap3A_103 = arith.constant 400 : index
    %swap3A_104 = tpu.vector_load %arg6[%swap3A_103] {strides = array<i32>} : memref<640xf32, #tpu.memory_space<vmem>>, vector<16xf32>,
    %swap3A_105 = vector.shape_cast %swap3A_104 : vector<16xf32> to vector<16xf32>
    %swap3A_106 = vector.shape_cast %broadcast_in_dim3A_1 : vector<16xf32> to vector<16xf32>
    tpu.vector_store %arg6[%swap3A_103], %swap3A_106 {strides = array<i32>} : memref<640xf32, #tpu.memory_space<vmem>>, vector<16xf32>,
    %swap3A_107 = arith.constant 416 : index
    %swap3A_108 = tpu.vector_load %arg6[%swap3A_107] {strides = array<i32>} : memref<640xf32, #tpu.memory_space<vmem>>, vector<16xf32>,
    %swap3A_109 = vector.shape_cast %swap3A_108 : vector<16xf32> to vector<16xf32>
    %swap3A_110 = vector.shape_cast %broadcast_in_dim3A_1 : vector<16xf32> to vector<16xf32>
    tpu.vector_store %arg6[%swap3A_107], %swap3A_110 {strides = array<i32>} : memref<640xf32, #tpu.memory_space<vmem>>, vector<16xf32>,
    %swap3A_111 = arith.constant 432 : index
    %swap3A_112 = tpu.vector_load %arg6[%swap3A_111] {strides = array<i32>} : memref<640xf32, #tpu.memory_space<vmem>>, vector<16xf32>,
    %swap3A_113 = vector.shape_cast %swap3A_112 : vector<16xf32> to vector<16xf32>
    %swap3A_114 = vector.shape_cast %broadcast_in_dim3A_1 : vector<16xf32> to vector<16xf32>
    tpu.vector_store %arg6[%swap3A_111], %swap3A_114 {strides = array<i32>} : memref<640xf32, #tpu.memory_space<vmem>>, vector<16xf32>,
    %swap3A_115 = arith.constant 448 : index
    %swap3A_116 = tpu.vector_load %arg6[%swap3A_115] {strides = array<i32>} : memref<640xf32, #tpu.memory_space<vmem>>, vector<16xf32>,
    %swap3A_117 = vector.shape_cast %swap3A_116 : vector<16xf32> to vector<16xf32>
    %swap3A_118 = vector.shape_cast %broadcast_in_dim3A_1 : vector<16xf32> to vector<16xf32>
    tpu.vector_store %arg6[%swap3A_115], %swap3A_118 {strides = array<i32>} : memref<640xf32, #tpu.memory_space<vmem>>, vector<16xf32>,
    %swap3A_119 = arith.constant 464 : index
    %swap3A_120 = tpu.vector_load %arg6[%swap3A_119] {strides = array<i32>} : memref<640xf32, #tpu.memory_space<vmem>>, vector<16xf32>,
    %swap3A_121 = vector.shape_cast %swap3A_120 : vector<16xf32> to vector<16xf32>
    %swap3A_122 = vector.shape_cast %broadcast_in_dim3A_1 : vector<16xf32> to vector<16xf32>
    tpu.vector_store %arg6[%swap3A_119], %swap3A_122 {strides = array<i32>} : memref<640xf32, #tpu.memory_space<vmem>>, vector<16xf32>,
    %swap3A_123 = arith.constant 480 : index
    %swap3A_124 = tpu.vector_load %arg6[%swap3A_123] {strides = array<i32>} : memref<640xf32, #tpu.memory_space<vmem>>, vector<16xf32>,
    %swap3A_125 = vector.shape_cast %swap3A_124 : vector<16xf32> to vector<16xf32>
    %swap3A_126 = vector.shape_cast %broadcast_in_dim3A_1 : vector<16xf32> to vector<16xf32>
    tpu.vector_store %arg6[%swap3A_123], %swap3A_126 {strides = array<i32>} : memref<640xf32, #tpu.memory_space<vmem>>, vector<16xf32>,
    %swap3A_127 = arith.constant 496 : index
    %swap3A_128 = tpu.vector_load %arg6[%swap3A_127] {strides = array<i32>} : memref<640xf32, #tpu.memory_space<vmem>>, vector<16xf32>,
    %swap3A_129 = vector.shape_cast %swap3A_128 : vector<16xf32> to vector<16xf32>
    %swap3A_130 = vector.shape_cast %broadcast_in_dim3A_1 : vector<16xf32> to vector<16xf32>
    tpu.vector_store %arg6[%swap3A_127], %swap3A_130 {strides = array<i32>} : memref<640xf32, #tpu.memory_space<vmem>>, vector<16xf32>,
    %swap3A_131 = arith.constant 512 : index
    %swap3A_132 = tpu.vector_load %arg6[%swap3A_131] {strides = array<i32>} : memref<640xf32, #tpu.memory_space<vmem>>, vector<16xf32>,
    %swap3A_133 = vector.shape_cast %swap3A_132 : vector<16xf32> to vector<16xf32>
    %swap3A_134 = vector.shape_cast %broadcast_in_dim3A_1 : vector<16xf32> to vector<16xf32>
    tpu.vector_store %arg6[%swap3A_131], %swap3A_134 {strides = array<i32>} : memref<640xf32, #tpu.memory_space<vmem>>, vector<16xf32>,
    %swap3A_135 = arith.constant 528 : index
    %swap3A_136 = tpu.vector_load %arg6[%swap3A_135] {strides = array<i32>} : memref<640xf32, #tpu.memory_space<vmem>>, vector<16xf32>,
    %swap3A_137 = vector.shape_cast %swap3A_136 : vector<16xf32> to vector<16xf32>
    %swap3A_138 = vector.shape_cast %broadcast_in_dim3A_1 : vector<16xf32> to vector<16xf32>
    tpu.vector_store %arg6[%swap3A_135], %swap3A_138 {strides = array<i32>} : memref<640xf32, #tpu.memory_space<vmem>>, vector<16xf32>,
    %swap3A_139 = arith.constant 544 : index
    %swap3A_140 = tpu.vector_load %arg6[%swap3A_139] {strides = array<i32>} : memref<640xf32, #tpu.memory_space<vmem>>, vector<16xf32>,
    %swap3A_141 = vector.shape_cast %swap3A_140 : vector<16xf32> to vector<16xf32>
    %swap3A_142 = vector.shape_cast %broadcast_in_dim3A_1 : vector<16xf32> to vector<16xf32>
    tpu.vector_store %arg6[%swap3A_139], %swap3A_142 {strides = array<i32>} : memref<640xf32, #tpu.memory_space<vmem>>, vector<16xf32>,
    %swap3A_143 = arith.constant 560 : index
    %swap3A_144 = tpu.vector_load %arg6[%swap3A_143] {strides = array<i32>} : memref<640xf32, #tpu.memory_space<vmem>>, vector<16xf32>,
    %swap3A_145 = vector.shape_cast %swap3A_144 : vector<16xf32> to vector<16xf32>
    %swap3A_146 = vector.shape_cast %broadcast_in_dim3A_1 : vector<16xf32> to vector<16xf32>
    tpu.vector_store %arg6[%swap3A_143], %swap3A_146 {strides = array<i32>} : memref<640xf32, #tpu.memory_space<vmem>>, vector<16xf32>,
    %swap3A_147 = arith.constant 576 : index
    %swap3A_148 = tpu.vector_load %arg6[%swap3A_147] {strides = array<i32>} : memref<640xf32, #tpu.memory_space<vmem>>, vector<16xf32>,
    %swap3A_149 = vector.shape_cast %swap3A_148 : vector<16xf32> to vector<16xf32>
    %swap3A_150 = vector.shape_cast %broadcast_in_dim3A_1 : vector<16xf32> to vector<16xf32>
    tpu.vector_store %arg6[%swap3A_147], %swap3A_150 {strides = array<i32>} : memref<640xf32, #tpu.memory_space<vmem>>, vector<16xf32>,
    %swap3A_151 = arith.constant 592 : index
    %swap3A_152 = tpu.vector_load %arg6[%swap3A_151] {strides = array<i32>} : memref<640xf32, #tpu.memory_space<vmem>>, vector<16xf32>,
    %swap3A_153 = vector.shape_cast %swap3A_152 : vector<16xf32> to vector<16xf32>
    %swap3A_154 = vector.shape_cast %broadcast_in_dim3A_1 : vector<16xf32> to vector<16xf32>
    tpu.vector_store %arg6[%swap3A_151], %swap3A_154 {strides = array<i32>} : memref<640xf32, #tpu.memory_space<vmem>>, vector<16xf32>,
    %swap3A_155 = arith.constant 608 : index
    %swap3A_156 = tpu.vector_load %arg6[%swap3A_155] {strides = array<i32>} : memref<640xf32, #tpu.memory_space<vmem>>, vector<16xf32>,
    %swap3A_157 = vector.shape_cast %swap3A_156 : vector<16xf32> to vector<16xf32>
    %swap3A_158 = vector.shape_cast %broadcast_in_dim3A_1 : vector<16xf32> to vector<16xf32>
    tpu.vector_store %arg6[%swap3A_155], %swap3A_158 {strides = array<i32>} : memref<640xf32, #tpu.memory_space<vmem>>, vector<16xf32>,
    %swap3A_159 = arith.constant 624 : index
    %swap3A_160 = tpu.vector_load %arg6[%swap3A_159] {strides = array<i32>} : memref<640xf32, #tpu.memory_space<vmem>>, vector<16xf32>,
    %swap3A_161 = vector.shape_cast %swap3A_160 : vector<16xf32> to vector<16xf32>
    %swap3A_162 = vector.shape_cast %broadcast_in_dim3A_1 : vector<16xf32> to vector<16xf32>
    tpu.vector_store %arg6[%swap3A_159], %swap3A_162 {strides = array<i32>} : memref<640xf32, #tpu.memory_space<vmem>>, vector<16xf32>,
    %swap3A_163 = arith.constant 0 : index
    %swap3A_164 = tpu.vector_load %arg5[%swap3A_163] {strides = array<i32>} : memref<128xf32, #tpu.memory_space<vmem>>, vector<16xf32>,
    %swap3A_165 = vector.shape_cast %swap3A_164 : vector<16xf32> to vector<16xf32>
    %swap3A_166 = vector.shape_cast %broadcast_in_dim3A_3 : vector<16xf32> to vector<16xf32>
    tpu.vector_store %arg5[%swap3A_163], %swap3A_166 {strides = array<i32>} : memref<128xf32, #tpu.memory_space<vmem>>, vector<16xf32>,
    %swap3A_167 = arith.constant 16 : index
    %swap3A_168 = tpu.vector_load %arg5[%swap3A_167] {strides = array<i32>} : memref<128xf32, #tpu.memory_space<vmem>>, vector<16xf32>,
    %swap3A_169 = vector.shape_cast %swap3A_168 : vector<16xf32> to vector<16xf32>
    %swap3A_170 = vector.shape_cast %broadcast_in_dim3A_3 : vector<16xf32> to vector<16xf32>
    tpu.vector_store %arg5[%swap3A_167], %swap3A_170 {strides = array<i32>} : memref<128xf32, #tpu.memory_space<vmem>>, vector<16xf32>,
    %swap3A_171 = arith.constant 32 : index
    %swap3A_172 = tpu.vector_load %arg5[%swap3A_171] {strides = array<i32>} : memref<128xf32, #tpu.memory_space<vmem>>, vector<16xf32>,
    %swap3A_173 = vector.shape_cast %swap3A_172 : vector<16xf32> to vector<16xf32>
    %swap3A_174 = vector.shape_cast %broadcast_in_dim3A_3 : vector<16xf32> to vector<16xf32>
    tpu.vector_store %arg5[%swap3A_171], %swap3A_174 {strides = array<i32>} : memref<128xf32, #tpu.memory_space<vmem>>, vector<16xf32>,
    %swap3A_175 = arith.constant 48 : index
    %swap3A_176 = tpu.vector_load %arg5[%swap3A_175] {strides = array<i32>} : memref<128xf32, #tpu.memory_space<vmem>>, vector<16xf32>,
    %swap3A_177 = vector.shape_cast %swap3A_176 : vector<16xf32> to vector<16xf32>
    %swap3A_178 = vector.shape_cast %broadcast_in_dim3A_3 : vector<16xf32> to vector<16xf32>
    tpu.vector_store %arg5[%swap3A_175], %swap3A_178 {strides = array<i32>} : memref<128xf32, #tpu.memory_space<vmem>>, vector<16xf32>,
    %swap3A_179 = arith.constant 64 : index
    %swap3A_180 = tpu.vector_load %arg5[%swap3A_179] {strides = array<i32>} : memref<128xf32, #tpu.memory_space<vmem>>, vector<16xf32>,
    %swap3A_181 = vector.shape_cast %swap3A_180 : vector<16xf32> to vector<16xf32>
    %swap3A_182 = vector.shape_cast %broadcast_in_dim3A_3 : vector<16xf32> to vector<16xf32>
    tpu.vector_store %arg5[%swap3A_179], %swap3A_182 {strides = array<i32>} : memref<128xf32, #tpu.memory_space<vmem>>, vector<16xf32>,
    %swap3A_183 = arith.constant 80 : index
    %swap3A_184 = tpu.vector_load %arg5[%swap3A_183] {strides = array<i32>} : memref<128xf32, #tpu.memory_space<vmem>>, vector<16xf32>,
    %swap3A_185 = vector.shape_cast %swap3A_184 : vector<16xf32> to vector<16xf32>
    %swap3A_186 = vector.shape_cast %broadcast_in_dim3A_3 : vector<16xf32> to vector<16xf32>
    tpu.vector_store %arg5[%swap3A_183], %swap3A_186 {strides = array<i32>} : memref<128xf32, #tpu.memory_space<vmem>>, vector<16xf32>,
    %swap3A_187 = arith.constant 96 : index
    %swap3A_188 = tpu.vector_load %arg5[%swap3A_187] {strides = array<i32>} : memref<128xf32, #tpu.memory_space<vmem>>, vector<16xf32>,
    %swap3A_189 = vector.shape_cast %swap3A_188 : vector<16xf32> to vector<16xf32>
    %swap3A_190 = vector.shape_cast %broadcast_in_dim3A_3 : vector<16xf32> to vector<16xf32>
    tpu.vector_store %arg5[%swap3A_187], %swap3A_190 {strides = array<i32>} : memref<128xf32, #tpu.memory_space<vmem>>, vector<16xf32>,
    %swap3A_191 = arith.constant 112 : index
    %swap3A_192 = tpu.vector_load %arg5[%swap3A_191] {strides = array<i32>} : memref<128xf32, #tpu.memory_space<vmem>>, vector<16xf32>,
    %swap3A_193 = vector.shape_cast %swap3A_192 : vector<16xf32> to vector<16xf32>
    %swap3A_194 = vector.shape_cast %broadcast_in_dim3A_3 : vector<16xf32> to vector<16xf32>
    tpu.vector_store %arg5[%swap3A_191], %swap3A_194 {strides = array<i32>} : memref<128xf32, #tpu.memory_space<vmem>>, vector<16xf32>,
    %mul3A_195 = arith.constant 640 : i32
    %mul3A_196 = arith.muli %arg1, %mul3A_195 : i32
    "tpu.region"() ({
      %run_scoped3A = tpu.sem_alloc : memref<!tpu.dma_semaphore, #tpu.memory_space<semaphore_mem>>
      %dma_start3A = tpu.memref_slice %arg7[%mul3A_196] : memref<10240xf32, #tpu.memory_space<vmem_shared>> -> memref<640xf32, #tpu.memory_space<vmem_shared>>
      %dma_start3A_207 = tpu.memref_slice %arg7[%mul3A_196] : memref<10240xf32, #tpu.memory_space<vmem_shared>> -> memref<640xf32, #tpu.memory_space<vmem_shared>>
      tpu.enqueue_dma source(%arg6 : memref<640xf32, #tpu.memory_space<vmem>>) target(%dma_start3A_207 : memref<640xf32, #tpu.memory_space<vmem_shared>>) target_semaphore(%run_scoped3A : memref<!tpu.dma_semaphore, #tpu.memory_space<semaphore_mem>>)
      %dma_wait3A = tpu.memref_slice %arg7[%mul3A_196] : memref<10240xf32, #tpu.memory_space<vmem_shared>> -> memref<640xf32, #tpu.memory_space<vmem_shared>>
      %dma_wait3A_208 = tpu.memref_slice %arg7[%mul3A_196] : memref<10240xf32, #tpu.memory_space<vmem_shared>> -> memref<640xf32, #tpu.memory_space<vmem_shared>>
      tpu.wait_dma2 semaphore(%run_scoped3A : memref<!tpu.dma_semaphore, #tpu.memory_space<semaphore_mem>>) src(%arg6 : memref<640xf32, #tpu.memory_space<vmem>>) dst(%dma_wait3A_208 : memref<640xf32, #tpu.memory_space<vmem_shared>>)
      tpu.yield
    }) : () -> ()
    %barrier3A = arith.constant 0 : index
    tpu.barrier barrier_id(%barrier3A)
    "tpu.region"() ({
      %run_scoped3A = tpu.sem_alloc : memref<!tpu.dma_semaphore, #tpu.memory_space<semaphore_mem>>
      %dma_start3A = arith.constant 0 : i32
      %dma_start3A_207 = arith.constant 0 : i32
      %dma_start3A_208 = tpu.memref_slice %arg2[%add3A, %dma_start3A, %dma_start3A_207] : memref<32x80x128xi32, #tpu.memory_space<hbm>> -> memref<1x80x128xi32, #tpu.memory_space<hbm>>
      %dma_start3A_209 = tpu.memref_squeeze %dma_start3A_208 : memref<1x80x128xi32, #tpu.memory_space<hbm>> -> memref<80x128xi32, #tpu.memory_space<hbm>>
      %dma_start3A_210 = arith.constant 0 : i32
      %dma_start3A_211 = arith.constant 0 : i32
      %dma_start3A_212 = tpu.memref_slice %arg2[%add3A, %dma_start3A_210, %dma_start3A_211] : memref<32x80x128xi32, #tpu.memory_space<hbm>> -> memref<1x80x128xi32, #tpu.memory_space<hbm>>
      %dma_start3A_213 = tpu.memref_squeeze %dma_start3A_212 : memref<1x80x128xi32, #tpu.memory_space<hbm>> -> memref<80x128xi32, #tpu.memory_space<hbm>>
      tpu.enqueue_dma source(%dma_start3A_213 : memref<80x128xi32, #tpu.memory_space<hbm>>) target(%arg4 : memref<80x128xi32, #tpu.memory_space<vmem>>) target_semaphore(%run_scoped3A : memref<!tpu.dma_semaphore, #tpu.memory_space<semaphore_mem>>)
      %dma_wait3A = arith.constant 0 : i32
      %dma_wait3A_214 = arith.constant 0 : i32
      %dma_wait3A_215 = tpu.memref_slice %arg2[%add3A, %dma_wait3A, %dma_wait3A_214] : memref<32x80x128xi32, #tpu.memory_space<hbm>> -> memref<1x80x128xi32, #tpu.memory_space<hbm>>
      %dma_wait3A_216 = tpu.memref_squeeze %dma_wait3A_215 : memref<1x80x128xi32, #tpu.memory_space<hbm>> -> memref<80x128xi32, #tpu.memory_space<hbm>>
      %dma_wait3A_217 = arith.constant 0 : i32
      %dma_wait3A_218 = arith.constant 0 : i32
      %dma_wait3A_219 = tpu.memref_slice %arg2[%add3A, %dma_wait3A_217, %dma_wait3A_218] : memref<32x80x128xi32, #tpu.memory_space<hbm>> -> memref<1x80x128xi32, #tpu.memory_space<hbm>>
      %dma_wait3A_220 = tpu.memref_squeeze %dma_wait3A_219 : memref<1x80x128xi32, #tpu.memory_space<hbm>> -> memref<80x128xi32, #tpu.memory_space<hbm>>
      tpu.wait_dma2 semaphore(%run_scoped3A : memref<!tpu.dma_semaphore, #tpu.memory_space<semaphore_mem>>) src(%dma_wait3A_220 : memref<80x128xi32, #tpu.memory_space<hbm>>) dst(%arg4 : memref<80x128xi32, #tpu.memory_space<vmem>>)
      tpu.yield
    }) : () -> ()
    %scan3A = arith.constant 0 : i32
    %scan3A_197 = arith.constant 0 : i32
    %scan3A_198 = arith.constant 80 : i32
    %scan3A_199 = arith.addi %scan3A_197, %scan3A_198 : i32
    %scan3A_200 = arith.constant 1 : i32
    scf.for %scan3A_207 = %scan3A_197 to %scan3A_199 step %scan3A_200  : i32 {
      "tpu.region"() ({
        %run_scoped3A = tpu.sem_alloc : memref<!tpu.dma_semaphore, #tpu.memory_space<semaphore_mem>>
        %dma_start3A = arith.constant 0 : i32
        %dma_start3A_208 = tpu.memref_slice %arg4[%scan3A_207, %dma_start3A] : memref<80x128xi32, #tpu.memory_space<vmem>> -> memref<1x128xi32, #tpu.memory_space<vmem>>
        %dma_start3A_209 = tpu.memref_squeeze %dma_start3A_208 : memref<1x128xi32, #tpu.memory_space<vmem>> -> memref<128xi32, #tpu.memory_space<vmem>>
        %dma_start3A_210 = arith.constant 0 : i32
        %dma_start3A_211 = tpu.memref_slice %arg7[%dma_start3A_210] : memref<10240xf32, #tpu.memory_space<vmem_shared>> -> memref<10240xf32, #tpu.memory_space<vmem_shared>>
        tpu.enqueue_indirect_dma source(%arg5 : memref<128xf32, #tpu.memory_space<vmem>>) target(%dma_start3A_211 : memref<10240xf32, #tpu.memory_space<vmem_shared>>) offsets(%dma_start3A_209 : memref<128xi32, #tpu.memory_space<vmem>>) semaphore(%run_scoped3A : memref<!tpu.dma_semaphore, #tpu.memory_space<semaphore_mem>>) {add = true}
        %dma_wait3A = arith.constant 0 : i32
        %dma_wait3A_212 = tpu.memref_slice %arg4[%scan3A_207, %dma_wait3A] : memref<80x128xi32, #tpu.memory_space<vmem>> -> memref<1x128xi32, #tpu.memory_space<vmem>>
        %dma_wait3A_213 = tpu.memref_squeeze %dma_wait3A_212 : memref<1x128xi32, #tpu.memory_space<vmem>> -> memref<128xi32, #tpu.memory_space<vmem>>
        %dma_wait3A_214 = arith.constant 0 : i32
        %dma_wait3A_215 = tpu.memref_slice %arg7[%dma_wait3A_214] : memref<10240xf32, #tpu.memory_space<vmem_shared>> -> memref<10240xf32, #tpu.memory_space<vmem_shared>>
        tpu.wait_indirect_dma semaphore(%run_scoped3A : memref<!tpu.dma_semaphore, #tpu.memory_space<semaphore_mem>>) src(%arg5 : memref<128xf32, #tpu.memory_space<vmem>>) dst(%dma_wait3A_215 : memref<10240xf32, #tpu.memory_space<vmem_shared>>)
        tpu.yield
      }) : () -> ()
    }
    %scan3A_201 = arith.constant 80 : i32
    %barrier3A_202 = arith.constant 0 : index
    tpu.barrier barrier_id(%barrier3A_202)
    %mul3A_203 = arith.constant 640 : i32
    %mul3A_204 = arith.muli %arg1, %mul3A_203 : i32
    "tpu.region"() ({
      %run_scoped3A = tpu.sem_alloc : memref<!tpu.dma_semaphore, #tpu.memory_space<semaphore_mem>>
      %dma_start3A = tpu.memref_slice %arg7[%mul3A_204] : memref<10240xf32, #tpu.memory_space<vmem_shared>> -> memref<640xf32, #tpu.memory_space<vmem_shared>>
      %dma_start3A_207 = tpu.memref_slice %arg7[%mul3A_204] : memref<10240xf32, #tpu.memory_space<vmem_shared>> -> memref<640xf32, #tpu.memory_space<vmem_shared>>
      tpu.enqueue_dma source(%dma_start3A_207 : memref<640xf32, #tpu.memory_space<vmem_shared>>) target(%arg6 : memref<640xf32, #tpu.memory_space<vmem>>) target_semaphore(%run_scoped3A : memref<!tpu.dma_semaphore, #tpu.memory_space<semaphore_mem>>)
      %dma_wait3A = tpu.memref_slice %arg7[%mul3A_204] : memref<10240xf32, #tpu.memory_space<vmem_shared>> -> memref<640xf32, #tpu.memory_space<vmem_shared>>
      %dma_wait3A_208 = tpu.memref_slice %arg7[%mul3A_204] : memref<10240xf32, #tpu.memory_space<vmem_shared>> -> memref<640xf32, #tpu.memory_space<vmem_shared>>
      tpu.wait_dma2 semaphore(%run_scoped3A : memref<!tpu.dma_semaphore, #tpu.memory_space<semaphore_mem>>) src(%dma_wait3A_208 : memref<640xf32, #tpu.memory_space<vmem_shared>>) dst(%arg6 : memref<640xf32, #tpu.memory_space<vmem>>)
      tpu.yield
    }) : () -> ()
    %mul3A_205 = arith.constant 640 : i32
    %mul3A_206 = arith.muli %arg1, %mul3A_205 : i32
    "tpu.region"() ({
      %run_scoped3A = tpu.sem_alloc : memref<!tpu.dma_semaphore, #tpu.memory_space<semaphore_mem>>
      %dma_start3A = tpu.memref_slice %arg3[%arg0, %mul3A_206] : memref<2x10240xf32, #tpu.memory_space<hbm>> -> memref<1x640xf32, #tpu.memory_space<hbm>>
      %dma_start3A_207 = tpu.memref_squeeze %dma_start3A : memref<1x640xf32, #tpu.memory_space<hbm>> -> memref<640xf32, #tpu.memory_space<hbm>>
      %dma_start3A_208 = tpu.memref_slice %arg3[%arg0, %mul3A_206] : memref<2x10240xf32, #tpu.memory_space<hbm>> -> memref<1x640xf32, #tpu.memory_space<hbm>>
      %dma_start3A_209 = tpu.memref_squeeze %dma_start3A_208 : memref<1x640xf32, #tpu.memory_space<hbm>> -> memref<640xf32, #tpu.memory_space<hbm>>
      tpu.enqueue_dma source(%arg6 : memref<640xf32, #tpu.memory_space<vmem>>) target(%dma_start3A_209 : memref<640xf32, #tpu.memory_space<hbm>>) target_semaphore(%run_scoped3A : memref<!tpu.dma_semaphore, #tpu.memory_space<semaphore_mem>>)
      %dma_wait3A = tpu.memref_slice %arg3[%arg0, %mul3A_206] : memref<2x10240xf32, #tpu.memory_space<hbm>> -> memref<1x640xf32, #tpu.memory_space<hbm>>
      %dma_wait3A_210 = tpu.memref_squeeze %dma_wait3A : memref<1x640xf32, #tpu.memory_space<hbm>> -> memref<640xf32, #tpu.memory_space<hbm>>
      %dma_wait3A_211 = tpu.memref_slice %arg3[%arg0, %mul3A_206] : memref<2x10240xf32, #tpu.memory_space<hbm>> -> memref<1x640xf32, #tpu.memory_space<hbm>>
      %dma_wait3A_212 = tpu.memref_squeeze %dma_wait3A_211 : memref<1x640xf32, #tpu.memory_space<hbm>> -> memref<640xf32, #tpu.memory_space<hbm>>
      tpu.wait_dma2 semaphore(%run_scoped3A : memref<!tpu.dma_semaphore, #tpu.memory_space<semaphore_mem>>) src(%arg6 : memref<640xf32, #tpu.memory_space<vmem>>) dst(%dma_wait3A_212 : memref<640xf32, #tpu.memory_space<hbm>>)
      tpu.yield
    }) : () -> ()
    return
  }
}

#map = affine_map<(d0, d1) -> (0, 0)>
#map1 = affine_map<(d0, d1) -> (0, 0, 0)>
module attributes {stable_mosaic.version = 14 : i64} {
  func.func @_agg_kernel(%arg0: i32, %arg1: i32, %arg2: memref<10240x128xf32, #tpu.memory_space<hbm>>, %arg3: memref<32x84x120xi32, #tpu.memory_space<hbm>>, %arg4: memref<32x84x120xi32, #tpu.memory_space<hbm>>, %arg5: memref<2x10240x128xf32, #tpu.memory_space<hbm>>, %arg6: memref<3x120xi32, #tpu.memory_space<vmem>>, %arg7: memref<3x120xi32, #tpu.memory_space<vmem>>, %arg8: memref<120x128xf32, #tpu.memory_space<vmem>>, %arg9: memref<120x128xf32, #tpu.memory_space<vmem>>, %arg10: memref<120x128xf32, #tpu.memory_space<vmem>>, %arg11: memref<10240x128xf32, #tpu.memory_space<vmem_shared>>, %arg12: memref<!tpu.dma_semaphore, #tpu.memory_space<semaphore_mem>>, %arg13: memref<!tpu.dma_semaphore, #tpu.memory_space<semaphore_mem>>, %arg14: memref<!tpu.dma_semaphore, #tpu.memory_space<semaphore_mem>>, %arg15: memref<!tpu.dma_semaphore, #tpu.memory_space<semaphore_mem>>, %arg16: memref<!tpu.dma_semaphore, #tpu.memory_space<semaphore_mem>>, %arg17: memref<!tpu.dma_semaphore, #tpu.memory_space<semaphore_mem>>, %arg18: memref<!tpu.dma_semaphore, #tpu.memory_space<semaphore_mem>>, %arg19: memref<!tpu.dma_semaphore, #tpu.memory_space<semaphore_mem>>, %arg20: memref<!tpu.dma_semaphore, #tpu.memory_space<semaphore_mem>>) attributes {dimension_semantics = [#tpu.dimension_semantics<core_parallel>, #tpu.dimension_semantics<subcore_parallel>], iteration_bounds = array<i64: 2, 16>, scalar_prefetch = 0 : i64, scratch_operands = 15 : i64, tpu.core_type = #tpu.core_type<sc_vector_subcore>, window_params = [{transform_indices = #map}, {transform_indices = #map1}, {transform_indices = #map1}, {transform_indices = #map1}]} {
    %mul3A = arith.constant 2 : i32
    %mul3A_0 = arith.muli %arg1, %mul3A : i32
    %add3A = arith.addi %mul3A_0, %arg0 : i32
    %broadcast_in_dim3A = arith.constant 0.000000e+00 : f32
    %broadcast_in_dim3A_1 = vector.broadcast %broadcast_in_dim3A : f32 to vector<16xf32>
    %scan3A = arith.constant 0 : i32
    %scan3A_2 = arith.constant 0 : i32
    %scan3A_3 = arith.constant 80 : i32
    %scan3A_4 = arith.addi %scan3A_2, %scan3A_3 : i32
    %scan3A_5 = arith.constant 1 : i32
    scf.for %scan3A_52 = %scan3A_2 to %scan3A_4 step %scan3A_5  : i32 {
      %swap3A = arith.index_cast %scan3A_52 : i32 to index
      %swap3A_53 = arith.constant 0 : index
      %swap3A_54 = tpu.vector_load %arg8[%swap3A, %swap3A_53] {strides = array<i32>} : memref<120x128xf32, #tpu.memory_space<vmem>>, vector<1x16xf32>,
      %swap3A_55 = vector.shape_cast %swap3A_54 : vector<1x16xf32> to vector<16xf32>
      %swap3A_56 = vector.shape_cast %broadcast_in_dim3A_1 : vector<16xf32> to vector<1x16xf32>
      tpu.vector_store %arg8[%swap3A, %swap3A_53], %swap3A_56 {strides = array<i32>} : memref<120x128xf32, #tpu.memory_space<vmem>>, vector<1x16xf32>,
      %swap3A_57 = arith.index_cast %scan3A_52 : i32 to index
      %swap3A_58 = arith.constant 16 : index
      %swap3A_59 = tpu.vector_load %arg8[%swap3A_57, %swap3A_58] {strides = array<i32>} : memref<120x128xf32, #tpu.memory_space<vmem>>, vector<1x16xf32>,
      %swap3A_60 = vector.shape_cast %swap3A_59 : vector<1x16xf32> to vector<16xf32>
      %swap3A_61 = vector.shape_cast %broadcast_in_dim3A_1 : vector<16xf32> to vector<1x16xf32>
      tpu.vector_store %arg8[%swap3A_57, %swap3A_58], %swap3A_61 {strides = array<i32>} : memref<120x128xf32, #tpu.memory_space<vmem>>, vector<1x16xf32>,
      %swap3A_62 = arith.index_cast %scan3A_52 : i32 to index
      %swap3A_63 = arith.constant 32 : index
      %swap3A_64 = tpu.vector_load %arg8[%swap3A_62, %swap3A_63] {strides = array<i32>} : memref<120x128xf32, #tpu.memory_space<vmem>>, vector<1x16xf32>,
      %swap3A_65 = vector.shape_cast %swap3A_64 : vector<1x16xf32> to vector<16xf32>
      %swap3A_66 = vector.shape_cast %broadcast_in_dim3A_1 : vector<16xf32> to vector<1x16xf32>
      tpu.vector_store %arg8[%swap3A_62, %swap3A_63], %swap3A_66 {strides = array<i32>} : memref<120x128xf32, #tpu.memory_space<vmem>>, vector<1x16xf32>,
      %swap3A_67 = arith.index_cast %scan3A_52 : i32 to index
      %swap3A_68 = arith.constant 48 : index
      %swap3A_69 = tpu.vector_load %arg8[%swap3A_67, %swap3A_68] {strides = array<i32>} : memref<120x128xf32, #tpu.memory_space<vmem>>, vector<1x16xf32>,
      %swap3A_70 = vector.shape_cast %swap3A_69 : vector<1x16xf32> to vector<16xf32>
      %swap3A_71 = vector.shape_cast %broadcast_in_dim3A_1 : vector<16xf32> to vector<1x16xf32>
      tpu.vector_store %arg8[%swap3A_67, %swap3A_68], %swap3A_71 {strides = array<i32>} : memref<120x128xf32, #tpu.memory_space<vmem>>, vector<1x16xf32>,
      %swap3A_72 = arith.index_cast %scan3A_52 : i32 to index
      %swap3A_73 = arith.constant 64 : index
      %swap3A_74 = tpu.vector_load %arg8[%swap3A_72, %swap3A_73] {strides = array<i32>} : memref<120x128xf32, #tpu.memory_space<vmem>>, vector<1x16xf32>,
      %swap3A_75 = vector.shape_cast %swap3A_74 : vector<1x16xf32> to vector<16xf32>
      %swap3A_76 = vector.shape_cast %broadcast_in_dim3A_1 : vector<16xf32> to vector<1x16xf32>
      tpu.vector_store %arg8[%swap3A_72, %swap3A_73], %swap3A_76 {strides = array<i32>} : memref<120x128xf32, #tpu.memory_space<vmem>>, vector<1x16xf32>,
      %swap3A_77 = arith.index_cast %scan3A_52 : i32 to index
      %swap3A_78 = arith.constant 80 : index
      %swap3A_79 = tpu.vector_load %arg8[%swap3A_77, %swap3A_78] {strides = array<i32>} : memref<120x128xf32, #tpu.memory_space<vmem>>, vector<1x16xf32>,
      %swap3A_80 = vector.shape_cast %swap3A_79 : vector<1x16xf32> to vector<16xf32>
      %swap3A_81 = vector.shape_cast %broadcast_in_dim3A_1 : vector<16xf32> to vector<1x16xf32>
      tpu.vector_store %arg8[%swap3A_77, %swap3A_78], %swap3A_81 {strides = array<i32>} : memref<120x128xf32, #tpu.memory_space<vmem>>, vector<1x16xf32>,
      %swap3A_82 = arith.index_cast %scan3A_52 : i32 to index
      %swap3A_83 = arith.constant 96 : index
      %swap3A_84 = tpu.vector_load %arg8[%swap3A_82, %swap3A_83] {strides = array<i32>} : memref<120x128xf32, #tpu.memory_space<vmem>>, vector<1x16xf32>,
      %swap3A_85 = vector.shape_cast %swap3A_84 : vector<1x16xf32> to vector<16xf32>
      %swap3A_86 = vector.shape_cast %broadcast_in_dim3A_1 : vector<16xf32> to vector<1x16xf32>
      tpu.vector_store %arg8[%swap3A_82, %swap3A_83], %swap3A_86 {strides = array<i32>} : memref<120x128xf32, #tpu.memory_space<vmem>>, vector<1x16xf32>,
      %swap3A_87 = arith.index_cast %scan3A_52 : i32 to index
      %swap3A_88 = arith.constant 112 : index
      %swap3A_89 = tpu.vector_load %arg8[%swap3A_87, %swap3A_88] {strides = array<i32>} : memref<120x128xf32, #tpu.memory_space<vmem>>, vector<1x16xf32>,
      %swap3A_90 = vector.shape_cast %swap3A_89 : vector<1x16xf32> to vector<16xf32>
      %swap3A_91 = vector.shape_cast %broadcast_in_dim3A_1 : vector<16xf32> to vector<1x16xf32>
      tpu.vector_store %arg8[%swap3A_87, %swap3A_88], %swap3A_91 {strides = array<i32>} : memref<120x128xf32, #tpu.memory_space<vmem>>, vector<1x16xf32>,
    }
    %scan3A_6 = arith.constant 80 : i32
    %scan3A_7 = arith.constant 0 : i32
    %scan3A_8 = arith.constant 0 : i32
    %scan3A_9 = arith.constant 8 : i32
    %scan3A_10 = arith.addi %scan3A_8, %scan3A_9 : i32
    %scan3A_11 = arith.constant 1 : i32
    scf.for %scan3A_52 = %scan3A_8 to %scan3A_10 step %scan3A_11  : i32 {
      %mul3A_53 = arith.constant 640 : i32
      %mul3A_54 = arith.muli %arg1, %mul3A_53 : i32
      %mul3A_55 = arith.constant 80 : i32
      %mul3A_56 = arith.muli %scan3A_52, %mul3A_55 : i32
      %add3A_57 = arith.addi %mul3A_54, %mul3A_56 : i32
      "tpu.region"() ({
        %run_scoped3A_58 = tpu.sem_alloc : memref<!tpu.dma_semaphore, #tpu.memory_space<semaphore_mem>>
        %dma_start3A_59 = arith.constant 0 : i32
        %dma_start3A_60 = arith.constant 0 : i32
        %dma_start3A_61 = tpu.memref_slice %arg8[%dma_start3A_59, %dma_start3A_60] : memref<120x128xf32, #tpu.memory_space<vmem>> -> memref<80x128xf32, #tpu.memory_space<vmem>>
        %dma_start3A_62 = arith.constant 0 : i32
        %dma_start3A_63 = tpu.memref_slice %arg11[%add3A_57, %dma_start3A_62] : memref<10240x128xf32, #tpu.memory_space<vmem_shared>> -> memref<80x128xf32, #tpu.memory_space<vmem_shared>>
        %dma_start3A_64 = arith.constant 0 : i32
        %dma_start3A_65 = tpu.memref_slice %arg11[%add3A_57, %dma_start3A_64] : memref<10240x128xf32, #tpu.memory_space<vmem_shared>> -> memref<80x128xf32, #tpu.memory_space<vmem_shared>>
        %dma_start3A_66 = arith.constant 0 : i32
        %dma_start3A_67 = arith.constant 0 : i32
        %dma_start3A_68 = tpu.memref_slice %arg8[%dma_start3A_66, %dma_start3A_67] : memref<120x128xf32, #tpu.memory_space<vmem>> -> memref<80x128xf32, #tpu.memory_space<vmem>>
        tpu.enqueue_dma source(%dma_start3A_68 : memref<80x128xf32, #tpu.memory_space<vmem>>) target(%dma_start3A_65 : memref<80x128xf32, #tpu.memory_space<vmem_shared>>) target_semaphore(%run_scoped3A_58 : memref<!tpu.dma_semaphore, #tpu.memory_space<semaphore_mem>>)
        %dma_wait3A_69 = arith.constant 0 : i32
        %dma_wait3A_70 = arith.constant 0 : i32
        %dma_wait3A_71 = tpu.memref_slice %arg8[%dma_wait3A_69, %dma_wait3A_70] : memref<120x128xf32, #tpu.memory_space<vmem>> -> memref<80x128xf32, #tpu.memory_space<vmem>>
        %dma_wait3A_72 = arith.constant 0 : i32
        %dma_wait3A_73 = tpu.memref_slice %arg11[%add3A_57, %dma_wait3A_72] : memref<10240x128xf32, #tpu.memory_space<vmem_shared>> -> memref<80x128xf32, #tpu.memory_space<vmem_shared>>
        %dma_wait3A_74 = arith.constant 0 : i32
        %dma_wait3A_75 = tpu.memref_slice %arg11[%add3A_57, %dma_wait3A_74] : memref<10240x128xf32, #tpu.memory_space<vmem_shared>> -> memref<80x128xf32, #tpu.memory_space<vmem_shared>>
        %dma_wait3A_76 = arith.constant 0 : i32
        %dma_wait3A_77 = arith.constant 0 : i32
        %dma_wait3A_78 = tpu.memref_slice %arg8[%dma_wait3A_76, %dma_wait3A_77] : memref<120x128xf32, #tpu.memory_space<vmem>> -> memref<80x128xf32, #tpu.memory_space<vmem>>
        tpu.wait_dma2 semaphore(%run_scoped3A_58 : memref<!tpu.dma_semaphore, #tpu.memory_space<semaphore_mem>>) src(%dma_wait3A_78 : memref<80x128xf32, #tpu.memory_space<vmem>>) dst(%dma_wait3A_75 : memref<80x128xf32, #tpu.memory_space<vmem_shared>>)
        tpu.yield
      }) : () -> ()
    }
    %scan3A_12 = arith.constant 8 : i32
    %barrier3A = arith.constant 0 : index
    tpu.barrier barrier_id(%barrier3A)
    %run_scoped3A = arith.constant 0 : i32
    %run_scoped3A_13 = arith.constant 0 : i32
    "tpu.region"() ({
      %run_scoped3A_52 = tpu.sem_alloc : memref<!tpu.dma_semaphore, #tpu.memory_space<semaphore_mem>>
      %dma_start3A_53 = arith.constant 0 : i32
      %dma_start3A_54 = tpu.memref_slice %arg6[%run_scoped3A_13, %dma_start3A_53] : memref<3x120xi32, #tpu.memory_space<vmem>> -> memref<1x120xi32, #tpu.memory_space<vmem>>
      %dma_start3A_55 = tpu.memref_squeeze %dma_start3A_54 : memref<1x120xi32, #tpu.memory_space<vmem>> -> memref<120xi32, #tpu.memory_space<vmem>>
      %dma_start3A_56 = arith.constant 0 : i32
      %dma_start3A_57 = tpu.memref_slice %arg3[%add3A, %run_scoped3A, %dma_start3A_56] : memref<32x84x120xi32, #tpu.memory_space<hbm>> -> memref<1x1x120xi32, #tpu.memory_space<hbm>>
      %dma_start3A_58 = tpu.memref_squeeze %dma_start3A_57 : memref<1x1x120xi32, #tpu.memory_space<hbm>> -> memref<120xi32, #tpu.memory_space<hbm>>
      %dma_start3A_59 = arith.constant 0 : i32
      %dma_start3A_60 = tpu.memref_slice %arg6[%run_scoped3A_13, %dma_start3A_59] : memref<3x120xi32, #tpu.memory_space<vmem>> -> memref<1x120xi32, #tpu.memory_space<vmem>>
      %dma_start3A_61 = tpu.memref_squeeze %dma_start3A_60 : memref<1x120xi32, #tpu.memory_space<vmem>> -> memref<120xi32, #tpu.memory_space<vmem>>
      %dma_start3A_62 = arith.constant 0 : i32
      %dma_start3A_63 = tpu.memref_slice %arg3[%add3A, %run_scoped3A, %dma_start3A_62] : memref<32x84x120xi32, #tpu.memory_space<hbm>> -> memref<1x1x120xi32, #tpu.memory_space<hbm>>
      %dma_start3A_64 = tpu.memref_squeeze %dma_start3A_63 : memref<1x1x120xi32, #tpu.memory_space<hbm>> -> memref<120xi32, #tpu.memory_space<hbm>>
      tpu.enqueue_dma source(%dma_start3A_64 : memref<120xi32, #tpu.memory_space<hbm>>) target(%dma_start3A_61 : memref<120xi32, #tpu.memory_space<vmem>>) target_semaphore(%run_scoped3A_52 : memref<!tpu.dma_semaphore, #tpu.memory_space<semaphore_mem>>)
      %dma_wait3A_65 = arith.constant 0 : i32
      %dma_wait3A_66 = tpu.memref_slice %arg6[%run_scoped3A_13, %dma_wait3A_65] : memref<3x120xi32, #tpu.memory_space<vmem>> -> memref<1x120xi32, #tpu.memory_space<vmem>>
      %dma_wait3A_67 = tpu.memref_squeeze %dma_wait3A_66 : memref<1x120xi32, #tpu.memory_space<vmem>> -> memref<120xi32, #tpu.memory_space<vmem>>
      %dma_wait3A_68 = arith.constant 0 : i32
      %dma_wait3A_69 = tpu.memref_slice %arg3[%add3A, %run_scoped3A, %dma_wait3A_68] : memref<32x84x120xi32, #tpu.memory_space<hbm>> -> memref<1x1x120xi32, #tpu.memory_space<hbm>>
      %dma_wait3A_70 = tpu.memref_squeeze %dma_wait3A_69 : memref<1x1x120xi32, #tpu.memory_space<hbm>> -> memref<120xi32, #tpu.memory_space<hbm>>
      %dma_wait3A_71 = arith.constant 0 : i32
      %dma_wait3A_72 = tpu.memref_slice %arg6[%run_scoped3A_13, %dma_wait3A_71] : memref<3x120xi32, #tpu.memory_space<vmem>> -> memref<1x120xi32, #tpu.memory_space<vmem>>
      %dma_wait3A_73 = tpu.memref_squeeze %dma_wait3A_72 : memref<1x120xi32, #tpu.memory_space<vmem>> -> memref<120xi32, #tpu.memory_space<vmem>>
      %dma_wait3A_74 = arith.constant 0 : i32
      %dma_wait3A_75 = tpu.memref_slice %arg3[%add3A, %run_scoped3A, %dma_wait3A_74] : memref<32x84x120xi32, #tpu.memory_space<hbm>> -> memref<1x1x120xi32, #tpu.memory_space<hbm>>
      %dma_wait3A_76 = tpu.memref_squeeze %dma_wait3A_75 : memref<1x1x120xi32, #tpu.memory_space<hbm>> -> memref<120xi32, #tpu.memory_space<hbm>>
      tpu.wait_dma2 semaphore(%run_scoped3A_52 : memref<!tpu.dma_semaphore, #tpu.memory_space<semaphore_mem>>) src(%dma_wait3A_76 : memref<120xi32, #tpu.memory_space<hbm>>) dst(%dma_wait3A_73 : memref<120xi32, #tpu.memory_space<vmem>>)
      tpu.yield
    }) : () -> ()
    %run_scoped3A_14 = arith.constant 0 : i32
    %run_scoped3A_15 = arith.constant 0 : i32
    "tpu.region"() ({
      %run_scoped3A_52 = tpu.sem_alloc : memref<!tpu.dma_semaphore, #tpu.memory_space<semaphore_mem>>
      %dma_start3A_53 = arith.constant 0 : i32
      %dma_start3A_54 = tpu.memref_slice %arg7[%run_scoped3A_15, %dma_start3A_53] : memref<3x120xi32, #tpu.memory_space<vmem>> -> memref<1x120xi32, #tpu.memory_space<vmem>>
      %dma_start3A_55 = tpu.memref_squeeze %dma_start3A_54 : memref<1x120xi32, #tpu.memory_space<vmem>> -> memref<120xi32, #tpu.memory_space<vmem>>
      %dma_start3A_56 = arith.constant 0 : i32
      %dma_start3A_57 = tpu.memref_slice %arg4[%add3A, %run_scoped3A_14, %dma_start3A_56] : memref<32x84x120xi32, #tpu.memory_space<hbm>> -> memref<1x1x120xi32, #tpu.memory_space<hbm>>
      %dma_start3A_58 = tpu.memref_squeeze %dma_start3A_57 : memref<1x1x120xi32, #tpu.memory_space<hbm>> -> memref<120xi32, #tpu.memory_space<hbm>>
      %dma_start3A_59 = arith.constant 0 : i32
      %dma_start3A_60 = tpu.memref_slice %arg7[%run_scoped3A_15, %dma_start3A_59] : memref<3x120xi32, #tpu.memory_space<vmem>> -> memref<1x120xi32, #tpu.memory_space<vmem>>
      %dma_start3A_61 = tpu.memref_squeeze %dma_start3A_60 : memref<1x120xi32, #tpu.memory_space<vmem>> -> memref<120xi32, #tpu.memory_space<vmem>>
      %dma_start3A_62 = arith.constant 0 : i32
      %dma_start3A_63 = tpu.memref_slice %arg4[%add3A, %run_scoped3A_14, %dma_start3A_62] : memref<32x84x120xi32, #tpu.memory_space<hbm>> -> memref<1x1x120xi32, #tpu.memory_space<hbm>>
      %dma_start3A_64 = tpu.memref_squeeze %dma_start3A_63 : memref<1x1x120xi32, #tpu.memory_space<hbm>> -> memref<120xi32, #tpu.memory_space<hbm>>
      tpu.enqueue_dma source(%dma_start3A_64 : memref<120xi32, #tpu.memory_space<hbm>>) target(%dma_start3A_61 : memref<120xi32, #tpu.memory_space<vmem>>) target_semaphore(%run_scoped3A_52 : memref<!tpu.dma_semaphore, #tpu.memory_space<semaphore_mem>>)
      %dma_wait3A_65 = arith.constant 0 : i32
      %dma_wait3A_66 = tpu.memref_slice %arg7[%run_scoped3A_15, %dma_wait3A_65] : memref<3x120xi32, #tpu.memory_space<vmem>> -> memref<1x120xi32, #tpu.memory_space<vmem>>
      %dma_wait3A_67 = tpu.memref_squeeze %dma_wait3A_66 : memref<1x120xi32, #tpu.memory_space<vmem>> -> memref<120xi32, #tpu.memory_space<vmem>>
      %dma_wait3A_68 = arith.constant 0 : i32
      %dma_wait3A_69 = tpu.memref_slice %arg4[%add3A, %run_scoped3A_14, %dma_wait3A_68] : memref<32x84x120xi32, #tpu.memory_space<hbm>> -> memref<1x1x120xi32, #tpu.memory_space<hbm>>
      %dma_wait3A_70 = tpu.memref_squeeze %dma_wait3A_69 : memref<1x1x120xi32, #tpu.memory_space<hbm>> -> memref<120xi32, #tpu.memory_space<hbm>>
      %dma_wait3A_71 = arith.constant 0 : i32
      %dma_wait3A_72 = tpu.memref_slice %arg7[%run_scoped3A_15, %dma_wait3A_71] : memref<3x120xi32, #tpu.memory_space<vmem>> -> memref<1x120xi32, #tpu.memory_space<vmem>>
      %dma_wait3A_73 = tpu.memref_squeeze %dma_wait3A_72 : memref<1x120xi32, #tpu.memory_space<vmem>> -> memref<120xi32, #tpu.memory_space<vmem>>
      %dma_wait3A_74 = arith.constant 0 : i32
      %dma_wait3A_75 = tpu.memref_slice %arg4[%add3A, %run_scoped3A_14, %dma_wait3A_74] : memref<32x84x120xi32, #tpu.memory_space<hbm>> -> memref<1x1x120xi32, #tpu.memory_space<hbm>>
      %dma_wait3A_76 = tpu.memref_squeeze %dma_wait3A_75 : memref<1x1x120xi32, #tpu.memory_space<hbm>> -> memref<120xi32, #tpu.memory_space<hbm>>
      tpu.wait_dma2 semaphore(%run_scoped3A_52 : memref<!tpu.dma_semaphore, #tpu.memory_space<semaphore_mem>>) src(%dma_wait3A_76 : memref<120xi32, #tpu.memory_space<hbm>>) dst(%dma_wait3A_73 : memref<120xi32, #tpu.memory_space<vmem>>)
      tpu.yield
    }) : () -> ()
    %run_scoped3A_16 = arith.constant 1 : i32
    %run_scoped3A_17 = arith.constant 1 : i32
    "tpu.region"() ({
      %run_scoped3A_52 = tpu.sem_alloc : memref<!tpu.dma_semaphore, #tpu.memory_space<semaphore_mem>>
      %dma_start3A_53 = arith.constant 0 : i32
      %dma_start3A_54 = tpu.memref_slice %arg6[%run_scoped3A_17, %dma_start3A_53] : memref<3x120xi32, #tpu.memory_space<vmem>> -> memref<1x120xi32, #tpu.memory_space<vmem>>
      %dma_start3A_55 = tpu.memref_squeeze %dma_start3A_54 : memref<1x120xi32, #tpu.memory_space<vmem>> -> memref<120xi32, #tpu.memory_space<vmem>>
      %dma_start3A_56 = arith.constant 0 : i32
      %dma_start3A_57 = tpu.memref_slice %arg3[%add3A, %run_scoped3A_16, %dma_start3A_56] : memref<32x84x120xi32, #tpu.memory_space<hbm>> -> memref<1x1x120xi32, #tpu.memory_space<hbm>>
      %dma_start3A_58 = tpu.memref_squeeze %dma_start3A_57 : memref<1x1x120xi32, #tpu.memory_space<hbm>> -> memref<120xi32, #tpu.memory_space<hbm>>
      %dma_start3A_59 = arith.constant 0 : i32
      %dma_start3A_60 = tpu.memref_slice %arg6[%run_scoped3A_17, %dma_start3A_59] : memref<3x120xi32, #tpu.memory_space<vmem>> -> memref<1x120xi32, #tpu.memory_space<vmem>>
      %dma_start3A_61 = tpu.memref_squeeze %dma_start3A_60 : memref<1x120xi32, #tpu.memory_space<vmem>> -> memref<120xi32, #tpu.memory_space<vmem>>
      %dma_start3A_62 = arith.constant 0 : i32
      %dma_start3A_63 = tpu.memref_slice %arg3[%add3A, %run_scoped3A_16, %dma_start3A_62] : memref<32x84x120xi32, #tpu.memory_space<hbm>> -> memref<1x1x120xi32, #tpu.memory_space<hbm>>
      %dma_start3A_64 = tpu.memref_squeeze %dma_start3A_63 : memref<1x1x120xi32, #tpu.memory_space<hbm>> -> memref<120xi32, #tpu.memory_space<hbm>>
      tpu.enqueue_dma source(%dma_start3A_64 : memref<120xi32, #tpu.memory_space<hbm>>) target(%dma_start3A_61 : memref<120xi32, #tpu.memory_space<vmem>>) target_semaphore(%run_scoped3A_52 : memref<!tpu.dma_semaphore, #tpu.memory_space<semaphore_mem>>)
      %dma_wait3A_65 = arith.constant 0 : i32
      %dma_wait3A_66 = tpu.memref_slice %arg6[%run_scoped3A_17, %dma_wait3A_65] : memref<3x120xi32, #tpu.memory_space<vmem>> -> memref<1x120xi32, #tpu.memory_space<vmem>>
      %dma_wait3A_67 = tpu.memref_squeeze %dma_wait3A_66 : memref<1x120xi32, #tpu.memory_space<vmem>> -> memref<120xi32, #tpu.memory_space<vmem>>
      %dma_wait3A_68 = arith.constant 0 : i32
      %dma_wait3A_69 = tpu.memref_slice %arg3[%add3A, %run_scoped3A_16, %dma_wait3A_68] : memref<32x84x120xi32, #tpu.memory_space<hbm>> -> memref<1x1x120xi32, #tpu.memory_space<hbm>>
      %dma_wait3A_70 = tpu.memref_squeeze %dma_wait3A_69 : memref<1x1x120xi32, #tpu.memory_space<hbm>> -> memref<120xi32, #tpu.memory_space<hbm>>
      %dma_wait3A_71 = arith.constant 0 : i32
      %dma_wait3A_72 = tpu.memref_slice %arg6[%run_scoped3A_17, %dma_wait3A_71] : memref<3x120xi32, #tpu.memory_space<vmem>> -> memref<1x120xi32, #tpu.memory_space<vmem>>
      %dma_wait3A_73 = tpu.memref_squeeze %dma_wait3A_72 : memref<1x120xi32, #tpu.memory_space<vmem>> -> memref<120xi32, #tpu.memory_space<vmem>>
      %dma_wait3A_74 = arith.constant 0 : i32
      %dma_wait3A_75 = tpu.memref_slice %arg3[%add3A, %run_scoped3A_16, %dma_wait3A_74] : memref<32x84x120xi32, #tpu.memory_space<hbm>> -> memref<1x1x120xi32, #tpu.memory_space<hbm>>
      %dma_wait3A_76 = tpu.memref_squeeze %dma_wait3A_75 : memref<1x1x120xi32, #tpu.memory_space<hbm>> -> memref<120xi32, #tpu.memory_space<hbm>>
      tpu.wait_dma2 semaphore(%run_scoped3A_52 : memref<!tpu.dma_semaphore, #tpu.memory_space<semaphore_mem>>) src(%dma_wait3A_76 : memref<120xi32, #tpu.memory_space<hbm>>) dst(%dma_wait3A_73 : memref<120xi32, #tpu.memory_space<vmem>>)
      tpu.yield
    }) : () -> ()
    %run_scoped3A_18 = arith.constant 1 : i32
    %run_scoped3A_19 = arith.constant 1 : i32
    "tpu.region"() ({
      %run_scoped3A_52 = tpu.sem_alloc : memref<!tpu.dma_semaphore, #tpu.memory_space<semaphore_mem>>
      %dma_start3A_53 = arith.constant 0 : i32
      %dma_start3A_54 = tpu.memref_slice %arg7[%run_scoped3A_19, %dma_start3A_53] : memref<3x120xi32, #tpu.memory_space<vmem>> -> memref<1x120xi32, #tpu.memory_space<vmem>>
      %dma_start3A_55 = tpu.memref_squeeze %dma_start3A_54 : memref<1x120xi32, #tpu.memory_space<vmem>> -> memref<120xi32, #tpu.memory_space<vmem>>
      %dma_start3A_56 = arith.constant 0 : i32
      %dma_start3A_57 = tpu.memref_slice %arg4[%add3A, %run_scoped3A_18, %dma_start3A_56] : memref<32x84x120xi32, #tpu.memory_space<hbm>> -> memref<1x1x120xi32, #tpu.memory_space<hbm>>
      %dma_start3A_58 = tpu.memref_squeeze %dma_start3A_57 : memref<1x1x120xi32, #tpu.memory_space<hbm>> -> memref<120xi32, #tpu.memory_space<hbm>>
      %dma_start3A_59 = arith.constant 0 : i32
      %dma_start3A_60 = tpu.memref_slice %arg7[%run_scoped3A_19, %dma_start3A_59] : memref<3x120xi32, #tpu.memory_space<vmem>> -> memref<1x120xi32, #tpu.memory_space<vmem>>
      %dma_start3A_61 = tpu.memref_squeeze %dma_start3A_60 : memref<1x120xi32, #tpu.memory_space<vmem>> -> memref<120xi32, #tpu.memory_space<vmem>>
      %dma_start3A_62 = arith.constant 0 : i32
      %dma_start3A_63 = tpu.memref_slice %arg4[%add3A, %run_scoped3A_18, %dma_start3A_62] : memref<32x84x120xi32, #tpu.memory_space<hbm>> -> memref<1x1x120xi32, #tpu.memory_space<hbm>>
      %dma_start3A_64 = tpu.memref_squeeze %dma_start3A_63 : memref<1x1x120xi32, #tpu.memory_space<hbm>> -> memref<120xi32, #tpu.memory_space<hbm>>
      tpu.enqueue_dma source(%dma_start3A_64 : memref<120xi32, #tpu.memory_space<hbm>>) target(%dma_start3A_61 : memref<120xi32, #tpu.memory_space<vmem>>) target_semaphore(%run_scoped3A_52 : memref<!tpu.dma_semaphore, #tpu.memory_space<semaphore_mem>>)
      %dma_wait3A_65 = arith.constant 0 : i32
      %dma_wait3A_66 = tpu.memref_slice %arg7[%run_scoped3A_19, %dma_wait3A_65] : memref<3x120xi32, #tpu.memory_space<vmem>> -> memref<1x120xi32, #tpu.memory_space<vmem>>
      %dma_wait3A_67 = tpu.memref_squeeze %dma_wait3A_66 : memref<1x120xi32, #tpu.memory_space<vmem>> -> memref<120xi32, #tpu.memory_space<vmem>>
      %dma_wait3A_68 = arith.constant 0 : i32
      %dma_wait3A_69 = tpu.memref_slice %arg4[%add3A, %run_scoped3A_18, %dma_wait3A_68] : memref<32x84x120xi32, #tpu.memory_space<hbm>> -> memref<1x1x120xi32, #tpu.memory_space<hbm>>
      %dma_wait3A_70 = tpu.memref_squeeze %dma_wait3A_69 : memref<1x1x120xi32, #tpu.memory_space<hbm>> -> memref<120xi32, #tpu.memory_space<hbm>>
      %dma_wait3A_71 = arith.constant 0 : i32
      %dma_wait3A_72 = tpu.memref_slice %arg7[%run_scoped3A_19, %dma_wait3A_71] : memref<3x120xi32, #tpu.memory_space<vmem>> -> memref<1x120xi32, #tpu.memory_space<vmem>>
      %dma_wait3A_73 = tpu.memref_squeeze %dma_wait3A_72 : memref<1x120xi32, #tpu.memory_space<vmem>> -> memref<120xi32, #tpu.memory_space<vmem>>
      %dma_wait3A_74 = arith.constant 0 : i32
      %dma_wait3A_75 = tpu.memref_slice %arg4[%add3A, %run_scoped3A_18, %dma_wait3A_74] : memref<32x84x120xi32, #tpu.memory_space<hbm>> -> memref<1x1x120xi32, #tpu.memory_space<hbm>>
      %dma_wait3A_76 = tpu.memref_squeeze %dma_wait3A_75 : memref<1x1x120xi32, #tpu.memory_space<hbm>> -> memref<120xi32, #tpu.memory_space<hbm>>
      tpu.wait_dma2 semaphore(%run_scoped3A_52 : memref<!tpu.dma_semaphore, #tpu.memory_space<semaphore_mem>>) src(%dma_wait3A_76 : memref<120xi32, #tpu.memory_space<hbm>>) dst(%dma_wait3A_73 : memref<120xi32, #tpu.memory_space<vmem>>)
      tpu.yield
    }) : () -> ()
    %dma_start3A = arith.constant 0 : i32
    %dma_start3A_20 = arith.constant 0 : i32
    %dma_start3A_21 = tpu.memref_slice %arg6[%dma_start3A, %dma_start3A_20] : memref<3x120xi32, #tpu.memory_space<vmem>> -> memref<1x120xi32, #tpu.memory_space<vmem>>
    %dma_start3A_22 = tpu.memref_squeeze %dma_start3A_21 : memref<1x120xi32, #tpu.memory_space<vmem>> -> memref<120xi32, #tpu.memory_space<vmem>>
    %dma_start3A_23 = arith.constant 0 : i32
    %dma_start3A_24 = arith.constant 0 : i32
    %dma_start3A_25 = tpu.memref_slice %arg2[%dma_start3A_23, %dma_start3A_24] : memref<10240x128xf32, #tpu.memory_space<hbm>> -> memref<10240x128xf32, #tpu.memory_space<hbm>>
    tpu.enqueue_indirect_dma source(%dma_start3A_25 : memref<10240x128xf32, #tpu.memory_space<hbm>>) target(%arg8 : memref<120x128xf32, #tpu.memory_space<vmem>>) offsets(%dma_start3A_22 : memref<120xi32, #tpu.memory_space<vmem>>) semaphore(%arg12 : memref<!tpu.dma_semaphore, #tpu.memory_space<semaphore_mem>>)
    %dma_start3A_26 = arith.constant 1 : i32
    %dma_start3A_27 = arith.constant 0 : i32
    %dma_start3A_28 = tpu.memref_slice %arg6[%dma_start3A_26, %dma_start3A_27] : memref<3x120xi32, #tpu.memory_space<vmem>> -> memref<1x120xi32, #tpu.memory_space<vmem>>
    %dma_start3A_29 = tpu.memref_squeeze %dma_start3A_28 : memref<1x120xi32, #tpu.memory_space<vmem>> -> memref<120xi32, #tpu.memory_space<vmem>>
    %dma_start3A_30 = arith.constant 0 : i32
    %dma_start3A_31 = arith.constant 0 : i32
    %dma_start3A_32 = tpu.memref_slice %arg2[%dma_start3A_30, %dma_start3A_31] : memref<10240x128xf32, #tpu.memory_space<hbm>> -> memref<10240x128xf32, #tpu.memory_space<hbm>>
    tpu.enqueue_indirect_dma source(%dma_start3A_32 : memref<10240x128xf32, #tpu.memory_space<hbm>>) target(%arg9 : memref<120x128xf32, #tpu.memory_space<vmem>>) offsets(%dma_start3A_29 : memref<120xi32, #tpu.memory_space<vmem>>) semaphore(%arg13 : memref<!tpu.dma_semaphore, #tpu.memory_space<semaphore_mem>>)
    %scan3A_33 = arith.constant 0 : i32
    %scan3A_34 = arith.constant 0 : i32
    %scan3A_35 = arith.constant 28 : i32
    %scan3A_36 = arith.addi %scan3A_34, %scan3A_35 : i32
    %scan3A_37 = arith.constant 1 : i32
    scf.for %scan3A_52 = %scan3A_34 to %scan3A_36 step %scan3A_37  : i32 {
      %mul3A_53 = arith.constant 3 : i32
      %mul3A_54 = arith.muli %mul3A_53, %scan3A_52 : i32
      %add3A_55 = arith.constant 0 : i32
      %add3A_56 = arith.addi %mul3A_54, %add3A_55 : i32
      %gt3A = arith.constant 0 : i32
      %gt3A_57 = arith.cmpi sgt, %scan3A_52, %gt3A : i32
      %convert_element_type3A = arith.extui %gt3A_57 : i1 to i32
      %cond3A = arith.constant 0 : i32
      %cond3A_58 = arith.cmpi ne, %convert_element_type3A, %cond3A : i32
      scf.if %cond3A_58 {
        %dma_wait3A_205 = arith.constant 2 : i32
        %dma_wait3A_206 = arith.constant 0 : i32
        %dma_wait3A_207 = tpu.memref_slice %arg7[%dma_wait3A_205, %dma_wait3A_206] : memref<3x120xi32, #tpu.memory_space<vmem>> -> memref<1x120xi32, #tpu.memory_space<vmem>>
        %dma_wait3A_208 = tpu.memref_squeeze %dma_wait3A_207 : memref<1x120xi32, #tpu.memory_space<vmem>> -> memref<120xi32, #tpu.memory_space<vmem>>
        %dma_wait3A_209 = arith.constant 0 : i32
        %dma_wait3A_210 = arith.constant 0 : i32
        %dma_wait3A_211 = tpu.memref_slice %arg11[%dma_wait3A_209, %dma_wait3A_210] : memref<10240x128xf32, #tpu.memory_space<vmem_shared>> -> memref<10240x128xf32, #tpu.memory_space<vmem_shared>>
        tpu.wait_indirect_dma semaphore(%arg17 : memref<!tpu.dma_semaphore, #tpu.memory_space<semaphore_mem>>) src(%arg10 : memref<120x128xf32, #tpu.memory_space<vmem>>) dst(%dma_wait3A_211 : memref<10240x128xf32, #tpu.memory_space<vmem_shared>>)
      } else {
      }
      %add3A_59 = arith.constant 2 : i32
      %add3A_60 = arith.addi %add3A_56, %add3A_59 : i32
      %dma_start3A_61 = arith.constant 2 : i32
      %dma_start3A_62 = arith.constant 0 : i32
      %dma_start3A_63 = tpu.memref_slice %arg6[%dma_start3A_61, %dma_start3A_62] : memref<3x120xi32, #tpu.memory_space<vmem>> -> memref<1x120xi32, #tpu.memory_space<vmem>>
      %dma_start3A_64 = tpu.memref_squeeze %dma_start3A_63 : memref<1x120xi32, #tpu.memory_space<vmem>> -> memref<120xi32, #tpu.memory_space<vmem>>
      %dma_start3A_65 = arith.constant 0 : i32
      %dma_start3A_66 = tpu.memref_slice %arg3[%add3A, %add3A_60, %dma_start3A_65] : memref<32x84x120xi32, #tpu.memory_space<hbm>> -> memref<1x1x120xi32, #tpu.memory_space<hbm>>
      %dma_start3A_67 = tpu.memref_squeeze %dma_start3A_66 : memref<1x1x120xi32, #tpu.memory_space<hbm>> -> memref<120xi32, #tpu.memory_space<hbm>>
      %dma_start3A_68 = arith.constant 0 : i32
      %dma_start3A_69 = tpu.memref_slice %arg6[%dma_start3A_61, %dma_start3A_68] : memref<3x120xi32, #tpu.memory_space<vmem>> -> memref<1x120xi32, #tpu.memory_space<vmem>>
      %dma_start3A_70 = tpu.memref_squeeze %dma_start3A_69 : memref<1x120xi32, #tpu.memory_space<vmem>> -> memref<120xi32, #tpu.memory_space<vmem>>
      %dma_start3A_71 = arith.constant 0 : i32
      %dma_start3A_72 = tpu.memref_slice %arg3[%add3A, %add3A_60, %dma_start3A_71] : memref<32x84x120xi32, #tpu.memory_space<hbm>> -> memref<1x1x120xi32, #tpu.memory_space<hbm>>
      %dma_start3A_73 = tpu.memref_squeeze %dma_start3A_72 : memref<1x1x120xi32, #tpu.memory_space<hbm>> -> memref<120xi32, #tpu.memory_space<hbm>>
      tpu.enqueue_dma source(%dma_start3A_73 : memref<120xi32, #tpu.memory_space<hbm>>) target(%dma_start3A_70 : memref<120xi32, #tpu.memory_space<vmem>>) target_semaphore(%arg20 : memref<!tpu.dma_semaphore, #tpu.memory_space<semaphore_mem>>)
      %add3A_74 = arith.constant 2 : i32
      %add3A_75 = arith.addi %add3A_56, %add3A_74 : i32
      %dma_start3A_76 = arith.constant 2 : i32
      %dma_start3A_77 = arith.constant 0 : i32
      %dma_start3A_78 = tpu.memref_slice %arg7[%dma_start3A_76, %dma_start3A_77] : memref<3x120xi32, #tpu.memory_space<vmem>> -> memref<1x120xi32, #tpu.memory_space<vmem>>
      %dma_start3A_79 = tpu.memref_squeeze %dma_start3A_78 : memref<1x120xi32, #tpu.memory_space<vmem>> -> memref<120xi32, #tpu.memory_space<vmem>>
      %dma_start3A_80 = arith.constant 0 : i32
      %dma_start3A_81 = tpu.memref_slice %arg4[%add3A, %add3A_75, %dma_start3A_80] : memref<32x84x120xi32, #tpu.memory_space<hbm>> -> memref<1x1x120xi32, #tpu.memory_space<hbm>>
      %dma_start3A_82 = tpu.memref_squeeze %dma_start3A_81 : memref<1x1x120xi32, #tpu.memory_space<hbm>> -> memref<120xi32, #tpu.memory_space<hbm>>
      %dma_start3A_83 = arith.constant 0 : i32
      %dma_start3A_84 = tpu.memref_slice %arg7[%dma_start3A_76, %dma_start3A_83] : memref<3x120xi32, #tpu.memory_space<vmem>> -> memref<1x120xi32, #tpu.memory_space<vmem>>
      %dma_start3A_85 = tpu.memref_squeeze %dma_start3A_84 : memref<1x120xi32, #tpu.memory_space<vmem>> -> memref<120xi32, #tpu.memory_space<vmem>>
      %dma_start3A_86 = arith.constant 0 : i32
      %dma_start3A_87 = tpu.memref_slice %arg4[%add3A, %add3A_75, %dma_start3A_86] : memref<32x84x120xi32, #tpu.memory_space<hbm>> -> memref<1x1x120xi32, #tpu.memory_space<hbm>>
      %dma_start3A_88 = tpu.memref_squeeze %dma_start3A_87 : memref<1x1x120xi32, #tpu.memory_space<hbm>> -> memref<120xi32, #tpu.memory_space<hbm>>
      tpu.enqueue_dma source(%dma_start3A_88 : memref<120xi32, #tpu.memory_space<hbm>>) target(%dma_start3A_85 : memref<120xi32, #tpu.memory_space<vmem>>) target_semaphore(%arg20 : memref<!tpu.dma_semaphore, #tpu.memory_space<semaphore_mem>>)
      %dma_wait3A_89 = arith.constant 0 : i32
      %dma_wait3A_90 = arith.constant 0 : i32
      %dma_wait3A_91 = tpu.memref_slice %arg6[%dma_wait3A_89, %dma_wait3A_90] : memref<3x120xi32, #tpu.memory_space<vmem>> -> memref<1x120xi32, #tpu.memory_space<vmem>>
      %dma_wait3A_92 = tpu.memref_squeeze %dma_wait3A_91 : memref<1x120xi32, #tpu.memory_space<vmem>> -> memref<120xi32, #tpu.memory_space<vmem>>
      %dma_wait3A_93 = arith.constant 0 : i32
      %dma_wait3A_94 = arith.constant 0 : i32
      %dma_wait3A_95 = tpu.memref_slice %arg2[%dma_wait3A_93, %dma_wait3A_94] : memref<10240x128xf32, #tpu.memory_space<hbm>> -> memref<10240x128xf32, #tpu.memory_space<hbm>>
      tpu.wait_indirect_dma semaphore(%arg12 : memref<!tpu.dma_semaphore, #tpu.memory_space<semaphore_mem>>) src(%dma_wait3A_95 : memref<10240x128xf32, #tpu.memory_space<hbm>>) dst(%arg8 : memref<120x128xf32, #tpu.memory_space<vmem>>)
      %add3A_96 = arith.constant 2 : i32
      %add3A_97 = arith.addi %add3A_56, %add3A_96 : i32
      %dma_wait3A_98 = arith.constant 2 : i32
      %dma_wait3A_99 = arith.constant 0 : i32
      %dma_wait3A_100 = tpu.memref_slice %arg6[%dma_wait3A_98, %dma_wait3A_99] : memref<3x120xi32, #tpu.memory_space<vmem>> -> memref<1x120xi32, #tpu.memory_space<vmem>>
      %dma_wait3A_101 = tpu.memref_squeeze %dma_wait3A_100 : memref<1x120xi32, #tpu.memory_space<vmem>> -> memref<120xi32, #tpu.memory_space<vmem>>
      %dma_wait3A_102 = arith.constant 0 : i32
      %dma_wait3A_103 = tpu.memref_slice %arg3[%add3A, %add3A_97, %dma_wait3A_102] : memref<32x84x120xi32, #tpu.memory_space<hbm>> -> memref<1x1x120xi32, #tpu.memory_space<hbm>>
      %dma_wait3A_104 = tpu.memref_squeeze %dma_wait3A_103 : memref<1x1x120xi32, #tpu.memory_space<hbm>> -> memref<120xi32, #tpu.memory_space<hbm>>
      %dma_wait3A_105 = arith.constant 0 : i32
      %dma_wait3A_106 = tpu.memref_slice %arg6[%dma_wait3A_98, %dma_wait3A_105] : memref<3x120xi32, #tpu.memory_space<vmem>> -> memref<1x120xi32, #tpu.memory_space<vmem>>
      %dma_wait3A_107 = tpu.memref_squeeze %dma_wait3A_106 : memref<1x120xi32, #tpu.memory_space<vmem>> -> memref<120xi32, #tpu.memory_space<vmem>>
      %dma_wait3A_108 = arith.constant 0 : i32
      %dma_wait3A_109 = tpu.memref_slice %arg3[%add3A, %add3A_97, %dma_wait3A_108] : memref<32x84x120xi32, #tpu.memory_space<hbm>> -> memref<1x1x120xi32, #tpu.memory_space<hbm>>
      %dma_wait3A_110 = tpu.memref_squeeze %dma_wait3A_109 : memref<1x1x120xi32, #tpu.memory_space<hbm>> -> memref<120xi32, #tpu.memory_space<hbm>>
      tpu.wait_dma2 semaphore(%arg20 : memref<!tpu.dma_semaphore, #tpu.memory_space<semaphore_mem>>) src(%dma_wait3A_110 : memref<120xi32, #tpu.memory_space<hbm>>) dst(%dma_wait3A_107 : memref<120xi32, #tpu.memory_space<vmem>>)
      %add3A_111 = arith.constant 2 : i32
      %add3A_112 = arith.addi %add3A_56, %add3A_111 : i32
      %dma_wait3A_113 = arith.constant 2 : i32
      %dma_wait3A_114 = arith.constant 0 : i32
      %dma_wait3A_115 = tpu.memref_slice %arg7[%dma_wait3A_113, %dma_wait3A_114] : memref<3x120xi32, #tpu.memory_space<vmem>> -> memref<1x120xi32, #tpu.memory_space<vmem>>
      %dma_wait3A_116 = tpu.memref_squeeze %dma_wait3A_115 : memref<1x120xi32, #tpu.memory_space<vmem>> -> memref<120xi32, #tpu.memory_space<vmem>>
      %dma_wait3A_117 = arith.constant 0 : i32
      %dma_wait3A_118 = tpu.memref_slice %arg4[%add3A, %add3A_112, %dma_wait3A_117] : memref<32x84x120xi32, #tpu.memory_space<hbm>> -> memref<1x1x120xi32, #tpu.memory_space<hbm>>
      %dma_wait3A_119 = tpu.memref_squeeze %dma_wait3A_118 : memref<1x1x120xi32, #tpu.memory_space<hbm>> -> memref<120xi32, #tpu.memory_space<hbm>>
      %dma_wait3A_120 = arith.constant 0 : i32
      %dma_wait3A_121 = tpu.memref_slice %arg7[%dma_wait3A_113, %dma_wait3A_120] : memref<3x120xi32, #tpu.memory_space<vmem>> -> memref<1x120xi32, #tpu.memory_space<vmem>>
      %dma_wait3A_122 = tpu.memref_squeeze %dma_wait3A_121 : memref<1x120xi32, #tpu.memory_space<vmem>> -> memref<120xi32, #tpu.memory_space<vmem>>
      %dma_wait3A_123 = arith.constant 0 : i32
      %dma_wait3A_124 = tpu.memref_slice %arg4[%add3A, %add3A_112, %dma_wait3A_123] : memref<32x84x120xi32, #tpu.memory_space<hbm>> -> memref<1x1x120xi32, #tpu.memory_space<hbm>>
      %dma_wait3A_125 = tpu.memref_squeeze %dma_wait3A_124 : memref<1x1x120xi32, #tpu.memory_space<hbm>> -> memref<120xi32, #tpu.memory_space<hbm>>
      tpu.wait_dma2 semaphore(%arg20 : memref<!tpu.dma_semaphore, #tpu.memory_space<semaphore_mem>>) src(%dma_wait3A_125 : memref<120xi32, #tpu.memory_space<hbm>>) dst(%dma_wait3A_122 : memref<120xi32, #tpu.memory_space<vmem>>)
      %dma_start3A_126 = arith.constant 2 : i32
      %dma_start3A_127 = arith.constant 0 : i32
      %dma_start3A_128 = tpu.memref_slice %arg6[%dma_start3A_126, %dma_start3A_127] : memref<3x120xi32, #tpu.memory_space<vmem>> -> memref<1x120xi32, #tpu.memory_space<vmem>>
      %dma_start3A_129 = tpu.memref_squeeze %dma_start3A_128 : memref<1x120xi32, #tpu.memory_space<vmem>> -> memref<120xi32, #tpu.memory_space<vmem>>
      %dma_start3A_130 = arith.constant 0 : i32
      %dma_start3A_131 = arith.constant 0 : i32
      %dma_start3A_132 = tpu.memref_slice %arg2[%dma_start3A_130, %dma_start3A_131] : memref<10240x128xf32, #tpu.memory_space<hbm>> -> memref<10240x128xf32, #tpu.memory_space<hbm>>
      tpu.enqueue_indirect_dma source(%dma_start3A_132 : memref<10240x128xf32, #tpu.memory_space<hbm>>) target(%arg10 : memref<120x128xf32, #tpu.memory_space<vmem>>) offsets(%dma_start3A_129 : memref<120xi32, #tpu.memory_space<vmem>>) semaphore(%arg14 : memref<!tpu.dma_semaphore, #tpu.memory_space<semaphore_mem>>)
      %dma_start3A_133 = arith.constant 0 : i32
      %dma_start3A_134 = arith.constant 0 : i32
      %dma_start3A_135 = tpu.memref_slice %arg7[%dma_start3A_133, %dma_start3A_134] : memref<3x120xi32, #tpu.memory_space<vmem>> -> memref<1x120xi32, #tpu.memory_space<vmem>>
      %dma_start3A_136 = tpu.memref_squeeze %dma_start3A_135 : memref<1x120xi32, #tpu.memory_space<vmem>> -> memref<120xi32, #tpu.memory_space<vmem>>
      %dma_start3A_137 = arith.constant 0 : i32
      %dma_start3A_138 = arith.constant 0 : i32
      %dma_start3A_139 = tpu.memref_slice %arg11[%dma_start3A_137, %dma_start3A_138] : memref<10240x128xf32, #tpu.memory_space<vmem_shared>> -> memref<10240x128xf32, #tpu.memory_space<vmem_shared>>
      tpu.enqueue_indirect_dma source(%arg8 : memref<120x128xf32, #tpu.memory_space<vmem>>) target(%dma_start3A_139 : memref<10240x128xf32, #tpu.memory_space<vmem_shared>>) offsets(%dma_start3A_136 : memref<120xi32, #tpu.memory_space<vmem>>) semaphore(%arg15 : memref<!tpu.dma_semaphore, #tpu.memory_space<semaphore_mem>>) {add = true}
      %mul3A_140 = arith.constant 3 : i32
      %mul3A_141 = arith.muli %mul3A_140, %scan3A_52 : i32
      %add3A_142 = arith.constant 1 : i32
      %add3A_143 = arith.addi %mul3A_141, %add3A_142 : i32
      %lt3A = arith.constant 27 : i32
      %lt3A_144 = arith.cmpi slt, %scan3A_52, %lt3A : i32
      %dma_wait3A_145 = arith.constant 0 : i32
      %dma_wait3A_146 = arith.constant 0 : i32
      %dma_wait3A_147 = tpu.memref_slice %arg7[%dma_wait3A_145, %dma_wait3A_146] : memref<3x120xi32, #tpu.memory_space<vmem>> -> memref<1x120xi32, #tpu.memory_space<vmem>>
      %dma_wait3A_148 = tpu.memref_squeeze %dma_wait3A_147 : memref<1x120xi32, #tpu.memory_space<vmem>> -> memref<120xi32, #tpu.memory_space<vmem>>
      %dma_wait3A_149 = arith.constant 0 : i32
      %dma_wait3A_150 = arith.constant 0 : i32
      %dma_wait3A_151 = tpu.memref_slice %arg11[%dma_wait3A_149, %dma_wait3A_150] : memref<10240x128xf32, #tpu.memory_space<vmem_shared>> -> memref<10240x128xf32, #tpu.memory_space<vmem_shared>>
      tpu.wait_indirect_dma semaphore(%arg15 : memref<!tpu.dma_semaphore, #tpu.memory_space<semaphore_mem>>) src(%arg8 : memref<120x128xf32, #tpu.memory_space<vmem>>) dst(%dma_wait3A_151 : memref<10240x128xf32, #tpu.memory_space<vmem_shared>>)
      %convert_element_type3A_152 = arith.extui %lt3A_144 : i1 to i32
      %cond3A_153 = arith.constant 0 : i32
      %cond3A_154 = arith.cmpi ne, %convert_element_type3A_152, %cond3A_153 : i32
      scf.if %cond3A_154 {
        %add3A_205 = arith.constant 2 : i32
        %add3A_206 = arith.addi %add3A_143, %add3A_205 : i32
        %dma_start3A_207 = arith.constant 0 : i32
        %dma_start3A_208 = arith.constant 0 : i32
        %dma_start3A_209 = tpu.memref_slice %arg6[%dma_start3A_207, %dma_start3A_208] : memref<3x120xi32, #tpu.memory_space<vmem>> -> memref<1x120xi32, #tpu.memory_space<vmem>>
        %dma_start3A_210 = tpu.memref_squeeze %dma_start3A_209 : memref<1x120xi32, #tpu.memory_space<vmem>> -> memref<120xi32, #tpu.memory_space<vmem>>
        %dma_start3A_211 = arith.constant 0 : i32
        %dma_start3A_212 = tpu.memref_slice %arg3[%add3A, %add3A_206, %dma_start3A_211] : memref<32x84x120xi32, #tpu.memory_space<hbm>> -> memref<1x1x120xi32, #tpu.memory_space<hbm>>
        %dma_start3A_213 = tpu.memref_squeeze %dma_start3A_212 : memref<1x1x120xi32, #tpu.memory_space<hbm>> -> memref<120xi32, #tpu.memory_space<hbm>>
        %dma_start3A_214 = arith.constant 0 : i32
        %dma_start3A_215 = tpu.memref_slice %arg6[%dma_start3A_207, %dma_start3A_214] : memref<3x120xi32, #tpu.memory_space<vmem>> -> memref<1x120xi32, #tpu.memory_space<vmem>>
        %dma_start3A_216 = tpu.memref_squeeze %dma_start3A_215 : memref<1x120xi32, #tpu.memory_space<vmem>> -> memref<120xi32, #tpu.memory_space<vmem>>
        %dma_start3A_217 = arith.constant 0 : i32
        %dma_start3A_218 = tpu.memref_slice %arg3[%add3A, %add3A_206, %dma_start3A_217] : memref<32x84x120xi32, #tpu.memory_space<hbm>> -> memref<1x1x120xi32, #tpu.memory_space<hbm>>
        %dma_start3A_219 = tpu.memref_squeeze %dma_start3A_218 : memref<1x1x120xi32, #tpu.memory_space<hbm>> -> memref<120xi32, #tpu.memory_space<hbm>>
        tpu.enqueue_dma source(%dma_start3A_219 : memref<120xi32, #tpu.memory_space<hbm>>) target(%dma_start3A_216 : memref<120xi32, #tpu.memory_space<vmem>>) target_semaphore(%arg18 : memref<!tpu.dma_semaphore, #tpu.memory_space<semaphore_mem>>)
        %add3A_220 = arith.constant 2 : i32
        %add3A_221 = arith.addi %add3A_143, %add3A_220 : i32
        %dma_start3A_222 = arith.constant 0 : i32
        %dma_start3A_223 = arith.constant 0 : i32
        %dma_start3A_224 = tpu.memref_slice %arg7[%dma_start3A_222, %dma_start3A_223] : memref<3x120xi32, #tpu.memory_space<vmem>> -> memref<1x120xi32, #tpu.memory_space<vmem>>
        %dma_start3A_225 = tpu.memref_squeeze %dma_start3A_224 : memref<1x120xi32, #tpu.memory_space<vmem>> -> memref<120xi32, #tpu.memory_space<vmem>>
        %dma_start3A_226 = arith.constant 0 : i32
        %dma_start3A_227 = tpu.memref_slice %arg4[%add3A, %add3A_221, %dma_start3A_226] : memref<32x84x120xi32, #tpu.memory_space<hbm>> -> memref<1x1x120xi32, #tpu.memory_space<hbm>>
        %dma_start3A_228 = tpu.memref_squeeze %dma_start3A_227 : memref<1x1x120xi32, #tpu.memory_space<hbm>> -> memref<120xi32, #tpu.memory_space<hbm>>
        %dma_start3A_229 = arith.constant 0 : i32
        %dma_start3A_230 = tpu.memref_slice %arg7[%dma_start3A_222, %dma_start3A_229] : memref<3x120xi32, #tpu.memory_space<vmem>> -> memref<1x120xi32, #tpu.memory_space<vmem>>
        %dma_start3A_231 = tpu.memref_squeeze %dma_start3A_230 : memref<1x120xi32, #tpu.memory_space<vmem>> -> memref<120xi32, #tpu.memory_space<vmem>>
        %dma_start3A_232 = arith.constant 0 : i32
        %dma_start3A_233 = tpu.memref_slice %arg4[%add3A, %add3A_221, %dma_start3A_232] : memref<32x84x120xi32, #tpu.memory_space<hbm>> -> memref<1x1x120xi32, #tpu.memory_space<hbm>>
        %dma_start3A_234 = tpu.memref_squeeze %dma_start3A_233 : memref<1x1x120xi32, #tpu.memory_space<hbm>> -> memref<120xi32, #tpu.memory_space<hbm>>
        tpu.enqueue_dma source(%dma_start3A_234 : memref<120xi32, #tpu.memory_space<hbm>>) target(%dma_start3A_231 : memref<120xi32, #tpu.memory_space<vmem>>) target_semaphore(%arg18 : memref<!tpu.dma_semaphore, #tpu.memory_space<semaphore_mem>>)
      } else {
      }
      %dma_wait3A_155 = arith.constant 1 : i32
      %dma_wait3A_156 = arith.constant 0 : i32
      %dma_wait3A_157 = tpu.memref_slice %arg6[%dma_wait3A_155, %dma_wait3A_156] : memref<3x120xi32, #tpu.memory_space<vmem>> -> memref<1x120xi32, #tpu.memory_space<vmem>>
      %dma_wait3A_158 = tpu.memref_squeeze %dma_wait3A_157 : memref<1x120xi32, #tpu.memory_space<vmem>> -> memref<120xi32, #tpu.memory_space<vmem>>
      %dma_wait3A_159 = arith.constant 0 : i32
      %dma_wait3A_160 = arith.constant 0 : i32
      %dma_wait3A_161 = tpu.memref_slice %arg2[%dma_wait3A_159, %dma_wait3A_160] : memref<10240x128xf32, #tpu.memory_space<hbm>> -> memref<10240x128xf32, #tpu.memory_space<hbm>>
      tpu.wait_indirect_dma semaphore(%arg13 : memref<!tpu.dma_semaphore, #tpu.memory_space<semaphore_mem>>) src(%dma_wait3A_161 : memref<10240x128xf32, #tpu.memory_space<hbm>>) dst(%arg9 : memref<120x128xf32, #tpu.memory_space<vmem>>)
      %convert_element_type3A_162 = arith.extui %lt3A_144 : i1 to i32
      %cond3A_163 = arith.constant 0 : i32
      %cond3A_164 = arith.cmpi ne, %convert_element_type3A_162, %cond3A_163 : i32
      scf.if %cond3A_164 {
        %add3A_205 = arith.constant 2 : i32
        %add3A_206 = arith.addi %add3A_143, %add3A_205 : i32
        %dma_wait3A_207 = arith.constant 0 : i32
        %dma_wait3A_208 = arith.constant 0 : i32
        %dma_wait3A_209 = tpu.memref_slice %arg6[%dma_wait3A_207, %dma_wait3A_208] : memref<3x120xi32, #tpu.memory_space<vmem>> -> memref<1x120xi32, #tpu.memory_space<vmem>>
        %dma_wait3A_210 = tpu.memref_squeeze %dma_wait3A_209 : memref<1x120xi32, #tpu.memory_space<vmem>> -> memref<120xi32, #tpu.memory_space<vmem>>
        %dma_wait3A_211 = arith.constant 0 : i32
        %dma_wait3A_212 = tpu.memref_slice %arg3[%add3A, %add3A_206, %dma_wait3A_211] : memref<32x84x120xi32, #tpu.memory_space<hbm>> -> memref<1x1x120xi32, #tpu.memory_space<hbm>>
        %dma_wait3A_213 = tpu.memref_squeeze %dma_wait3A_212 : memref<1x1x120xi32, #tpu.memory_space<hbm>> -> memref<120xi32, #tpu.memory_space<hbm>>
        %dma_wait3A_214 = arith.constant 0 : i32
        %dma_wait3A_215 = tpu.memref_slice %arg6[%dma_wait3A_207, %dma_wait3A_214] : memref<3x120xi32, #tpu.memory_space<vmem>> -> memref<1x120xi32, #tpu.memory_space<vmem>>
        %dma_wait3A_216 = tpu.memref_squeeze %dma_wait3A_215 : memref<1x120xi32, #tpu.memory_space<vmem>> -> memref<120xi32, #tpu.memory_space<vmem>>
        %dma_wait3A_217 = arith.constant 0 : i32
        %dma_wait3A_218 = tpu.memref_slice %arg3[%add3A, %add3A_206, %dma_wait3A_217] : memref<32x84x120xi32, #tpu.memory_space<hbm>> -> memref<1x1x120xi32, #tpu.memory_space<hbm>>
        %dma_wait3A_219 = tpu.memref_squeeze %dma_wait3A_218 : memref<1x1x120xi32, #tpu.memory_space<hbm>> -> memref<120xi32, #tpu.memory_space<hbm>>
        tpu.wait_dma2 semaphore(%arg18 : memref<!tpu.dma_semaphore, #tpu.memory_space<semaphore_mem>>) src(%dma_wait3A_219 : memref<120xi32, #tpu.memory_space<hbm>>) dst(%dma_wait3A_216 : memref<120xi32, #tpu.memory_space<vmem>>)
        %add3A_220 = arith.constant 2 : i32
        %add3A_221 = arith.addi %add3A_143, %add3A_220 : i32
        %dma_wait3A_222 = arith.constant 0 : i32
        %dma_wait3A_223 = arith.constant 0 : i32
        %dma_wait3A_224 = tpu.memref_slice %arg7[%dma_wait3A_222, %dma_wait3A_223] : memref<3x120xi32, #tpu.memory_space<vmem>> -> memref<1x120xi32, #tpu.memory_space<vmem>>
        %dma_wait3A_225 = tpu.memref_squeeze %dma_wait3A_224 : memref<1x120xi32, #tpu.memory_space<vmem>> -> memref<120xi32, #tpu.memory_space<vmem>>
        %dma_wait3A_226 = arith.constant 0 : i32
        %dma_wait3A_227 = tpu.memref_slice %arg4[%add3A, %add3A_221, %dma_wait3A_226] : memref<32x84x120xi32, #tpu.memory_space<hbm>> -> memref<1x1x120xi32, #tpu.memory_space<hbm>>
        %dma_wait3A_228 = tpu.memref_squeeze %dma_wait3A_227 : memref<1x1x120xi32, #tpu.memory_space<hbm>> -> memref<120xi32, #tpu.memory_space<hbm>>
        %dma_wait3A_229 = arith.constant 0 : i32
        %dma_wait3A_230 = tpu.memref_slice %arg7[%dma_wait3A_222, %dma_wait3A_229] : memref<3x120xi32, #tpu.memory_space<vmem>> -> memref<1x120xi32, #tpu.memory_space<vmem>>
        %dma_wait3A_231 = tpu.memref_squeeze %dma_wait3A_230 : memref<1x120xi32, #tpu.memory_space<vmem>> -> memref<120xi32, #tpu.memory_space<vmem>>
        %dma_wait3A_232 = arith.constant 0 : i32
        %dma_wait3A_233 = tpu.memref_slice %arg4[%add3A, %add3A_221, %dma_wait3A_232] : memref<32x84x120xi32, #tpu.memory_space<hbm>> -> memref<1x1x120xi32, #tpu.memory_space<hbm>>
        %dma_wait3A_234 = tpu.memref_squeeze %dma_wait3A_233 : memref<1x1x120xi32, #tpu.memory_space<hbm>> -> memref<120xi32, #tpu.memory_space<hbm>>
        tpu.wait_dma2 semaphore(%arg18 : memref<!tpu.dma_semaphore, #tpu.memory_space<semaphore_mem>>) src(%dma_wait3A_234 : memref<120xi32, #tpu.memory_space<hbm>>) dst(%dma_wait3A_231 : memref<120xi32, #tpu.memory_space<vmem>>)
        %dma_start3A_235 = arith.constant 0 : i32
        %dma_start3A_236 = arith.constant 0 : i32
        %dma_start3A_237 = tpu.memref_slice %arg6[%dma_start3A_235, %dma_start3A_236] : memref<3x120xi32, #tpu.memory_space<vmem>> -> memref<1x120xi32, #tpu.memory_space<vmem>>
        %dma_start3A_238 = tpu.memref_squeeze %dma_start3A_237 : memref<1x120xi32, #tpu.memory_space<vmem>> -> memref<120xi32, #tpu.memory_space<vmem>>
        %dma_start3A_239 = arith.constant 0 : i32
        %dma_start3A_240 = arith.constant 0 : i32
        %dma_start3A_241 = tpu.memref_slice %arg2[%dma_start3A_239, %dma_start3A_240] : memref<10240x128xf32, #tpu.memory_space<hbm>> -> memref<10240x128xf32, #tpu.memory_space<hbm>>
        tpu.enqueue_indirect_dma source(%dma_start3A_241 : memref<10240x128xf32, #tpu.memory_space<hbm>>) target(%arg8 : memref<120x128xf32, #tpu.memory_space<vmem>>) offsets(%dma_start3A_238 : memref<120xi32, #tpu.memory_space<vmem>>) semaphore(%arg12 : memref<!tpu.dma_semaphore, #tpu.memory_space<semaphore_mem>>)
      } else {
      }
      %dma_start3A_165 = arith.constant 1 : i32
      %dma_start3A_166 = arith.constant 0 : i32
      %dma_start3A_167 = tpu.memref_slice %arg7[%dma_start3A_165, %dma_start3A_166] : memref<3x120xi32, #tpu.memory_space<vmem>> -> memref<1x120xi32, #tpu.memory_space<vmem>>
      %dma_start3A_168 = tpu.memref_squeeze %dma_start3A_167 : memref<1x120xi32, #tpu.memory_space<vmem>> -> memref<120xi32, #tpu.memory_space<vmem>>
      %dma_start3A_169 = arith.constant 0 : i32
      %dma_start3A_170 = arith.constant 0 : i32
      %dma_start3A_171 = tpu.memref_slice %arg11[%dma_start3A_169, %dma_start3A_170] : memref<10240x128xf32, #tpu.memory_space<vmem_shared>> -> memref<10240x128xf32, #tpu.memory_space<vmem_shared>>
      tpu.enqueue_indirect_dma source(%arg9 : memref<120x128xf32, #tpu.memory_space<vmem>>) target(%dma_start3A_171 : memref<10240x128xf32, #tpu.memory_space<vmem_shared>>) offsets(%dma_start3A_168 : memref<120xi32, #tpu.memory_space<vmem>>) semaphore(%arg16 : memref<!tpu.dma_semaphore, #tpu.memory_space<semaphore_mem>>) {add = true}
      %mul3A_172 = arith.constant 3 : i32
      %mul3A_173 = arith.muli %mul3A_172, %scan3A_52 : i32
      %add3A_174 = arith.constant 2 : i32
      %add3A_175 = arith.addi %mul3A_173, %add3A_174 : i32
      %lt3A_176 = arith.constant 27 : i32
      %lt3A_177 = arith.cmpi slt, %scan3A_52, %lt3A_176 : i32
      %dma_wait3A_178 = arith.constant 1 : i32
      %dma_wait3A_179 = arith.constant 0 : i32
      %dma_wait3A_180 = tpu.memref_slice %arg7[%dma_wait3A_178, %dma_wait3A_179] : memref<3x120xi32, #tpu.memory_space<vmem>> -> memref<1x120xi32, #tpu.memory_space<vmem>>
      %dma_wait3A_181 = tpu.memref_squeeze %dma_wait3A_180 : memref<1x120xi32, #tpu.memory_space<vmem>> -> memref<120xi32, #tpu.memory_space<vmem>>
      %dma_wait3A_182 = arith.constant 0 : i32
      %dma_wait3A_183 = arith.constant 0 : i32
      %dma_wait3A_184 = tpu.memref_slice %arg11[%dma_wait3A_182, %dma_wait3A_183] : memref<10240x128xf32, #tpu.memory_space<vmem_shared>> -> memref<10240x128xf32, #tpu.memory_space<vmem_shared>>
      tpu.wait_indirect_dma semaphore(%arg16 : memref<!tpu.dma_semaphore, #tpu.memory_space<semaphore_mem>>) src(%arg9 : memref<120x128xf32, #tpu.memory_space<vmem>>) dst(%dma_wait3A_184 : memref<10240x128xf32, #tpu.memory_space<vmem_shared>>)
      %convert_element_type3A_185 = arith.extui %lt3A_177 : i1 to i32
      %cond3A_186 = arith.constant 0 : i32
      %cond3A_187 = arith.cmpi ne, %convert_element_type3A_185, %cond3A_186 : i32
      scf.if %cond3A_187 {
        %add3A_205 = arith.constant 2 : i32
        %add3A_206 = arith.addi %add3A_175, %add3A_205 : i32
        %dma_start3A_207 = arith.constant 1 : i32
        %dma_start3A_208 = arith.constant 0 : i32
        %dma_start3A_209 = tpu.memref_slice %arg6[%dma_start3A_207, %dma_start3A_208] : memref<3x120xi32, #tpu.memory_space<vmem>> -> memref<1x120xi32, #tpu.memory_space<vmem>>
        %dma_start3A_210 = tpu.memref_squeeze %dma_start3A_209 : memref<1x120xi32, #tpu.memory_space<vmem>> -> memref<120xi32, #tpu.memory_space<vmem>>
        %dma_start3A_211 = arith.constant 0 : i32
        %dma_start3A_212 = tpu.memref_slice %arg3[%add3A, %add3A_206, %dma_start3A_211] : memref<32x84x120xi32, #tpu.memory_space<hbm>> -> memref<1x1x120xi32, #tpu.memory_space<hbm>>
        %dma_start3A_213 = tpu.memref_squeeze %dma_start3A_212 : memref<1x1x120xi32, #tpu.memory_space<hbm>> -> memref<120xi32, #tpu.memory_space<hbm>>
        %dma_start3A_214 = arith.constant 0 : i32
        %dma_start3A_215 = tpu.memref_slice %arg6[%dma_start3A_207, %dma_start3A_214] : memref<3x120xi32, #tpu.memory_space<vmem>> -> memref<1x120xi32, #tpu.memory_space<vmem>>
        %dma_start3A_216 = tpu.memref_squeeze %dma_start3A_215 : memref<1x120xi32, #tpu.memory_space<vmem>> -> memref<120xi32, #tpu.memory_space<vmem>>
        %dma_start3A_217 = arith.constant 0 : i32
        %dma_start3A_218 = tpu.memref_slice %arg3[%add3A, %add3A_206, %dma_start3A_217] : memref<32x84x120xi32, #tpu.memory_space<hbm>> -> memref<1x1x120xi32, #tpu.memory_space<hbm>>
        %dma_start3A_219 = tpu.memref_squeeze %dma_start3A_218 : memref<1x1x120xi32, #tpu.memory_space<hbm>> -> memref<120xi32, #tpu.memory_space<hbm>>
        tpu.enqueue_dma source(%dma_start3A_219 : memref<120xi32, #tpu.memory_space<hbm>>) target(%dma_start3A_216 : memref<120xi32, #tpu.memory_space<vmem>>) target_semaphore(%arg19 : memref<!tpu.dma_semaphore, #tpu.memory_space<semaphore_mem>>)
        %add3A_220 = arith.constant 2 : i32
        %add3A_221 = arith.addi %add3A_175, %add3A_220 : i32
        %dma_start3A_222 = arith.constant 1 : i32
        %dma_start3A_223 = arith.constant 0 : i32
        %dma_start3A_224 = tpu.memref_slice %arg7[%dma_start3A_222, %dma_start3A_223] : memref<3x120xi32, #tpu.memory_space<vmem>> -> memref<1x120xi32, #tpu.memory_space<vmem>>
        %dma_start3A_225 = tpu.memref_squeeze %dma_start3A_224 : memref<1x120xi32, #tpu.memory_space<vmem>> -> memref<120xi32, #tpu.memory_space<vmem>>
        %dma_start3A_226 = arith.constant 0 : i32
        %dma_start3A_227 = tpu.memref_slice %arg4[%add3A, %add3A_221, %dma_start3A_226] : memref<32x84x120xi32, #tpu.memory_space<hbm>> -> memref<1x1x120xi32, #tpu.memory_space<hbm>>
        %dma_start3A_228 = tpu.memref_squeeze %dma_start3A_227 : memref<1x1x120xi32, #tpu.memory_space<hbm>> -> memref<120xi32, #tpu.memory_space<hbm>>
        %dma_start3A_229 = arith.constant 0 : i32
        %dma_start3A_230 = tpu.memref_slice %arg7[%dma_start3A_222, %dma_start3A_229] : memref<3x120xi32, #tpu.memory_space<vmem>> -> memref<1x120xi32, #tpu.memory_space<vmem>>
        %dma_start3A_231 = tpu.memref_squeeze %dma_start3A_230 : memref<1x120xi32, #tpu.memory_space<vmem>> -> memref<120xi32, #tpu.memory_space<vmem>>
        %dma_start3A_232 = arith.constant 0 : i32
        %dma_start3A_233 = tpu.memref_slice %arg4[%add3A, %add3A_221, %dma_start3A_232] : memref<32x84x120xi32, #tpu.memory_space<hbm>> -> memref<1x1x120xi32, #tpu.memory_space<hbm>>
        %dma_start3A_234 = tpu.memref_squeeze %dma_start3A_233 : memref<1x1x120xi32, #tpu.memory_space<hbm>> -> memref<120xi32, #tpu.memory_space<hbm>>
        tpu.enqueue_dma source(%dma_start3A_234 : memref<120xi32, #tpu.memory_space<hbm>>) target(%dma_start3A_231 : memref<120xi32, #tpu.memory_space<vmem>>) target_semaphore(%arg19 : memref<!tpu.dma_semaphore, #tpu.memory_space<semaphore_mem>>)
      } else {
      }
      %dma_wait3A_188 = arith.constant 2 : i32
      %dma_wait3A_189 = arith.constant 0 : i32
      %dma_wait3A_190 = tpu.memref_slice %arg6[%dma_wait3A_188, %dma_wait3A_189] : memref<3x120xi32, #tpu.memory_space<vmem>> -> memref<1x120xi32, #tpu.memory_space<vmem>>
      %dma_wait3A_191 = tpu.memref_squeeze %dma_wait3A_190 : memref<1x120xi32, #tpu.memory_space<vmem>> -> memref<120xi32, #tpu.memory_space<vmem>>
      %dma_wait3A_192 = arith.constant 0 : i32
      %dma_wait3A_193 = arith.constant 0 : i32
      %dma_wait3A_194 = tpu.memref_slice %arg2[%dma_wait3A_192, %dma_wait3A_193] : memref<10240x128xf32, #tpu.memory_space<hbm>> -> memref<10240x128xf32, #tpu.memory_space<hbm>>
      tpu.wait_indirect_dma semaphore(%arg14 : memref<!tpu.dma_semaphore, #tpu.memory_space<semaphore_mem>>) src(%dma_wait3A_194 : memref<10240x128xf32, #tpu.memory_space<hbm>>) dst(%arg10 : memref<120x128xf32, #tpu.memory_space<vmem>>)
      %convert_element_type3A_195 = arith.extui %lt3A_177 : i1 to i32
      %cond3A_196 = arith.constant 0 : i32
      %cond3A_197 = arith.cmpi ne, %convert_element_type3A_195, %cond3A_196 : i32
      scf.if %cond3A_197 {
        %add3A_205 = arith.constant 2 : i32
        %add3A_206 = arith.addi %add3A_175, %add3A_205 : i32
        %dma_wait3A_207 = arith.constant 1 : i32
        %dma_wait3A_208 = arith.constant 0 : i32
        %dma_wait3A_209 = tpu.memref_slice %arg6[%dma_wait3A_207, %dma_wait3A_208] : memref<3x120xi32, #tpu.memory_space<vmem>> -> memref<1x120xi32, #tpu.memory_space<vmem>>
        %dma_wait3A_210 = tpu.memref_squeeze %dma_wait3A_209 : memref<1x120xi32, #tpu.memory_space<vmem>> -> memref<120xi32, #tpu.memory_space<vmem>>
        %dma_wait3A_211 = arith.constant 0 : i32
        %dma_wait3A_212 = tpu.memref_slice %arg3[%add3A, %add3A_206, %dma_wait3A_211] : memref<32x84x120xi32, #tpu.memory_space<hbm>> -> memref<1x1x120xi32, #tpu.memory_space<hbm>>
        %dma_wait3A_213 = tpu.memref_squeeze %dma_wait3A_212 : memref<1x1x120xi32, #tpu.memory_space<hbm>> -> memref<120xi32, #tpu.memory_space<hbm>>
        %dma_wait3A_214 = arith.constant 0 : i32
        %dma_wait3A_215 = tpu.memref_slice %arg6[%dma_wait3A_207, %dma_wait3A_214] : memref<3x120xi32, #tpu.memory_space<vmem>> -> memref<1x120xi32, #tpu.memory_space<vmem>>
        %dma_wait3A_216 = tpu.memref_squeeze %dma_wait3A_215 : memref<1x120xi32, #tpu.memory_space<vmem>> -> memref<120xi32, #tpu.memory_space<vmem>>
        %dma_wait3A_217 = arith.constant 0 : i32
        %dma_wait3A_218 = tpu.memref_slice %arg3[%add3A, %add3A_206, %dma_wait3A_217] : memref<32x84x120xi32, #tpu.memory_space<hbm>> -> memref<1x1x120xi32, #tpu.memory_space<hbm>>
        %dma_wait3A_219 = tpu.memref_squeeze %dma_wait3A_218 : memref<1x1x120xi32, #tpu.memory_space<hbm>> -> memref<120xi32, #tpu.memory_space<hbm>>
        tpu.wait_dma2 semaphore(%arg19 : memref<!tpu.dma_semaphore, #tpu.memory_space<semaphore_mem>>) src(%dma_wait3A_219 : memref<120xi32, #tpu.memory_space<hbm>>) dst(%dma_wait3A_216 : memref<120xi32, #tpu.memory_space<vmem>>)
        %add3A_220 = arith.constant 2 : i32
        %add3A_221 = arith.addi %add3A_175, %add3A_220 : i32
        %dma_wait3A_222 = arith.constant 1 : i32
        %dma_wait3A_223 = arith.constant 0 : i32
        %dma_wait3A_224 = tpu.memref_slice %arg7[%dma_wait3A_222, %dma_wait3A_223] : memref<3x120xi32, #tpu.memory_space<vmem>> -> memref<1x120xi32, #tpu.memory_space<vmem>>
        %dma_wait3A_225 = tpu.memref_squeeze %dma_wait3A_224 : memref<1x120xi32, #tpu.memory_space<vmem>> -> memref<120xi32, #tpu.memory_space<vmem>>
        %dma_wait3A_226 = arith.constant 0 : i32
        %dma_wait3A_227 = tpu.memref_slice %arg4[%add3A, %add3A_221, %dma_wait3A_226] : memref<32x84x120xi32, #tpu.memory_space<hbm>> -> memref<1x1x120xi32, #tpu.memory_space<hbm>>
        %dma_wait3A_228 = tpu.memref_squeeze %dma_wait3A_227 : memref<1x1x120xi32, #tpu.memory_space<hbm>> -> memref<120xi32, #tpu.memory_space<hbm>>
        %dma_wait3A_229 = arith.constant 0 : i32
        %dma_wait3A_230 = tpu.memref_slice %arg7[%dma_wait3A_222, %dma_wait3A_229] : memref<3x120xi32, #tpu.memory_space<vmem>> -> memref<1x120xi32, #tpu.memory_space<vmem>>
        %dma_wait3A_231 = tpu.memref_squeeze %dma_wait3A_230 : memref<1x120xi32, #tpu.memory_space<vmem>> -> memref<120xi32, #tpu.memory_space<vmem>>
        %dma_wait3A_232 = arith.constant 0 : i32
        %dma_wait3A_233 = tpu.memref_slice %arg4[%add3A, %add3A_221, %dma_wait3A_232] : memref<32x84x120xi32, #tpu.memory_space<hbm>> -> memref<1x1x120xi32, #tpu.memory_space<hbm>>
        %dma_wait3A_234 = tpu.memref_squeeze %dma_wait3A_233 : memref<1x1x120xi32, #tpu.memory_space<hbm>> -> memref<120xi32, #tpu.memory_space<hbm>>
        tpu.wait_dma2 semaphore(%arg19 : memref<!tpu.dma_semaphore, #tpu.memory_space<semaphore_mem>>) src(%dma_wait3A_234 : memref<120xi32, #tpu.memory_space<hbm>>) dst(%dma_wait3A_231 : memref<120xi32, #tpu.memory_space<vmem>>)
        %dma_start3A_235 = arith.constant 1 : i32
        %dma_start3A_236 = arith.constant 0 : i32
        %dma_start3A_237 = tpu.memref_slice %arg6[%dma_start3A_235, %dma_start3A_236] : memref<3x120xi32, #tpu.memory_space<vmem>> -> memref<1x120xi32, #tpu.memory_space<vmem>>
        %dma_start3A_238 = tpu.memref_squeeze %dma_start3A_237 : memref<1x120xi32, #tpu.memory_space<vmem>> -> memref<120xi32, #tpu.memory_space<vmem>>
        %dma_start3A_239 = arith.constant 0 : i32
        %dma_start3A_240 = arith.constant 0 : i32
        %dma_start3A_241 = tpu.memref_slice %arg2[%dma_start3A_239, %dma_start3A_240] : memref<10240x128xf32, #tpu.memory_space<hbm>> -> memref<10240x128xf32, #tpu.memory_space<hbm>>
        tpu.enqueue_indirect_dma source(%dma_start3A_241 : memref<10240x128xf32, #tpu.memory_space<hbm>>) target(%arg9 : memref<120x128xf32, #tpu.memory_space<vmem>>) offsets(%dma_start3A_238 : memref<120xi32, #tpu.memory_space<vmem>>) semaphore(%arg13 : memref<!tpu.dma_semaphore, #tpu.memory_space<semaphore_mem>>)
      } else {
      }
      %dma_start3A_198 = arith.constant 2 : i32
      %dma_start3A_199 = arith.constant 0 : i32
      %dma_start3A_200 = tpu.memref_slice %arg7[%dma_start3A_198, %dma_start3A_199] : memref<3x120xi32, #tpu.memory_space<vmem>> -> memref<1x120xi32, #tpu.memory_space<vmem>>
      %dma_start3A_201 = tpu.memref_squeeze %dma_start3A_200 : memref<1x120xi32, #tpu.memory_space<vmem>> -> memref<120xi32, #tpu.memory_space<vmem>>
      %dma_start3A_202 = arith.constant 0 : i32
      %dma_start3A_203 = arith.constant 0 : i32
      %dma_start3A_204 = tpu.memref_slice %arg11[%dma_start3A_202, %dma_start3A_203] : memref<10240x128xf32, #tpu.memory_space<vmem_shared>> -> memref<10240x128xf32, #tpu.memory_space<vmem_shared>>
      tpu.enqueue_indirect_dma source(%arg10 : memref<120x128xf32, #tpu.memory_space<vmem>>) target(%dma_start3A_204 : memref<10240x128xf32, #tpu.memory_space<vmem_shared>>) offsets(%dma_start3A_201 : memref<120xi32, #tpu.memory_space<vmem>>) semaphore(%arg17 : memref<!tpu.dma_semaphore, #tpu.memory_space<semaphore_mem>>) {add = true}
    }
    %scan3A_38 = arith.constant 28 : i32
    %dma_wait3A = arith.constant 2 : i32
    %dma_wait3A_39 = arith.constant 0 : i32
    %dma_wait3A_40 = tpu.memref_slice %arg7[%dma_wait3A, %dma_wait3A_39] : memref<3x120xi32, #tpu.memory_space<vmem>> -> memref<1x120xi32, #tpu.memory_space<vmem>>
    %dma_wait3A_41 = tpu.memref_squeeze %dma_wait3A_40 : memref<1x120xi32, #tpu.memory_space<vmem>> -> memref<120xi32, #tpu.memory_space<vmem>>
    %dma_wait3A_42 = arith.constant 0 : i32
    %dma_wait3A_43 = arith.constant 0 : i32
    %dma_wait3A_44 = tpu.memref_slice %arg11[%dma_wait3A_42, %dma_wait3A_43] : memref<10240x128xf32, #tpu.memory_space<vmem_shared>> -> memref<10240x128xf32, #tpu.memory_space<vmem_shared>>
    tpu.wait_indirect_dma semaphore(%arg17 : memref<!tpu.dma_semaphore, #tpu.memory_space<semaphore_mem>>) src(%arg10 : memref<120x128xf32, #tpu.memory_space<vmem>>) dst(%dma_wait3A_44 : memref<10240x128xf32, #tpu.memory_space<vmem_shared>>)
    %barrier3A_45 = arith.constant 0 : index
    tpu.barrier barrier_id(%barrier3A_45)
    %scan3A_46 = arith.constant 0 : i32
    %scan3A_47 = arith.constant 0 : i32
    %scan3A_48 = arith.constant 8 : i32
    %scan3A_49 = arith.addi %scan3A_47, %scan3A_48 : i32
    %scan3A_50 = arith.constant 1 : i32
    scf.for %scan3A_52 = %scan3A_47 to %scan3A_49 step %scan3A_50  : i32 {
      %mul3A_53 = arith.constant 640 : i32
      %mul3A_54 = arith.muli %arg1, %mul3A_53 : i32
      %mul3A_55 = arith.constant 80 : i32
      %mul3A_56 = arith.muli %scan3A_52, %mul3A_55 : i32
      %add3A_57 = arith.addi %mul3A_54, %mul3A_56 : i32
      "tpu.region"() ({
        %run_scoped3A_63 = tpu.sem_alloc : memref<!tpu.dma_semaphore, #tpu.memory_space<semaphore_mem>>
        %dma_start3A_64 = arith.constant 0 : i32
        %dma_start3A_65 = arith.constant 0 : i32
        %dma_start3A_66 = tpu.memref_slice %arg8[%dma_start3A_64, %dma_start3A_65] : memref<120x128xf32, #tpu.memory_space<vmem>> -> memref<80x128xf32, #tpu.memory_space<vmem>>
        %dma_start3A_67 = arith.constant 0 : i32
        %dma_start3A_68 = tpu.memref_slice %arg11[%add3A_57, %dma_start3A_67] : memref<10240x128xf32, #tpu.memory_space<vmem_shared>> -> memref<80x128xf32, #tpu.memory_space<vmem_shared>>
        %dma_start3A_69 = arith.constant 0 : i32
        %dma_start3A_70 = arith.constant 0 : i32
        %dma_start3A_71 = tpu.memref_slice %arg8[%dma_start3A_69, %dma_start3A_70] : memref<120x128xf32, #tpu.memory_space<vmem>> -> memref<80x128xf32, #tpu.memory_space<vmem>>
        %dma_start3A_72 = arith.constant 0 : i32
        %dma_start3A_73 = tpu.memref_slice %arg11[%add3A_57, %dma_start3A_72] : memref<10240x128xf32, #tpu.memory_space<vmem_shared>> -> memref<80x128xf32, #tpu.memory_space<vmem_shared>>
        tpu.enqueue_dma source(%dma_start3A_73 : memref<80x128xf32, #tpu.memory_space<vmem_shared>>) target(%dma_start3A_71 : memref<80x128xf32, #tpu.memory_space<vmem>>) target_semaphore(%run_scoped3A_63 : memref<!tpu.dma_semaphore, #tpu.memory_space<semaphore_mem>>)
        %dma_wait3A_74 = arith.constant 0 : i32
        %dma_wait3A_75 = arith.constant 0 : i32
        %dma_wait3A_76 = tpu.memref_slice %arg8[%dma_wait3A_74, %dma_wait3A_75] : memref<120x128xf32, #tpu.memory_space<vmem>> -> memref<80x128xf32, #tpu.memory_space<vmem>>
        %dma_wait3A_77 = arith.constant 0 : i32
        %dma_wait3A_78 = tpu.memref_slice %arg11[%add3A_57, %dma_wait3A_77] : memref<10240x128xf32, #tpu.memory_space<vmem_shared>> -> memref<80x128xf32, #tpu.memory_space<vmem_shared>>
        %dma_wait3A_79 = arith.constant 0 : i32
        %dma_wait3A_80 = arith.constant 0 : i32
        %dma_wait3A_81 = tpu.memref_slice %arg8[%dma_wait3A_79, %dma_wait3A_80] : memref<120x128xf32, #tpu.memory_space<vmem>> -> memref<80x128xf32, #tpu.memory_space<vmem>>
        %dma_wait3A_82 = arith.constant 0 : i32
        %dma_wait3A_83 = tpu.memref_slice %arg11[%add3A_57, %dma_wait3A_82] : memref<10240x128xf32, #tpu.memory_space<vmem_shared>> -> memref<80x128xf32, #tpu.memory_space<vmem_shared>>
        tpu.wait_dma2 semaphore(%run_scoped3A_63 : memref<!tpu.dma_semaphore, #tpu.memory_space<semaphore_mem>>) src(%dma_wait3A_83 : memref<80x128xf32, #tpu.memory_space<vmem_shared>>) dst(%dma_wait3A_81 : memref<80x128xf32, #tpu.memory_space<vmem>>)
        tpu.yield
      }) : () -> ()
      %mul3A_58 = arith.constant 640 : i32
      %mul3A_59 = arith.muli %arg1, %mul3A_58 : i32
      %mul3A_60 = arith.constant 80 : i32
      %mul3A_61 = arith.muli %scan3A_52, %mul3A_60 : i32
      %add3A_62 = arith.addi %mul3A_59, %mul3A_61 : i32
      "tpu.region"() ({
        %run_scoped3A_63 = tpu.sem_alloc : memref<!tpu.dma_semaphore, #tpu.memory_space<semaphore_mem>>
        %dma_start3A_64 = arith.constant 0 : i32
        %dma_start3A_65 = arith.constant 0 : i32
        %dma_start3A_66 = tpu.memref_slice %arg8[%dma_start3A_64, %dma_start3A_65] : memref<120x128xf32, #tpu.memory_space<vmem>> -> memref<80x128xf32, #tpu.memory_space<vmem>>
        %dma_start3A_67 = arith.constant 0 : i32
        %dma_start3A_68 = tpu.memref_slice %arg5[%arg0, %add3A_62, %dma_start3A_67] : memref<2x10240x128xf32, #tpu.memory_space<hbm>> -> memref<1x80x128xf32, #tpu.memory_space<hbm>>
        %dma_start3A_69 = tpu.memref_squeeze %dma_start3A_68 : memref<1x80x128xf32, #tpu.memory_space<hbm>> -> memref<80x128xf32, #tpu.memory_space<hbm>>
        %dma_start3A_70 = arith.constant 0 : i32
        %dma_start3A_71 = tpu.memref_slice %arg5[%arg0, %add3A_62, %dma_start3A_70] : memref<2x10240x128xf32, #tpu.memory_space<hbm>> -> memref<1x80x128xf32, #tpu.memory_space<hbm>>
        %dma_start3A_72 = tpu.memref_squeeze %dma_start3A_71 : memref<1x80x128xf32, #tpu.memory_space<hbm>> -> memref<80x128xf32, #tpu.memory_space<hbm>>
        %dma_start3A_73 = arith.constant 0 : i32
        %dma_start3A_74 = arith.constant 0 : i32
        %dma_start3A_75 = tpu.memref_slice %arg8[%dma_start3A_73, %dma_start3A_74] : memref<120x128xf32, #tpu.memory_space<vmem>> -> memref<80x128xf32, #tpu.memory_space<vmem>>
        tpu.enqueue_dma source(%dma_start3A_75 : memref<80x128xf32, #tpu.memory_space<vmem>>) target(%dma_start3A_72 : memref<80x128xf32, #tpu.memory_space<hbm>>) target_semaphore(%run_scoped3A_63 : memref<!tpu.dma_semaphore, #tpu.memory_space<semaphore_mem>>)
        %dma_wait3A_76 = arith.constant 0 : i32
        %dma_wait3A_77 = arith.constant 0 : i32
        %dma_wait3A_78 = tpu.memref_slice %arg8[%dma_wait3A_76, %dma_wait3A_77] : memref<120x128xf32, #tpu.memory_space<vmem>> -> memref<80x128xf32, #tpu.memory_space<vmem>>
        %dma_wait3A_79 = arith.constant 0 : i32
        %dma_wait3A_80 = tpu.memref_slice %arg5[%arg0, %add3A_62, %dma_wait3A_79] : memref<2x10240x128xf32, #tpu.memory_space<hbm>> -> memref<1x80x128xf32, #tpu.memory_space<hbm>>
        %dma_wait3A_81 = tpu.memref_squeeze %dma_wait3A_80 : memref<1x80x128xf32, #tpu.memory_space<hbm>> -> memref<80x128xf32, #tpu.memory_space<hbm>>
        %dma_wait3A_82 = arith.constant 0 : i32
        %dma_wait3A_83 = tpu.memref_slice %arg5[%arg0, %add3A_62, %dma_wait3A_82] : memref<2x10240x128xf32, #tpu.memory_space<hbm>> -> memref<1x80x128xf32, #tpu.memory_space<hbm>>
        %dma_wait3A_84 = tpu.memref_squeeze %dma_wait3A_83 : memref<1x80x128xf32, #tpu.memory_space<hbm>> -> memref<80x128xf32, #tpu.memory_space<hbm>>
        %dma_wait3A_85 = arith.constant 0 : i32
        %dma_wait3A_86 = arith.constant 0 : i32
        %dma_wait3A_87 = tpu.memref_slice %arg8[%dma_wait3A_85, %dma_wait3A_86] : memref<120x128xf32, #tpu.memory_space<vmem>> -> memref<80x128xf32, #tpu.memory_space<vmem>>
        tpu.wait_dma2 semaphore(%run_scoped3A_63 : memref<!tpu.dma_semaphore, #tpu.memory_space<semaphore_mem>>) src(%dma_wait3A_87 : memref<80x128xf32, #tpu.memory_space<vmem>>) dst(%dma_wait3A_84 : memref<80x128xf32, #tpu.memory_space<hbm>>)
        tpu.yield
      }) : () -> ()
    }
    %scan3A_51 = arith.constant 8 : i32
    return
  }
}

#map = affine_map<(d0, d1) -> (0, 0)>
#map1 = affine_map<(d0, d1) -> (0, 0, 0)>
module attributes {stable_mosaic.version = 14 : i64} {
  func.func @_agg_kernel(%arg0: i32, %arg1: i32, %arg2: memref<10240x128xf32, #tpu.memory_space<hbm>>, %arg3: memref<32x84x120xi32, #tpu.memory_space<hbm>>, %arg4: memref<32x84x120xi32, #tpu.memory_space<hbm>>, %arg5: memref<2x10240x128xf32, #tpu.memory_space<hbm>>, %arg6: memref<3x120xi32, #tpu.memory_space<vmem>>, %arg7: memref<3x120xi32, #tpu.memory_space<vmem>>, %arg8: memref<120x128xf32, #tpu.memory_space<vmem>>, %arg9: memref<120x128xf32, #tpu.memory_space<vmem>>, %arg10: memref<120x128xf32, #tpu.memory_space<vmem>>, %arg11: memref<10240x128xf32, #tpu.memory_space<vmem_shared>>, %arg12: memref<!tpu.dma_semaphore, #tpu.memory_space<semaphore_mem>>, %arg13: memref<!tpu.dma_semaphore, #tpu.memory_space<semaphore_mem>>, %arg14: memref<!tpu.dma_semaphore, #tpu.memory_space<semaphore_mem>>, %arg15: memref<!tpu.dma_semaphore, #tpu.memory_space<semaphore_mem>>, %arg16: memref<!tpu.dma_semaphore, #tpu.memory_space<semaphore_mem>>, %arg17: memref<!tpu.dma_semaphore, #tpu.memory_space<semaphore_mem>>, %arg18: memref<!tpu.dma_semaphore, #tpu.memory_space<semaphore_mem>>, %arg19: memref<!tpu.dma_semaphore, #tpu.memory_space<semaphore_mem>>, %arg20: memref<!tpu.dma_semaphore, #tpu.memory_space<semaphore_mem>>) attributes {dimension_semantics = [#tpu.dimension_semantics<core_parallel>, #tpu.dimension_semantics<subcore_parallel>], iteration_bounds = array<i64: 2, 16>, scalar_prefetch = 0 : i64, scratch_operands = 15 : i64, tpu.core_type = #tpu.core_type<sc_vector_subcore>, window_params = [{transform_indices = #map}, {transform_indices = #map1}, {transform_indices = #map1}, {transform_indices = #map1}]} {
    %mul3A = arith.constant 2 : i32
    %mul3A_0 = arith.muli %arg1, %mul3A : i32
    %add3A = arith.addi %mul3A_0, %arg0 : i32
    %broadcast_in_dim3A = arith.constant 0.000000e+00 : f32
    %broadcast_in_dim3A_1 = vector.broadcast %broadcast_in_dim3A : f32 to vector<16xf32>
    %scan3A = arith.constant 0 : i32
    %scan3A_2 = arith.constant 0 : i32
    %scan3A_3 = arith.constant 80 : i32
    %scan3A_4 = arith.addi %scan3A_2, %scan3A_3 : i32
    %scan3A_5 = arith.constant 1 : i32
    scf.for %scan3A_52 = %scan3A_2 to %scan3A_4 step %scan3A_5  : i32 {
      %swap3A = arith.index_cast %scan3A_52 : i32 to index
      %swap3A_53 = arith.constant 0 : index
      %swap3A_54 = tpu.vector_load %arg8[%swap3A, %swap3A_53] {strides = array<i32>} : memref<120x128xf32, #tpu.memory_space<vmem>>, vector<1x16xf32>,
      %swap3A_55 = vector.shape_cast %swap3A_54 : vector<1x16xf32> to vector<16xf32>
      %swap3A_56 = vector.shape_cast %broadcast_in_dim3A_1 : vector<16xf32> to vector<1x16xf32>
      tpu.vector_store %arg8[%swap3A, %swap3A_53], %swap3A_56 {strides = array<i32>} : memref<120x128xf32, #tpu.memory_space<vmem>>, vector<1x16xf32>,
      %swap3A_57 = arith.index_cast %scan3A_52 : i32 to index
      %swap3A_58 = arith.constant 16 : index
      %swap3A_59 = tpu.vector_load %arg8[%swap3A_57, %swap3A_58] {strides = array<i32>} : memref<120x128xf32, #tpu.memory_space<vmem>>, vector<1x16xf32>,
      %swap3A_60 = vector.shape_cast %swap3A_59 : vector<1x16xf32> to vector<16xf32>
      %swap3A_61 = vector.shape_cast %broadcast_in_dim3A_1 : vector<16xf32> to vector<1x16xf32>
      tpu.vector_store %arg8[%swap3A_57, %swap3A_58], %swap3A_61 {strides = array<i32>} : memref<120x128xf32, #tpu.memory_space<vmem>>, vector<1x16xf32>,
      %swap3A_62 = arith.index_cast %scan3A_52 : i32 to index
      %swap3A_63 = arith.constant 32 : index
      %swap3A_64 = tpu.vector_load %arg8[%swap3A_62, %swap3A_63] {strides = array<i32>} : memref<120x128xf32, #tpu.memory_space<vmem>>, vector<1x16xf32>,
      %swap3A_65 = vector.shape_cast %swap3A_64 : vector<1x16xf32> to vector<16xf32>
      %swap3A_66 = vector.shape_cast %broadcast_in_dim3A_1 : vector<16xf32> to vector<1x16xf32>
      tpu.vector_store %arg8[%swap3A_62, %swap3A_63], %swap3A_66 {strides = array<i32>} : memref<120x128xf32, #tpu.memory_space<vmem>>, vector<1x16xf32>,
      %swap3A_67 = arith.index_cast %scan3A_52 : i32 to index
      %swap3A_68 = arith.constant 48 : index
      %swap3A_69 = tpu.vector_load %arg8[%swap3A_67, %swap3A_68] {strides = array<i32>} : memref<120x128xf32, #tpu.memory_space<vmem>>, vector<1x16xf32>,
      %swap3A_70 = vector.shape_cast %swap3A_69 : vector<1x16xf32> to vector<16xf32>
      %swap3A_71 = vector.shape_cast %broadcast_in_dim3A_1 : vector<16xf32> to vector<1x16xf32>
      tpu.vector_store %arg8[%swap3A_67, %swap3A_68], %swap3A_71 {strides = array<i32>} : memref<120x128xf32, #tpu.memory_space<vmem>>, vector<1x16xf32>,
      %swap3A_72 = arith.index_cast %scan3A_52 : i32 to index
      %swap3A_73 = arith.constant 64 : index
      %swap3A_74 = tpu.vector_load %arg8[%swap3A_72, %swap3A_73] {strides = array<i32>} : memref<120x128xf32, #tpu.memory_space<vmem>>, vector<1x16xf32>,
      %swap3A_75 = vector.shape_cast %swap3A_74 : vector<1x16xf32> to vector<16xf32>
      %swap3A_76 = vector.shape_cast %broadcast_in_dim3A_1 : vector<16xf32> to vector<1x16xf32>
      tpu.vector_store %arg8[%swap3A_72, %swap3A_73], %swap3A_76 {strides = array<i32>} : memref<120x128xf32, #tpu.memory_space<vmem>>, vector<1x16xf32>,
      %swap3A_77 = arith.index_cast %scan3A_52 : i32 to index
      %swap3A_78 = arith.constant 80 : index
      %swap3A_79 = tpu.vector_load %arg8[%swap3A_77, %swap3A_78] {strides = array<i32>} : memref<120x128xf32, #tpu.memory_space<vmem>>, vector<1x16xf32>,
      %swap3A_80 = vector.shape_cast %swap3A_79 : vector<1x16xf32> to vector<16xf32>
      %swap3A_81 = vector.shape_cast %broadcast_in_dim3A_1 : vector<16xf32> to vector<1x16xf32>
      tpu.vector_store %arg8[%swap3A_77, %swap3A_78], %swap3A_81 {strides = array<i32>} : memref<120x128xf32, #tpu.memory_space<vmem>>, vector<1x16xf32>,
      %swap3A_82 = arith.index_cast %scan3A_52 : i32 to index
      %swap3A_83 = arith.constant 96 : index
      %swap3A_84 = tpu.vector_load %arg8[%swap3A_82, %swap3A_83] {strides = array<i32>} : memref<120x128xf32, #tpu.memory_space<vmem>>, vector<1x16xf32>,
      %swap3A_85 = vector.shape_cast %swap3A_84 : vector<1x16xf32> to vector<16xf32>
      %swap3A_86 = vector.shape_cast %broadcast_in_dim3A_1 : vector<16xf32> to vector<1x16xf32>
      tpu.vector_store %arg8[%swap3A_82, %swap3A_83], %swap3A_86 {strides = array<i32>} : memref<120x128xf32, #tpu.memory_space<vmem>>, vector<1x16xf32>,
      %swap3A_87 = arith.index_cast %scan3A_52 : i32 to index
      %swap3A_88 = arith.constant 112 : index
      %swap3A_89 = tpu.vector_load %arg8[%swap3A_87, %swap3A_88] {strides = array<i32>} : memref<120x128xf32, #tpu.memory_space<vmem>>, vector<1x16xf32>,
      %swap3A_90 = vector.shape_cast %swap3A_89 : vector<1x16xf32> to vector<16xf32>
      %swap3A_91 = vector.shape_cast %broadcast_in_dim3A_1 : vector<16xf32> to vector<1x16xf32>
      tpu.vector_store %arg8[%swap3A_87, %swap3A_88], %swap3A_91 {strides = array<i32>} : memref<120x128xf32, #tpu.memory_space<vmem>>, vector<1x16xf32>,
    }
    %scan3A_6 = arith.constant 80 : i32
    %scan3A_7 = arith.constant 0 : i32
    %scan3A_8 = arith.constant 0 : i32
    %scan3A_9 = arith.constant 8 : i32
    %scan3A_10 = arith.addi %scan3A_8, %scan3A_9 : i32
    %scan3A_11 = arith.constant 1 : i32
    scf.for %scan3A_52 = %scan3A_8 to %scan3A_10 step %scan3A_11  : i32 {
      %mul3A_53 = arith.constant 640 : i32
      %mul3A_54 = arith.muli %arg1, %mul3A_53 : i32
      %mul3A_55 = arith.constant 80 : i32
      %mul3A_56 = arith.muli %scan3A_52, %mul3A_55 : i32
      %add3A_57 = arith.addi %mul3A_54, %mul3A_56 : i32
      "tpu.region"() ({
        %run_scoped3A_58 = tpu.sem_alloc : memref<!tpu.dma_semaphore, #tpu.memory_space<semaphore_mem>>
        %dma_start3A_59 = arith.constant 0 : i32
        %dma_start3A_60 = arith.constant 0 : i32
        %dma_start3A_61 = tpu.memref_slice %arg8[%dma_start3A_59, %dma_start3A_60] : memref<120x128xf32, #tpu.memory_space<vmem>> -> memref<80x128xf32, #tpu.memory_space<vmem>>
        %dma_start3A_62 = arith.constant 0 : i32
        %dma_start3A_63 = tpu.memref_slice %arg11[%add3A_57, %dma_start3A_62] : memref<10240x128xf32, #tpu.memory_space<vmem_shared>> -> memref<80x128xf32, #tpu.memory_space<vmem_shared>>
        %dma_start3A_64 = arith.constant 0 : i32
        %dma_start3A_65 = tpu.memref_slice %arg11[%add3A_57, %dma_start3A_64] : memref<10240x128xf32, #tpu.memory_space<vmem_shared>> -> memref<80x128xf32, #tpu.memory_space<vmem_shared>>
        %dma_start3A_66 = arith.constant 0 : i32
        %dma_start3A_67 = arith.constant 0 : i32
        %dma_start3A_68 = tpu.memref_slice %arg8[%dma_start3A_66, %dma_start3A_67] : memref<120x128xf32, #tpu.memory_space<vmem>> -> memref<80x128xf32, #tpu.memory_space<vmem>>
        tpu.enqueue_dma source(%dma_start3A_68 : memref<80x128xf32, #tpu.memory_space<vmem>>) target(%dma_start3A_65 : memref<80x128xf32, #tpu.memory_space<vmem_shared>>) target_semaphore(%run_scoped3A_58 : memref<!tpu.dma_semaphore, #tpu.memory_space<semaphore_mem>>)
        %dma_wait3A_69 = arith.constant 0 : i32
        %dma_wait3A_70 = arith.constant 0 : i32
        %dma_wait3A_71 = tpu.memref_slice %arg8[%dma_wait3A_69, %dma_wait3A_70] : memref<120x128xf32, #tpu.memory_space<vmem>> -> memref<80x128xf32, #tpu.memory_space<vmem>>
        %dma_wait3A_72 = arith.constant 0 : i32
        %dma_wait3A_73 = tpu.memref_slice %arg11[%add3A_57, %dma_wait3A_72] : memref<10240x128xf32, #tpu.memory_space<vmem_shared>> -> memref<80x128xf32, #tpu.memory_space<vmem_shared>>
        %dma_wait3A_74 = arith.constant 0 : i32
        %dma_wait3A_75 = tpu.memref_slice %arg11[%add3A_57, %dma_wait3A_74] : memref<10240x128xf32, #tpu.memory_space<vmem_shared>> -> memref<80x128xf32, #tpu.memory_space<vmem_shared>>
        %dma_wait3A_76 = arith.constant 0 : i32
        %dma_wait3A_77 = arith.constant 0 : i32
        %dma_wait3A_78 = tpu.memref_slice %arg8[%dma_wait3A_76, %dma_wait3A_77] : memref<120x128xf32, #tpu.memory_space<vmem>> -> memref<80x128xf32, #tpu.memory_space<vmem>>
        tpu.wait_dma2 semaphore(%run_scoped3A_58 : memref<!tpu.dma_semaphore, #tpu.memory_space<semaphore_mem>>) src(%dma_wait3A_78 : memref<80x128xf32, #tpu.memory_space<vmem>>) dst(%dma_wait3A_75 : memref<80x128xf32, #tpu.memory_space<vmem_shared>>)
        tpu.yield
      }) : () -> ()
    }
    %scan3A_12 = arith.constant 8 : i32
    %barrier3A = arith.constant 0 : index
    tpu.barrier barrier_id(%barrier3A)
    %run_scoped3A = arith.constant 0 : i32
    %run_scoped3A_13 = arith.constant 0 : i32
    "tpu.region"() ({
      %run_scoped3A_52 = tpu.sem_alloc : memref<!tpu.dma_semaphore, #tpu.memory_space<semaphore_mem>>
      %dma_start3A_53 = arith.constant 0 : i32
      %dma_start3A_54 = tpu.memref_slice %arg6[%run_scoped3A_13, %dma_start3A_53] : memref<3x120xi32, #tpu.memory_space<vmem>> -> memref<1x120xi32, #tpu.memory_space<vmem>>
      %dma_start3A_55 = tpu.memref_squeeze %dma_start3A_54 : memref<1x120xi32, #tpu.memory_space<vmem>> -> memref<120xi32, #tpu.memory_space<vmem>>
      %dma_start3A_56 = arith.constant 0 : i32
      %dma_start3A_57 = tpu.memref_slice %arg3[%add3A, %run_scoped3A, %dma_start3A_56] : memref<32x84x120xi32, #tpu.memory_space<hbm>> -> memref<1x1x120xi32, #tpu.memory_space<hbm>>
      %dma_start3A_58 = tpu.memref_squeeze %dma_start3A_57 : memref<1x1x120xi32, #tpu.memory_space<hbm>> -> memref<120xi32, #tpu.memory_space<hbm>>
      %dma_start3A_59 = arith.constant 0 : i32
      %dma_start3A_60 = tpu.memref_slice %arg6[%run_scoped3A_13, %dma_start3A_59] : memref<3x120xi32, #tpu.memory_space<vmem>> -> memref<1x120xi32, #tpu.memory_space<vmem>>
      %dma_start3A_61 = tpu.memref_squeeze %dma_start3A_60 : memref<1x120xi32, #tpu.memory_space<vmem>> -> memref<120xi32, #tpu.memory_space<vmem>>
      %dma_start3A_62 = arith.constant 0 : i32
      %dma_start3A_63 = tpu.memref_slice %arg3[%add3A, %run_scoped3A, %dma_start3A_62] : memref<32x84x120xi32, #tpu.memory_space<hbm>> -> memref<1x1x120xi32, #tpu.memory_space<hbm>>
      %dma_start3A_64 = tpu.memref_squeeze %dma_start3A_63 : memref<1x1x120xi32, #tpu.memory_space<hbm>> -> memref<120xi32, #tpu.memory_space<hbm>>
      tpu.enqueue_dma source(%dma_start3A_64 : memref<120xi32, #tpu.memory_space<hbm>>) target(%dma_start3A_61 : memref<120xi32, #tpu.memory_space<vmem>>) target_semaphore(%run_scoped3A_52 : memref<!tpu.dma_semaphore, #tpu.memory_space<semaphore_mem>>)
      %dma_wait3A_65 = arith.constant 0 : i32
      %dma_wait3A_66 = tpu.memref_slice %arg6[%run_scoped3A_13, %dma_wait3A_65] : memref<3x120xi32, #tpu.memory_space<vmem>> -> memref<1x120xi32, #tpu.memory_space<vmem>>
      %dma_wait3A_67 = tpu.memref_squeeze %dma_wait3A_66 : memref<1x120xi32, #tpu.memory_space<vmem>> -> memref<120xi32, #tpu.memory_space<vmem>>
      %dma_wait3A_68 = arith.constant 0 : i32
      %dma_wait3A_69 = tpu.memref_slice %arg3[%add3A, %run_scoped3A, %dma_wait3A_68] : memref<32x84x120xi32, #tpu.memory_space<hbm>> -> memref<1x1x120xi32, #tpu.memory_space<hbm>>
      %dma_wait3A_70 = tpu.memref_squeeze %dma_wait3A_69 : memref<1x1x120xi32, #tpu.memory_space<hbm>> -> memref<120xi32, #tpu.memory_space<hbm>>
      %dma_wait3A_71 = arith.constant 0 : i32
      %dma_wait3A_72 = tpu.memref_slice %arg6[%run_scoped3A_13, %dma_wait3A_71] : memref<3x120xi32, #tpu.memory_space<vmem>> -> memref<1x120xi32, #tpu.memory_space<vmem>>
      %dma_wait3A_73 = tpu.memref_squeeze %dma_wait3A_72 : memref<1x120xi32, #tpu.memory_space<vmem>> -> memref<120xi32, #tpu.memory_space<vmem>>
      %dma_wait3A_74 = arith.constant 0 : i32
      %dma_wait3A_75 = tpu.memref_slice %arg3[%add3A, %run_scoped3A, %dma_wait3A_74] : memref<32x84x120xi32, #tpu.memory_space<hbm>> -> memref<1x1x120xi32, #tpu.memory_space<hbm>>
      %dma_wait3A_76 = tpu.memref_squeeze %dma_wait3A_75 : memref<1x1x120xi32, #tpu.memory_space<hbm>> -> memref<120xi32, #tpu.memory_space<hbm>>
      tpu.wait_dma2 semaphore(%run_scoped3A_52 : memref<!tpu.dma_semaphore, #tpu.memory_space<semaphore_mem>>) src(%dma_wait3A_76 : memref<120xi32, #tpu.memory_space<hbm>>) dst(%dma_wait3A_73 : memref<120xi32, #tpu.memory_space<vmem>>)
      tpu.yield
    }) : () -> ()
    %run_scoped3A_14 = arith.constant 0 : i32
    %run_scoped3A_15 = arith.constant 0 : i32
    "tpu.region"() ({
      %run_scoped3A_52 = tpu.sem_alloc : memref<!tpu.dma_semaphore, #tpu.memory_space<semaphore_mem>>
      %dma_start3A_53 = arith.constant 0 : i32
      %dma_start3A_54 = tpu.memref_slice %arg7[%run_scoped3A_15, %dma_start3A_53] : memref<3x120xi32, #tpu.memory_space<vmem>> -> memref<1x120xi32, #tpu.memory_space<vmem>>
      %dma_start3A_55 = tpu.memref_squeeze %dma_start3A_54 : memref<1x120xi32, #tpu.memory_space<vmem>> -> memref<120xi32, #tpu.memory_space<vmem>>
      %dma_start3A_56 = arith.constant 0 : i32
      %dma_start3A_57 = tpu.memref_slice %arg4[%add3A, %run_scoped3A_14, %dma_start3A_56] : memref<32x84x120xi32, #tpu.memory_space<hbm>> -> memref<1x1x120xi32, #tpu.memory_space<hbm>>
      %dma_start3A_58 = tpu.memref_squeeze %dma_start3A_57 : memref<1x1x120xi32, #tpu.memory_space<hbm>> -> memref<120xi32, #tpu.memory_space<hbm>>
      %dma_start3A_59 = arith.constant 0 : i32
      %dma_start3A_60 = tpu.memref_slice %arg7[%run_scoped3A_15, %dma_start3A_59] : memref<3x120xi32, #tpu.memory_space<vmem>> -> memref<1x120xi32, #tpu.memory_space<vmem>>
      %dma_start3A_61 = tpu.memref_squeeze %dma_start3A_60 : memref<1x120xi32, #tpu.memory_space<vmem>> -> memref<120xi32, #tpu.memory_space<vmem>>
      %dma_start3A_62 = arith.constant 0 : i32
      %dma_start3A_63 = tpu.memref_slice %arg4[%add3A, %run_scoped3A_14, %dma_start3A_62] : memref<32x84x120xi32, #tpu.memory_space<hbm>> -> memref<1x1x120xi32, #tpu.memory_space<hbm>>
      %dma_start3A_64 = tpu.memref_squeeze %dma_start3A_63 : memref<1x1x120xi32, #tpu.memory_space<hbm>> -> memref<120xi32, #tpu.memory_space<hbm>>
      tpu.enqueue_dma source(%dma_start3A_64 : memref<120xi32, #tpu.memory_space<hbm>>) target(%dma_start3A_61 : memref<120xi32, #tpu.memory_space<vmem>>) target_semaphore(%run_scoped3A_52 : memref<!tpu.dma_semaphore, #tpu.memory_space<semaphore_mem>>)
      %dma_wait3A_65 = arith.constant 0 : i32
      %dma_wait3A_66 = tpu.memref_slice %arg7[%run_scoped3A_15, %dma_wait3A_65] : memref<3x120xi32, #tpu.memory_space<vmem>> -> memref<1x120xi32, #tpu.memory_space<vmem>>
      %dma_wait3A_67 = tpu.memref_squeeze %dma_wait3A_66 : memref<1x120xi32, #tpu.memory_space<vmem>> -> memref<120xi32, #tpu.memory_space<vmem>>
      %dma_wait3A_68 = arith.constant 0 : i32
      %dma_wait3A_69 = tpu.memref_slice %arg4[%add3A, %run_scoped3A_14, %dma_wait3A_68] : memref<32x84x120xi32, #tpu.memory_space<hbm>> -> memref<1x1x120xi32, #tpu.memory_space<hbm>>
      %dma_wait3A_70 = tpu.memref_squeeze %dma_wait3A_69 : memref<1x1x120xi32, #tpu.memory_space<hbm>> -> memref<120xi32, #tpu.memory_space<hbm>>
      %dma_wait3A_71 = arith.constant 0 : i32
      %dma_wait3A_72 = tpu.memref_slice %arg7[%run_scoped3A_15, %dma_wait3A_71] : memref<3x120xi32, #tpu.memory_space<vmem>> -> memref<1x120xi32, #tpu.memory_space<vmem>>
      %dma_wait3A_73 = tpu.memref_squeeze %dma_wait3A_72 : memref<1x120xi32, #tpu.memory_space<vmem>> -> memref<120xi32, #tpu.memory_space<vmem>>
      %dma_wait3A_74 = arith.constant 0 : i32
      %dma_wait3A_75 = tpu.memref_slice %arg4[%add3A, %run_scoped3A_14, %dma_wait3A_74] : memref<32x84x120xi32, #tpu.memory_space<hbm>> -> memref<1x1x120xi32, #tpu.memory_space<hbm>>
      %dma_wait3A_76 = tpu.memref_squeeze %dma_wait3A_75 : memref<1x1x120xi32, #tpu.memory_space<hbm>> -> memref<120xi32, #tpu.memory_space<hbm>>
      tpu.wait_dma2 semaphore(%run_scoped3A_52 : memref<!tpu.dma_semaphore, #tpu.memory_space<semaphore_mem>>) src(%dma_wait3A_76 : memref<120xi32, #tpu.memory_space<hbm>>) dst(%dma_wait3A_73 : memref<120xi32, #tpu.memory_space<vmem>>)
      tpu.yield
    }) : () -> ()
    %run_scoped3A_16 = arith.constant 1 : i32
    %run_scoped3A_17 = arith.constant 1 : i32
    "tpu.region"() ({
      %run_scoped3A_52 = tpu.sem_alloc : memref<!tpu.dma_semaphore, #tpu.memory_space<semaphore_mem>>
      %dma_start3A_53 = arith.constant 0 : i32
      %dma_start3A_54 = tpu.memref_slice %arg6[%run_scoped3A_17, %dma_start3A_53] : memref<3x120xi32, #tpu.memory_space<vmem>> -> memref<1x120xi32, #tpu.memory_space<vmem>>
      %dma_start3A_55 = tpu.memref_squeeze %dma_start3A_54 : memref<1x120xi32, #tpu.memory_space<vmem>> -> memref<120xi32, #tpu.memory_space<vmem>>
      %dma_start3A_56 = arith.constant 0 : i32
      %dma_start3A_57 = tpu.memref_slice %arg3[%add3A, %run_scoped3A_16, %dma_start3A_56] : memref<32x84x120xi32, #tpu.memory_space<hbm>> -> memref<1x1x120xi32, #tpu.memory_space<hbm>>
      %dma_start3A_58 = tpu.memref_squeeze %dma_start3A_57 : memref<1x1x120xi32, #tpu.memory_space<hbm>> -> memref<120xi32, #tpu.memory_space<hbm>>
      %dma_start3A_59 = arith.constant 0 : i32
      %dma_start3A_60 = tpu.memref_slice %arg6[%run_scoped3A_17, %dma_start3A_59] : memref<3x120xi32, #tpu.memory_space<vmem>> -> memref<1x120xi32, #tpu.memory_space<vmem>>
      %dma_start3A_61 = tpu.memref_squeeze %dma_start3A_60 : memref<1x120xi32, #tpu.memory_space<vmem>> -> memref<120xi32, #tpu.memory_space<vmem>>
      %dma_start3A_62 = arith.constant 0 : i32
      %dma_start3A_63 = tpu.memref_slice %arg3[%add3A, %run_scoped3A_16, %dma_start3A_62] : memref<32x84x120xi32, #tpu.memory_space<hbm>> -> memref<1x1x120xi32, #tpu.memory_space<hbm>>
      %dma_start3A_64 = tpu.memref_squeeze %dma_start3A_63 : memref<1x1x120xi32, #tpu.memory_space<hbm>> -> memref<120xi32, #tpu.memory_space<hbm>>
      tpu.enqueue_dma source(%dma_start3A_64 : memref<120xi32, #tpu.memory_space<hbm>>) target(%dma_start3A_61 : memref<120xi32, #tpu.memory_space<vmem>>) target_semaphore(%run_scoped3A_52 : memref<!tpu.dma_semaphore, #tpu.memory_space<semaphore_mem>>)
      %dma_wait3A_65 = arith.constant 0 : i32
      %dma_wait3A_66 = tpu.memref_slice %arg6[%run_scoped3A_17, %dma_wait3A_65] : memref<3x120xi32, #tpu.memory_space<vmem>> -> memref<1x120xi32, #tpu.memory_space<vmem>>
      %dma_wait3A_67 = tpu.memref_squeeze %dma_wait3A_66 : memref<1x120xi32, #tpu.memory_space<vmem>> -> memref<120xi32, #tpu.memory_space<vmem>>
      %dma_wait3A_68 = arith.constant 0 : i32
      %dma_wait3A_69 = tpu.memref_slice %arg3[%add3A, %run_scoped3A_16, %dma_wait3A_68] : memref<32x84x120xi32, #tpu.memory_space<hbm>> -> memref<1x1x120xi32, #tpu.memory_space<hbm>>
      %dma_wait3A_70 = tpu.memref_squeeze %dma_wait3A_69 : memref<1x1x120xi32, #tpu.memory_space<hbm>> -> memref<120xi32, #tpu.memory_space<hbm>>
      %dma_wait3A_71 = arith.constant 0 : i32
      %dma_wait3A_72 = tpu.memref_slice %arg6[%run_scoped3A_17, %dma_wait3A_71] : memref<3x120xi32, #tpu.memory_space<vmem>> -> memref<1x120xi32, #tpu.memory_space<vmem>>
      %dma_wait3A_73 = tpu.memref_squeeze %dma_wait3A_72 : memref<1x120xi32, #tpu.memory_space<vmem>> -> memref<120xi32, #tpu.memory_space<vmem>>
      %dma_wait3A_74 = arith.constant 0 : i32
      %dma_wait3A_75 = tpu.memref_slice %arg3[%add3A, %run_scoped3A_16, %dma_wait3A_74] : memref<32x84x120xi32, #tpu.memory_space<hbm>> -> memref<1x1x120xi32, #tpu.memory_space<hbm>>
      %dma_wait3A_76 = tpu.memref_squeeze %dma_wait3A_75 : memref<1x1x120xi32, #tpu.memory_space<hbm>> -> memref<120xi32, #tpu.memory_space<hbm>>
      tpu.wait_dma2 semaphore(%run_scoped3A_52 : memref<!tpu.dma_semaphore, #tpu.memory_space<semaphore_mem>>) src(%dma_wait3A_76 : memref<120xi32, #tpu.memory_space<hbm>>) dst(%dma_wait3A_73 : memref<120xi32, #tpu.memory_space<vmem>>)
      tpu.yield
    }) : () -> ()
    %run_scoped3A_18 = arith.constant 1 : i32
    %run_scoped3A_19 = arith.constant 1 : i32
    "tpu.region"() ({
      %run_scoped3A_52 = tpu.sem_alloc : memref<!tpu.dma_semaphore, #tpu.memory_space<semaphore_mem>>
      %dma_start3A_53 = arith.constant 0 : i32
      %dma_start3A_54 = tpu.memref_slice %arg7[%run_scoped3A_19, %dma_start3A_53] : memref<3x120xi32, #tpu.memory_space<vmem>> -> memref<1x120xi32, #tpu.memory_space<vmem>>
      %dma_start3A_55 = tpu.memref_squeeze %dma_start3A_54 : memref<1x120xi32, #tpu.memory_space<vmem>> -> memref<120xi32, #tpu.memory_space<vmem>>
      %dma_start3A_56 = arith.constant 0 : i32
      %dma_start3A_57 = tpu.memref_slice %arg4[%add3A, %run_scoped3A_18, %dma_start3A_56] : memref<32x84x120xi32, #tpu.memory_space<hbm>> -> memref<1x1x120xi32, #tpu.memory_space<hbm>>
      %dma_start3A_58 = tpu.memref_squeeze %dma_start3A_57 : memref<1x1x120xi32, #tpu.memory_space<hbm>> -> memref<120xi32, #tpu.memory_space<hbm>>
      %dma_start3A_59 = arith.constant 0 : i32
      %dma_start3A_60 = tpu.memref_slice %arg7[%run_scoped3A_19, %dma_start3A_59] : memref<3x120xi32, #tpu.memory_space<vmem>> -> memref<1x120xi32, #tpu.memory_space<vmem>>
      %dma_start3A_61 = tpu.memref_squeeze %dma_start3A_60 : memref<1x120xi32, #tpu.memory_space<vmem>> -> memref<120xi32, #tpu.memory_space<vmem>>
      %dma_start3A_62 = arith.constant 0 : i32
      %dma_start3A_63 = tpu.memref_slice %arg4[%add3A, %run_scoped3A_18, %dma_start3A_62] : memref<32x84x120xi32, #tpu.memory_space<hbm>> -> memref<1x1x120xi32, #tpu.memory_space<hbm>>
      %dma_start3A_64 = tpu.memref_squeeze %dma_start3A_63 : memref<1x1x120xi32, #tpu.memory_space<hbm>> -> memref<120xi32, #tpu.memory_space<hbm>>
      tpu.enqueue_dma source(%dma_start3A_64 : memref<120xi32, #tpu.memory_space<hbm>>) target(%dma_start3A_61 : memref<120xi32, #tpu.memory_space<vmem>>) target_semaphore(%run_scoped3A_52 : memref<!tpu.dma_semaphore, #tpu.memory_space<semaphore_mem>>)
      %dma_wait3A_65 = arith.constant 0 : i32
      %dma_wait3A_66 = tpu.memref_slice %arg7[%run_scoped3A_19, %dma_wait3A_65] : memref<3x120xi32, #tpu.memory_space<vmem>> -> memref<1x120xi32, #tpu.memory_space<vmem>>
      %dma_wait3A_67 = tpu.memref_squeeze %dma_wait3A_66 : memref<1x120xi32, #tpu.memory_space<vmem>> -> memref<120xi32, #tpu.memory_space<vmem>>
      %dma_wait3A_68 = arith.constant 0 : i32
      %dma_wait3A_69 = tpu.memref_slice %arg4[%add3A, %run_scoped3A_18, %dma_wait3A_68] : memref<32x84x120xi32, #tpu.memory_space<hbm>> -> memref<1x1x120xi32, #tpu.memory_space<hbm>>
      %dma_wait3A_70 = tpu.memref_squeeze %dma_wait3A_69 : memref<1x1x120xi32, #tpu.memory_space<hbm>> -> memref<120xi32, #tpu.memory_space<hbm>>
      %dma_wait3A_71 = arith.constant 0 : i32
      %dma_wait3A_72 = tpu.memref_slice %arg7[%run_scoped3A_19, %dma_wait3A_71] : memref<3x120xi32, #tpu.memory_space<vmem>> -> memref<1x120xi32, #tpu.memory_space<vmem>>
      %dma_wait3A_73 = tpu.memref_squeeze %dma_wait3A_72 : memref<1x120xi32, #tpu.memory_space<vmem>> -> memref<120xi32, #tpu.memory_space<vmem>>
      %dma_wait3A_74 = arith.constant 0 : i32
      %dma_wait3A_75 = tpu.memref_slice %arg4[%add3A, %run_scoped3A_18, %dma_wait3A_74] : memref<32x84x120xi32, #tpu.memory_space<hbm>> -> memref<1x1x120xi32, #tpu.memory_space<hbm>>
      %dma_wait3A_76 = tpu.memref_squeeze %dma_wait3A_75 : memref<1x1x120xi32, #tpu.memory_space<hbm>> -> memref<120xi32, #tpu.memory_space<hbm>>
      tpu.wait_dma2 semaphore(%run_scoped3A_52 : memref<!tpu.dma_semaphore, #tpu.memory_space<semaphore_mem>>) src(%dma_wait3A_76 : memref<120xi32, #tpu.memory_space<hbm>>) dst(%dma_wait3A_73 : memref<120xi32, #tpu.memory_space<vmem>>)
      tpu.yield
    }) : () -> ()
    %dma_start3A = arith.constant 0 : i32
    %dma_start3A_20 = arith.constant 0 : i32
    %dma_start3A_21 = tpu.memref_slice %arg6[%dma_start3A, %dma_start3A_20] : memref<3x120xi32, #tpu.memory_space<vmem>> -> memref<1x120xi32, #tpu.memory_space<vmem>>
    %dma_start3A_22 = tpu.memref_squeeze %dma_start3A_21 : memref<1x120xi32, #tpu.memory_space<vmem>> -> memref<120xi32, #tpu.memory_space<vmem>>
    %dma_start3A_23 = arith.constant 0 : i32
    %dma_start3A_24 = arith.constant 0 : i32
    %dma_start3A_25 = tpu.memref_slice %arg2[%dma_start3A_23, %dma_start3A_24] : memref<10240x128xf32, #tpu.memory_space<hbm>> -> memref<10240x128xf32, #tpu.memory_space<hbm>>
    tpu.enqueue_indirect_dma source(%dma_start3A_25 : memref<10240x128xf32, #tpu.memory_space<hbm>>) target(%arg8 : memref<120x128xf32, #tpu.memory_space<vmem>>) offsets(%dma_start3A_22 : memref<120xi32, #tpu.memory_space<vmem>>) semaphore(%arg12 : memref<!tpu.dma_semaphore, #tpu.memory_space<semaphore_mem>>)
    %dma_start3A_26 = arith.constant 1 : i32
    %dma_start3A_27 = arith.constant 0 : i32
    %dma_start3A_28 = tpu.memref_slice %arg6[%dma_start3A_26, %dma_start3A_27] : memref<3x120xi32, #tpu.memory_space<vmem>> -> memref<1x120xi32, #tpu.memory_space<vmem>>
    %dma_start3A_29 = tpu.memref_squeeze %dma_start3A_28 : memref<1x120xi32, #tpu.memory_space<vmem>> -> memref<120xi32, #tpu.memory_space<vmem>>
    %dma_start3A_30 = arith.constant 0 : i32
    %dma_start3A_31 = arith.constant 0 : i32
    %dma_start3A_32 = tpu.memref_slice %arg2[%dma_start3A_30, %dma_start3A_31] : memref<10240x128xf32, #tpu.memory_space<hbm>> -> memref<10240x128xf32, #tpu.memory_space<hbm>>
    tpu.enqueue_indirect_dma source(%dma_start3A_32 : memref<10240x128xf32, #tpu.memory_space<hbm>>) target(%arg9 : memref<120x128xf32, #tpu.memory_space<vmem>>) offsets(%dma_start3A_29 : memref<120xi32, #tpu.memory_space<vmem>>) semaphore(%arg13 : memref<!tpu.dma_semaphore, #tpu.memory_space<semaphore_mem>>)
    %scan3A_33 = arith.constant 0 : i32
    %scan3A_34 = arith.constant 0 : i32
    %scan3A_35 = arith.constant 28 : i32
    %scan3A_36 = arith.addi %scan3A_34, %scan3A_35 : i32
    %scan3A_37 = arith.constant 1 : i32
    scf.for %scan3A_52 = %scan3A_34 to %scan3A_36 step %scan3A_37  : i32 {
      %mul3A_53 = arith.constant 3 : i32
      %mul3A_54 = arith.muli %mul3A_53, %scan3A_52 : i32
      %add3A_55 = arith.constant 0 : i32
      %add3A_56 = arith.addi %mul3A_54, %add3A_55 : i32
      %gt3A = arith.constant 0 : i32
      %gt3A_57 = arith.cmpi sgt, %scan3A_52, %gt3A : i32
      %convert_element_type3A = arith.extui %gt3A_57 : i1 to i32
      %cond3A = arith.constant 0 : i32
      %cond3A_58 = arith.cmpi ne, %convert_element_type3A, %cond3A : i32
      scf.if %cond3A_58 {
        %dma_wait3A_205 = arith.constant 2 : i32
        %dma_wait3A_206 = arith.constant 0 : i32
        %dma_wait3A_207 = tpu.memref_slice %arg7[%dma_wait3A_205, %dma_wait3A_206] : memref<3x120xi32, #tpu.memory_space<vmem>> -> memref<1x120xi32, #tpu.memory_space<vmem>>
        %dma_wait3A_208 = tpu.memref_squeeze %dma_wait3A_207 : memref<1x120xi32, #tpu.memory_space<vmem>> -> memref<120xi32, #tpu.memory_space<vmem>>
        %dma_wait3A_209 = arith.constant 0 : i32
        %dma_wait3A_210 = arith.constant 0 : i32
        %dma_wait3A_211 = tpu.memref_slice %arg11[%dma_wait3A_209, %dma_wait3A_210] : memref<10240x128xf32, #tpu.memory_space<vmem_shared>> -> memref<10240x128xf32, #tpu.memory_space<vmem_shared>>
        tpu.wait_indirect_dma semaphore(%arg17 : memref<!tpu.dma_semaphore, #tpu.memory_space<semaphore_mem>>) src(%arg10 : memref<120x128xf32, #tpu.memory_space<vmem>>) dst(%dma_wait3A_211 : memref<10240x128xf32, #tpu.memory_space<vmem_shared>>)
      } else {
      }
      %add3A_59 = arith.constant 2 : i32
      %add3A_60 = arith.addi %add3A_56, %add3A_59 : i32
      %dma_start3A_61 = arith.constant 2 : i32
      %dma_start3A_62 = arith.constant 0 : i32
      %dma_start3A_63 = tpu.memref_slice %arg6[%dma_start3A_61, %dma_start3A_62] : memref<3x120xi32, #tpu.memory_space<vmem>> -> memref<1x120xi32, #tpu.memory_space<vmem>>
      %dma_start3A_64 = tpu.memref_squeeze %dma_start3A_63 : memref<1x120xi32, #tpu.memory_space<vmem>> -> memref<120xi32, #tpu.memory_space<vmem>>
      %dma_start3A_65 = arith.constant 0 : i32
      %dma_start3A_66 = tpu.memref_slice %arg3[%add3A, %add3A_60, %dma_start3A_65] : memref<32x84x120xi32, #tpu.memory_space<hbm>> -> memref<1x1x120xi32, #tpu.memory_space<hbm>>
      %dma_start3A_67 = tpu.memref_squeeze %dma_start3A_66 : memref<1x1x120xi32, #tpu.memory_space<hbm>> -> memref<120xi32, #tpu.memory_space<hbm>>
      %dma_start3A_68 = arith.constant 0 : i32
      %dma_start3A_69 = tpu.memref_slice %arg6[%dma_start3A_61, %dma_start3A_68] : memref<3x120xi32, #tpu.memory_space<vmem>> -> memref<1x120xi32, #tpu.memory_space<vmem>>
      %dma_start3A_70 = tpu.memref_squeeze %dma_start3A_69 : memref<1x120xi32, #tpu.memory_space<vmem>> -> memref<120xi32, #tpu.memory_space<vmem>>
      %dma_start3A_71 = arith.constant 0 : i32
      %dma_start3A_72 = tpu.memref_slice %arg3[%add3A, %add3A_60, %dma_start3A_71] : memref<32x84x120xi32, #tpu.memory_space<hbm>> -> memref<1x1x120xi32, #tpu.memory_space<hbm>>
      %dma_start3A_73 = tpu.memref_squeeze %dma_start3A_72 : memref<1x1x120xi32, #tpu.memory_space<hbm>> -> memref<120xi32, #tpu.memory_space<hbm>>
      tpu.enqueue_dma source(%dma_start3A_73 : memref<120xi32, #tpu.memory_space<hbm>>) target(%dma_start3A_70 : memref<120xi32, #tpu.memory_space<vmem>>) target_semaphore(%arg20 : memref<!tpu.dma_semaphore, #tpu.memory_space<semaphore_mem>>)
      %add3A_74 = arith.constant 2 : i32
      %add3A_75 = arith.addi %add3A_56, %add3A_74 : i32
      %dma_start3A_76 = arith.constant 2 : i32
      %dma_start3A_77 = arith.constant 0 : i32
      %dma_start3A_78 = tpu.memref_slice %arg7[%dma_start3A_76, %dma_start3A_77] : memref<3x120xi32, #tpu.memory_space<vmem>> -> memref<1x120xi32, #tpu.memory_space<vmem>>
      %dma_start3A_79 = tpu.memref_squeeze %dma_start3A_78 : memref<1x120xi32, #tpu.memory_space<vmem>> -> memref<120xi32, #tpu.memory_space<vmem>>
      %dma_start3A_80 = arith.constant 0 : i32
      %dma_start3A_81 = tpu.memref_slice %arg4[%add3A, %add3A_75, %dma_start3A_80] : memref<32x84x120xi32, #tpu.memory_space<hbm>> -> memref<1x1x120xi32, #tpu.memory_space<hbm>>
      %dma_start3A_82 = tpu.memref_squeeze %dma_start3A_81 : memref<1x1x120xi32, #tpu.memory_space<hbm>> -> memref<120xi32, #tpu.memory_space<hbm>>
      %dma_start3A_83 = arith.constant 0 : i32
      %dma_start3A_84 = tpu.memref_slice %arg7[%dma_start3A_76, %dma_start3A_83] : memref<3x120xi32, #tpu.memory_space<vmem>> -> memref<1x120xi32, #tpu.memory_space<vmem>>
      %dma_start3A_85 = tpu.memref_squeeze %dma_start3A_84 : memref<1x120xi32, #tpu.memory_space<vmem>> -> memref<120xi32, #tpu.memory_space<vmem>>
      %dma_start3A_86 = arith.constant 0 : i32
      %dma_start3A_87 = tpu.memref_slice %arg4[%add3A, %add3A_75, %dma_start3A_86] : memref<32x84x120xi32, #tpu.memory_space<hbm>> -> memref<1x1x120xi32, #tpu.memory_space<hbm>>
      %dma_start3A_88 = tpu.memref_squeeze %dma_start3A_87 : memref<1x1x120xi32, #tpu.memory_space<hbm>> -> memref<120xi32, #tpu.memory_space<hbm>>
      tpu.enqueue_dma source(%dma_start3A_88 : memref<120xi32, #tpu.memory_space<hbm>>) target(%dma_start3A_85 : memref<120xi32, #tpu.memory_space<vmem>>) target_semaphore(%arg20 : memref<!tpu.dma_semaphore, #tpu.memory_space<semaphore_mem>>)
      %dma_wait3A_89 = arith.constant 0 : i32
      %dma_wait3A_90 = arith.constant 0 : i32
      %dma_wait3A_91 = tpu.memref_slice %arg6[%dma_wait3A_89, %dma_wait3A_90] : memref<3x120xi32, #tpu.memory_space<vmem>> -> memref<1x120xi32, #tpu.memory_space<vmem>>
      %dma_wait3A_92 = tpu.memref_squeeze %dma_wait3A_91 : memref<1x120xi32, #tpu.memory_space<vmem>> -> memref<120xi32, #tpu.memory_space<vmem>>
      %dma_wait3A_93 = arith.constant 0 : i32
      %dma_wait3A_94 = arith.constant 0 : i32
      %dma_wait3A_95 = tpu.memref_slice %arg2[%dma_wait3A_93, %dma_wait3A_94] : memref<10240x128xf32, #tpu.memory_space<hbm>> -> memref<10240x128xf32, #tpu.memory_space<hbm>>
      tpu.wait_indirect_dma semaphore(%arg12 : memref<!tpu.dma_semaphore, #tpu.memory_space<semaphore_mem>>) src(%dma_wait3A_95 : memref<10240x128xf32, #tpu.memory_space<hbm>>) dst(%arg8 : memref<120x128xf32, #tpu.memory_space<vmem>>)
      %add3A_96 = arith.constant 2 : i32
      %add3A_97 = arith.addi %add3A_56, %add3A_96 : i32
      %dma_wait3A_98 = arith.constant 2 : i32
      %dma_wait3A_99 = arith.constant 0 : i32
      %dma_wait3A_100 = tpu.memref_slice %arg6[%dma_wait3A_98, %dma_wait3A_99] : memref<3x120xi32, #tpu.memory_space<vmem>> -> memref<1x120xi32, #tpu.memory_space<vmem>>
      %dma_wait3A_101 = tpu.memref_squeeze %dma_wait3A_100 : memref<1x120xi32, #tpu.memory_space<vmem>> -> memref<120xi32, #tpu.memory_space<vmem>>
      %dma_wait3A_102 = arith.constant 0 : i32
      %dma_wait3A_103 = tpu.memref_slice %arg3[%add3A, %add3A_97, %dma_wait3A_102] : memref<32x84x120xi32, #tpu.memory_space<hbm>> -> memref<1x1x120xi32, #tpu.memory_space<hbm>>
      %dma_wait3A_104 = tpu.memref_squeeze %dma_wait3A_103 : memref<1x1x120xi32, #tpu.memory_space<hbm>> -> memref<120xi32, #tpu.memory_space<hbm>>
      %dma_wait3A_105 = arith.constant 0 : i32
      %dma_wait3A_106 = tpu.memref_slice %arg6[%dma_wait3A_98, %dma_wait3A_105] : memref<3x120xi32, #tpu.memory_space<vmem>> -> memref<1x120xi32, #tpu.memory_space<vmem>>
      %dma_wait3A_107 = tpu.memref_squeeze %dma_wait3A_106 : memref<1x120xi32, #tpu.memory_space<vmem>> -> memref<120xi32, #tpu.memory_space<vmem>>
      %dma_wait3A_108 = arith.constant 0 : i32
      %dma_wait3A_109 = tpu.memref_slice %arg3[%add3A, %add3A_97, %dma_wait3A_108] : memref<32x84x120xi32, #tpu.memory_space<hbm>> -> memref<1x1x120xi32, #tpu.memory_space<hbm>>
      %dma_wait3A_110 = tpu.memref_squeeze %dma_wait3A_109 : memref<1x1x120xi32, #tpu.memory_space<hbm>> -> memref<120xi32, #tpu.memory_space<hbm>>
      tpu.wait_dma2 semaphore(%arg20 : memref<!tpu.dma_semaphore, #tpu.memory_space<semaphore_mem>>) src(%dma_wait3A_110 : memref<120xi32, #tpu.memory_space<hbm>>) dst(%dma_wait3A_107 : memref<120xi32, #tpu.memory_space<vmem>>)
      %add3A_111 = arith.constant 2 : i32
      %add3A_112 = arith.addi %add3A_56, %add3A_111 : i32
      %dma_wait3A_113 = arith.constant 2 : i32
      %dma_wait3A_114 = arith.constant 0 : i32
      %dma_wait3A_115 = tpu.memref_slice %arg7[%dma_wait3A_113, %dma_wait3A_114] : memref<3x120xi32, #tpu.memory_space<vmem>> -> memref<1x120xi32, #tpu.memory_space<vmem>>
      %dma_wait3A_116 = tpu.memref_squeeze %dma_wait3A_115 : memref<1x120xi32, #tpu.memory_space<vmem>> -> memref<120xi32, #tpu.memory_space<vmem>>
      %dma_wait3A_117 = arith.constant 0 : i32
      %dma_wait3A_118 = tpu.memref_slice %arg4[%add3A, %add3A_112, %dma_wait3A_117] : memref<32x84x120xi32, #tpu.memory_space<hbm>> -> memref<1x1x120xi32, #tpu.memory_space<hbm>>
      %dma_wait3A_119 = tpu.memref_squeeze %dma_wait3A_118 : memref<1x1x120xi32, #tpu.memory_space<hbm>> -> memref<120xi32, #tpu.memory_space<hbm>>
      %dma_wait3A_120 = arith.constant 0 : i32
      %dma_wait3A_121 = tpu.memref_slice %arg7[%dma_wait3A_113, %dma_wait3A_120] : memref<3x120xi32, #tpu.memory_space<vmem>> -> memref<1x120xi32, #tpu.memory_space<vmem>>
      %dma_wait3A_122 = tpu.memref_squeeze %dma_wait3A_121 : memref<1x120xi32, #tpu.memory_space<vmem>> -> memref<120xi32, #tpu.memory_space<vmem>>
      %dma_wait3A_123 = arith.constant 0 : i32
      %dma_wait3A_124 = tpu.memref_slice %arg4[%add3A, %add3A_112, %dma_wait3A_123] : memref<32x84x120xi32, #tpu.memory_space<hbm>> -> memref<1x1x120xi32, #tpu.memory_space<hbm>>
      %dma_wait3A_125 = tpu.memref_squeeze %dma_wait3A_124 : memref<1x1x120xi32, #tpu.memory_space<hbm>> -> memref<120xi32, #tpu.memory_space<hbm>>
      tpu.wait_dma2 semaphore(%arg20 : memref<!tpu.dma_semaphore, #tpu.memory_space<semaphore_mem>>) src(%dma_wait3A_125 : memref<120xi32, #tpu.memory_space<hbm>>) dst(%dma_wait3A_122 : memref<120xi32, #tpu.memory_space<vmem>>)
      %dma_start3A_126 = arith.constant 2 : i32
      %dma_start3A_127 = arith.constant 0 : i32
      %dma_start3A_128 = tpu.memref_slice %arg6[%dma_start3A_126, %dma_start3A_127] : memref<3x120xi32, #tpu.memory_space<vmem>> -> memref<1x120xi32, #tpu.memory_space<vmem>>
      %dma_start3A_129 = tpu.memref_squeeze %dma_start3A_128 : memref<1x120xi32, #tpu.memory_space<vmem>> -> memref<120xi32, #tpu.memory_space<vmem>>
      %dma_start3A_130 = arith.constant 0 : i32
      %dma_start3A_131 = arith.constant 0 : i32
      %dma_start3A_132 = tpu.memref_slice %arg2[%dma_start3A_130, %dma_start3A_131] : memref<10240x128xf32, #tpu.memory_space<hbm>> -> memref<10240x128xf32, #tpu.memory_space<hbm>>
      tpu.enqueue_indirect_dma source(%dma_start3A_132 : memref<10240x128xf32, #tpu.memory_space<hbm>>) target(%arg10 : memref<120x128xf32, #tpu.memory_space<vmem>>) offsets(%dma_start3A_129 : memref<120xi32, #tpu.memory_space<vmem>>) semaphore(%arg14 : memref<!tpu.dma_semaphore, #tpu.memory_space<semaphore_mem>>)
      %dma_start3A_133 = arith.constant 0 : i32
      %dma_start3A_134 = arith.constant 0 : i32
      %dma_start3A_135 = tpu.memref_slice %arg7[%dma_start3A_133, %dma_start3A_134] : memref<3x120xi32, #tpu.memory_space<vmem>> -> memref<1x120xi32, #tpu.memory_space<vmem>>
      %dma_start3A_136 = tpu.memref_squeeze %dma_start3A_135 : memref<1x120xi32, #tpu.memory_space<vmem>> -> memref<120xi32, #tpu.memory_space<vmem>>
      %dma_start3A_137 = arith.constant 0 : i32
      %dma_start3A_138 = arith.constant 0 : i32
      %dma_start3A_139 = tpu.memref_slice %arg11[%dma_start3A_137, %dma_start3A_138] : memref<10240x128xf32, #tpu.memory_space<vmem_shared>> -> memref<10240x128xf32, #tpu.memory_space<vmem_shared>>
      tpu.enqueue_indirect_dma source(%arg8 : memref<120x128xf32, #tpu.memory_space<vmem>>) target(%dma_start3A_139 : memref<10240x128xf32, #tpu.memory_space<vmem_shared>>) offsets(%dma_start3A_136 : memref<120xi32, #tpu.memory_space<vmem>>) semaphore(%arg15 : memref<!tpu.dma_semaphore, #tpu.memory_space<semaphore_mem>>) {add = true}
      %mul3A_140 = arith.constant 3 : i32
      %mul3A_141 = arith.muli %mul3A_140, %scan3A_52 : i32
      %add3A_142 = arith.constant 1 : i32
      %add3A_143 = arith.addi %mul3A_141, %add3A_142 : i32
      %lt3A = arith.constant 27 : i32
      %lt3A_144 = arith.cmpi slt, %scan3A_52, %lt3A : i32
      %dma_wait3A_145 = arith.constant 0 : i32
      %dma_wait3A_146 = arith.constant 0 : i32
      %dma_wait3A_147 = tpu.memref_slice %arg7[%dma_wait3A_145, %dma_wait3A_146] : memref<3x120xi32, #tpu.memory_space<vmem>> -> memref<1x120xi32, #tpu.memory_space<vmem>>
      %dma_wait3A_148 = tpu.memref_squeeze %dma_wait3A_147 : memref<1x120xi32, #tpu.memory_space<vmem>> -> memref<120xi32, #tpu.memory_space<vmem>>
      %dma_wait3A_149 = arith.constant 0 : i32
      %dma_wait3A_150 = arith.constant 0 : i32
      %dma_wait3A_151 = tpu.memref_slice %arg11[%dma_wait3A_149, %dma_wait3A_150] : memref<10240x128xf32, #tpu.memory_space<vmem_shared>> -> memref<10240x128xf32, #tpu.memory_space<vmem_shared>>
      tpu.wait_indirect_dma semaphore(%arg15 : memref<!tpu.dma_semaphore, #tpu.memory_space<semaphore_mem>>) src(%arg8 : memref<120x128xf32, #tpu.memory_space<vmem>>) dst(%dma_wait3A_151 : memref<10240x128xf32, #tpu.memory_space<vmem_shared>>)
      %convert_element_type3A_152 = arith.extui %lt3A_144 : i1 to i32
      %cond3A_153 = arith.constant 0 : i32
      %cond3A_154 = arith.cmpi ne, %convert_element_type3A_152, %cond3A_153 : i32
      scf.if %cond3A_154 {
        %add3A_205 = arith.constant 2 : i32
        %add3A_206 = arith.addi %add3A_143, %add3A_205 : i32
        %dma_start3A_207 = arith.constant 0 : i32
        %dma_start3A_208 = arith.constant 0 : i32
        %dma_start3A_209 = tpu.memref_slice %arg6[%dma_start3A_207, %dma_start3A_208] : memref<3x120xi32, #tpu.memory_space<vmem>> -> memref<1x120xi32, #tpu.memory_space<vmem>>
        %dma_start3A_210 = tpu.memref_squeeze %dma_start3A_209 : memref<1x120xi32, #tpu.memory_space<vmem>> -> memref<120xi32, #tpu.memory_space<vmem>>
        %dma_start3A_211 = arith.constant 0 : i32
        %dma_start3A_212 = tpu.memref_slice %arg3[%add3A, %add3A_206, %dma_start3A_211] : memref<32x84x120xi32, #tpu.memory_space<hbm>> -> memref<1x1x120xi32, #tpu.memory_space<hbm>>
        %dma_start3A_213 = tpu.memref_squeeze %dma_start3A_212 : memref<1x1x120xi32, #tpu.memory_space<hbm>> -> memref<120xi32, #tpu.memory_space<hbm>>
        %dma_start3A_214 = arith.constant 0 : i32
        %dma_start3A_215 = tpu.memref_slice %arg6[%dma_start3A_207, %dma_start3A_214] : memref<3x120xi32, #tpu.memory_space<vmem>> -> memref<1x120xi32, #tpu.memory_space<vmem>>
        %dma_start3A_216 = tpu.memref_squeeze %dma_start3A_215 : memref<1x120xi32, #tpu.memory_space<vmem>> -> memref<120xi32, #tpu.memory_space<vmem>>
        %dma_start3A_217 = arith.constant 0 : i32
        %dma_start3A_218 = tpu.memref_slice %arg3[%add3A, %add3A_206, %dma_start3A_217] : memref<32x84x120xi32, #tpu.memory_space<hbm>> -> memref<1x1x120xi32, #tpu.memory_space<hbm>>
        %dma_start3A_219 = tpu.memref_squeeze %dma_start3A_218 : memref<1x1x120xi32, #tpu.memory_space<hbm>> -> memref<120xi32, #tpu.memory_space<hbm>>
        tpu.enqueue_dma source(%dma_start3A_219 : memref<120xi32, #tpu.memory_space<hbm>>) target(%dma_start3A_216 : memref<120xi32, #tpu.memory_space<vmem>>) target_semaphore(%arg18 : memref<!tpu.dma_semaphore, #tpu.memory_space<semaphore_mem>>)
        %add3A_220 = arith.constant 2 : i32
        %add3A_221 = arith.addi %add3A_143, %add3A_220 : i32
        %dma_start3A_222 = arith.constant 0 : i32
        %dma_start3A_223 = arith.constant 0 : i32
        %dma_start3A_224 = tpu.memref_slice %arg7[%dma_start3A_222, %dma_start3A_223] : memref<3x120xi32, #tpu.memory_space<vmem>> -> memref<1x120xi32, #tpu.memory_space<vmem>>
        %dma_start3A_225 = tpu.memref_squeeze %dma_start3A_224 : memref<1x120xi32, #tpu.memory_space<vmem>> -> memref<120xi32, #tpu.memory_space<vmem>>
        %dma_start3A_226 = arith.constant 0 : i32
        %dma_start3A_227 = tpu.memref_slice %arg4[%add3A, %add3A_221, %dma_start3A_226] : memref<32x84x120xi32, #tpu.memory_space<hbm>> -> memref<1x1x120xi32, #tpu.memory_space<hbm>>
        %dma_start3A_228 = tpu.memref_squeeze %dma_start3A_227 : memref<1x1x120xi32, #tpu.memory_space<hbm>> -> memref<120xi32, #tpu.memory_space<hbm>>
        %dma_start3A_229 = arith.constant 0 : i32
        %dma_start3A_230 = tpu.memref_slice %arg7[%dma_start3A_222, %dma_start3A_229] : memref<3x120xi32, #tpu.memory_space<vmem>> -> memref<1x120xi32, #tpu.memory_space<vmem>>
        %dma_start3A_231 = tpu.memref_squeeze %dma_start3A_230 : memref<1x120xi32, #tpu.memory_space<vmem>> -> memref<120xi32, #tpu.memory_space<vmem>>
        %dma_start3A_232 = arith.constant 0 : i32
        %dma_start3A_233 = tpu.memref_slice %arg4[%add3A, %add3A_221, %dma_start3A_232] : memref<32x84x120xi32, #tpu.memory_space<hbm>> -> memref<1x1x120xi32, #tpu.memory_space<hbm>>
        %dma_start3A_234 = tpu.memref_squeeze %dma_start3A_233 : memref<1x1x120xi32, #tpu.memory_space<hbm>> -> memref<120xi32, #tpu.memory_space<hbm>>
        tpu.enqueue_dma source(%dma_start3A_234 : memref<120xi32, #tpu.memory_space<hbm>>) target(%dma_start3A_231 : memref<120xi32, #tpu.memory_space<vmem>>) target_semaphore(%arg18 : memref<!tpu.dma_semaphore, #tpu.memory_space<semaphore_mem>>)
      } else {
      }
      %dma_wait3A_155 = arith.constant 1 : i32
      %dma_wait3A_156 = arith.constant 0 : i32
      %dma_wait3A_157 = tpu.memref_slice %arg6[%dma_wait3A_155, %dma_wait3A_156] : memref<3x120xi32, #tpu.memory_space<vmem>> -> memref<1x120xi32, #tpu.memory_space<vmem>>
      %dma_wait3A_158 = tpu.memref_squeeze %dma_wait3A_157 : memref<1x120xi32, #tpu.memory_space<vmem>> -> memref<120xi32, #tpu.memory_space<vmem>>
      %dma_wait3A_159 = arith.constant 0 : i32
      %dma_wait3A_160 = arith.constant 0 : i32
      %dma_wait3A_161 = tpu.memref_slice %arg2[%dma_wait3A_159, %dma_wait3A_160] : memref<10240x128xf32, #tpu.memory_space<hbm>> -> memref<10240x128xf32, #tpu.memory_space<hbm>>
      tpu.wait_indirect_dma semaphore(%arg13 : memref<!tpu.dma_semaphore, #tpu.memory_space<semaphore_mem>>) src(%dma_wait3A_161 : memref<10240x128xf32, #tpu.memory_space<hbm>>) dst(%arg9 : memref<120x128xf32, #tpu.memory_space<vmem>>)
      %convert_element_type3A_162 = arith.extui %lt3A_144 : i1 to i32
      %cond3A_163 = arith.constant 0 : i32
      %cond3A_164 = arith.cmpi ne, %convert_element_type3A_162, %cond3A_163 : i32
      scf.if %cond3A_164 {
        %add3A_205 = arith.constant 2 : i32
        %add3A_206 = arith.addi %add3A_143, %add3A_205 : i32
        %dma_wait3A_207 = arith.constant 0 : i32
        %dma_wait3A_208 = arith.constant 0 : i32
        %dma_wait3A_209 = tpu.memref_slice %arg6[%dma_wait3A_207, %dma_wait3A_208] : memref<3x120xi32, #tpu.memory_space<vmem>> -> memref<1x120xi32, #tpu.memory_space<vmem>>
        %dma_wait3A_210 = tpu.memref_squeeze %dma_wait3A_209 : memref<1x120xi32, #tpu.memory_space<vmem>> -> memref<120xi32, #tpu.memory_space<vmem>>
        %dma_wait3A_211 = arith.constant 0 : i32
        %dma_wait3A_212 = tpu.memref_slice %arg3[%add3A, %add3A_206, %dma_wait3A_211] : memref<32x84x120xi32, #tpu.memory_space<hbm>> -> memref<1x1x120xi32, #tpu.memory_space<hbm>>
        %dma_wait3A_213 = tpu.memref_squeeze %dma_wait3A_212 : memref<1x1x120xi32, #tpu.memory_space<hbm>> -> memref<120xi32, #tpu.memory_space<hbm>>
        %dma_wait3A_214 = arith.constant 0 : i32
        %dma_wait3A_215 = tpu.memref_slice %arg6[%dma_wait3A_207, %dma_wait3A_214] : memref<3x120xi32, #tpu.memory_space<vmem>> -> memref<1x120xi32, #tpu.memory_space<vmem>>
        %dma_wait3A_216 = tpu.memref_squeeze %dma_wait3A_215 : memref<1x120xi32, #tpu.memory_space<vmem>> -> memref<120xi32, #tpu.memory_space<vmem>>
        %dma_wait3A_217 = arith.constant 0 : i32
        %dma_wait3A_218 = tpu.memref_slice %arg3[%add3A, %add3A_206, %dma_wait3A_217] : memref<32x84x120xi32, #tpu.memory_space<hbm>> -> memref<1x1x120xi32, #tpu.memory_space<hbm>>
        %dma_wait3A_219 = tpu.memref_squeeze %dma_wait3A_218 : memref<1x1x120xi32, #tpu.memory_space<hbm>> -> memref<120xi32, #tpu.memory_space<hbm>>
        tpu.wait_dma2 semaphore(%arg18 : memref<!tpu.dma_semaphore, #tpu.memory_space<semaphore_mem>>) src(%dma_wait3A_219 : memref<120xi32, #tpu.memory_space<hbm>>) dst(%dma_wait3A_216 : memref<120xi32, #tpu.memory_space<vmem>>)
        %add3A_220 = arith.constant 2 : i32
        %add3A_221 = arith.addi %add3A_143, %add3A_220 : i32
        %dma_wait3A_222 = arith.constant 0 : i32
        %dma_wait3A_223 = arith.constant 0 : i32
        %dma_wait3A_224 = tpu.memref_slice %arg7[%dma_wait3A_222, %dma_wait3A_223] : memref<3x120xi32, #tpu.memory_space<vmem>> -> memref<1x120xi32, #tpu.memory_space<vmem>>
        %dma_wait3A_225 = tpu.memref_squeeze %dma_wait3A_224 : memref<1x120xi32, #tpu.memory_space<vmem>> -> memref<120xi32, #tpu.memory_space<vmem>>
        %dma_wait3A_226 = arith.constant 0 : i32
        %dma_wait3A_227 = tpu.memref_slice %arg4[%add3A, %add3A_221, %dma_wait3A_226] : memref<32x84x120xi32, #tpu.memory_space<hbm>> -> memref<1x1x120xi32, #tpu.memory_space<hbm>>
        %dma_wait3A_228 = tpu.memref_squeeze %dma_wait3A_227 : memref<1x1x120xi32, #tpu.memory_space<hbm>> -> memref<120xi32, #tpu.memory_space<hbm>>
        %dma_wait3A_229 = arith.constant 0 : i32
        %dma_wait3A_230 = tpu.memref_slice %arg7[%dma_wait3A_222, %dma_wait3A_229] : memref<3x120xi32, #tpu.memory_space<vmem>> -> memref<1x120xi32, #tpu.memory_space<vmem>>
        %dma_wait3A_231 = tpu.memref_squeeze %dma_wait3A_230 : memref<1x120xi32, #tpu.memory_space<vmem>> -> memref<120xi32, #tpu.memory_space<vmem>>
        %dma_wait3A_232 = arith.constant 0 : i32
        %dma_wait3A_233 = tpu.memref_slice %arg4[%add3A, %add3A_221, %dma_wait3A_232] : memref<32x84x120xi32, #tpu.memory_space<hbm>> -> memref<1x1x120xi32, #tpu.memory_space<hbm>>
        %dma_wait3A_234 = tpu.memref_squeeze %dma_wait3A_233 : memref<1x1x120xi32, #tpu.memory_space<hbm>> -> memref<120xi32, #tpu.memory_space<hbm>>
        tpu.wait_dma2 semaphore(%arg18 : memref<!tpu.dma_semaphore, #tpu.memory_space<semaphore_mem>>) src(%dma_wait3A_234 : memref<120xi32, #tpu.memory_space<hbm>>) dst(%dma_wait3A_231 : memref<120xi32, #tpu.memory_space<vmem>>)
        %dma_start3A_235 = arith.constant 0 : i32
        %dma_start3A_236 = arith.constant 0 : i32
        %dma_start3A_237 = tpu.memref_slice %arg6[%dma_start3A_235, %dma_start3A_236] : memref<3x120xi32, #tpu.memory_space<vmem>> -> memref<1x120xi32, #tpu.memory_space<vmem>>
        %dma_start3A_238 = tpu.memref_squeeze %dma_start3A_237 : memref<1x120xi32, #tpu.memory_space<vmem>> -> memref<120xi32, #tpu.memory_space<vmem>>
        %dma_start3A_239 = arith.constant 0 : i32
        %dma_start3A_240 = arith.constant 0 : i32
        %dma_start3A_241 = tpu.memref_slice %arg2[%dma_start3A_239, %dma_start3A_240] : memref<10240x128xf32, #tpu.memory_space<hbm>> -> memref<10240x128xf32, #tpu.memory_space<hbm>>
        tpu.enqueue_indirect_dma source(%dma_start3A_241 : memref<10240x128xf32, #tpu.memory_space<hbm>>) target(%arg8 : memref<120x128xf32, #tpu.memory_space<vmem>>) offsets(%dma_start3A_238 : memref<120xi32, #tpu.memory_space<vmem>>) semaphore(%arg12 : memref<!tpu.dma_semaphore, #tpu.memory_space<semaphore_mem>>)
      } else {
      }
      %dma_start3A_165 = arith.constant 1 : i32
      %dma_start3A_166 = arith.constant 0 : i32
      %dma_start3A_167 = tpu.memref_slice %arg7[%dma_start3A_165, %dma_start3A_166] : memref<3x120xi32, #tpu.memory_space<vmem>> -> memref<1x120xi32, #tpu.memory_space<vmem>>
      %dma_start3A_168 = tpu.memref_squeeze %dma_start3A_167 : memref<1x120xi32, #tpu.memory_space<vmem>> -> memref<120xi32, #tpu.memory_space<vmem>>
      %dma_start3A_169 = arith.constant 0 : i32
      %dma_start3A_170 = arith.constant 0 : i32
      %dma_start3A_171 = tpu.memref_slice %arg11[%dma_start3A_169, %dma_start3A_170] : memref<10240x128xf32, #tpu.memory_space<vmem_shared>> -> memref<10240x128xf32, #tpu.memory_space<vmem_shared>>
      tpu.enqueue_indirect_dma source(%arg9 : memref<120x128xf32, #tpu.memory_space<vmem>>) target(%dma_start3A_171 : memref<10240x128xf32, #tpu.memory_space<vmem_shared>>) offsets(%dma_start3A_168 : memref<120xi32, #tpu.memory_space<vmem>>) semaphore(%arg16 : memref<!tpu.dma_semaphore, #tpu.memory_space<semaphore_mem>>) {add = true}
      %mul3A_172 = arith.constant 3 : i32
      %mul3A_173 = arith.muli %mul3A_172, %scan3A_52 : i32
      %add3A_174 = arith.constant 2 : i32
      %add3A_175 = arith.addi %mul3A_173, %add3A_174 : i32
      %lt3A_176 = arith.constant 27 : i32
      %lt3A_177 = arith.cmpi slt, %scan3A_52, %lt3A_176 : i32
      %dma_wait3A_178 = arith.constant 1 : i32
      %dma_wait3A_179 = arith.constant 0 : i32
      %dma_wait3A_180 = tpu.memref_slice %arg7[%dma_wait3A_178, %dma_wait3A_179] : memref<3x120xi32, #tpu.memory_space<vmem>> -> memref<1x120xi32, #tpu.memory_space<vmem>>
      %dma_wait3A_181 = tpu.memref_squeeze %dma_wait3A_180 : memref<1x120xi32, #tpu.memory_space<vmem>> -> memref<120xi32, #tpu.memory_space<vmem>>
      %dma_wait3A_182 = arith.constant 0 : i32
      %dma_wait3A_183 = arith.constant 0 : i32
      %dma_wait3A_184 = tpu.memref_slice %arg11[%dma_wait3A_182, %dma_wait3A_183] : memref<10240x128xf32, #tpu.memory_space<vmem_shared>> -> memref<10240x128xf32, #tpu.memory_space<vmem_shared>>
      tpu.wait_indirect_dma semaphore(%arg16 : memref<!tpu.dma_semaphore, #tpu.memory_space<semaphore_mem>>) src(%arg9 : memref<120x128xf32, #tpu.memory_space<vmem>>) dst(%dma_wait3A_184 : memref<10240x128xf32, #tpu.memory_space<vmem_shared>>)
      %convert_element_type3A_185 = arith.extui %lt3A_177 : i1 to i32
      %cond3A_186 = arith.constant 0 : i32
      %cond3A_187 = arith.cmpi ne, %convert_element_type3A_185, %cond3A_186 : i32
      scf.if %cond3A_187 {
        %add3A_205 = arith.constant 2 : i32
        %add3A_206 = arith.addi %add3A_175, %add3A_205 : i32
        %dma_start3A_207 = arith.constant 1 : i32
        %dma_start3A_208 = arith.constant 0 : i32
        %dma_start3A_209 = tpu.memref_slice %arg6[%dma_start3A_207, %dma_start3A_208] : memref<3x120xi32, #tpu.memory_space<vmem>> -> memref<1x120xi32, #tpu.memory_space<vmem>>
        %dma_start3A_210 = tpu.memref_squeeze %dma_start3A_209 : memref<1x120xi32, #tpu.memory_space<vmem>> -> memref<120xi32, #tpu.memory_space<vmem>>
        %dma_start3A_211 = arith.constant 0 : i32
        %dma_start3A_212 = tpu.memref_slice %arg3[%add3A, %add3A_206, %dma_start3A_211] : memref<32x84x120xi32, #tpu.memory_space<hbm>> -> memref<1x1x120xi32, #tpu.memory_space<hbm>>
        %dma_start3A_213 = tpu.memref_squeeze %dma_start3A_212 : memref<1x1x120xi32, #tpu.memory_space<hbm>> -> memref<120xi32, #tpu.memory_space<hbm>>
        %dma_start3A_214 = arith.constant 0 : i32
        %dma_start3A_215 = tpu.memref_slice %arg6[%dma_start3A_207, %dma_start3A_214] : memref<3x120xi32, #tpu.memory_space<vmem>> -> memref<1x120xi32, #tpu.memory_space<vmem>>
        %dma_start3A_216 = tpu.memref_squeeze %dma_start3A_215 : memref<1x120xi32, #tpu.memory_space<vmem>> -> memref<120xi32, #tpu.memory_space<vmem>>
        %dma_start3A_217 = arith.constant 0 : i32
        %dma_start3A_218 = tpu.memref_slice %arg3[%add3A, %add3A_206, %dma_start3A_217] : memref<32x84x120xi32, #tpu.memory_space<hbm>> -> memref<1x1x120xi32, #tpu.memory_space<hbm>>
        %dma_start3A_219 = tpu.memref_squeeze %dma_start3A_218 : memref<1x1x120xi32, #tpu.memory_space<hbm>> -> memref<120xi32, #tpu.memory_space<hbm>>
        tpu.enqueue_dma source(%dma_start3A_219 : memref<120xi32, #tpu.memory_space<hbm>>) target(%dma_start3A_216 : memref<120xi32, #tpu.memory_space<vmem>>) target_semaphore(%arg19 : memref<!tpu.dma_semaphore, #tpu.memory_space<semaphore_mem>>)
        %add3A_220 = arith.constant 2 : i32
        %add3A_221 = arith.addi %add3A_175, %add3A_220 : i32
        %dma_start3A_222 = arith.constant 1 : i32
        %dma_start3A_223 = arith.constant 0 : i32
        %dma_start3A_224 = tpu.memref_slice %arg7[%dma_start3A_222, %dma_start3A_223] : memref<3x120xi32, #tpu.memory_space<vmem>> -> memref<1x120xi32, #tpu.memory_space<vmem>>
        %dma_start3A_225 = tpu.memref_squeeze %dma_start3A_224 : memref<1x120xi32, #tpu.memory_space<vmem>> -> memref<120xi32, #tpu.memory_space<vmem>>
        %dma_start3A_226 = arith.constant 0 : i32
        %dma_start3A_227 = tpu.memref_slice %arg4[%add3A, %add3A_221, %dma_start3A_226] : memref<32x84x120xi32, #tpu.memory_space<hbm>> -> memref<1x1x120xi32, #tpu.memory_space<hbm>>
        %dma_start3A_228 = tpu.memref_squeeze %dma_start3A_227 : memref<1x1x120xi32, #tpu.memory_space<hbm>> -> memref<120xi32, #tpu.memory_space<hbm>>
        %dma_start3A_229 = arith.constant 0 : i32
        %dma_start3A_230 = tpu.memref_slice %arg7[%dma_start3A_222, %dma_start3A_229] : memref<3x120xi32, #tpu.memory_space<vmem>> -> memref<1x120xi32, #tpu.memory_space<vmem>>
        %dma_start3A_231 = tpu.memref_squeeze %dma_start3A_230 : memref<1x120xi32, #tpu.memory_space<vmem>> -> memref<120xi32, #tpu.memory_space<vmem>>
        %dma_start3A_232 = arith.constant 0 : i32
        %dma_start3A_233 = tpu.memref_slice %arg4[%add3A, %add3A_221, %dma_start3A_232] : memref<32x84x120xi32, #tpu.memory_space<hbm>> -> memref<1x1x120xi32, #tpu.memory_space<hbm>>
        %dma_start3A_234 = tpu.memref_squeeze %dma_start3A_233 : memref<1x1x120xi32, #tpu.memory_space<hbm>> -> memref<120xi32, #tpu.memory_space<hbm>>
        tpu.enqueue_dma source(%dma_start3A_234 : memref<120xi32, #tpu.memory_space<hbm>>) target(%dma_start3A_231 : memref<120xi32, #tpu.memory_space<vmem>>) target_semaphore(%arg19 : memref<!tpu.dma_semaphore, #tpu.memory_space<semaphore_mem>>)
      } else {
      }
      %dma_wait3A_188 = arith.constant 2 : i32
      %dma_wait3A_189 = arith.constant 0 : i32
      %dma_wait3A_190 = tpu.memref_slice %arg6[%dma_wait3A_188, %dma_wait3A_189] : memref<3x120xi32, #tpu.memory_space<vmem>> -> memref<1x120xi32, #tpu.memory_space<vmem>>
      %dma_wait3A_191 = tpu.memref_squeeze %dma_wait3A_190 : memref<1x120xi32, #tpu.memory_space<vmem>> -> memref<120xi32, #tpu.memory_space<vmem>>
      %dma_wait3A_192 = arith.constant 0 : i32
      %dma_wait3A_193 = arith.constant 0 : i32
      %dma_wait3A_194 = tpu.memref_slice %arg2[%dma_wait3A_192, %dma_wait3A_193] : memref<10240x128xf32, #tpu.memory_space<hbm>> -> memref<10240x128xf32, #tpu.memory_space<hbm>>
      tpu.wait_indirect_dma semaphore(%arg14 : memref<!tpu.dma_semaphore, #tpu.memory_space<semaphore_mem>>) src(%dma_wait3A_194 : memref<10240x128xf32, #tpu.memory_space<hbm>>) dst(%arg10 : memref<120x128xf32, #tpu.memory_space<vmem>>)
      %convert_element_type3A_195 = arith.extui %lt3A_177 : i1 to i32
      %cond3A_196 = arith.constant 0 : i32
      %cond3A_197 = arith.cmpi ne, %convert_element_type3A_195, %cond3A_196 : i32
      scf.if %cond3A_197 {
        %add3A_205 = arith.constant 2 : i32
        %add3A_206 = arith.addi %add3A_175, %add3A_205 : i32
        %dma_wait3A_207 = arith.constant 1 : i32
        %dma_wait3A_208 = arith.constant 0 : i32
        %dma_wait3A_209 = tpu.memref_slice %arg6[%dma_wait3A_207, %dma_wait3A_208] : memref<3x120xi32, #tpu.memory_space<vmem>> -> memref<1x120xi32, #tpu.memory_space<vmem>>
        %dma_wait3A_210 = tpu.memref_squeeze %dma_wait3A_209 : memref<1x120xi32, #tpu.memory_space<vmem>> -> memref<120xi32, #tpu.memory_space<vmem>>
        %dma_wait3A_211 = arith.constant 0 : i32
        %dma_wait3A_212 = tpu.memref_slice %arg3[%add3A, %add3A_206, %dma_wait3A_211] : memref<32x84x120xi32, #tpu.memory_space<hbm>> -> memref<1x1x120xi32, #tpu.memory_space<hbm>>
        %dma_wait3A_213 = tpu.memref_squeeze %dma_wait3A_212 : memref<1x1x120xi32, #tpu.memory_space<hbm>> -> memref<120xi32, #tpu.memory_space<hbm>>
        %dma_wait3A_214 = arith.constant 0 : i32
        %dma_wait3A_215 = tpu.memref_slice %arg6[%dma_wait3A_207, %dma_wait3A_214] : memref<3x120xi32, #tpu.memory_space<vmem>> -> memref<1x120xi32, #tpu.memory_space<vmem>>
        %dma_wait3A_216 = tpu.memref_squeeze %dma_wait3A_215 : memref<1x120xi32, #tpu.memory_space<vmem>> -> memref<120xi32, #tpu.memory_space<vmem>>
        %dma_wait3A_217 = arith.constant 0 : i32
        %dma_wait3A_218 = tpu.memref_slice %arg3[%add3A, %add3A_206, %dma_wait3A_217] : memref<32x84x120xi32, #tpu.memory_space<hbm>> -> memref<1x1x120xi32, #tpu.memory_space<hbm>>
        %dma_wait3A_219 = tpu.memref_squeeze %dma_wait3A_218 : memref<1x1x120xi32, #tpu.memory_space<hbm>> -> memref<120xi32, #tpu.memory_space<hbm>>
        tpu.wait_dma2 semaphore(%arg19 : memref<!tpu.dma_semaphore, #tpu.memory_space<semaphore_mem>>) src(%dma_wait3A_219 : memref<120xi32, #tpu.memory_space<hbm>>) dst(%dma_wait3A_216 : memref<120xi32, #tpu.memory_space<vmem>>)
        %add3A_220 = arith.constant 2 : i32
        %add3A_221 = arith.addi %add3A_175, %add3A_220 : i32
        %dma_wait3A_222 = arith.constant 1 : i32
        %dma_wait3A_223 = arith.constant 0 : i32
        %dma_wait3A_224 = tpu.memref_slice %arg7[%dma_wait3A_222, %dma_wait3A_223] : memref<3x120xi32, #tpu.memory_space<vmem>> -> memref<1x120xi32, #tpu.memory_space<vmem>>
        %dma_wait3A_225 = tpu.memref_squeeze %dma_wait3A_224 : memref<1x120xi32, #tpu.memory_space<vmem>> -> memref<120xi32, #tpu.memory_space<vmem>>
        %dma_wait3A_226 = arith.constant 0 : i32
        %dma_wait3A_227 = tpu.memref_slice %arg4[%add3A, %add3A_221, %dma_wait3A_226] : memref<32x84x120xi32, #tpu.memory_space<hbm>> -> memref<1x1x120xi32, #tpu.memory_space<hbm>>
        %dma_wait3A_228 = tpu.memref_squeeze %dma_wait3A_227 : memref<1x1x120xi32, #tpu.memory_space<hbm>> -> memref<120xi32, #tpu.memory_space<hbm>>
        %dma_wait3A_229 = arith.constant 0 : i32
        %dma_wait3A_230 = tpu.memref_slice %arg7[%dma_wait3A_222, %dma_wait3A_229] : memref<3x120xi32, #tpu.memory_space<vmem>> -> memref<1x120xi32, #tpu.memory_space<vmem>>
        %dma_wait3A_231 = tpu.memref_squeeze %dma_wait3A_230 : memref<1x120xi32, #tpu.memory_space<vmem>> -> memref<120xi32, #tpu.memory_space<vmem>>
        %dma_wait3A_232 = arith.constant 0 : i32
        %dma_wait3A_233 = tpu.memref_slice %arg4[%add3A, %add3A_221, %dma_wait3A_232] : memref<32x84x120xi32, #tpu.memory_space<hbm>> -> memref<1x1x120xi32, #tpu.memory_space<hbm>>
        %dma_wait3A_234 = tpu.memref_squeeze %dma_wait3A_233 : memref<1x1x120xi32, #tpu.memory_space<hbm>> -> memref<120xi32, #tpu.memory_space<hbm>>
        tpu.wait_dma2 semaphore(%arg19 : memref<!tpu.dma_semaphore, #tpu.memory_space<semaphore_mem>>) src(%dma_wait3A_234 : memref<120xi32, #tpu.memory_space<hbm>>) dst(%dma_wait3A_231 : memref<120xi32, #tpu.memory_space<vmem>>)
        %dma_start3A_235 = arith.constant 1 : i32
        %dma_start3A_236 = arith.constant 0 : i32
        %dma_start3A_237 = tpu.memref_slice %arg6[%dma_start3A_235, %dma_start3A_236] : memref<3x120xi32, #tpu.memory_space<vmem>> -> memref<1x120xi32, #tpu.memory_space<vmem>>
        %dma_start3A_238 = tpu.memref_squeeze %dma_start3A_237 : memref<1x120xi32, #tpu.memory_space<vmem>> -> memref<120xi32, #tpu.memory_space<vmem>>
        %dma_start3A_239 = arith.constant 0 : i32
        %dma_start3A_240 = arith.constant 0 : i32
        %dma_start3A_241 = tpu.memref_slice %arg2[%dma_start3A_239, %dma_start3A_240] : memref<10240x128xf32, #tpu.memory_space<hbm>> -> memref<10240x128xf32, #tpu.memory_space<hbm>>
        tpu.enqueue_indirect_dma source(%dma_start3A_241 : memref<10240x128xf32, #tpu.memory_space<hbm>>) target(%arg9 : memref<120x128xf32, #tpu.memory_space<vmem>>) offsets(%dma_start3A_238 : memref<120xi32, #tpu.memory_space<vmem>>) semaphore(%arg13 : memref<!tpu.dma_semaphore, #tpu.memory_space<semaphore_mem>>)
      } else {
      }
      %dma_start3A_198 = arith.constant 2 : i32
      %dma_start3A_199 = arith.constant 0 : i32
      %dma_start3A_200 = tpu.memref_slice %arg7[%dma_start3A_198, %dma_start3A_199] : memref<3x120xi32, #tpu.memory_space<vmem>> -> memref<1x120xi32, #tpu.memory_space<vmem>>
      %dma_start3A_201 = tpu.memref_squeeze %dma_start3A_200 : memref<1x120xi32, #tpu.memory_space<vmem>> -> memref<120xi32, #tpu.memory_space<vmem>>
      %dma_start3A_202 = arith.constant 0 : i32
      %dma_start3A_203 = arith.constant 0 : i32
      %dma_start3A_204 = tpu.memref_slice %arg11[%dma_start3A_202, %dma_start3A_203] : memref<10240x128xf32, #tpu.memory_space<vmem_shared>> -> memref<10240x128xf32, #tpu.memory_space<vmem_shared>>
      tpu.enqueue_indirect_dma source(%arg10 : memref<120x128xf32, #tpu.memory_space<vmem>>) target(%dma_start3A_204 : memref<10240x128xf32, #tpu.memory_space<vmem_shared>>) offsets(%dma_start3A_201 : memref<120xi32, #tpu.memory_space<vmem>>) semaphore(%arg17 : memref<!tpu.dma_semaphore, #tpu.memory_space<semaphore_mem>>) {add = true}
    }
    %scan3A_38 = arith.constant 28 : i32
    %dma_wait3A = arith.constant 2 : i32
    %dma_wait3A_39 = arith.constant 0 : i32
    %dma_wait3A_40 = tpu.memref_slice %arg7[%dma_wait3A, %dma_wait3A_39] : memref<3x120xi32, #tpu.memory_space<vmem>> -> memref<1x120xi32, #tpu.memory_space<vmem>>
    %dma_wait3A_41 = tpu.memref_squeeze %dma_wait3A_40 : memref<1x120xi32, #tpu.memory_space<vmem>> -> memref<120xi32, #tpu.memory_space<vmem>>
    %dma_wait3A_42 = arith.constant 0 : i32
    %dma_wait3A_43 = arith.constant 0 : i32
    %dma_wait3A_44 = tpu.memref_slice %arg11[%dma_wait3A_42, %dma_wait3A_43] : memref<10240x128xf32, #tpu.memory_space<vmem_shared>> -> memref<10240x128xf32, #tpu.memory_space<vmem_shared>>
    tpu.wait_indirect_dma semaphore(%arg17 : memref<!tpu.dma_semaphore, #tpu.memory_space<semaphore_mem>>) src(%arg10 : memref<120x128xf32, #tpu.memory_space<vmem>>) dst(%dma_wait3A_44 : memref<10240x128xf32, #tpu.memory_space<vmem_shared>>)
    %barrier3A_45 = arith.constant 0 : index
    tpu.barrier barrier_id(%barrier3A_45)
    %scan3A_46 = arith.constant 0 : i32
    %scan3A_47 = arith.constant 0 : i32
    %scan3A_48 = arith.constant 8 : i32
    %scan3A_49 = arith.addi %scan3A_47, %scan3A_48 : i32
    %scan3A_50 = arith.constant 1 : i32
    scf.for %scan3A_52 = %scan3A_47 to %scan3A_49 step %scan3A_50  : i32 {
      %mul3A_53 = arith.constant 640 : i32
      %mul3A_54 = arith.muli %arg1, %mul3A_53 : i32
      %mul3A_55 = arith.constant 80 : i32
      %mul3A_56 = arith.muli %scan3A_52, %mul3A_55 : i32
      %add3A_57 = arith.addi %mul3A_54, %mul3A_56 : i32
      "tpu.region"() ({
        %run_scoped3A_63 = tpu.sem_alloc : memref<!tpu.dma_semaphore, #tpu.memory_space<semaphore_mem>>
        %dma_start3A_64 = arith.constant 0 : i32
        %dma_start3A_65 = arith.constant 0 : i32
        %dma_start3A_66 = tpu.memref_slice %arg8[%dma_start3A_64, %dma_start3A_65] : memref<120x128xf32, #tpu.memory_space<vmem>> -> memref<80x128xf32, #tpu.memory_space<vmem>>
        %dma_start3A_67 = arith.constant 0 : i32
        %dma_start3A_68 = tpu.memref_slice %arg11[%add3A_57, %dma_start3A_67] : memref<10240x128xf32, #tpu.memory_space<vmem_shared>> -> memref<80x128xf32, #tpu.memory_space<vmem_shared>>
        %dma_start3A_69 = arith.constant 0 : i32
        %dma_start3A_70 = arith.constant 0 : i32
        %dma_start3A_71 = tpu.memref_slice %arg8[%dma_start3A_69, %dma_start3A_70] : memref<120x128xf32, #tpu.memory_space<vmem>> -> memref<80x128xf32, #tpu.memory_space<vmem>>
        %dma_start3A_72 = arith.constant 0 : i32
        %dma_start3A_73 = tpu.memref_slice %arg11[%add3A_57, %dma_start3A_72] : memref<10240x128xf32, #tpu.memory_space<vmem_shared>> -> memref<80x128xf32, #tpu.memory_space<vmem_shared>>
        tpu.enqueue_dma source(%dma_start3A_73 : memref<80x128xf32, #tpu.memory_space<vmem_shared>>) target(%dma_start3A_71 : memref<80x128xf32, #tpu.memory_space<vmem>>) target_semaphore(%run_scoped3A_63 : memref<!tpu.dma_semaphore, #tpu.memory_space<semaphore_mem>>)
        %dma_wait3A_74 = arith.constant 0 : i32
        %dma_wait3A_75 = arith.constant 0 : i32
        %dma_wait3A_76 = tpu.memref_slice %arg8[%dma_wait3A_74, %dma_wait3A_75] : memref<120x128xf32, #tpu.memory_space<vmem>> -> memref<80x128xf32, #tpu.memory_space<vmem>>
        %dma_wait3A_77 = arith.constant 0 : i32
        %dma_wait3A_78 = tpu.memref_slice %arg11[%add3A_57, %dma_wait3A_77] : memref<10240x128xf32, #tpu.memory_space<vmem_shared>> -> memref<80x128xf32, #tpu.memory_space<vmem_shared>>
        %dma_wait3A_79 = arith.constant 0 : i32
        %dma_wait3A_80 = arith.constant 0 : i32
        %dma_wait3A_81 = tpu.memref_slice %arg8[%dma_wait3A_79, %dma_wait3A_80] : memref<120x128xf32, #tpu.memory_space<vmem>> -> memref<80x128xf32, #tpu.memory_space<vmem>>
        %dma_wait3A_82 = arith.constant 0 : i32
        %dma_wait3A_83 = tpu.memref_slice %arg11[%add3A_57, %dma_wait3A_82] : memref<10240x128xf32, #tpu.memory_space<vmem_shared>> -> memref<80x128xf32, #tpu.memory_space<vmem_shared>>
        tpu.wait_dma2 semaphore(%run_scoped3A_63 : memref<!tpu.dma_semaphore, #tpu.memory_space<semaphore_mem>>) src(%dma_wait3A_83 : memref<80x128xf32, #tpu.memory_space<vmem_shared>>) dst(%dma_wait3A_81 : memref<80x128xf32, #tpu.memory_space<vmem>>)
        tpu.yield
      }) : () -> ()
      %mul3A_58 = arith.constant 640 : i32
      %mul3A_59 = arith.muli %arg1, %mul3A_58 : i32
      %mul3A_60 = arith.constant 80 : i32
      %mul3A_61 = arith.muli %scan3A_52, %mul3A_60 : i32
      %add3A_62 = arith.addi %mul3A_59, %mul3A_61 : i32
      "tpu.region"() ({
        %run_scoped3A_63 = tpu.sem_alloc : memref<!tpu.dma_semaphore, #tpu.memory_space<semaphore_mem>>
        %dma_start3A_64 = arith.constant 0 : i32
        %dma_start3A_65 = arith.constant 0 : i32
        %dma_start3A_66 = tpu.memref_slice %arg8[%dma_start3A_64, %dma_start3A_65] : memref<120x128xf32, #tpu.memory_space<vmem>> -> memref<80x128xf32, #tpu.memory_space<vmem>>
        %dma_start3A_67 = arith.constant 0 : i32
        %dma_start3A_68 = tpu.memref_slice %arg5[%arg0, %add3A_62, %dma_start3A_67] : memref<2x10240x128xf32, #tpu.memory_space<hbm>> -> memref<1x80x128xf32, #tpu.memory_space<hbm>>
        %dma_start3A_69 = tpu.memref_squeeze %dma_start3A_68 : memref<1x80x128xf32, #tpu.memory_space<hbm>> -> memref<80x128xf32, #tpu.memory_space<hbm>>
        %dma_start3A_70 = arith.constant 0 : i32
        %dma_start3A_71 = tpu.memref_slice %arg5[%arg0, %add3A_62, %dma_start3A_70] : memref<2x10240x128xf32, #tpu.memory_space<hbm>> -> memref<1x80x128xf32, #tpu.memory_space<hbm>>
        %dma_start3A_72 = tpu.memref_squeeze %dma_start3A_71 : memref<1x80x128xf32, #tpu.memory_space<hbm>> -> memref<80x128xf32, #tpu.memory_space<hbm>>
        %dma_start3A_73 = arith.constant 0 : i32
        %dma_start3A_74 = arith.constant 0 : i32
        %dma_start3A_75 = tpu.memref_slice %arg8[%dma_start3A_73, %dma_start3A_74] : memref<120x128xf32, #tpu.memory_space<vmem>> -> memref<80x128xf32, #tpu.memory_space<vmem>>
        tpu.enqueue_dma source(%dma_start3A_75 : memref<80x128xf32, #tpu.memory_space<vmem>>) target(%dma_start3A_72 : memref<80x128xf32, #tpu.memory_space<hbm>>) target_semaphore(%run_scoped3A_63 : memref<!tpu.dma_semaphore, #tpu.memory_space<semaphore_mem>>)
        %dma_wait3A_76 = arith.constant 0 : i32
        %dma_wait3A_77 = arith.constant 0 : i32
        %dma_wait3A_78 = tpu.memref_slice %arg8[%dma_wait3A_76, %dma_wait3A_77] : memref<120x128xf32, #tpu.memory_space<vmem>> -> memref<80x128xf32, #tpu.memory_space<vmem>>
        %dma_wait3A_79 = arith.constant 0 : i32
        %dma_wait3A_80 = tpu.memref_slice %arg5[%arg0, %add3A_62, %dma_wait3A_79] : memref<2x10240x128xf32, #tpu.memory_space<hbm>> -> memref<1x80x128xf32, #tpu.memory_space<hbm>>
        %dma_wait3A_81 = tpu.memref_squeeze %dma_wait3A_80 : memref<1x80x128xf32, #tpu.memory_space<hbm>> -> memref<80x128xf32, #tpu.memory_space<hbm>>
        %dma_wait3A_82 = arith.constant 0 : i32
        %dma_wait3A_83 = tpu.memref_slice %arg5[%arg0, %add3A_62, %dma_wait3A_82] : memref<2x10240x128xf32, #tpu.memory_space<hbm>> -> memref<1x80x128xf32, #tpu.memory_space<hbm>>
        %dma_wait3A_84 = tpu.memref_squeeze %dma_wait3A_83 : memref<1x80x128xf32, #tpu.memory_space<hbm>> -> memref<80x128xf32, #tpu.memory_space<hbm>>
        %dma_wait3A_85 = arith.constant 0 : i32
        %dma_wait3A_86 = arith.constant 0 : i32
        %dma_wait3A_87 = tpu.memref_slice %arg8[%dma_wait3A_85, %dma_wait3A_86] : memref<120x128xf32, #tpu.memory_space<vmem>> -> memref<80x128xf32, #tpu.memory_space<vmem>>
        tpu.wait_dma2 semaphore(%run_scoped3A_63 : memref<!tpu.dma_semaphore, #tpu.memory_space<semaphore_mem>>) src(%dma_wait3A_87 : memref<80x128xf32, #tpu.memory_space<vmem>>) dst(%dma_wait3A_84 : memref<80x128xf32, #tpu.memory_space<hbm>>)
        tpu.yield
      }) : () -> ()
    }
    %scan3A_51 = arith.constant 8 : i32
    return
  }
}

#map = affine_map<(d0, d1) -> (0, 0)>
#map1 = affine_map<(d0, d1) -> (0, 0, 0)>
#map2 = affine_map<(d0, d1) -> (0, 0, 0, 0)>
module attributes {stable_mosaic.version = 14 : i64} {
  func.func @_edge_kernel(%arg0: i32, %arg1: i32, %arg2: memref<10240x128xf32, #tpu.memory_space<hbm>>, %arg3: memref<32x80x128xi32, #tpu.memory_space<hbm>>, %arg4: memref<32x80x128xi32, #tpu.memory_space<hbm>>, %arg5: memref<32x80x16x128xf32, #tpu.memory_space<hbm>>, %arg6: memref<80x128xi32, #tpu.memory_space<vmem>>, %arg7: memref<80x128xi32, #tpu.memory_space<vmem>>, %arg8: memref<128x128xf32, #tpu.memory_space<vmem>>, %arg9: memref<128x128xf32, #tpu.memory_space<vmem>>, %arg10: memref<128x128xf32, #tpu.memory_space<vmem>>, %arg11: memref<128x128xf32, #tpu.memory_space<vmem>>, %arg12: memref<16x128xf32, #tpu.memory_space<vmem>>, %arg13: memref<16x128xf32, #tpu.memory_space<vmem>>, %arg14: memref<!tpu.dma_semaphore, #tpu.memory_space<semaphore_mem>>, %arg15: memref<!tpu.dma_semaphore, #tpu.memory_space<semaphore_mem>>, %arg16: memref<!tpu.dma_semaphore, #tpu.memory_space<semaphore_mem>>, %arg17: memref<!tpu.dma_semaphore, #tpu.memory_space<semaphore_mem>>) attributes {dimension_semantics = [#tpu.dimension_semantics<core_parallel>, #tpu.dimension_semantics<subcore_parallel>], iteration_bounds = array<i64: 2, 16>, scalar_prefetch = 0 : i64, scratch_operands = 12 : i64, tpu.core_type = #tpu.core_type<sc_vector_subcore>, window_params = [{transform_indices = #map}, {transform_indices = #map1}, {transform_indices = #map1}, {transform_indices = #map2}]} {
    %mul3A = arith.constant 2 : i32
    %mul3A_0 = arith.muli %arg1, %mul3A : i32
    %add3A = arith.addi %mul3A_0, %arg0 : i32
    "tpu.region"() ({
      %run_scoped3A = tpu.sem_alloc : memref<!tpu.dma_semaphore, #tpu.memory_space<semaphore_mem>>
      %dma_start3A_50 = arith.constant 0 : i32
      %dma_start3A_51 = arith.constant 0 : i32
      %dma_start3A_52 = tpu.memref_slice %arg3[%add3A, %dma_start3A_50, %dma_start3A_51] : memref<32x80x128xi32, #tpu.memory_space<hbm>> -> memref<1x80x128xi32, #tpu.memory_space<hbm>>
      %dma_start3A_53 = tpu.memref_squeeze %dma_start3A_52 : memref<1x80x128xi32, #tpu.memory_space<hbm>> -> memref<80x128xi32, #tpu.memory_space<hbm>>
      %dma_start3A_54 = arith.constant 0 : i32
      %dma_start3A_55 = arith.constant 0 : i32
      %dma_start3A_56 = tpu.memref_slice %arg3[%add3A, %dma_start3A_54, %dma_start3A_55] : memref<32x80x128xi32, #tpu.memory_space<hbm>> -> memref<1x80x128xi32, #tpu.memory_space<hbm>>
      %dma_start3A_57 = tpu.memref_squeeze %dma_start3A_56 : memref<1x80x128xi32, #tpu.memory_space<hbm>> -> memref<80x128xi32, #tpu.memory_space<hbm>>
      tpu.enqueue_dma source(%dma_start3A_57 : memref<80x128xi32, #tpu.memory_space<hbm>>) target(%arg6 : memref<80x128xi32, #tpu.memory_space<vmem>>) target_semaphore(%run_scoped3A : memref<!tpu.dma_semaphore, #tpu.memory_space<semaphore_mem>>)
      %dma_wait3A_58 = arith.constant 0 : i32
      %dma_wait3A_59 = arith.constant 0 : i32
      %dma_wait3A_60 = tpu.memref_slice %arg3[%add3A, %dma_wait3A_58, %dma_wait3A_59] : memref<32x80x128xi32, #tpu.memory_space<hbm>> -> memref<1x80x128xi32, #tpu.memory_space<hbm>>
      %dma_wait3A_61 = tpu.memref_squeeze %dma_wait3A_60 : memref<1x80x128xi32, #tpu.memory_space<hbm>> -> memref<80x128xi32, #tpu.memory_space<hbm>>
      %dma_wait3A_62 = arith.constant 0 : i32
      %dma_wait3A_63 = arith.constant 0 : i32
      %dma_wait3A_64 = tpu.memref_slice %arg3[%add3A, %dma_wait3A_62, %dma_wait3A_63] : memref<32x80x128xi32, #tpu.memory_space<hbm>> -> memref<1x80x128xi32, #tpu.memory_space<hbm>>
      %dma_wait3A_65 = tpu.memref_squeeze %dma_wait3A_64 : memref<1x80x128xi32, #tpu.memory_space<hbm>> -> memref<80x128xi32, #tpu.memory_space<hbm>>
      tpu.wait_dma2 semaphore(%run_scoped3A : memref<!tpu.dma_semaphore, #tpu.memory_space<semaphore_mem>>) src(%dma_wait3A_65 : memref<80x128xi32, #tpu.memory_space<hbm>>) dst(%arg6 : memref<80x128xi32, #tpu.memory_space<vmem>>)
      tpu.yield
    }) : () -> ()
    "tpu.region"() ({
      %run_scoped3A = tpu.sem_alloc : memref<!tpu.dma_semaphore, #tpu.memory_space<semaphore_mem>>
      %dma_start3A_50 = arith.constant 0 : i32
      %dma_start3A_51 = arith.constant 0 : i32
      %dma_start3A_52 = tpu.memref_slice %arg4[%add3A, %dma_start3A_50, %dma_start3A_51] : memref<32x80x128xi32, #tpu.memory_space<hbm>> -> memref<1x80x128xi32, #tpu.memory_space<hbm>>
      %dma_start3A_53 = tpu.memref_squeeze %dma_start3A_52 : memref<1x80x128xi32, #tpu.memory_space<hbm>> -> memref<80x128xi32, #tpu.memory_space<hbm>>
      %dma_start3A_54 = arith.constant 0 : i32
      %dma_start3A_55 = arith.constant 0 : i32
      %dma_start3A_56 = tpu.memref_slice %arg4[%add3A, %dma_start3A_54, %dma_start3A_55] : memref<32x80x128xi32, #tpu.memory_space<hbm>> -> memref<1x80x128xi32, #tpu.memory_space<hbm>>
      %dma_start3A_57 = tpu.memref_squeeze %dma_start3A_56 : memref<1x80x128xi32, #tpu.memory_space<hbm>> -> memref<80x128xi32, #tpu.memory_space<hbm>>
      tpu.enqueue_dma source(%dma_start3A_57 : memref<80x128xi32, #tpu.memory_space<hbm>>) target(%arg7 : memref<80x128xi32, #tpu.memory_space<vmem>>) target_semaphore(%run_scoped3A : memref<!tpu.dma_semaphore, #tpu.memory_space<semaphore_mem>>)
      %dma_wait3A_58 = arith.constant 0 : i32
      %dma_wait3A_59 = arith.constant 0 : i32
      %dma_wait3A_60 = tpu.memref_slice %arg4[%add3A, %dma_wait3A_58, %dma_wait3A_59] : memref<32x80x128xi32, #tpu.memory_space<hbm>> -> memref<1x80x128xi32, #tpu.memory_space<hbm>>
      %dma_wait3A_61 = tpu.memref_squeeze %dma_wait3A_60 : memref<1x80x128xi32, #tpu.memory_space<hbm>> -> memref<80x128xi32, #tpu.memory_space<hbm>>
      %dma_wait3A_62 = arith.constant 0 : i32
      %dma_wait3A_63 = arith.constant 0 : i32
      %dma_wait3A_64 = tpu.memref_slice %arg4[%add3A, %dma_wait3A_62, %dma_wait3A_63] : memref<32x80x128xi32, #tpu.memory_space<hbm>> -> memref<1x80x128xi32, #tpu.memory_space<hbm>>
      %dma_wait3A_65 = tpu.memref_squeeze %dma_wait3A_64 : memref<1x80x128xi32, #tpu.memory_space<hbm>> -> memref<80x128xi32, #tpu.memory_space<hbm>>
      tpu.wait_dma2 semaphore(%run_scoped3A : memref<!tpu.dma_semaphore, #tpu.memory_space<semaphore_mem>>) src(%dma_wait3A_65 : memref<80x128xi32, #tpu.memory_space<hbm>>) dst(%arg7 : memref<80x128xi32, #tpu.memory_space<vmem>>)
      tpu.yield
    }) : () -> ()
    %dma_start3A = arith.constant 0 : i32
    %dma_start3A_1 = arith.constant 0 : i32
    %dma_start3A_2 = tpu.memref_slice %arg6[%dma_start3A, %dma_start3A_1] : memref<80x128xi32, #tpu.memory_space<vmem>> -> memref<1x128xi32, #tpu.memory_space<vmem>>
    %dma_start3A_3 = tpu.memref_squeeze %dma_start3A_2 : memref<1x128xi32, #tpu.memory_space<vmem>> -> memref<128xi32, #tpu.memory_space<vmem>>
    %dma_start3A_4 = arith.constant 0 : i32
    %dma_start3A_5 = arith.constant 0 : i32
    %dma_start3A_6 = tpu.memref_slice %arg2[%dma_start3A_4, %dma_start3A_5] : memref<10240x128xf32, #tpu.memory_space<hbm>> -> memref<10240x128xf32, #tpu.memory_space<hbm>>
    tpu.enqueue_indirect_dma source(%dma_start3A_6 : memref<10240x128xf32, #tpu.memory_space<hbm>>) target(%arg8 : memref<128x128xf32, #tpu.memory_space<vmem>>) offsets(%dma_start3A_3 : memref<128xi32, #tpu.memory_space<vmem>>) semaphore(%arg14 : memref<!tpu.dma_semaphore, #tpu.memory_space<semaphore_mem>>)
    %dma_start3A_7 = arith.constant 0 : i32
    %dma_start3A_8 = arith.constant 0 : i32
    %dma_start3A_9 = tpu.memref_slice %arg7[%dma_start3A_7, %dma_start3A_8] : memref<80x128xi32, #tpu.memory_space<vmem>> -> memref<1x128xi32, #tpu.memory_space<vmem>>
    %dma_start3A_10 = tpu.memref_squeeze %dma_start3A_9 : memref<1x128xi32, #tpu.memory_space<vmem>> -> memref<128xi32, #tpu.memory_space<vmem>>
    %dma_start3A_11 = arith.constant 0 : i32
    %dma_start3A_12 = arith.constant 0 : i32
    %dma_start3A_13 = tpu.memref_slice %arg2[%dma_start3A_11, %dma_start3A_12] : memref<10240x128xf32, #tpu.memory_space<hbm>> -> memref<10240x128xf32, #tpu.memory_space<hbm>>
    tpu.enqueue_indirect_dma source(%dma_start3A_13 : memref<10240x128xf32, #tpu.memory_space<hbm>>) target(%arg9 : memref<128x128xf32, #tpu.memory_space<vmem>>) offsets(%dma_start3A_10 : memref<128xi32, #tpu.memory_space<vmem>>) semaphore(%arg14 : memref<!tpu.dma_semaphore, #tpu.memory_space<semaphore_mem>>)
    %dma_start3A_14 = arith.constant 1 : i32
    %dma_start3A_15 = arith.constant 0 : i32
    %dma_start3A_16 = tpu.memref_slice %arg6[%dma_start3A_14, %dma_start3A_15] : memref<80x128xi32, #tpu.memory_space<vmem>> -> memref<1x128xi32, #tpu.memory_space<vmem>>
    %dma_start3A_17 = tpu.memref_squeeze %dma_start3A_16 : memref<1x128xi32, #tpu.memory_space<vmem>> -> memref<128xi32, #tpu.memory_space<vmem>>
    %dma_start3A_18 = arith.constant 0 : i32
    %dma_start3A_19 = arith.constant 0 : i32
    %dma_start3A_20 = tpu.memref_slice %arg2[%dma_start3A_18, %dma_start3A_19] : memref<10240x128xf32, #tpu.memory_space<hbm>> -> memref<10240x128xf32, #tpu.memory_space<hbm>>
    tpu.enqueue_indirect_dma source(%dma_start3A_20 : memref<10240x128xf32, #tpu.memory_space<hbm>>) target(%arg10 : memref<128x128xf32, #tpu.memory_space<vmem>>) offsets(%dma_start3A_17 : memref<128xi32, #tpu.memory_space<vmem>>) semaphore(%arg15 : memref<!tpu.dma_semaphore, #tpu.memory_space<semaphore_mem>>)
    %dma_start3A_21 = arith.constant 1 : i32
    %dma_start3A_22 = arith.constant 0 : i32
    %dma_start3A_23 = tpu.memref_slice %arg7[%dma_start3A_21, %dma_start3A_22] : memref<80x128xi32, #tpu.memory_space<vmem>> -> memref<1x128xi32, #tpu.memory_space<vmem>>
    %dma_start3A_24 = tpu.memref_squeeze %dma_start3A_23 : memref<1x128xi32, #tpu.memory_space<vmem>> -> memref<128xi32, #tpu.memory_space<vmem>>
    %dma_start3A_25 = arith.constant 0 : i32
    %dma_start3A_26 = arith.constant 0 : i32
    %dma_start3A_27 = tpu.memref_slice %arg2[%dma_start3A_25, %dma_start3A_26] : memref<10240x128xf32, #tpu.memory_space<hbm>> -> memref<10240x128xf32, #tpu.memory_space<hbm>>
    tpu.enqueue_indirect_dma source(%dma_start3A_27 : memref<10240x128xf32, #tpu.memory_space<hbm>>) target(%arg11 : memref<128x128xf32, #tpu.memory_space<vmem>>) offsets(%dma_start3A_24 : memref<128xi32, #tpu.memory_space<vmem>>) semaphore(%arg15 : memref<!tpu.dma_semaphore, #tpu.memory_space<semaphore_mem>>)
    %scan3A = arith.constant 0 : i32
    %scan3A_28 = arith.constant 0 : i32
    %scan3A_29 = arith.constant 40 : i32
    %scan3A_30 = arith.addi %scan3A_28, %scan3A_29 : i32
    %scan3A_31 = arith.constant 1 : i32
    scf.for %scan3A_50 = %scan3A_28 to %scan3A_30 step %scan3A_31  : i32 {
      %mul3A_51 = arith.constant 2 : i32
      %mul3A_52 = arith.muli %mul3A_51, %scan3A_50 : i32
      %add3A_53 = arith.constant 1 : i32
      %add3A_54 = arith.addi %mul3A_52, %add3A_53 : i32
      %dma_wait3A_55 = arith.constant 0 : i32
      %dma_wait3A_56 = tpu.memref_slice %arg6[%mul3A_52, %dma_wait3A_55] : memref<80x128xi32, #tpu.memory_space<vmem>> -> memref<1x128xi32, #tpu.memory_space<vmem>>
      %dma_wait3A_57 = tpu.memref_squeeze %dma_wait3A_56 : memref<1x128xi32, #tpu.memory_space<vmem>> -> memref<128xi32, #tpu.memory_space<vmem>>
      %dma_wait3A_58 = arith.constant 0 : i32
      %dma_wait3A_59 = arith.constant 0 : i32
      %dma_wait3A_60 = tpu.memref_slice %arg2[%dma_wait3A_58, %dma_wait3A_59] : memref<10240x128xf32, #tpu.memory_space<hbm>> -> memref<10240x128xf32, #tpu.memory_space<hbm>>
      tpu.wait_indirect_dma semaphore(%arg14 : memref<!tpu.dma_semaphore, #tpu.memory_space<semaphore_mem>>) src(%dma_wait3A_60 : memref<10240x128xf32, #tpu.memory_space<hbm>>) dst(%arg8 : memref<128x128xf32, #tpu.memory_space<vmem>>)
      %dma_wait3A_61 = arith.constant 0 : i32
      %dma_wait3A_62 = tpu.memref_slice %arg7[%mul3A_52, %dma_wait3A_61] : memref<80x128xi32, #tpu.memory_space<vmem>> -> memref<1x128xi32, #tpu.memory_space<vmem>>
      %dma_wait3A_63 = tpu.memref_squeeze %dma_wait3A_62 : memref<1x128xi32, #tpu.memory_space<vmem>> -> memref<128xi32, #tpu.memory_space<vmem>>
      %dma_wait3A_64 = arith.constant 0 : i32
      %dma_wait3A_65 = arith.constant 0 : i32
      %dma_wait3A_66 = tpu.memref_slice %arg2[%dma_wait3A_64, %dma_wait3A_65] : memref<10240x128xf32, #tpu.memory_space<hbm>> -> memref<10240x128xf32, #tpu.memory_space<hbm>>
      tpu.wait_indirect_dma semaphore(%arg14 : memref<!tpu.dma_semaphore, #tpu.memory_space<semaphore_mem>>) src(%dma_wait3A_66 : memref<10240x128xf32, #tpu.memory_space<hbm>>) dst(%arg9 : memref<128x128xf32, #tpu.memory_space<vmem>>)
      %gt3A = arith.constant 0 : i32
      %gt3A_67 = arith.cmpi sgt, %scan3A_50, %gt3A : i32
      %convert_element_type3A = arith.extui %gt3A_67 : i1 to i32
      %cond3A = arith.constant 0 : i32
      %cond3A_68 = arith.cmpi ne, %convert_element_type3A, %cond3A : i32
      scf.if %cond3A_68 {
        %dma_wait3A_116 = arith.constant 0 : i32
        %dma_wait3A_117 = arith.constant 0 : i32
        %dma_wait3A_118 = tpu.memref_slice %arg5[%add3A, %mul3A_52, %dma_wait3A_116, %dma_wait3A_117] : memref<32x80x16x128xf32, #tpu.memory_space<hbm>> -> memref<1x1x16x128xf32, #tpu.memory_space<hbm>>
        %dma_wait3A_119 = tpu.memref_squeeze %dma_wait3A_118 : memref<1x1x16x128xf32, #tpu.memory_space<hbm>> -> memref<16x128xf32, #tpu.memory_space<hbm>>
        %dma_wait3A_120 = arith.constant 0 : i32
        %dma_wait3A_121 = arith.constant 0 : i32
        %dma_wait3A_122 = tpu.memref_slice %arg5[%add3A, %mul3A_52, %dma_wait3A_120, %dma_wait3A_121] : memref<32x80x16x128xf32, #tpu.memory_space<hbm>> -> memref<1x1x16x128xf32, #tpu.memory_space<hbm>>
        %dma_wait3A_123 = tpu.memref_squeeze %dma_wait3A_122 : memref<1x1x16x128xf32, #tpu.memory_space<hbm>> -> memref<16x128xf32, #tpu.memory_space<hbm>>
        tpu.wait_dma2 semaphore(%arg16 : memref<!tpu.dma_semaphore, #tpu.memory_space<semaphore_mem>>) src(%arg12 : memref<16x128xf32, #tpu.memory_space<vmem>>) dst(%dma_wait3A_123 : memref<16x128xf32, #tpu.memory_space<hbm>>)
      } else {
      }
      %parallel_loop3A = arith.constant 0 : i32
      %parallel_loop3A_69 = arith.constant 16 : i32
      %parallel_loop3A_70 = arith.constant 1 : i32
      scf.for %parallel_loop3A_116 = %parallel_loop3A to %parallel_loop3A_69 step %parallel_loop3A_70  : i32 {
        %parallel_loop3A_117 = arith.constant 8 : i32
        %parallel_loop3A_118 = arith.muli %parallel_loop3A_116, %parallel_loop3A_117 : i32
        %parallel_loop3A_119 = arith.constant 0 : i32
        %parallel_loop3A_120 = arith.addi %parallel_loop3A_118, %parallel_loop3A_119 : i32
        %parallel_loop3A_121 = arith.index_cast %parallel_loop3A_120 : i32 to index
        %parallel_loop3A_122 = arith.constant 0 : index
        %parallel_loop3A_123 = tpu.vector_load %arg8[%parallel_loop3A_121, %parallel_loop3A_122] {strides = array<i32>} : memref<128x128xf32, #tpu.memory_space<vmem>>, vector<1x16xf32>,
        %parallel_loop3A_124 = vector.shape_cast %parallel_loop3A_123 : vector<1x16xf32> to vector<16xf32>
        %parallel_loop3A_125 = arith.index_cast %parallel_loop3A_120 : i32 to index
        %parallel_loop3A_126 = arith.constant 0 : index
        %parallel_loop3A_127 = tpu.vector_load %arg9[%parallel_loop3A_125, %parallel_loop3A_126] {strides = array<i32>} : memref<128x128xf32, #tpu.memory_space<vmem>>, vector<1x16xf32>,
        %parallel_loop3A_128 = vector.shape_cast %parallel_loop3A_127 : vector<1x16xf32> to vector<16xf32>
        %parallel_loop3A_129 = arith.mulf %parallel_loop3A_124, %parallel_loop3A_128 : vector<16xf32>
        %parallel_loop3A_130 = arith.index_cast %parallel_loop3A_120 : i32 to index
        %parallel_loop3A_131 = arith.constant 16 : index
        %parallel_loop3A_132 = tpu.vector_load %arg8[%parallel_loop3A_130, %parallel_loop3A_131] {strides = array<i32>} : memref<128x128xf32, #tpu.memory_space<vmem>>, vector<1x16xf32>,
        %parallel_loop3A_133 = vector.shape_cast %parallel_loop3A_132 : vector<1x16xf32> to vector<16xf32>
        %parallel_loop3A_134 = arith.index_cast %parallel_loop3A_120 : i32 to index
        %parallel_loop3A_135 = arith.constant 16 : index
        %parallel_loop3A_136 = tpu.vector_load %arg9[%parallel_loop3A_134, %parallel_loop3A_135] {strides = array<i32>} : memref<128x128xf32, #tpu.memory_space<vmem>>, vector<1x16xf32>,
        %parallel_loop3A_137 = vector.shape_cast %parallel_loop3A_136 : vector<1x16xf32> to vector<16xf32>
        %parallel_loop3A_138 = arith.mulf %parallel_loop3A_133, %parallel_loop3A_137 : vector<16xf32>
        %parallel_loop3A_139 = arith.addf %parallel_loop3A_129, %parallel_loop3A_138 : vector<16xf32>
        %parallel_loop3A_140 = arith.index_cast %parallel_loop3A_120 : i32 to index
        %parallel_loop3A_141 = arith.constant 32 : index
        %parallel_loop3A_142 = tpu.vector_load %arg8[%parallel_loop3A_140, %parallel_loop3A_141] {strides = array<i32>} : memref<128x128xf32, #tpu.memory_space<vmem>>, vector<1x16xf32>,
        %parallel_loop3A_143 = vector.shape_cast %parallel_loop3A_142 : vector<1x16xf32> to vector<16xf32>
        %parallel_loop3A_144 = arith.index_cast %parallel_loop3A_120 : i32 to index
        %parallel_loop3A_145 = arith.constant 32 : index
        %parallel_loop3A_146 = tpu.vector_load %arg9[%parallel_loop3A_144, %parallel_loop3A_145] {strides = array<i32>} : memref<128x128xf32, #tpu.memory_space<vmem>>, vector<1x16xf32>,
        %parallel_loop3A_147 = vector.shape_cast %parallel_loop3A_146 : vector<1x16xf32> to vector<16xf32>
        %parallel_loop3A_148 = arith.mulf %parallel_loop3A_143, %parallel_loop3A_147 : vector<16xf32>
        %parallel_loop3A_149 = arith.addf %parallel_loop3A_139, %parallel_loop3A_148 : vector<16xf32>
        %parallel_loop3A_150 = arith.index_cast %parallel_loop3A_120 : i32 to index
        %parallel_loop3A_151 = arith.constant 48 : index
        %parallel_loop3A_152 = tpu.vector_load %arg8[%parallel_loop3A_150, %parallel_loop3A_151] {strides = array<i32>} : memref<128x128xf32, #tpu.memory_space<vmem>>, vector<1x16xf32>,
        %parallel_loop3A_153 = vector.shape_cast %parallel_loop3A_152 : vector<1x16xf32> to vector<16xf32>
        %parallel_loop3A_154 = arith.index_cast %parallel_loop3A_120 : i32 to index
        %parallel_loop3A_155 = arith.constant 48 : index
        %parallel_loop3A_156 = tpu.vector_load %arg9[%parallel_loop3A_154, %parallel_loop3A_155] {strides = array<i32>} : memref<128x128xf32, #tpu.memory_space<vmem>>, vector<1x16xf32>,
        %parallel_loop3A_157 = vector.shape_cast %parallel_loop3A_156 : vector<1x16xf32> to vector<16xf32>
        %parallel_loop3A_158 = arith.mulf %parallel_loop3A_153, %parallel_loop3A_157 : vector<16xf32>
        %parallel_loop3A_159 = arith.addf %parallel_loop3A_149, %parallel_loop3A_158 : vector<16xf32>
        %parallel_loop3A_160 = arith.index_cast %parallel_loop3A_116 : i32 to index
        %parallel_loop3A_161 = arith.constant 0 : index
        %parallel_loop3A_162 = tpu.vector_load %arg12[%parallel_loop3A_160, %parallel_loop3A_161] {strides = array<i32>} : memref<16x128xf32, #tpu.memory_space<vmem>>, vector<1x16xf32>,
        %parallel_loop3A_163 = vector.shape_cast %parallel_loop3A_162 : vector<1x16xf32> to vector<16xf32>
        %parallel_loop3A_164 = vector.shape_cast %parallel_loop3A_159 : vector<16xf32> to vector<1x16xf32>
        tpu.vector_store %arg12[%parallel_loop3A_160, %parallel_loop3A_161], %parallel_loop3A_164 {strides = array<i32>} : memref<16x128xf32, #tpu.memory_space<vmem>>, vector<1x16xf32>,
        %parallel_loop3A_165 = arith.constant 8 : i32
        %parallel_loop3A_166 = arith.muli %parallel_loop3A_116, %parallel_loop3A_165 : i32
        %parallel_loop3A_167 = arith.constant 1 : i32
        %parallel_loop3A_168 = arith.addi %parallel_loop3A_166, %parallel_loop3A_167 : i32
        %parallel_loop3A_169 = arith.index_cast %parallel_loop3A_168 : i32 to index
        %parallel_loop3A_170 = arith.constant 0 : index
        %parallel_loop3A_171 = tpu.vector_load %arg8[%parallel_loop3A_169, %parallel_loop3A_170] {strides = array<i32>} : memref<128x128xf32, #tpu.memory_space<vmem>>, vector<1x16xf32>,
        %parallel_loop3A_172 = vector.shape_cast %parallel_loop3A_171 : vector<1x16xf32> to vector<16xf32>
        %parallel_loop3A_173 = arith.index_cast %parallel_loop3A_168 : i32 to index
        %parallel_loop3A_174 = arith.constant 0 : index
        %parallel_loop3A_175 = tpu.vector_load %arg9[%parallel_loop3A_173, %parallel_loop3A_174] {strides = array<i32>} : memref<128x128xf32, #tpu.memory_space<vmem>>, vector<1x16xf32>,
        %parallel_loop3A_176 = vector.shape_cast %parallel_loop3A_175 : vector<1x16xf32> to vector<16xf32>
        %parallel_loop3A_177 = arith.mulf %parallel_loop3A_172, %parallel_loop3A_176 : vector<16xf32>
        %parallel_loop3A_178 = arith.index_cast %parallel_loop3A_168 : i32 to index
        %parallel_loop3A_179 = arith.constant 16 : index
        %parallel_loop3A_180 = tpu.vector_load %arg8[%parallel_loop3A_178, %parallel_loop3A_179] {strides = array<i32>} : memref<128x128xf32, #tpu.memory_space<vmem>>, vector<1x16xf32>,
        %parallel_loop3A_181 = vector.shape_cast %parallel_loop3A_180 : vector<1x16xf32> to vector<16xf32>
        %parallel_loop3A_182 = arith.index_cast %parallel_loop3A_168 : i32 to index
        %parallel_loop3A_183 = arith.constant 16 : index
        %parallel_loop3A_184 = tpu.vector_load %arg9[%parallel_loop3A_182, %parallel_loop3A_183] {strides = array<i32>} : memref<128x128xf32, #tpu.memory_space<vmem>>, vector<1x16xf32>,
        %parallel_loop3A_185 = vector.shape_cast %parallel_loop3A_184 : vector<1x16xf32> to vector<16xf32>
        %parallel_loop3A_186 = arith.mulf %parallel_loop3A_181, %parallel_loop3A_185 : vector<16xf32>
        %parallel_loop3A_187 = arith.addf %parallel_loop3A_177, %parallel_loop3A_186 : vector<16xf32>
        %parallel_loop3A_188 = arith.index_cast %parallel_loop3A_168 : i32 to index
        %parallel_loop3A_189 = arith.constant 32 : index
        %parallel_loop3A_190 = tpu.vector_load %arg8[%parallel_loop3A_188, %parallel_loop3A_189] {strides = array<i32>} : memref<128x128xf32, #tpu.memory_space<vmem>>, vector<1x16xf32>,
        %parallel_loop3A_191 = vector.shape_cast %parallel_loop3A_190 : vector<1x16xf32> to vector<16xf32>
        %parallel_loop3A_192 = arith.index_cast %parallel_loop3A_168 : i32 to index
        %parallel_loop3A_193 = arith.constant 32 : index
        %parallel_loop3A_194 = tpu.vector_load %arg9[%parallel_loop3A_192, %parallel_loop3A_193] {strides = array<i32>} : memref<128x128xf32, #tpu.memory_space<vmem>>, vector<1x16xf32>,
        %parallel_loop3A_195 = vector.shape_cast %parallel_loop3A_194 : vector<1x16xf32> to vector<16xf32>
        %parallel_loop3A_196 = arith.mulf %parallel_loop3A_191, %parallel_loop3A_195 : vector<16xf32>
        %parallel_loop3A_197 = arith.addf %parallel_loop3A_187, %parallel_loop3A_196 : vector<16xf32>
        %parallel_loop3A_198 = arith.index_cast %parallel_loop3A_168 : i32 to index
        %parallel_loop3A_199 = arith.constant 48 : index
        %parallel_loop3A_200 = tpu.vector_load %arg8[%parallel_loop3A_198, %parallel_loop3A_199] {strides = array<i32>} : memref<128x128xf32, #tpu.memory_space<vmem>>, vector<1x16xf32>,
        %parallel_loop3A_201 = vector.shape_cast %parallel_loop3A_200 : vector<1x16xf32> to vector<16xf32>
        %parallel_loop3A_202 = arith.index_cast %parallel_loop3A_168 : i32 to index
        %parallel_loop3A_203 = arith.constant 48 : index
        %parallel_loop3A_204 = tpu.vector_load %arg9[%parallel_loop3A_202, %parallel_loop3A_203] {strides = array<i32>} : memref<128x128xf32, #tpu.memory_space<vmem>>, vector<1x16xf32>,
        %parallel_loop3A_205 = vector.shape_cast %parallel_loop3A_204 : vector<1x16xf32> to vector<16xf32>
        %parallel_loop3A_206 = arith.mulf %parallel_loop3A_201, %parallel_loop3A_205 : vector<16xf32>
        %parallel_loop3A_207 = arith.addf %parallel_loop3A_197, %parallel_loop3A_206 : vector<16xf32>
        %parallel_loop3A_208 = arith.index_cast %parallel_loop3A_116 : i32 to index
        %parallel_loop3A_209 = arith.constant 16 : index
        %parallel_loop3A_210 = tpu.vector_load %arg12[%parallel_loop3A_208, %parallel_loop3A_209] {strides = array<i32>} : memref<16x128xf32, #tpu.memory_space<vmem>>, vector<1x16xf32>,
        %parallel_loop3A_211 = vector.shape_cast %parallel_loop3A_210 : vector<1x16xf32> to vector<16xf32>
        %parallel_loop3A_212 = vector.shape_cast %parallel_loop3A_207 : vector<16xf32> to vector<1x16xf32>
        tpu.vector_store %arg12[%parallel_loop3A_208, %parallel_loop3A_209], %parallel_loop3A_212 {strides = array<i32>} : memref<16x128xf32, #tpu.memory_space<vmem>>, vector<1x16xf32>,
        %parallel_loop3A_213 = arith.constant 8 : i32
        %parallel_loop3A_214 = arith.muli %parallel_loop3A_116, %parallel_loop3A_213 : i32
        %parallel_loop3A_215 = arith.constant 2 : i32
        %parallel_loop3A_216 = arith.addi %parallel_loop3A_214, %parallel_loop3A_215 : i32
        %parallel_loop3A_217 = arith.index_cast %parallel_loop3A_216 : i32 to index
        %parallel_loop3A_218 = arith.constant 0 : index
        %parallel_loop3A_219 = tpu.vector_load %arg8[%parallel_loop3A_217, %parallel_loop3A_218] {strides = array<i32>} : memref<128x128xf32, #tpu.memory_space<vmem>>, vector<1x16xf32>,
        %parallel_loop3A_220 = vector.shape_cast %parallel_loop3A_219 : vector<1x16xf32> to vector<16xf32>
        %parallel_loop3A_221 = arith.index_cast %parallel_loop3A_216 : i32 to index
        %parallel_loop3A_222 = arith.constant 0 : index
        %parallel_loop3A_223 = tpu.vector_load %arg9[%parallel_loop3A_221, %parallel_loop3A_222] {strides = array<i32>} : memref<128x128xf32, #tpu.memory_space<vmem>>, vector<1x16xf32>,
        %parallel_loop3A_224 = vector.shape_cast %parallel_loop3A_223 : vector<1x16xf32> to vector<16xf32>
        %parallel_loop3A_225 = arith.mulf %parallel_loop3A_220, %parallel_loop3A_224 : vector<16xf32>
        %parallel_loop3A_226 = arith.index_cast %parallel_loop3A_216 : i32 to index
        %parallel_loop3A_227 = arith.constant 16 : index
        %parallel_loop3A_228 = tpu.vector_load %arg8[%parallel_loop3A_226, %parallel_loop3A_227] {strides = array<i32>} : memref<128x128xf32, #tpu.memory_space<vmem>>, vector<1x16xf32>,
        %parallel_loop3A_229 = vector.shape_cast %parallel_loop3A_228 : vector<1x16xf32> to vector<16xf32>
        %parallel_loop3A_230 = arith.index_cast %parallel_loop3A_216 : i32 to index
        %parallel_loop3A_231 = arith.constant 16 : index
        %parallel_loop3A_232 = tpu.vector_load %arg9[%parallel_loop3A_230, %parallel_loop3A_231] {strides = array<i32>} : memref<128x128xf32, #tpu.memory_space<vmem>>, vector<1x16xf32>,
        %parallel_loop3A_233 = vector.shape_cast %parallel_loop3A_232 : vector<1x16xf32> to vector<16xf32>
        %parallel_loop3A_234 = arith.mulf %parallel_loop3A_229, %parallel_loop3A_233 : vector<16xf32>
        %parallel_loop3A_235 = arith.addf %parallel_loop3A_225, %parallel_loop3A_234 : vector<16xf32>
        %parallel_loop3A_236 = arith.index_cast %parallel_loop3A_216 : i32 to index
        %parallel_loop3A_237 = arith.constant 32 : index
        %parallel_loop3A_238 = tpu.vector_load %arg8[%parallel_loop3A_236, %parallel_loop3A_237] {strides = array<i32>} : memref<128x128xf32, #tpu.memory_space<vmem>>, vector<1x16xf32>,
        %parallel_loop3A_239 = vector.shape_cast %parallel_loop3A_238 : vector<1x16xf32> to vector<16xf32>
        %parallel_loop3A_240 = arith.index_cast %parallel_loop3A_216 : i32 to index
        %parallel_loop3A_241 = arith.constant 32 : index
        %parallel_loop3A_242 = tpu.vector_load %arg9[%parallel_loop3A_240, %parallel_loop3A_241] {strides = array<i32>} : memref<128x128xf32, #tpu.memory_space<vmem>>, vector<1x16xf32>,
        %parallel_loop3A_243 = vector.shape_cast %parallel_loop3A_242 : vector<1x16xf32> to vector<16xf32>
        %parallel_loop3A_244 = arith.mulf %parallel_loop3A_239, %parallel_loop3A_243 : vector<16xf32>
        %parallel_loop3A_245 = arith.addf %parallel_loop3A_235, %parallel_loop3A_244 : vector<16xf32>
        %parallel_loop3A_246 = arith.index_cast %parallel_loop3A_216 : i32 to index
        %parallel_loop3A_247 = arith.constant 48 : index
        %parallel_loop3A_248 = tpu.vector_load %arg8[%parallel_loop3A_246, %parallel_loop3A_247] {strides = array<i32>} : memref<128x128xf32, #tpu.memory_space<vmem>>, vector<1x16xf32>,
        %parallel_loop3A_249 = vector.shape_cast %parallel_loop3A_248 : vector<1x16xf32> to vector<16xf32>
        %parallel_loop3A_250 = arith.index_cast %parallel_loop3A_216 : i32 to index
        %parallel_loop3A_251 = arith.constant 48 : index
        %parallel_loop3A_252 = tpu.vector_load %arg9[%parallel_loop3A_250, %parallel_loop3A_251] {strides = array<i32>} : memref<128x128xf32, #tpu.memory_space<vmem>>, vector<1x16xf32>,
        %parallel_loop3A_253 = vector.shape_cast %parallel_loop3A_252 : vector<1x16xf32> to vector<16xf32>
        %parallel_loop3A_254 = arith.mulf %parallel_loop3A_249, %parallel_loop3A_253 : vector<16xf32>
        %parallel_loop3A_255 = arith.addf %parallel_loop3A_245, %parallel_loop3A_254 : vector<16xf32>
        %parallel_loop3A_256 = arith.index_cast %parallel_loop3A_116 : i32 to index
        %parallel_loop3A_257 = arith.constant 32 : index
        %parallel_loop3A_258 = tpu.vector_load %arg12[%parallel_loop3A_256, %parallel_loop3A_257] {strides = array<i32>} : memref<16x128xf32, #tpu.memory_space<vmem>>, vector<1x16xf32>,
        %parallel_loop3A_259 = vector.shape_cast %parallel_loop3A_258 : vector<1x16xf32> to vector<16xf32>
        %parallel_loop3A_260 = vector.shape_cast %parallel_loop3A_255 : vector<16xf32> to vector<1x16xf32>
        tpu.vector_store %arg12[%parallel_loop3A_256, %parallel_loop3A_257], %parallel_loop3A_260 {strides = array<i32>} : memref<16x128xf32, #tpu.memory_space<vmem>>, vector<1x16xf32>,
        %parallel_loop3A_261 = arith.constant 8 : i32
        %parallel_loop3A_262 = arith.muli %parallel_loop3A_116, %parallel_loop3A_261 : i32
        %parallel_loop3A_263 = arith.constant 3 : i32
        %parallel_loop3A_264 = arith.addi %parallel_loop3A_262, %parallel_loop3A_263 : i32
        %parallel_loop3A_265 = arith.index_cast %parallel_loop3A_264 : i32 to index
        %parallel_loop3A_266 = arith.constant 0 : index
        %parallel_loop3A_267 = tpu.vector_load %arg8[%parallel_loop3A_265, %parallel_loop3A_266] {strides = array<i32>} : memref<128x128xf32, #tpu.memory_space<vmem>>, vector<1x16xf32>,
        %parallel_loop3A_268 = vector.shape_cast %parallel_loop3A_267 : vector<1x16xf32> to vector<16xf32>
        %parallel_loop3A_269 = arith.index_cast %parallel_loop3A_264 : i32 to index
        %parallel_loop3A_270 = arith.constant 0 : index
        %parallel_loop3A_271 = tpu.vector_load %arg9[%parallel_loop3A_269, %parallel_loop3A_270] {strides = array<i32>} : memref<128x128xf32, #tpu.memory_space<vmem>>, vector<1x16xf32>,
        %parallel_loop3A_272 = vector.shape_cast %parallel_loop3A_271 : vector<1x16xf32> to vector<16xf32>
        %parallel_loop3A_273 = arith.mulf %parallel_loop3A_268, %parallel_loop3A_272 : vector<16xf32>
        %parallel_loop3A_274 = arith.index_cast %parallel_loop3A_264 : i32 to index
        %parallel_loop3A_275 = arith.constant 16 : index
        %parallel_loop3A_276 = tpu.vector_load %arg8[%parallel_loop3A_274, %parallel_loop3A_275] {strides = array<i32>} : memref<128x128xf32, #tpu.memory_space<vmem>>, vector<1x16xf32>,
        %parallel_loop3A_277 = vector.shape_cast %parallel_loop3A_276 : vector<1x16xf32> to vector<16xf32>
        %parallel_loop3A_278 = arith.index_cast %parallel_loop3A_264 : i32 to index
        %parallel_loop3A_279 = arith.constant 16 : index
        %parallel_loop3A_280 = tpu.vector_load %arg9[%parallel_loop3A_278, %parallel_loop3A_279] {strides = array<i32>} : memref<128x128xf32, #tpu.memory_space<vmem>>, vector<1x16xf32>,
        %parallel_loop3A_281 = vector.shape_cast %parallel_loop3A_280 : vector<1x16xf32> to vector<16xf32>
        %parallel_loop3A_282 = arith.mulf %parallel_loop3A_277, %parallel_loop3A_281 : vector<16xf32>
        %parallel_loop3A_283 = arith.addf %parallel_loop3A_273, %parallel_loop3A_282 : vector<16xf32>
        %parallel_loop3A_284 = arith.index_cast %parallel_loop3A_264 : i32 to index
        %parallel_loop3A_285 = arith.constant 32 : index
        %parallel_loop3A_286 = tpu.vector_load %arg8[%parallel_loop3A_284, %parallel_loop3A_285] {strides = array<i32>} : memref<128x128xf32, #tpu.memory_space<vmem>>, vector<1x16xf32>,
        %parallel_loop3A_287 = vector.shape_cast %parallel_loop3A_286 : vector<1x16xf32> to vector<16xf32>
        %parallel_loop3A_288 = arith.index_cast %parallel_loop3A_264 : i32 to index
        %parallel_loop3A_289 = arith.constant 32 : index
        %parallel_loop3A_290 = tpu.vector_load %arg9[%parallel_loop3A_288, %parallel_loop3A_289] {strides = array<i32>} : memref<128x128xf32, #tpu.memory_space<vmem>>, vector<1x16xf32>,
        %parallel_loop3A_291 = vector.shape_cast %parallel_loop3A_290 : vector<1x16xf32> to vector<16xf32>
        %parallel_loop3A_292 = arith.mulf %parallel_loop3A_287, %parallel_loop3A_291 : vector<16xf32>
        %parallel_loop3A_293 = arith.addf %parallel_loop3A_283, %parallel_loop3A_292 : vector<16xf32>
        %parallel_loop3A_294 = arith.index_cast %parallel_loop3A_264 : i32 to index
        %parallel_loop3A_295 = arith.constant 48 : index
        %parallel_loop3A_296 = tpu.vector_load %arg8[%parallel_loop3A_294, %parallel_loop3A_295] {strides = array<i32>} : memref<128x128xf32, #tpu.memory_space<vmem>>, vector<1x16xf32>,
        %parallel_loop3A_297 = vector.shape_cast %parallel_loop3A_296 : vector<1x16xf32> to vector<16xf32>
        %parallel_loop3A_298 = arith.index_cast %parallel_loop3A_264 : i32 to index
        %parallel_loop3A_299 = arith.constant 48 : index
        %parallel_loop3A_300 = tpu.vector_load %arg9[%parallel_loop3A_298, %parallel_loop3A_299] {strides = array<i32>} : memref<128x128xf32, #tpu.memory_space<vmem>>, vector<1x16xf32>,
        %parallel_loop3A_301 = vector.shape_cast %parallel_loop3A_300 : vector<1x16xf32> to vector<16xf32>
        %parallel_loop3A_302 = arith.mulf %parallel_loop3A_297, %parallel_loop3A_301 : vector<16xf32>
        %parallel_loop3A_303 = arith.addf %parallel_loop3A_293, %parallel_loop3A_302 : vector<16xf32>
        %parallel_loop3A_304 = arith.index_cast %parallel_loop3A_116 : i32 to index
        %parallel_loop3A_305 = arith.constant 48 : index
        %parallel_loop3A_306 = tpu.vector_load %arg12[%parallel_loop3A_304, %parallel_loop3A_305] {strides = array<i32>} : memref<16x128xf32, #tpu.memory_space<vmem>>, vector<1x16xf32>,
        %parallel_loop3A_307 = vector.shape_cast %parallel_loop3A_306 : vector<1x16xf32> to vector<16xf32>
        %parallel_loop3A_308 = vector.shape_cast %parallel_loop3A_303 : vector<16xf32> to vector<1x16xf32>
        tpu.vector_store %arg12[%parallel_loop3A_304, %parallel_loop3A_305], %parallel_loop3A_308 {strides = array<i32>} : memref<16x128xf32, #tpu.memory_space<vmem>>, vector<1x16xf32>,
        %parallel_loop3A_309 = arith.constant 8 : i32
        %parallel_loop3A_310 = arith.muli %parallel_loop3A_116, %parallel_loop3A_309 : i32
        %parallel_loop3A_311 = arith.constant 4 : i32
        %parallel_loop3A_312 = arith.addi %parallel_loop3A_310, %parallel_loop3A_311 : i32
        %parallel_loop3A_313 = arith.index_cast %parallel_loop3A_312 : i32 to index
        %parallel_loop3A_314 = arith.constant 0 : index
        %parallel_loop3A_315 = tpu.vector_load %arg8[%parallel_loop3A_313, %parallel_loop3A_314] {strides = array<i32>} : memref<128x128xf32, #tpu.memory_space<vmem>>, vector<1x16xf32>,
        %parallel_loop3A_316 = vector.shape_cast %parallel_loop3A_315 : vector<1x16xf32> to vector<16xf32>
        %parallel_loop3A_317 = arith.index_cast %parallel_loop3A_312 : i32 to index
        %parallel_loop3A_318 = arith.constant 0 : index
        %parallel_loop3A_319 = tpu.vector_load %arg9[%parallel_loop3A_317, %parallel_loop3A_318] {strides = array<i32>} : memref<128x128xf32, #tpu.memory_space<vmem>>, vector<1x16xf32>,
        %parallel_loop3A_320 = vector.shape_cast %parallel_loop3A_319 : vector<1x16xf32> to vector<16xf32>
        %parallel_loop3A_321 = arith.mulf %parallel_loop3A_316, %parallel_loop3A_320 : vector<16xf32>
        %parallel_loop3A_322 = arith.index_cast %parallel_loop3A_312 : i32 to index
        %parallel_loop3A_323 = arith.constant 16 : index
        %parallel_loop3A_324 = tpu.vector_load %arg8[%parallel_loop3A_322, %parallel_loop3A_323] {strides = array<i32>} : memref<128x128xf32, #tpu.memory_space<vmem>>, vector<1x16xf32>,
        %parallel_loop3A_325 = vector.shape_cast %parallel_loop3A_324 : vector<1x16xf32> to vector<16xf32>
        %parallel_loop3A_326 = arith.index_cast %parallel_loop3A_312 : i32 to index
        %parallel_loop3A_327 = arith.constant 16 : index
        %parallel_loop3A_328 = tpu.vector_load %arg9[%parallel_loop3A_326, %parallel_loop3A_327] {strides = array<i32>} : memref<128x128xf32, #tpu.memory_space<vmem>>, vector<1x16xf32>,
        %parallel_loop3A_329 = vector.shape_cast %parallel_loop3A_328 : vector<1x16xf32> to vector<16xf32>
        %parallel_loop3A_330 = arith.mulf %parallel_loop3A_325, %parallel_loop3A_329 : vector<16xf32>
        %parallel_loop3A_331 = arith.addf %parallel_loop3A_321, %parallel_loop3A_330 : vector<16xf32>
        %parallel_loop3A_332 = arith.index_cast %parallel_loop3A_312 : i32 to index
        %parallel_loop3A_333 = arith.constant 32 : index
        %parallel_loop3A_334 = tpu.vector_load %arg8[%parallel_loop3A_332, %parallel_loop3A_333] {strides = array<i32>} : memref<128x128xf32, #tpu.memory_space<vmem>>, vector<1x16xf32>,
        %parallel_loop3A_335 = vector.shape_cast %parallel_loop3A_334 : vector<1x16xf32> to vector<16xf32>
        %parallel_loop3A_336 = arith.index_cast %parallel_loop3A_312 : i32 to index
        %parallel_loop3A_337 = arith.constant 32 : index
        %parallel_loop3A_338 = tpu.vector_load %arg9[%parallel_loop3A_336, %parallel_loop3A_337] {strides = array<i32>} : memref<128x128xf32, #tpu.memory_space<vmem>>, vector<1x16xf32>,
        %parallel_loop3A_339 = vector.shape_cast %parallel_loop3A_338 : vector<1x16xf32> to vector<16xf32>
        %parallel_loop3A_340 = arith.mulf %parallel_loop3A_335, %parallel_loop3A_339 : vector<16xf32>
        %parallel_loop3A_341 = arith.addf %parallel_loop3A_331, %parallel_loop3A_340 : vector<16xf32>
        %parallel_loop3A_342 = arith.index_cast %parallel_loop3A_312 : i32 to index
        %parallel_loop3A_343 = arith.constant 48 : index
        %parallel_loop3A_344 = tpu.vector_load %arg8[%parallel_loop3A_342, %parallel_loop3A_343] {strides = array<i32>} : memref<128x128xf32, #tpu.memory_space<vmem>>, vector<1x16xf32>,
        %parallel_loop3A_345 = vector.shape_cast %parallel_loop3A_344 : vector<1x16xf32> to vector<16xf32>
        %parallel_loop3A_346 = arith.index_cast %parallel_loop3A_312 : i32 to index
        %parallel_loop3A_347 = arith.constant 48 : index
        %parallel_loop3A_348 = tpu.vector_load %arg9[%parallel_loop3A_346, %parallel_loop3A_347] {strides = array<i32>} : memref<128x128xf32, #tpu.memory_space<vmem>>, vector<1x16xf32>,
        %parallel_loop3A_349 = vector.shape_cast %parallel_loop3A_348 : vector<1x16xf32> to vector<16xf32>
        %parallel_loop3A_350 = arith.mulf %parallel_loop3A_345, %parallel_loop3A_349 : vector<16xf32>
        %parallel_loop3A_351 = arith.addf %parallel_loop3A_341, %parallel_loop3A_350 : vector<16xf32>
        %parallel_loop3A_352 = arith.index_cast %parallel_loop3A_116 : i32 to index
        %parallel_loop3A_353 = arith.constant 64 : index
        %parallel_loop3A_354 = tpu.vector_load %arg12[%parallel_loop3A_352, %parallel_loop3A_353] {strides = array<i32>} : memref<16x128xf32, #tpu.memory_space<vmem>>, vector<1x16xf32>,
        %parallel_loop3A_355 = vector.shape_cast %parallel_loop3A_354 : vector<1x16xf32> to vector<16xf32>
        %parallel_loop3A_356 = vector.shape_cast %parallel_loop3A_351 : vector<16xf32> to vector<1x16xf32>
        tpu.vector_store %arg12[%parallel_loop3A_352, %parallel_loop3A_353], %parallel_loop3A_356 {strides = array<i32>} : memref<16x128xf32, #tpu.memory_space<vmem>>, vector<1x16xf32>,
        %parallel_loop3A_357 = arith.constant 8 : i32
        %parallel_loop3A_358 = arith.muli %parallel_loop3A_116, %parallel_loop3A_357 : i32
        %parallel_loop3A_359 = arith.constant 5 : i32
        %parallel_loop3A_360 = arith.addi %parallel_loop3A_358, %parallel_loop3A_359 : i32
        %parallel_loop3A_361 = arith.index_cast %parallel_loop3A_360 : i32 to index
        %parallel_loop3A_362 = arith.constant 0 : index
        %parallel_loop3A_363 = tpu.vector_load %arg8[%parallel_loop3A_361, %parallel_loop3A_362] {strides = array<i32>} : memref<128x128xf32, #tpu.memory_space<vmem>>, vector<1x16xf32>,
        %parallel_loop3A_364 = vector.shape_cast %parallel_loop3A_363 : vector<1x16xf32> to vector<16xf32>
        %parallel_loop3A_365 = arith.index_cast %parallel_loop3A_360 : i32 to index
        %parallel_loop3A_366 = arith.constant 0 : index
        %parallel_loop3A_367 = tpu.vector_load %arg9[%parallel_loop3A_365, %parallel_loop3A_366] {strides = array<i32>} : memref<128x128xf32, #tpu.memory_space<vmem>>, vector<1x16xf32>,
        %parallel_loop3A_368 = vector.shape_cast %parallel_loop3A_367 : vector<1x16xf32> to vector<16xf32>
        %parallel_loop3A_369 = arith.mulf %parallel_loop3A_364, %parallel_loop3A_368 : vector<16xf32>
        %parallel_loop3A_370 = arith.index_cast %parallel_loop3A_360 : i32 to index
        %parallel_loop3A_371 = arith.constant 16 : index
        %parallel_loop3A_372 = tpu.vector_load %arg8[%parallel_loop3A_370, %parallel_loop3A_371] {strides = array<i32>} : memref<128x128xf32, #tpu.memory_space<vmem>>, vector<1x16xf32>,
        %parallel_loop3A_373 = vector.shape_cast %parallel_loop3A_372 : vector<1x16xf32> to vector<16xf32>
        %parallel_loop3A_374 = arith.index_cast %parallel_loop3A_360 : i32 to index
        %parallel_loop3A_375 = arith.constant 16 : index
        %parallel_loop3A_376 = tpu.vector_load %arg9[%parallel_loop3A_374, %parallel_loop3A_375] {strides = array<i32>} : memref<128x128xf32, #tpu.memory_space<vmem>>, vector<1x16xf32>,
        %parallel_loop3A_377 = vector.shape_cast %parallel_loop3A_376 : vector<1x16xf32> to vector<16xf32>
        %parallel_loop3A_378 = arith.mulf %parallel_loop3A_373, %parallel_loop3A_377 : vector<16xf32>
        %parallel_loop3A_379 = arith.addf %parallel_loop3A_369, %parallel_loop3A_378 : vector<16xf32>
        %parallel_loop3A_380 = arith.index_cast %parallel_loop3A_360 : i32 to index
        %parallel_loop3A_381 = arith.constant 32 : index
        %parallel_loop3A_382 = tpu.vector_load %arg8[%parallel_loop3A_380, %parallel_loop3A_381] {strides = array<i32>} : memref<128x128xf32, #tpu.memory_space<vmem>>, vector<1x16xf32>,
        %parallel_loop3A_383 = vector.shape_cast %parallel_loop3A_382 : vector<1x16xf32> to vector<16xf32>
        %parallel_loop3A_384 = arith.index_cast %parallel_loop3A_360 : i32 to index
        %parallel_loop3A_385 = arith.constant 32 : index
        %parallel_loop3A_386 = tpu.vector_load %arg9[%parallel_loop3A_384, %parallel_loop3A_385] {strides = array<i32>} : memref<128x128xf32, #tpu.memory_space<vmem>>, vector<1x16xf32>,
        %parallel_loop3A_387 = vector.shape_cast %parallel_loop3A_386 : vector<1x16xf32> to vector<16xf32>
        %parallel_loop3A_388 = arith.mulf %parallel_loop3A_383, %parallel_loop3A_387 : vector<16xf32>
        %parallel_loop3A_389 = arith.addf %parallel_loop3A_379, %parallel_loop3A_388 : vector<16xf32>
        %parallel_loop3A_390 = arith.index_cast %parallel_loop3A_360 : i32 to index
        %parallel_loop3A_391 = arith.constant 48 : index
        %parallel_loop3A_392 = tpu.vector_load %arg8[%parallel_loop3A_390, %parallel_loop3A_391] {strides = array<i32>} : memref<128x128xf32, #tpu.memory_space<vmem>>, vector<1x16xf32>,
        %parallel_loop3A_393 = vector.shape_cast %parallel_loop3A_392 : vector<1x16xf32> to vector<16xf32>
        %parallel_loop3A_394 = arith.index_cast %parallel_loop3A_360 : i32 to index
        %parallel_loop3A_395 = arith.constant 48 : index
        %parallel_loop3A_396 = tpu.vector_load %arg9[%parallel_loop3A_394, %parallel_loop3A_395] {strides = array<i32>} : memref<128x128xf32, #tpu.memory_space<vmem>>, vector<1x16xf32>,
        %parallel_loop3A_397 = vector.shape_cast %parallel_loop3A_396 : vector<1x16xf32> to vector<16xf32>
        %parallel_loop3A_398 = arith.mulf %parallel_loop3A_393, %parallel_loop3A_397 : vector<16xf32>
        %parallel_loop3A_399 = arith.addf %parallel_loop3A_389, %parallel_loop3A_398 : vector<16xf32>
        %parallel_loop3A_400 = arith.index_cast %parallel_loop3A_116 : i32 to index
        %parallel_loop3A_401 = arith.constant 80 : index
        %parallel_loop3A_402 = tpu.vector_load %arg12[%parallel_loop3A_400, %parallel_loop3A_401] {strides = array<i32>} : memref<16x128xf32, #tpu.memory_space<vmem>>, vector<1x16xf32>,
        %parallel_loop3A_403 = vector.shape_cast %parallel_loop3A_402 : vector<1x16xf32> to vector<16xf32>
        %parallel_loop3A_404 = vector.shape_cast %parallel_loop3A_399 : vector<16xf32> to vector<1x16xf32>
        tpu.vector_store %arg12[%parallel_loop3A_400, %parallel_loop3A_401], %parallel_loop3A_404 {strides = array<i32>} : memref<16x128xf32, #tpu.memory_space<vmem>>, vector<1x16xf32>,
        %parallel_loop3A_405 = arith.constant 8 : i32
        %parallel_loop3A_406 = arith.muli %parallel_loop3A_116, %parallel_loop3A_405 : i32
        %parallel_loop3A_407 = arith.constant 6 : i32
        %parallel_loop3A_408 = arith.addi %parallel_loop3A_406, %parallel_loop3A_407 : i32
        %parallel_loop3A_409 = arith.index_cast %parallel_loop3A_408 : i32 to index
        %parallel_loop3A_410 = arith.constant 0 : index
        %parallel_loop3A_411 = tpu.vector_load %arg8[%parallel_loop3A_409, %parallel_loop3A_410] {strides = array<i32>} : memref<128x128xf32, #tpu.memory_space<vmem>>, vector<1x16xf32>,
        %parallel_loop3A_412 = vector.shape_cast %parallel_loop3A_411 : vector<1x16xf32> to vector<16xf32>
        %parallel_loop3A_413 = arith.index_cast %parallel_loop3A_408 : i32 to index
        %parallel_loop3A_414 = arith.constant 0 : index
        %parallel_loop3A_415 = tpu.vector_load %arg9[%parallel_loop3A_413, %parallel_loop3A_414] {strides = array<i32>} : memref<128x128xf32, #tpu.memory_space<vmem>>, vector<1x16xf32>,
        %parallel_loop3A_416 = vector.shape_cast %parallel_loop3A_415 : vector<1x16xf32> to vector<16xf32>
        %parallel_loop3A_417 = arith.mulf %parallel_loop3A_412, %parallel_loop3A_416 : vector<16xf32>
        %parallel_loop3A_418 = arith.index_cast %parallel_loop3A_408 : i32 to index
        %parallel_loop3A_419 = arith.constant 16 : index
        %parallel_loop3A_420 = tpu.vector_load %arg8[%parallel_loop3A_418, %parallel_loop3A_419] {strides = array<i32>} : memref<128x128xf32, #tpu.memory_space<vmem>>, vector<1x16xf32>,
        %parallel_loop3A_421 = vector.shape_cast %parallel_loop3A_420 : vector<1x16xf32> to vector<16xf32>
        %parallel_loop3A_422 = arith.index_cast %parallel_loop3A_408 : i32 to index
        %parallel_loop3A_423 = arith.constant 16 : index
        %parallel_loop3A_424 = tpu.vector_load %arg9[%parallel_loop3A_422, %parallel_loop3A_423] {strides = array<i32>} : memref<128x128xf32, #tpu.memory_space<vmem>>, vector<1x16xf32>,
        %parallel_loop3A_425 = vector.shape_cast %parallel_loop3A_424 : vector<1x16xf32> to vector<16xf32>
        %parallel_loop3A_426 = arith.mulf %parallel_loop3A_421, %parallel_loop3A_425 : vector<16xf32>
        %parallel_loop3A_427 = arith.addf %parallel_loop3A_417, %parallel_loop3A_426 : vector<16xf32>
        %parallel_loop3A_428 = arith.index_cast %parallel_loop3A_408 : i32 to index
        %parallel_loop3A_429 = arith.constant 32 : index
        %parallel_loop3A_430 = tpu.vector_load %arg8[%parallel_loop3A_428, %parallel_loop3A_429] {strides = array<i32>} : memref<128x128xf32, #tpu.memory_space<vmem>>, vector<1x16xf32>,
        %parallel_loop3A_431 = vector.shape_cast %parallel_loop3A_430 : vector<1x16xf32> to vector<16xf32>
        %parallel_loop3A_432 = arith.index_cast %parallel_loop3A_408 : i32 to index
        %parallel_loop3A_433 = arith.constant 32 : index
        %parallel_loop3A_434 = tpu.vector_load %arg9[%parallel_loop3A_432, %parallel_loop3A_433] {strides = array<i32>} : memref<128x128xf32, #tpu.memory_space<vmem>>, vector<1x16xf32>,
        %parallel_loop3A_435 = vector.shape_cast %parallel_loop3A_434 : vector<1x16xf32> to vector<16xf32>
        %parallel_loop3A_436 = arith.mulf %parallel_loop3A_431, %parallel_loop3A_435 : vector<16xf32>
        %parallel_loop3A_437 = arith.addf %parallel_loop3A_427, %parallel_loop3A_436 : vector<16xf32>
        %parallel_loop3A_438 = arith.index_cast %parallel_loop3A_408 : i32 to index
        %parallel_loop3A_439 = arith.constant 48 : index
        %parallel_loop3A_440 = tpu.vector_load %arg8[%parallel_loop3A_438, %parallel_loop3A_439] {strides = array<i32>} : memref<128x128xf32, #tpu.memory_space<vmem>>, vector<1x16xf32>,
        %parallel_loop3A_441 = vector.shape_cast %parallel_loop3A_440 : vector<1x16xf32> to vector<16xf32>
        %parallel_loop3A_442 = arith.index_cast %parallel_loop3A_408 : i32 to index
        %parallel_loop3A_443 = arith.constant 48 : index
        %parallel_loop3A_444 = tpu.vector_load %arg9[%parallel_loop3A_442, %parallel_loop3A_443] {strides = array<i32>} : memref<128x128xf32, #tpu.memory_space<vmem>>, vector<1x16xf32>,
        %parallel_loop3A_445 = vector.shape_cast %parallel_loop3A_444 : vector<1x16xf32> to vector<16xf32>
        %parallel_loop3A_446 = arith.mulf %parallel_loop3A_441, %parallel_loop3A_445 : vector<16xf32>
        %parallel_loop3A_447 = arith.addf %parallel_loop3A_437, %parallel_loop3A_446 : vector<16xf32>
        %parallel_loop3A_448 = arith.index_cast %parallel_loop3A_116 : i32 to index
        %parallel_loop3A_449 = arith.constant 96 : index
        %parallel_loop3A_450 = tpu.vector_load %arg12[%parallel_loop3A_448, %parallel_loop3A_449] {strides = array<i32>} : memref<16x128xf32, #tpu.memory_space<vmem>>, vector<1x16xf32>,
        %parallel_loop3A_451 = vector.shape_cast %parallel_loop3A_450 : vector<1x16xf32> to vector<16xf32>
        %parallel_loop3A_452 = vector.shape_cast %parallel_loop3A_447 : vector<16xf32> to vector<1x16xf32>
        tpu.vector_store %arg12[%parallel_loop3A_448, %parallel_loop3A_449], %parallel_loop3A_452 {strides = array<i32>} : memref<16x128xf32, #tpu.memory_space<vmem>>, vector<1x16xf32>,
        %parallel_loop3A_453 = arith.constant 8 : i32
        %parallel_loop3A_454 = arith.muli %parallel_loop3A_116, %parallel_loop3A_453 : i32
        %parallel_loop3A_455 = arith.constant 7 : i32
        %parallel_loop3A_456 = arith.addi %parallel_loop3A_454, %parallel_loop3A_455 : i32
        %parallel_loop3A_457 = arith.index_cast %parallel_loop3A_456 : i32 to index
        %parallel_loop3A_458 = arith.constant 0 : index
        %parallel_loop3A_459 = tpu.vector_load %arg8[%parallel_loop3A_457, %parallel_loop3A_458] {strides = array<i32>} : memref<128x128xf32, #tpu.memory_space<vmem>>, vector<1x16xf32>,
        %parallel_loop3A_460 = vector.shape_cast %parallel_loop3A_459 : vector<1x16xf32> to vector<16xf32>
        %parallel_loop3A_461 = arith.index_cast %parallel_loop3A_456 : i32 to index
        %parallel_loop3A_462 = arith.constant 0 : index
        %parallel_loop3A_463 = tpu.vector_load %arg9[%parallel_loop3A_461, %parallel_loop3A_462] {strides = array<i32>} : memref<128x128xf32, #tpu.memory_space<vmem>>, vector<1x16xf32>,
        %parallel_loop3A_464 = vector.shape_cast %parallel_loop3A_463 : vector<1x16xf32> to vector<16xf32>
        %parallel_loop3A_465 = arith.mulf %parallel_loop3A_460, %parallel_loop3A_464 : vector<16xf32>
        %parallel_loop3A_466 = arith.index_cast %parallel_loop3A_456 : i32 to index
        %parallel_loop3A_467 = arith.constant 16 : index
        %parallel_loop3A_468 = tpu.vector_load %arg8[%parallel_loop3A_466, %parallel_loop3A_467] {strides = array<i32>} : memref<128x128xf32, #tpu.memory_space<vmem>>, vector<1x16xf32>,
        %parallel_loop3A_469 = vector.shape_cast %parallel_loop3A_468 : vector<1x16xf32> to vector<16xf32>
        %parallel_loop3A_470 = arith.index_cast %parallel_loop3A_456 : i32 to index
        %parallel_loop3A_471 = arith.constant 16 : index
        %parallel_loop3A_472 = tpu.vector_load %arg9[%parallel_loop3A_470, %parallel_loop3A_471] {strides = array<i32>} : memref<128x128xf32, #tpu.memory_space<vmem>>, vector<1x16xf32>,
        %parallel_loop3A_473 = vector.shape_cast %parallel_loop3A_472 : vector<1x16xf32> to vector<16xf32>
        %parallel_loop3A_474 = arith.mulf %parallel_loop3A_469, %parallel_loop3A_473 : vector<16xf32>
        %parallel_loop3A_475 = arith.addf %parallel_loop3A_465, %parallel_loop3A_474 : vector<16xf32>
        %parallel_loop3A_476 = arith.index_cast %parallel_loop3A_456 : i32 to index
        %parallel_loop3A_477 = arith.constant 32 : index
        %parallel_loop3A_478 = tpu.vector_load %arg8[%parallel_loop3A_476, %parallel_loop3A_477] {strides = array<i32>} : memref<128x128xf32, #tpu.memory_space<vmem>>, vector<1x16xf32>,
        %parallel_loop3A_479 = vector.shape_cast %parallel_loop3A_478 : vector<1x16xf32> to vector<16xf32>
        %parallel_loop3A_480 = arith.index_cast %parallel_loop3A_456 : i32 to index
        %parallel_loop3A_481 = arith.constant 32 : index
        %parallel_loop3A_482 = tpu.vector_load %arg9[%parallel_loop3A_480, %parallel_loop3A_481] {strides = array<i32>} : memref<128x128xf32, #tpu.memory_space<vmem>>, vector<1x16xf32>,
        %parallel_loop3A_483 = vector.shape_cast %parallel_loop3A_482 : vector<1x16xf32> to vector<16xf32>
        %parallel_loop3A_484 = arith.mulf %parallel_loop3A_479, %parallel_loop3A_483 : vector<16xf32>
        %parallel_loop3A_485 = arith.addf %parallel_loop3A_475, %parallel_loop3A_484 : vector<16xf32>
        %parallel_loop3A_486 = arith.index_cast %parallel_loop3A_456 : i32 to index
        %parallel_loop3A_487 = arith.constant 48 : index
        %parallel_loop3A_488 = tpu.vector_load %arg8[%parallel_loop3A_486, %parallel_loop3A_487] {strides = array<i32>} : memref<128x128xf32, #tpu.memory_space<vmem>>, vector<1x16xf32>,
        %parallel_loop3A_489 = vector.shape_cast %parallel_loop3A_488 : vector<1x16xf32> to vector<16xf32>
        %parallel_loop3A_490 = arith.index_cast %parallel_loop3A_456 : i32 to index
        %parallel_loop3A_491 = arith.constant 48 : index
        %parallel_loop3A_492 = tpu.vector_load %arg9[%parallel_loop3A_490, %parallel_loop3A_491] {strides = array<i32>} : memref<128x128xf32, #tpu.memory_space<vmem>>, vector<1x16xf32>,
        %parallel_loop3A_493 = vector.shape_cast %parallel_loop3A_492 : vector<1x16xf32> to vector<16xf32>
        %parallel_loop3A_494 = arith.mulf %parallel_loop3A_489, %parallel_loop3A_493 : vector<16xf32>
        %parallel_loop3A_495 = arith.addf %parallel_loop3A_485, %parallel_loop3A_494 : vector<16xf32>
        %parallel_loop3A_496 = arith.index_cast %parallel_loop3A_116 : i32 to index
        %parallel_loop3A_497 = arith.constant 112 : index
        %parallel_loop3A_498 = tpu.vector_load %arg12[%parallel_loop3A_496, %parallel_loop3A_497] {strides = array<i32>} : memref<16x128xf32, #tpu.memory_space<vmem>>, vector<1x16xf32>,
        %parallel_loop3A_499 = vector.shape_cast %parallel_loop3A_498 : vector<1x16xf32> to vector<16xf32>
        %parallel_loop3A_500 = vector.shape_cast %parallel_loop3A_495 : vector<16xf32> to vector<1x16xf32>
        tpu.vector_store %arg12[%parallel_loop3A_496, %parallel_loop3A_497], %parallel_loop3A_500 {strides = array<i32>} : memref<16x128xf32, #tpu.memory_space<vmem>>, vector<1x16xf32>,
      } {sc.loop_unroll_factor = 4 : i64, sc.parallel_access}
      %dma_start3A_71 = arith.constant 0 : i32
      %dma_start3A_72 = arith.constant 0 : i32
      %dma_start3A_73 = tpu.memref_slice %arg5[%add3A, %mul3A_52, %dma_start3A_71, %dma_start3A_72] : memref<32x80x16x128xf32, #tpu.memory_space<hbm>> -> memref<1x1x16x128xf32, #tpu.memory_space<hbm>>
      %dma_start3A_74 = tpu.memref_squeeze %dma_start3A_73 : memref<1x1x16x128xf32, #tpu.memory_space<hbm>> -> memref<16x128xf32, #tpu.memory_space<hbm>>
      %dma_start3A_75 = arith.constant 0 : i32
      %dma_start3A_76 = arith.constant 0 : i32
      %dma_start3A_77 = tpu.memref_slice %arg5[%add3A, %mul3A_52, %dma_start3A_75, %dma_start3A_76] : memref<32x80x16x128xf32, #tpu.memory_space<hbm>> -> memref<1x1x16x128xf32, #tpu.memory_space<hbm>>
      %dma_start3A_78 = tpu.memref_squeeze %dma_start3A_77 : memref<1x1x16x128xf32, #tpu.memory_space<hbm>> -> memref<16x128xf32, #tpu.memory_space<hbm>>
      tpu.enqueue_dma source(%arg12 : memref<16x128xf32, #tpu.memory_space<vmem>>) target(%dma_start3A_78 : memref<16x128xf32, #tpu.memory_space<hbm>>) target_semaphore(%arg16 : memref<!tpu.dma_semaphore, #tpu.memory_space<semaphore_mem>>)
      %lt3A = arith.constant 39 : i32
      %lt3A_79 = arith.cmpi slt, %scan3A_50, %lt3A : i32
      %convert_element_type3A_80 = arith.extui %lt3A_79 : i1 to i32
      %cond3A_81 = arith.constant 0 : i32
      %cond3A_82 = arith.cmpi ne, %convert_element_type3A_80, %cond3A_81 : i32
      scf.if %cond3A_82 {
        %add3A_116 = arith.constant 2 : i32
        %add3A_117 = arith.addi %mul3A_52, %add3A_116 : i32
        %dma_start3A_118 = arith.constant 0 : i32
        %dma_start3A_119 = tpu.memref_slice %arg6[%add3A_117, %dma_start3A_118] : memref<80x128xi32, #tpu.memory_space<vmem>> -> memref<1x128xi32, #tpu.memory_space<vmem>>
        %dma_start3A_120 = tpu.memref_squeeze %dma_start3A_119 : memref<1x128xi32, #tpu.memory_space<vmem>> -> memref<128xi32, #tpu.memory_space<vmem>>
        %dma_start3A_121 = arith.constant 0 : i32
        %dma_start3A_122 = arith.constant 0 : i32
        %dma_start3A_123 = tpu.memref_slice %arg2[%dma_start3A_121, %dma_start3A_122] : memref<10240x128xf32, #tpu.memory_space<hbm>> -> memref<10240x128xf32, #tpu.memory_space<hbm>>
        tpu.enqueue_indirect_dma source(%dma_start3A_123 : memref<10240x128xf32, #tpu.memory_space<hbm>>) target(%arg8 : memref<128x128xf32, #tpu.memory_space<vmem>>) offsets(%dma_start3A_120 : memref<128xi32, #tpu.memory_space<vmem>>) semaphore(%arg14 : memref<!tpu.dma_semaphore, #tpu.memory_space<semaphore_mem>>)
        %add3A_124 = arith.constant 2 : i32
        %add3A_125 = arith.addi %mul3A_52, %add3A_124 : i32
        %dma_start3A_126 = arith.constant 0 : i32
        %dma_start3A_127 = tpu.memref_slice %arg7[%add3A_125, %dma_start3A_126] : memref<80x128xi32, #tpu.memory_space<vmem>> -> memref<1x128xi32, #tpu.memory_space<vmem>>
        %dma_start3A_128 = tpu.memref_squeeze %dma_start3A_127 : memref<1x128xi32, #tpu.memory_space<vmem>> -> memref<128xi32, #tpu.memory_space<vmem>>
        %dma_start3A_129 = arith.constant 0 : i32
        %dma_start3A_130 = arith.constant 0 : i32
        %dma_start3A_131 = tpu.memref_slice %arg2[%dma_start3A_129, %dma_start3A_130] : memref<10240x128xf32, #tpu.memory_space<hbm>> -> memref<10240x128xf32, #tpu.memory_space<hbm>>
        tpu.enqueue_indirect_dma source(%dma_start3A_131 : memref<10240x128xf32, #tpu.memory_space<hbm>>) target(%arg9 : memref<128x128xf32, #tpu.memory_space<vmem>>) offsets(%dma_start3A_128 : memref<128xi32, #tpu.memory_space<vmem>>) semaphore(%arg14 : memref<!tpu.dma_semaphore, #tpu.memory_space<semaphore_mem>>)
      } else {
      }
      %dma_wait3A_83 = arith.constant 0 : i32
      %dma_wait3A_84 = tpu.memref_slice %arg6[%add3A_54, %dma_wait3A_83] : memref<80x128xi32, #tpu.memory_space<vmem>> -> memref<1x128xi32, #tpu.memory_space<vmem>>
      %dma_wait3A_85 = tpu.memref_squeeze %dma_wait3A_84 : memref<1x128xi32, #tpu.memory_space<vmem>> -> memref<128xi32, #tpu.memory_space<vmem>>
      %dma_wait3A_86 = arith.constant 0 : i32
      %dma_wait3A_87 = arith.constant 0 : i32
      %dma_wait3A_88 = tpu.memref_slice %arg2[%dma_wait3A_86, %dma_wait3A_87] : memref<10240x128xf32, #tpu.memory_space<hbm>> -> memref<10240x128xf32, #tpu.memory_space<hbm>>
      tpu.wait_indirect_dma semaphore(%arg15 : memref<!tpu.dma_semaphore, #tpu.memory_space<semaphore_mem>>) src(%dma_wait3A_88 : memref<10240x128xf32, #tpu.memory_space<hbm>>) dst(%arg10 : memref<128x128xf32, #tpu.memory_space<vmem>>)
      %dma_wait3A_89 = arith.constant 0 : i32
      %dma_wait3A_90 = tpu.memref_slice %arg7[%add3A_54, %dma_wait3A_89] : memref<80x128xi32, #tpu.memory_space<vmem>> -> memref<1x128xi32, #tpu.memory_space<vmem>>
      %dma_wait3A_91 = tpu.memref_squeeze %dma_wait3A_90 : memref<1x128xi32, #tpu.memory_space<vmem>> -> memref<128xi32, #tpu.memory_space<vmem>>
      %dma_wait3A_92 = arith.constant 0 : i32
      %dma_wait3A_93 = arith.constant 0 : i32
      %dma_wait3A_94 = tpu.memref_slice %arg2[%dma_wait3A_92, %dma_wait3A_93] : memref<10240x128xf32, #tpu.memory_space<hbm>> -> memref<10240x128xf32, #tpu.memory_space<hbm>>
      tpu.wait_indirect_dma semaphore(%arg15 : memref<!tpu.dma_semaphore, #tpu.memory_space<semaphore_mem>>) src(%dma_wait3A_94 : memref<10240x128xf32, #tpu.memory_space<hbm>>) dst(%arg11 : memref<128x128xf32, #tpu.memory_space<vmem>>)
      %gt3A_95 = arith.constant 0 : i32
      %gt3A_96 = arith.cmpi sgt, %scan3A_50, %gt3A_95 : i32
      %convert_element_type3A_97 = arith.extui %gt3A_96 : i1 to i32
      %cond3A_98 = arith.constant 0 : i32
      %cond3A_99 = arith.cmpi ne, %convert_element_type3A_97, %cond3A_98 : i32
      scf.if %cond3A_99 {
        %dma_wait3A_116 = arith.constant 0 : i32
        %dma_wait3A_117 = arith.constant 0 : i32
        %dma_wait3A_118 = tpu.memref_slice %arg5[%add3A, %add3A_54, %dma_wait3A_116, %dma_wait3A_117] : memref<32x80x16x128xf32, #tpu.memory_space<hbm>> -> memref<1x1x16x128xf32, #tpu.memory_space<hbm>>
        %dma_wait3A_119 = tpu.memref_squeeze %dma_wait3A_118 : memref<1x1x16x128xf32, #tpu.memory_space<hbm>> -> memref<16x128xf32, #tpu.memory_space<hbm>>
        %dma_wait3A_120 = arith.constant 0 : i32
        %dma_wait3A_121 = arith.constant 0 : i32
        %dma_wait3A_122 = tpu.memref_slice %arg5[%add3A, %add3A_54, %dma_wait3A_120, %dma_wait3A_121] : memref<32x80x16x128xf32, #tpu.memory_space<hbm>> -> memref<1x1x16x128xf32, #tpu.memory_space<hbm>>
        %dma_wait3A_123 = tpu.memref_squeeze %dma_wait3A_122 : memref<1x1x16x128xf32, #tpu.memory_space<hbm>> -> memref<16x128xf32, #tpu.memory_space<hbm>>
        tpu.wait_dma2 semaphore(%arg17 : memref<!tpu.dma_semaphore, #tpu.memory_space<semaphore_mem>>) src(%arg13 : memref<16x128xf32, #tpu.memory_space<vmem>>) dst(%dma_wait3A_123 : memref<16x128xf32, #tpu.memory_space<hbm>>)
      } else {
      }
      %parallel_loop3A_100 = arith.constant 0 : i32
      %parallel_loop3A_101 = arith.constant 16 : i32
      %parallel_loop3A_102 = arith.constant 1 : i32
      scf.for %parallel_loop3A_116 = %parallel_loop3A_100 to %parallel_loop3A_101 step %parallel_loop3A_102  : i32 {
        %parallel_loop3A_117 = arith.constant 8 : i32
        %parallel_loop3A_118 = arith.muli %parallel_loop3A_116, %parallel_loop3A_117 : i32
        %parallel_loop3A_119 = arith.constant 0 : i32
        %parallel_loop3A_120 = arith.addi %parallel_loop3A_118, %parallel_loop3A_119 : i32
        %parallel_loop3A_121 = arith.index_cast %parallel_loop3A_120 : i32 to index
        %parallel_loop3A_122 = arith.constant 0 : index
        %parallel_loop3A_123 = tpu.vector_load %arg10[%parallel_loop3A_121, %parallel_loop3A_122] {strides = array<i32>} : memref<128x128xf32, #tpu.memory_space<vmem>>, vector<1x16xf32>,
        %parallel_loop3A_124 = vector.shape_cast %parallel_loop3A_123 : vector<1x16xf32> to vector<16xf32>
        %parallel_loop3A_125 = arith.index_cast %parallel_loop3A_120 : i32 to index
        %parallel_loop3A_126 = arith.constant 0 : index
        %parallel_loop3A_127 = tpu.vector_load %arg11[%parallel_loop3A_125, %parallel_loop3A_126] {strides = array<i32>} : memref<128x128xf32, #tpu.memory_space<vmem>>, vector<1x16xf32>,
        %parallel_loop3A_128 = vector.shape_cast %parallel_loop3A_127 : vector<1x16xf32> to vector<16xf32>
        %parallel_loop3A_129 = arith.mulf %parallel_loop3A_124, %parallel_loop3A_128 : vector<16xf32>
        %parallel_loop3A_130 = arith.index_cast %parallel_loop3A_120 : i32 to index
        %parallel_loop3A_131 = arith.constant 16 : index
        %parallel_loop3A_132 = tpu.vector_load %arg10[%parallel_loop3A_130, %parallel_loop3A_131] {strides = array<i32>} : memref<128x128xf32, #tpu.memory_space<vmem>>, vector<1x16xf32>,
        %parallel_loop3A_133 = vector.shape_cast %parallel_loop3A_132 : vector<1x16xf32> to vector<16xf32>
        %parallel_loop3A_134 = arith.index_cast %parallel_loop3A_120 : i32 to index
        %parallel_loop3A_135 = arith.constant 16 : index
        %parallel_loop3A_136 = tpu.vector_load %arg11[%parallel_loop3A_134, %parallel_loop3A_135] {strides = array<i32>} : memref<128x128xf32, #tpu.memory_space<vmem>>, vector<1x16xf32>,
        %parallel_loop3A_137 = vector.shape_cast %parallel_loop3A_136 : vector<1x16xf32> to vector<16xf32>
        %parallel_loop3A_138 = arith.mulf %parallel_loop3A_133, %parallel_loop3A_137 : vector<16xf32>
        %parallel_loop3A_139 = arith.addf %parallel_loop3A_129, %parallel_loop3A_138 : vector<16xf32>
        %parallel_loop3A_140 = arith.index_cast %parallel_loop3A_120 : i32 to index
        %parallel_loop3A_141 = arith.constant 32 : index
        %parallel_loop3A_142 = tpu.vector_load %arg10[%parallel_loop3A_140, %parallel_loop3A_141] {strides = array<i32>} : memref<128x128xf32, #tpu.memory_space<vmem>>, vector<1x16xf32>,
        %parallel_loop3A_143 = vector.shape_cast %parallel_loop3A_142 : vector<1x16xf32> to vector<16xf32>
        %parallel_loop3A_144 = arith.index_cast %parallel_loop3A_120 : i32 to index
        %parallel_loop3A_145 = arith.constant 32 : index
        %parallel_loop3A_146 = tpu.vector_load %arg11[%parallel_loop3A_144, %parallel_loop3A_145] {strides = array<i32>} : memref<128x128xf32, #tpu.memory_space<vmem>>, vector<1x16xf32>,
        %parallel_loop3A_147 = vector.shape_cast %parallel_loop3A_146 : vector<1x16xf32> to vector<16xf32>
        %parallel_loop3A_148 = arith.mulf %parallel_loop3A_143, %parallel_loop3A_147 : vector<16xf32>
        %parallel_loop3A_149 = arith.addf %parallel_loop3A_139, %parallel_loop3A_148 : vector<16xf32>
        %parallel_loop3A_150 = arith.index_cast %parallel_loop3A_120 : i32 to index
        %parallel_loop3A_151 = arith.constant 48 : index
        %parallel_loop3A_152 = tpu.vector_load %arg10[%parallel_loop3A_150, %parallel_loop3A_151] {strides = array<i32>} : memref<128x128xf32, #tpu.memory_space<vmem>>, vector<1x16xf32>,
        %parallel_loop3A_153 = vector.shape_cast %parallel_loop3A_152 : vector<1x16xf32> to vector<16xf32>
        %parallel_loop3A_154 = arith.index_cast %parallel_loop3A_120 : i32 to index
        %parallel_loop3A_155 = arith.constant 48 : index
        %parallel_loop3A_156 = tpu.vector_load %arg11[%parallel_loop3A_154, %parallel_loop3A_155] {strides = array<i32>} : memref<128x128xf32, #tpu.memory_space<vmem>>, vector<1x16xf32>,
        %parallel_loop3A_157 = vector.shape_cast %parallel_loop3A_156 : vector<1x16xf32> to vector<16xf32>
        %parallel_loop3A_158 = arith.mulf %parallel_loop3A_153, %parallel_loop3A_157 : vector<16xf32>
        %parallel_loop3A_159 = arith.addf %parallel_loop3A_149, %parallel_loop3A_158 : vector<16xf32>
        %parallel_loop3A_160 = arith.index_cast %parallel_loop3A_116 : i32 to index
        %parallel_loop3A_161 = arith.constant 0 : index
        %parallel_loop3A_162 = tpu.vector_load %arg13[%parallel_loop3A_160, %parallel_loop3A_161] {strides = array<i32>} : memref<16x128xf32, #tpu.memory_space<vmem>>, vector<1x16xf32>,
        %parallel_loop3A_163 = vector.shape_cast %parallel_loop3A_162 : vector<1x16xf32> to vector<16xf32>
        %parallel_loop3A_164 = vector.shape_cast %parallel_loop3A_159 : vector<16xf32> to vector<1x16xf32>
        tpu.vector_store %arg13[%parallel_loop3A_160, %parallel_loop3A_161], %parallel_loop3A_164 {strides = array<i32>} : memref<16x128xf32, #tpu.memory_space<vmem>>, vector<1x16xf32>,
        %parallel_loop3A_165 = arith.constant 8 : i32
        %parallel_loop3A_166 = arith.muli %parallel_loop3A_116, %parallel_loop3A_165 : i32
        %parallel_loop3A_167 = arith.constant 1 : i32
        %parallel_loop3A_168 = arith.addi %parallel_loop3A_166, %parallel_loop3A_167 : i32
        %parallel_loop3A_169 = arith.index_cast %parallel_loop3A_168 : i32 to index
        %parallel_loop3A_170 = arith.constant 0 : index
        %parallel_loop3A_171 = tpu.vector_load %arg10[%parallel_loop3A_169, %parallel_loop3A_170] {strides = array<i32>} : memref<128x128xf32, #tpu.memory_space<vmem>>, vector<1x16xf32>,
        %parallel_loop3A_172 = vector.shape_cast %parallel_loop3A_171 : vector<1x16xf32> to vector<16xf32>
        %parallel_loop3A_173 = arith.index_cast %parallel_loop3A_168 : i32 to index
        %parallel_loop3A_174 = arith.constant 0 : index
        %parallel_loop3A_175 = tpu.vector_load %arg11[%parallel_loop3A_173, %parallel_loop3A_174] {strides = array<i32>} : memref<128x128xf32, #tpu.memory_space<vmem>>, vector<1x16xf32>,
        %parallel_loop3A_176 = vector.shape_cast %parallel_loop3A_175 : vector<1x16xf32> to vector<16xf32>
        %parallel_loop3A_177 = arith.mulf %parallel_loop3A_172, %parallel_loop3A_176 : vector<16xf32>
        %parallel_loop3A_178 = arith.index_cast %parallel_loop3A_168 : i32 to index
        %parallel_loop3A_179 = arith.constant 16 : index
        %parallel_loop3A_180 = tpu.vector_load %arg10[%parallel_loop3A_178, %parallel_loop3A_179] {strides = array<i32>} : memref<128x128xf32, #tpu.memory_space<vmem>>, vector<1x16xf32>,
        %parallel_loop3A_181 = vector.shape_cast %parallel_loop3A_180 : vector<1x16xf32> to vector<16xf32>
        %parallel_loop3A_182 = arith.index_cast %parallel_loop3A_168 : i32 to index
        %parallel_loop3A_183 = arith.constant 16 : index
        %parallel_loop3A_184 = tpu.vector_load %arg11[%parallel_loop3A_182, %parallel_loop3A_183] {strides = array<i32>} : memref<128x128xf32, #tpu.memory_space<vmem>>, vector<1x16xf32>,
        %parallel_loop3A_185 = vector.shape_cast %parallel_loop3A_184 : vector<1x16xf32> to vector<16xf32>
        %parallel_loop3A_186 = arith.mulf %parallel_loop3A_181, %parallel_loop3A_185 : vector<16xf32>
        %parallel_loop3A_187 = arith.addf %parallel_loop3A_177, %parallel_loop3A_186 : vector<16xf32>
        %parallel_loop3A_188 = arith.index_cast %parallel_loop3A_168 : i32 to index
        %parallel_loop3A_189 = arith.constant 32 : index
        %parallel_loop3A_190 = tpu.vector_load %arg10[%parallel_loop3A_188, %parallel_loop3A_189] {strides = array<i32>} : memref<128x128xf32, #tpu.memory_space<vmem>>, vector<1x16xf32>,
        %parallel_loop3A_191 = vector.shape_cast %parallel_loop3A_190 : vector<1x16xf32> to vector<16xf32>
        %parallel_loop3A_192 = arith.index_cast %parallel_loop3A_168 : i32 to index
        %parallel_loop3A_193 = arith.constant 32 : index
        %parallel_loop3A_194 = tpu.vector_load %arg11[%parallel_loop3A_192, %parallel_loop3A_193] {strides = array<i32>} : memref<128x128xf32, #tpu.memory_space<vmem>>, vector<1x16xf32>,
        %parallel_loop3A_195 = vector.shape_cast %parallel_loop3A_194 : vector<1x16xf32> to vector<16xf32>
        %parallel_loop3A_196 = arith.mulf %parallel_loop3A_191, %parallel_loop3A_195 : vector<16xf32>
        %parallel_loop3A_197 = arith.addf %parallel_loop3A_187, %parallel_loop3A_196 : vector<16xf32>
        %parallel_loop3A_198 = arith.index_cast %parallel_loop3A_168 : i32 to index
        %parallel_loop3A_199 = arith.constant 48 : index
        %parallel_loop3A_200 = tpu.vector_load %arg10[%parallel_loop3A_198, %parallel_loop3A_199] {strides = array<i32>} : memref<128x128xf32, #tpu.memory_space<vmem>>, vector<1x16xf32>,
        %parallel_loop3A_201 = vector.shape_cast %parallel_loop3A_200 : vector<1x16xf32> to vector<16xf32>
        %parallel_loop3A_202 = arith.index_cast %parallel_loop3A_168 : i32 to index
        %parallel_loop3A_203 = arith.constant 48 : index
        %parallel_loop3A_204 = tpu.vector_load %arg11[%parallel_loop3A_202, %parallel_loop3A_203] {strides = array<i32>} : memref<128x128xf32, #tpu.memory_space<vmem>>, vector<1x16xf32>,
        %parallel_loop3A_205 = vector.shape_cast %parallel_loop3A_204 : vector<1x16xf32> to vector<16xf32>
        %parallel_loop3A_206 = arith.mulf %parallel_loop3A_201, %parallel_loop3A_205 : vector<16xf32>
        %parallel_loop3A_207 = arith.addf %parallel_loop3A_197, %parallel_loop3A_206 : vector<16xf32>
        %parallel_loop3A_208 = arith.index_cast %parallel_loop3A_116 : i32 to index
        %parallel_loop3A_209 = arith.constant 16 : index
        %parallel_loop3A_210 = tpu.vector_load %arg13[%parallel_loop3A_208, %parallel_loop3A_209] {strides = array<i32>} : memref<16x128xf32, #tpu.memory_space<vmem>>, vector<1x16xf32>,
        %parallel_loop3A_211 = vector.shape_cast %parallel_loop3A_210 : vector<1x16xf32> to vector<16xf32>
        %parallel_loop3A_212 = vector.shape_cast %parallel_loop3A_207 : vector<16xf32> to vector<1x16xf32>
        tpu.vector_store %arg13[%parallel_loop3A_208, %parallel_loop3A_209], %parallel_loop3A_212 {strides = array<i32>} : memref<16x128xf32, #tpu.memory_space<vmem>>, vector<1x16xf32>,
        %parallel_loop3A_213 = arith.constant 8 : i32
        %parallel_loop3A_214 = arith.muli %parallel_loop3A_116, %parallel_loop3A_213 : i32
        %parallel_loop3A_215 = arith.constant 2 : i32
        %parallel_loop3A_216 = arith.addi %parallel_loop3A_214, %parallel_loop3A_215 : i32
        %parallel_loop3A_217 = arith.index_cast %parallel_loop3A_216 : i32 to index
        %parallel_loop3A_218 = arith.constant 0 : index
        %parallel_loop3A_219 = tpu.vector_load %arg10[%parallel_loop3A_217, %parallel_loop3A_218] {strides = array<i32>} : memref<128x128xf32, #tpu.memory_space<vmem>>, vector<1x16xf32>,
        %parallel_loop3A_220 = vector.shape_cast %parallel_loop3A_219 : vector<1x16xf32> to vector<16xf32>
        %parallel_loop3A_221 = arith.index_cast %parallel_loop3A_216 : i32 to index
        %parallel_loop3A_222 = arith.constant 0 : index
        %parallel_loop3A_223 = tpu.vector_load %arg11[%parallel_loop3A_221, %parallel_loop3A_222] {strides = array<i32>} : memref<128x128xf32, #tpu.memory_space<vmem>>, vector<1x16xf32>,
        %parallel_loop3A_224 = vector.shape_cast %parallel_loop3A_223 : vector<1x16xf32> to vector<16xf32>
        %parallel_loop3A_225 = arith.mulf %parallel_loop3A_220, %parallel_loop3A_224 : vector<16xf32>
        %parallel_loop3A_226 = arith.index_cast %parallel_loop3A_216 : i32 to index
        %parallel_loop3A_227 = arith.constant 16 : index
        %parallel_loop3A_228 = tpu.vector_load %arg10[%parallel_loop3A_226, %parallel_loop3A_227] {strides = array<i32>} : memref<128x128xf32, #tpu.memory_space<vmem>>, vector<1x16xf32>,
        %parallel_loop3A_229 = vector.shape_cast %parallel_loop3A_228 : vector<1x16xf32> to vector<16xf32>
        %parallel_loop3A_230 = arith.index_cast %parallel_loop3A_216 : i32 to index
        %parallel_loop3A_231 = arith.constant 16 : index
        %parallel_loop3A_232 = tpu.vector_load %arg11[%parallel_loop3A_230, %parallel_loop3A_231] {strides = array<i32>} : memref<128x128xf32, #tpu.memory_space<vmem>>, vector<1x16xf32>,
        %parallel_loop3A_233 = vector.shape_cast %parallel_loop3A_232 : vector<1x16xf32> to vector<16xf32>
        %parallel_loop3A_234 = arith.mulf %parallel_loop3A_229, %parallel_loop3A_233 : vector<16xf32>
        %parallel_loop3A_235 = arith.addf %parallel_loop3A_225, %parallel_loop3A_234 : vector<16xf32>
        %parallel_loop3A_236 = arith.index_cast %parallel_loop3A_216 : i32 to index
        %parallel_loop3A_237 = arith.constant 32 : index
        %parallel_loop3A_238 = tpu.vector_load %arg10[%parallel_loop3A_236, %parallel_loop3A_237] {strides = array<i32>} : memref<128x128xf32, #tpu.memory_space<vmem>>, vector<1x16xf32>,
        %parallel_loop3A_239 = vector.shape_cast %parallel_loop3A_238 : vector<1x16xf32> to vector<16xf32>
        %parallel_loop3A_240 = arith.index_cast %parallel_loop3A_216 : i32 to index
        %parallel_loop3A_241 = arith.constant 32 : index
        %parallel_loop3A_242 = tpu.vector_load %arg11[%parallel_loop3A_240, %parallel_loop3A_241] {strides = array<i32>} : memref<128x128xf32, #tpu.memory_space<vmem>>, vector<1x16xf32>,
        %parallel_loop3A_243 = vector.shape_cast %parallel_loop3A_242 : vector<1x16xf32> to vector<16xf32>
        %parallel_loop3A_244 = arith.mulf %parallel_loop3A_239, %parallel_loop3A_243 : vector<16xf32>
        %parallel_loop3A_245 = arith.addf %parallel_loop3A_235, %parallel_loop3A_244 : vector<16xf32>
        %parallel_loop3A_246 = arith.index_cast %parallel_loop3A_216 : i32 to index
        %parallel_loop3A_247 = arith.constant 48 : index
        %parallel_loop3A_248 = tpu.vector_load %arg10[%parallel_loop3A_246, %parallel_loop3A_247] {strides = array<i32>} : memref<128x128xf32, #tpu.memory_space<vmem>>, vector<1x16xf32>,
        %parallel_loop3A_249 = vector.shape_cast %parallel_loop3A_248 : vector<1x16xf32> to vector<16xf32>
        %parallel_loop3A_250 = arith.index_cast %parallel_loop3A_216 : i32 to index
        %parallel_loop3A_251 = arith.constant 48 : index
        %parallel_loop3A_252 = tpu.vector_load %arg11[%parallel_loop3A_250, %parallel_loop3A_251] {strides = array<i32>} : memref<128x128xf32, #tpu.memory_space<vmem>>, vector<1x16xf32>,
        %parallel_loop3A_253 = vector.shape_cast %parallel_loop3A_252 : vector<1x16xf32> to vector<16xf32>
        %parallel_loop3A_254 = arith.mulf %parallel_loop3A_249, %parallel_loop3A_253 : vector<16xf32>
        %parallel_loop3A_255 = arith.addf %parallel_loop3A_245, %parallel_loop3A_254 : vector<16xf32>
        %parallel_loop3A_256 = arith.index_cast %parallel_loop3A_116 : i32 to index
        %parallel_loop3A_257 = arith.constant 32 : index
        %parallel_loop3A_258 = tpu.vector_load %arg13[%parallel_loop3A_256, %parallel_loop3A_257] {strides = array<i32>} : memref<16x128xf32, #tpu.memory_space<vmem>>, vector<1x16xf32>,
        %parallel_loop3A_259 = vector.shape_cast %parallel_loop3A_258 : vector<1x16xf32> to vector<16xf32>
        %parallel_loop3A_260 = vector.shape_cast %parallel_loop3A_255 : vector<16xf32> to vector<1x16xf32>
        tpu.vector_store %arg13[%parallel_loop3A_256, %parallel_loop3A_257], %parallel_loop3A_260 {strides = array<i32>} : memref<16x128xf32, #tpu.memory_space<vmem>>, vector<1x16xf32>,
        %parallel_loop3A_261 = arith.constant 8 : i32
        %parallel_loop3A_262 = arith.muli %parallel_loop3A_116, %parallel_loop3A_261 : i32
        %parallel_loop3A_263 = arith.constant 3 : i32
        %parallel_loop3A_264 = arith.addi %parallel_loop3A_262, %parallel_loop3A_263 : i32
        %parallel_loop3A_265 = arith.index_cast %parallel_loop3A_264 : i32 to index
        %parallel_loop3A_266 = arith.constant 0 : index
        %parallel_loop3A_267 = tpu.vector_load %arg10[%parallel_loop3A_265, %parallel_loop3A_266] {strides = array<i32>} : memref<128x128xf32, #tpu.memory_space<vmem>>, vector<1x16xf32>,
        %parallel_loop3A_268 = vector.shape_cast %parallel_loop3A_267 : vector<1x16xf32> to vector<16xf32>
        %parallel_loop3A_269 = arith.index_cast %parallel_loop3A_264 : i32 to index
        %parallel_loop3A_270 = arith.constant 0 : index
        %parallel_loop3A_271 = tpu.vector_load %arg11[%parallel_loop3A_269, %parallel_loop3A_270] {strides = array<i32>} : memref<128x128xf32, #tpu.memory_space<vmem>>, vector<1x16xf32>,
        %parallel_loop3A_272 = vector.shape_cast %parallel_loop3A_271 : vector<1x16xf32> to vector<16xf32>
        %parallel_loop3A_273 = arith.mulf %parallel_loop3A_268, %parallel_loop3A_272 : vector<16xf32>
        %parallel_loop3A_274 = arith.index_cast %parallel_loop3A_264 : i32 to index
        %parallel_loop3A_275 = arith.constant 16 : index
        %parallel_loop3A_276 = tpu.vector_load %arg10[%parallel_loop3A_274, %parallel_loop3A_275] {strides = array<i32>} : memref<128x128xf32, #tpu.memory_space<vmem>>, vector<1x16xf32>,
        %parallel_loop3A_277 = vector.shape_cast %parallel_loop3A_276 : vector<1x16xf32> to vector<16xf32>
        %parallel_loop3A_278 = arith.index_cast %parallel_loop3A_264 : i32 to index
        %parallel_loop3A_279 = arith.constant 16 : index
        %parallel_loop3A_280 = tpu.vector_load %arg11[%parallel_loop3A_278, %parallel_loop3A_279] {strides = array<i32>} : memref<128x128xf32, #tpu.memory_space<vmem>>, vector<1x16xf32>,
        %parallel_loop3A_281 = vector.shape_cast %parallel_loop3A_280 : vector<1x16xf32> to vector<16xf32>
        %parallel_loop3A_282 = arith.mulf %parallel_loop3A_277, %parallel_loop3A_281 : vector<16xf32>
        %parallel_loop3A_283 = arith.addf %parallel_loop3A_273, %parallel_loop3A_282 : vector<16xf32>
        %parallel_loop3A_284 = arith.index_cast %parallel_loop3A_264 : i32 to index
        %parallel_loop3A_285 = arith.constant 32 : index
        %parallel_loop3A_286 = tpu.vector_load %arg10[%parallel_loop3A_284, %parallel_loop3A_285] {strides = array<i32>} : memref<128x128xf32, #tpu.memory_space<vmem>>, vector<1x16xf32>,
        %parallel_loop3A_287 = vector.shape_cast %parallel_loop3A_286 : vector<1x16xf32> to vector<16xf32>
        %parallel_loop3A_288 = arith.index_cast %parallel_loop3A_264 : i32 to index
        %parallel_loop3A_289 = arith.constant 32 : index
        %parallel_loop3A_290 = tpu.vector_load %arg11[%parallel_loop3A_288, %parallel_loop3A_289] {strides = array<i32>} : memref<128x128xf32, #tpu.memory_space<vmem>>, vector<1x16xf32>,
        %parallel_loop3A_291 = vector.shape_cast %parallel_loop3A_290 : vector<1x16xf32> to vector<16xf32>
        %parallel_loop3A_292 = arith.mulf %parallel_loop3A_287, %parallel_loop3A_291 : vector<16xf32>
        %parallel_loop3A_293 = arith.addf %parallel_loop3A_283, %parallel_loop3A_292 : vector<16xf32>
        %parallel_loop3A_294 = arith.index_cast %parallel_loop3A_264 : i32 to index
        %parallel_loop3A_295 = arith.constant 48 : index
        %parallel_loop3A_296 = tpu.vector_load %arg10[%parallel_loop3A_294, %parallel_loop3A_295] {strides = array<i32>} : memref<128x128xf32, #tpu.memory_space<vmem>>, vector<1x16xf32>,
        %parallel_loop3A_297 = vector.shape_cast %parallel_loop3A_296 : vector<1x16xf32> to vector<16xf32>
        %parallel_loop3A_298 = arith.index_cast %parallel_loop3A_264 : i32 to index
        %parallel_loop3A_299 = arith.constant 48 : index
        %parallel_loop3A_300 = tpu.vector_load %arg11[%parallel_loop3A_298, %parallel_loop3A_299] {strides = array<i32>} : memref<128x128xf32, #tpu.memory_space<vmem>>, vector<1x16xf32>,
        %parallel_loop3A_301 = vector.shape_cast %parallel_loop3A_300 : vector<1x16xf32> to vector<16xf32>
        %parallel_loop3A_302 = arith.mulf %parallel_loop3A_297, %parallel_loop3A_301 : vector<16xf32>
        %parallel_loop3A_303 = arith.addf %parallel_loop3A_293, %parallel_loop3A_302 : vector<16xf32>
        %parallel_loop3A_304 = arith.index_cast %parallel_loop3A_116 : i32 to index
        %parallel_loop3A_305 = arith.constant 48 : index
        %parallel_loop3A_306 = tpu.vector_load %arg13[%parallel_loop3A_304, %parallel_loop3A_305] {strides = array<i32>} : memref<16x128xf32, #tpu.memory_space<vmem>>, vector<1x16xf32>,
        %parallel_loop3A_307 = vector.shape_cast %parallel_loop3A_306 : vector<1x16xf32> to vector<16xf32>
        %parallel_loop3A_308 = vector.shape_cast %parallel_loop3A_303 : vector<16xf32> to vector<1x16xf32>
        tpu.vector_store %arg13[%parallel_loop3A_304, %parallel_loop3A_305], %parallel_loop3A_308 {strides = array<i32>} : memref<16x128xf32, #tpu.memory_space<vmem>>, vector<1x16xf32>,
        %parallel_loop3A_309 = arith.constant 8 : i32
        %parallel_loop3A_310 = arith.muli %parallel_loop3A_116, %parallel_loop3A_309 : i32
        %parallel_loop3A_311 = arith.constant 4 : i32
        %parallel_loop3A_312 = arith.addi %parallel_loop3A_310, %parallel_loop3A_311 : i32
        %parallel_loop3A_313 = arith.index_cast %parallel_loop3A_312 : i32 to index
        %parallel_loop3A_314 = arith.constant 0 : index
        %parallel_loop3A_315 = tpu.vector_load %arg10[%parallel_loop3A_313, %parallel_loop3A_314] {strides = array<i32>} : memref<128x128xf32, #tpu.memory_space<vmem>>, vector<1x16xf32>,
        %parallel_loop3A_316 = vector.shape_cast %parallel_loop3A_315 : vector<1x16xf32> to vector<16xf32>
        %parallel_loop3A_317 = arith.index_cast %parallel_loop3A_312 : i32 to index
        %parallel_loop3A_318 = arith.constant 0 : index
        %parallel_loop3A_319 = tpu.vector_load %arg11[%parallel_loop3A_317, %parallel_loop3A_318] {strides = array<i32>} : memref<128x128xf32, #tpu.memory_space<vmem>>, vector<1x16xf32>,
        %parallel_loop3A_320 = vector.shape_cast %parallel_loop3A_319 : vector<1x16xf32> to vector<16xf32>
        %parallel_loop3A_321 = arith.mulf %parallel_loop3A_316, %parallel_loop3A_320 : vector<16xf32>
        %parallel_loop3A_322 = arith.index_cast %parallel_loop3A_312 : i32 to index
        %parallel_loop3A_323 = arith.constant 16 : index
        %parallel_loop3A_324 = tpu.vector_load %arg10[%parallel_loop3A_322, %parallel_loop3A_323] {strides = array<i32>} : memref<128x128xf32, #tpu.memory_space<vmem>>, vector<1x16xf32>,
        %parallel_loop3A_325 = vector.shape_cast %parallel_loop3A_324 : vector<1x16xf32> to vector<16xf32>
        %parallel_loop3A_326 = arith.index_cast %parallel_loop3A_312 : i32 to index
        %parallel_loop3A_327 = arith.constant 16 : index
        %parallel_loop3A_328 = tpu.vector_load %arg11[%parallel_loop3A_326, %parallel_loop3A_327] {strides = array<i32>} : memref<128x128xf32, #tpu.memory_space<vmem>>, vector<1x16xf32>,
        %parallel_loop3A_329 = vector.shape_cast %parallel_loop3A_328 : vector<1x16xf32> to vector<16xf32>
        %parallel_loop3A_330 = arith.mulf %parallel_loop3A_325, %parallel_loop3A_329 : vector<16xf32>
        %parallel_loop3A_331 = arith.addf %parallel_loop3A_321, %parallel_loop3A_330 : vector<16xf32>
        %parallel_loop3A_332 = arith.index_cast %parallel_loop3A_312 : i32 to index
        %parallel_loop3A_333 = arith.constant 32 : index
        %parallel_loop3A_334 = tpu.vector_load %arg10[%parallel_loop3A_332, %parallel_loop3A_333] {strides = array<i32>} : memref<128x128xf32, #tpu.memory_space<vmem>>, vector<1x16xf32>,
        %parallel_loop3A_335 = vector.shape_cast %parallel_loop3A_334 : vector<1x16xf32> to vector<16xf32>
        %parallel_loop3A_336 = arith.index_cast %parallel_loop3A_312 : i32 to index
        %parallel_loop3A_337 = arith.constant 32 : index
        %parallel_loop3A_338 = tpu.vector_load %arg11[%parallel_loop3A_336, %parallel_loop3A_337] {strides = array<i32>} : memref<128x128xf32, #tpu.memory_space<vmem>>, vector<1x16xf32>,
        %parallel_loop3A_339 = vector.shape_cast %parallel_loop3A_338 : vector<1x16xf32> to vector<16xf32>
        %parallel_loop3A_340 = arith.mulf %parallel_loop3A_335, %parallel_loop3A_339 : vector<16xf32>
        %parallel_loop3A_341 = arith.addf %parallel_loop3A_331, %parallel_loop3A_340 : vector<16xf32>
        %parallel_loop3A_342 = arith.index_cast %parallel_loop3A_312 : i32 to index
        %parallel_loop3A_343 = arith.constant 48 : index
        %parallel_loop3A_344 = tpu.vector_load %arg10[%parallel_loop3A_342, %parallel_loop3A_343] {strides = array<i32>} : memref<128x128xf32, #tpu.memory_space<vmem>>, vector<1x16xf32>,
        %parallel_loop3A_345 = vector.shape_cast %parallel_loop3A_344 : vector<1x16xf32> to vector<16xf32>
        %parallel_loop3A_346 = arith.index_cast %parallel_loop3A_312 : i32 to index
        %parallel_loop3A_347 = arith.constant 48 : index
        %parallel_loop3A_348 = tpu.vector_load %arg11[%parallel_loop3A_346, %parallel_loop3A_347] {strides = array<i32>} : memref<128x128xf32, #tpu.memory_space<vmem>>, vector<1x16xf32>,
        %parallel_loop3A_349 = vector.shape_cast %parallel_loop3A_348 : vector<1x16xf32> to vector<16xf32>
        %parallel_loop3A_350 = arith.mulf %parallel_loop3A_345, %parallel_loop3A_349 : vector<16xf32>
        %parallel_loop3A_351 = arith.addf %parallel_loop3A_341, %parallel_loop3A_350 : vector<16xf32>
        %parallel_loop3A_352 = arith.index_cast %parallel_loop3A_116 : i32 to index
        %parallel_loop3A_353 = arith.constant 64 : index
        %parallel_loop3A_354 = tpu.vector_load %arg13[%parallel_loop3A_352, %parallel_loop3A_353] {strides = array<i32>} : memref<16x128xf32, #tpu.memory_space<vmem>>, vector<1x16xf32>,
        %parallel_loop3A_355 = vector.shape_cast %parallel_loop3A_354 : vector<1x16xf32> to vector<16xf32>
        %parallel_loop3A_356 = vector.shape_cast %parallel_loop3A_351 : vector<16xf32> to vector<1x16xf32>
        tpu.vector_store %arg13[%parallel_loop3A_352, %parallel_loop3A_353], %parallel_loop3A_356 {strides = array<i32>} : memref<16x128xf32, #tpu.memory_space<vmem>>, vector<1x16xf32>,
        %parallel_loop3A_357 = arith.constant 8 : i32
        %parallel_loop3A_358 = arith.muli %parallel_loop3A_116, %parallel_loop3A_357 : i32
        %parallel_loop3A_359 = arith.constant 5 : i32
        %parallel_loop3A_360 = arith.addi %parallel_loop3A_358, %parallel_loop3A_359 : i32
        %parallel_loop3A_361 = arith.index_cast %parallel_loop3A_360 : i32 to index
        %parallel_loop3A_362 = arith.constant 0 : index
        %parallel_loop3A_363 = tpu.vector_load %arg10[%parallel_loop3A_361, %parallel_loop3A_362] {strides = array<i32>} : memref<128x128xf32, #tpu.memory_space<vmem>>, vector<1x16xf32>,
        %parallel_loop3A_364 = vector.shape_cast %parallel_loop3A_363 : vector<1x16xf32> to vector<16xf32>
        %parallel_loop3A_365 = arith.index_cast %parallel_loop3A_360 : i32 to index
        %parallel_loop3A_366 = arith.constant 0 : index
        %parallel_loop3A_367 = tpu.vector_load %arg11[%parallel_loop3A_365, %parallel_loop3A_366] {strides = array<i32>} : memref<128x128xf32, #tpu.memory_space<vmem>>, vector<1x16xf32>,
        %parallel_loop3A_368 = vector.shape_cast %parallel_loop3A_367 : vector<1x16xf32> to vector<16xf32>
        %parallel_loop3A_369 = arith.mulf %parallel_loop3A_364, %parallel_loop3A_368 : vector<16xf32>
        %parallel_loop3A_370 = arith.index_cast %parallel_loop3A_360 : i32 to index
        %parallel_loop3A_371 = arith.constant 16 : index
        %parallel_loop3A_372 = tpu.vector_load %arg10[%parallel_loop3A_370, %parallel_loop3A_371] {strides = array<i32>} : memref<128x128xf32, #tpu.memory_space<vmem>>, vector<1x16xf32>,
        %parallel_loop3A_373 = vector.shape_cast %parallel_loop3A_372 : vector<1x16xf32> to vector<16xf32>
        %parallel_loop3A_374 = arith.index_cast %parallel_loop3A_360 : i32 to index
        %parallel_loop3A_375 = arith.constant 16 : index
        %parallel_loop3A_376 = tpu.vector_load %arg11[%parallel_loop3A_374, %parallel_loop3A_375] {strides = array<i32>} : memref<128x128xf32, #tpu.memory_space<vmem>>, vector<1x16xf32>,
        %parallel_loop3A_377 = vector.shape_cast %parallel_loop3A_376 : vector<1x16xf32> to vector<16xf32>
        %parallel_loop3A_378 = arith.mulf %parallel_loop3A_373, %parallel_loop3A_377 : vector<16xf32>
        %parallel_loop3A_379 = arith.addf %parallel_loop3A_369, %parallel_loop3A_378 : vector<16xf32>
        %parallel_loop3A_380 = arith.index_cast %parallel_loop3A_360 : i32 to index
        %parallel_loop3A_381 = arith.constant 32 : index
        %parallel_loop3A_382 = tpu.vector_load %arg10[%parallel_loop3A_380, %parallel_loop3A_381] {strides = array<i32>} : memref<128x128xf32, #tpu.memory_space<vmem>>, vector<1x16xf32>,
        %parallel_loop3A_383 = vector.shape_cast %parallel_loop3A_382 : vector<1x16xf32> to vector<16xf32>
        %parallel_loop3A_384 = arith.index_cast %parallel_loop3A_360 : i32 to index
        %parallel_loop3A_385 = arith.constant 32 : index
        %parallel_loop3A_386 = tpu.vector_load %arg11[%parallel_loop3A_384, %parallel_loop3A_385] {strides = array<i32>} : memref<128x128xf32, #tpu.memory_space<vmem>>, vector<1x16xf32>,
        %parallel_loop3A_387 = vector.shape_cast %parallel_loop3A_386 : vector<1x16xf32> to vector<16xf32>
        %parallel_loop3A_388 = arith.mulf %parallel_loop3A_383, %parallel_loop3A_387 : vector<16xf32>
        %parallel_loop3A_389 = arith.addf %parallel_loop3A_379, %parallel_loop3A_388 : vector<16xf32>
        %parallel_loop3A_390 = arith.index_cast %parallel_loop3A_360 : i32 to index
        %parallel_loop3A_391 = arith.constant 48 : index
        %parallel_loop3A_392 = tpu.vector_load %arg10[%parallel_loop3A_390, %parallel_loop3A_391] {strides = array<i32>} : memref<128x128xf32, #tpu.memory_space<vmem>>, vector<1x16xf32>,
        %parallel_loop3A_393 = vector.shape_cast %parallel_loop3A_392 : vector<1x16xf32> to vector<16xf32>
        %parallel_loop3A_394 = arith.index_cast %parallel_loop3A_360 : i32 to index
        %parallel_loop3A_395 = arith.constant 48 : index
        %parallel_loop3A_396 = tpu.vector_load %arg11[%parallel_loop3A_394, %parallel_loop3A_395] {strides = array<i32>} : memref<128x128xf32, #tpu.memory_space<vmem>>, vector<1x16xf32>,
        %parallel_loop3A_397 = vector.shape_cast %parallel_loop3A_396 : vector<1x16xf32> to vector<16xf32>
        %parallel_loop3A_398 = arith.mulf %parallel_loop3A_393, %parallel_loop3A_397 : vector<16xf32>
        %parallel_loop3A_399 = arith.addf %parallel_loop3A_389, %parallel_loop3A_398 : vector<16xf32>
        %parallel_loop3A_400 = arith.index_cast %parallel_loop3A_116 : i32 to index
        %parallel_loop3A_401 = arith.constant 80 : index
        %parallel_loop3A_402 = tpu.vector_load %arg13[%parallel_loop3A_400, %parallel_loop3A_401] {strides = array<i32>} : memref<16x128xf32, #tpu.memory_space<vmem>>, vector<1x16xf32>,
        %parallel_loop3A_403 = vector.shape_cast %parallel_loop3A_402 : vector<1x16xf32> to vector<16xf32>
        %parallel_loop3A_404 = vector.shape_cast %parallel_loop3A_399 : vector<16xf32> to vector<1x16xf32>
        tpu.vector_store %arg13[%parallel_loop3A_400, %parallel_loop3A_401], %parallel_loop3A_404 {strides = array<i32>} : memref<16x128xf32, #tpu.memory_space<vmem>>, vector<1x16xf32>,
        %parallel_loop3A_405 = arith.constant 8 : i32
        %parallel_loop3A_406 = arith.muli %parallel_loop3A_116, %parallel_loop3A_405 : i32
        %parallel_loop3A_407 = arith.constant 6 : i32
        %parallel_loop3A_408 = arith.addi %parallel_loop3A_406, %parallel_loop3A_407 : i32
        %parallel_loop3A_409 = arith.index_cast %parallel_loop3A_408 : i32 to index
        %parallel_loop3A_410 = arith.constant 0 : index
        %parallel_loop3A_411 = tpu.vector_load %arg10[%parallel_loop3A_409, %parallel_loop3A_410] {strides = array<i32>} : memref<128x128xf32, #tpu.memory_space<vmem>>, vector<1x16xf32>,
        %parallel_loop3A_412 = vector.shape_cast %parallel_loop3A_411 : vector<1x16xf32> to vector<16xf32>
        %parallel_loop3A_413 = arith.index_cast %parallel_loop3A_408 : i32 to index
        %parallel_loop3A_414 = arith.constant 0 : index
        %parallel_loop3A_415 = tpu.vector_load %arg11[%parallel_loop3A_413, %parallel_loop3A_414] {strides = array<i32>} : memref<128x128xf32, #tpu.memory_space<vmem>>, vector<1x16xf32>,
        %parallel_loop3A_416 = vector.shape_cast %parallel_loop3A_415 : vector<1x16xf32> to vector<16xf32>
        %parallel_loop3A_417 = arith.mulf %parallel_loop3A_412, %parallel_loop3A_416 : vector<16xf32>
        %parallel_loop3A_418 = arith.index_cast %parallel_loop3A_408 : i32 to index
        %parallel_loop3A_419 = arith.constant 16 : index
        %parallel_loop3A_420 = tpu.vector_load %arg10[%parallel_loop3A_418, %parallel_loop3A_419] {strides = array<i32>} : memref<128x128xf32, #tpu.memory_space<vmem>>, vector<1x16xf32>,
        %parallel_loop3A_421 = vector.shape_cast %parallel_loop3A_420 : vector<1x16xf32> to vector<16xf32>
        %parallel_loop3A_422 = arith.index_cast %parallel_loop3A_408 : i32 to index
        %parallel_loop3A_423 = arith.constant 16 : index
        %parallel_loop3A_424 = tpu.vector_load %arg11[%parallel_loop3A_422, %parallel_loop3A_423] {strides = array<i32>} : memref<128x128xf32, #tpu.memory_space<vmem>>, vector<1x16xf32>,
        %parallel_loop3A_425 = vector.shape_cast %parallel_loop3A_424 : vector<1x16xf32> to vector<16xf32>
        %parallel_loop3A_426 = arith.mulf %parallel_loop3A_421, %parallel_loop3A_425 : vector<16xf32>
        %parallel_loop3A_427 = arith.addf %parallel_loop3A_417, %parallel_loop3A_426 : vector<16xf32>
        %parallel_loop3A_428 = arith.index_cast %parallel_loop3A_408 : i32 to index
        %parallel_loop3A_429 = arith.constant 32 : index
        %parallel_loop3A_430 = tpu.vector_load %arg10[%parallel_loop3A_428, %parallel_loop3A_429] {strides = array<i32>} : memref<128x128xf32, #tpu.memory_space<vmem>>, vector<1x16xf32>,
        %parallel_loop3A_431 = vector.shape_cast %parallel_loop3A_430 : vector<1x16xf32> to vector<16xf32>
        %parallel_loop3A_432 = arith.index_cast %parallel_loop3A_408 : i32 to index
        %parallel_loop3A_433 = arith.constant 32 : index
        %parallel_loop3A_434 = tpu.vector_load %arg11[%parallel_loop3A_432, %parallel_loop3A_433] {strides = array<i32>} : memref<128x128xf32, #tpu.memory_space<vmem>>, vector<1x16xf32>,
        %parallel_loop3A_435 = vector.shape_cast %parallel_loop3A_434 : vector<1x16xf32> to vector<16xf32>
        %parallel_loop3A_436 = arith.mulf %parallel_loop3A_431, %parallel_loop3A_435 : vector<16xf32>
        %parallel_loop3A_437 = arith.addf %parallel_loop3A_427, %parallel_loop3A_436 : vector<16xf32>
        %parallel_loop3A_438 = arith.index_cast %parallel_loop3A_408 : i32 to index
        %parallel_loop3A_439 = arith.constant 48 : index
        %parallel_loop3A_440 = tpu.vector_load %arg10[%parallel_loop3A_438, %parallel_loop3A_439] {strides = array<i32>} : memref<128x128xf32, #tpu.memory_space<vmem>>, vector<1x16xf32>,
        %parallel_loop3A_441 = vector.shape_cast %parallel_loop3A_440 : vector<1x16xf32> to vector<16xf32>
        %parallel_loop3A_442 = arith.index_cast %parallel_loop3A_408 : i32 to index
        %parallel_loop3A_443 = arith.constant 48 : index
        %parallel_loop3A_444 = tpu.vector_load %arg11[%parallel_loop3A_442, %parallel_loop3A_443] {strides = array<i32>} : memref<128x128xf32, #tpu.memory_space<vmem>>, vector<1x16xf32>,
        %parallel_loop3A_445 = vector.shape_cast %parallel_loop3A_444 : vector<1x16xf32> to vector<16xf32>
        %parallel_loop3A_446 = arith.mulf %parallel_loop3A_441, %parallel_loop3A_445 : vector<16xf32>
        %parallel_loop3A_447 = arith.addf %parallel_loop3A_437, %parallel_loop3A_446 : vector<16xf32>
        %parallel_loop3A_448 = arith.index_cast %parallel_loop3A_116 : i32 to index
        %parallel_loop3A_449 = arith.constant 96 : index
        %parallel_loop3A_450 = tpu.vector_load %arg13[%parallel_loop3A_448, %parallel_loop3A_449] {strides = array<i32>} : memref<16x128xf32, #tpu.memory_space<vmem>>, vector<1x16xf32>,
        %parallel_loop3A_451 = vector.shape_cast %parallel_loop3A_450 : vector<1x16xf32> to vector<16xf32>
        %parallel_loop3A_452 = vector.shape_cast %parallel_loop3A_447 : vector<16xf32> to vector<1x16xf32>
        tpu.vector_store %arg13[%parallel_loop3A_448, %parallel_loop3A_449], %parallel_loop3A_452 {strides = array<i32>} : memref<16x128xf32, #tpu.memory_space<vmem>>, vector<1x16xf32>,
        %parallel_loop3A_453 = arith.constant 8 : i32
        %parallel_loop3A_454 = arith.muli %parallel_loop3A_116, %parallel_loop3A_453 : i32
        %parallel_loop3A_455 = arith.constant 7 : i32
        %parallel_loop3A_456 = arith.addi %parallel_loop3A_454, %parallel_loop3A_455 : i32
        %parallel_loop3A_457 = arith.index_cast %parallel_loop3A_456 : i32 to index
        %parallel_loop3A_458 = arith.constant 0 : index
        %parallel_loop3A_459 = tpu.vector_load %arg10[%parallel_loop3A_457, %parallel_loop3A_458] {strides = array<i32>} : memref<128x128xf32, #tpu.memory_space<vmem>>, vector<1x16xf32>,
        %parallel_loop3A_460 = vector.shape_cast %parallel_loop3A_459 : vector<1x16xf32> to vector<16xf32>
        %parallel_loop3A_461 = arith.index_cast %parallel_loop3A_456 : i32 to index
        %parallel_loop3A_462 = arith.constant 0 : index
        %parallel_loop3A_463 = tpu.vector_load %arg11[%parallel_loop3A_461, %parallel_loop3A_462] {strides = array<i32>} : memref<128x128xf32, #tpu.memory_space<vmem>>, vector<1x16xf32>,
        %parallel_loop3A_464 = vector.shape_cast %parallel_loop3A_463 : vector<1x16xf32> to vector<16xf32>
        %parallel_loop3A_465 = arith.mulf %parallel_loop3A_460, %parallel_loop3A_464 : vector<16xf32>
        %parallel_loop3A_466 = arith.index_cast %parallel_loop3A_456 : i32 to index
        %parallel_loop3A_467 = arith.constant 16 : index
        %parallel_loop3A_468 = tpu.vector_load %arg10[%parallel_loop3A_466, %parallel_loop3A_467] {strides = array<i32>} : memref<128x128xf32, #tpu.memory_space<vmem>>, vector<1x16xf32>,
        %parallel_loop3A_469 = vector.shape_cast %parallel_loop3A_468 : vector<1x16xf32> to vector<16xf32>
        %parallel_loop3A_470 = arith.index_cast %parallel_loop3A_456 : i32 to index
        %parallel_loop3A_471 = arith.constant 16 : index
        %parallel_loop3A_472 = tpu.vector_load %arg11[%parallel_loop3A_470, %parallel_loop3A_471] {strides = array<i32>} : memref<128x128xf32, #tpu.memory_space<vmem>>, vector<1x16xf32>,
        %parallel_loop3A_473 = vector.shape_cast %parallel_loop3A_472 : vector<1x16xf32> to vector<16xf32>
        %parallel_loop3A_474 = arith.mulf %parallel_loop3A_469, %parallel_loop3A_473 : vector<16xf32>
        %parallel_loop3A_475 = arith.addf %parallel_loop3A_465, %parallel_loop3A_474 : vector<16xf32>
        %parallel_loop3A_476 = arith.index_cast %parallel_loop3A_456 : i32 to index
        %parallel_loop3A_477 = arith.constant 32 : index
        %parallel_loop3A_478 = tpu.vector_load %arg10[%parallel_loop3A_476, %parallel_loop3A_477] {strides = array<i32>} : memref<128x128xf32, #tpu.memory_space<vmem>>, vector<1x16xf32>,
        %parallel_loop3A_479 = vector.shape_cast %parallel_loop3A_478 : vector<1x16xf32> to vector<16xf32>
        %parallel_loop3A_480 = arith.index_cast %parallel_loop3A_456 : i32 to index
        %parallel_loop3A_481 = arith.constant 32 : index
        %parallel_loop3A_482 = tpu.vector_load %arg11[%parallel_loop3A_480, %parallel_loop3A_481] {strides = array<i32>} : memref<128x128xf32, #tpu.memory_space<vmem>>, vector<1x16xf32>,
        %parallel_loop3A_483 = vector.shape_cast %parallel_loop3A_482 : vector<1x16xf32> to vector<16xf32>
        %parallel_loop3A_484 = arith.mulf %parallel_loop3A_479, %parallel_loop3A_483 : vector<16xf32>
        %parallel_loop3A_485 = arith.addf %parallel_loop3A_475, %parallel_loop3A_484 : vector<16xf32>
        %parallel_loop3A_486 = arith.index_cast %parallel_loop3A_456 : i32 to index
        %parallel_loop3A_487 = arith.constant 48 : index
        %parallel_loop3A_488 = tpu.vector_load %arg10[%parallel_loop3A_486, %parallel_loop3A_487] {strides = array<i32>} : memref<128x128xf32, #tpu.memory_space<vmem>>, vector<1x16xf32>,
        %parallel_loop3A_489 = vector.shape_cast %parallel_loop3A_488 : vector<1x16xf32> to vector<16xf32>
        %parallel_loop3A_490 = arith.index_cast %parallel_loop3A_456 : i32 to index
        %parallel_loop3A_491 = arith.constant 48 : index
        %parallel_loop3A_492 = tpu.vector_load %arg11[%parallel_loop3A_490, %parallel_loop3A_491] {strides = array<i32>} : memref<128x128xf32, #tpu.memory_space<vmem>>, vector<1x16xf32>,
        %parallel_loop3A_493 = vector.shape_cast %parallel_loop3A_492 : vector<1x16xf32> to vector<16xf32>
        %parallel_loop3A_494 = arith.mulf %parallel_loop3A_489, %parallel_loop3A_493 : vector<16xf32>
        %parallel_loop3A_495 = arith.addf %parallel_loop3A_485, %parallel_loop3A_494 : vector<16xf32>
        %parallel_loop3A_496 = arith.index_cast %parallel_loop3A_116 : i32 to index
        %parallel_loop3A_497 = arith.constant 112 : index
        %parallel_loop3A_498 = tpu.vector_load %arg13[%parallel_loop3A_496, %parallel_loop3A_497] {strides = array<i32>} : memref<16x128xf32, #tpu.memory_space<vmem>>, vector<1x16xf32>,
        %parallel_loop3A_499 = vector.shape_cast %parallel_loop3A_498 : vector<1x16xf32> to vector<16xf32>
        %parallel_loop3A_500 = vector.shape_cast %parallel_loop3A_495 : vector<16xf32> to vector<1x16xf32>
        tpu.vector_store %arg13[%parallel_loop3A_496, %parallel_loop3A_497], %parallel_loop3A_500 {strides = array<i32>} : memref<16x128xf32, #tpu.memory_space<vmem>>, vector<1x16xf32>,
      } {sc.loop_unroll_factor = 4 : i64, sc.parallel_access}
      %dma_start3A_103 = arith.constant 0 : i32
      %dma_start3A_104 = arith.constant 0 : i32
      %dma_start3A_105 = tpu.memref_slice %arg5[%add3A, %add3A_54, %dma_start3A_103, %dma_start3A_104] : memref<32x80x16x128xf32, #tpu.memory_space<hbm>> -> memref<1x1x16x128xf32, #tpu.memory_space<hbm>>
      %dma_start3A_106 = tpu.memref_squeeze %dma_start3A_105 : memref<1x1x16x128xf32, #tpu.memory_space<hbm>> -> memref<16x128xf32, #tpu.memory_space<hbm>>
      %dma_start3A_107 = arith.constant 0 : i32
      %dma_start3A_108 = arith.constant 0 : i32
      %dma_start3A_109 = tpu.memref_slice %arg5[%add3A, %add3A_54, %dma_start3A_107, %dma_start3A_108] : memref<32x80x16x128xf32, #tpu.memory_space<hbm>> -> memref<1x1x16x128xf32, #tpu.memory_space<hbm>>
      %dma_start3A_110 = tpu.memref_squeeze %dma_start3A_109 : memref<1x1x16x128xf32, #tpu.memory_space<hbm>> -> memref<16x128xf32, #tpu.memory_space<hbm>>
      tpu.enqueue_dma source(%arg13 : memref<16x128xf32, #tpu.memory_space<vmem>>) target(%dma_start3A_110 : memref<16x128xf32, #tpu.memory_space<hbm>>) target_semaphore(%arg17 : memref<!tpu.dma_semaphore, #tpu.memory_space<semaphore_mem>>)
      %lt3A_111 = arith.constant 39 : i32
      %lt3A_112 = arith.cmpi slt, %scan3A_50, %lt3A_111 : i32
      %convert_element_type3A_113 = arith.extui %lt3A_112 : i1 to i32
      %cond3A_114 = arith.constant 0 : i32
      %cond3A_115 = arith.cmpi ne, %convert_element_type3A_113, %cond3A_114 : i32
      scf.if %cond3A_115 {
        %add3A_116 = arith.constant 2 : i32
        %add3A_117 = arith.addi %add3A_54, %add3A_116 : i32
        %dma_start3A_118 = arith.constant 0 : i32
        %dma_start3A_119 = tpu.memref_slice %arg6[%add3A_117, %dma_start3A_118] : memref<80x128xi32, #tpu.memory_space<vmem>> -> memref<1x128xi32, #tpu.memory_space<vmem>>
        %dma_start3A_120 = tpu.memref_squeeze %dma_start3A_119 : memref<1x128xi32, #tpu.memory_space<vmem>> -> memref<128xi32, #tpu.memory_space<vmem>>
        %dma_start3A_121 = arith.constant 0 : i32
        %dma_start3A_122 = arith.constant 0 : i32
        %dma_start3A_123 = tpu.memref_slice %arg2[%dma_start3A_121, %dma_start3A_122] : memref<10240x128xf32, #tpu.memory_space<hbm>> -> memref<10240x128xf32, #tpu.memory_space<hbm>>
        tpu.enqueue_indirect_dma source(%dma_start3A_123 : memref<10240x128xf32, #tpu.memory_space<hbm>>) target(%arg10 : memref<128x128xf32, #tpu.memory_space<vmem>>) offsets(%dma_start3A_120 : memref<128xi32, #tpu.memory_space<vmem>>) semaphore(%arg15 : memref<!tpu.dma_semaphore, #tpu.memory_space<semaphore_mem>>)
        %add3A_124 = arith.constant 2 : i32
        %add3A_125 = arith.addi %add3A_54, %add3A_124 : i32
        %dma_start3A_126 = arith.constant 0 : i32
        %dma_start3A_127 = tpu.memref_slice %arg7[%add3A_125, %dma_start3A_126] : memref<80x128xi32, #tpu.memory_space<vmem>> -> memref<1x128xi32, #tpu.memory_space<vmem>>
        %dma_start3A_128 = tpu.memref_squeeze %dma_start3A_127 : memref<1x128xi32, #tpu.memory_space<vmem>> -> memref<128xi32, #tpu.memory_space<vmem>>
        %dma_start3A_129 = arith.constant 0 : i32
        %dma_start3A_130 = arith.constant 0 : i32
        %dma_start3A_131 = tpu.memref_slice %arg2[%dma_start3A_129, %dma_start3A_130] : memref<10240x128xf32, #tpu.memory_space<hbm>> -> memref<10240x128xf32, #tpu.memory_space<hbm>>
        tpu.enqueue_indirect_dma source(%dma_start3A_131 : memref<10240x128xf32, #tpu.memory_space<hbm>>) target(%arg11 : memref<128x128xf32, #tpu.memory_space<vmem>>) offsets(%dma_start3A_128 : memref<128xi32, #tpu.memory_space<vmem>>) semaphore(%arg15 : memref<!tpu.dma_semaphore, #tpu.memory_space<semaphore_mem>>)
      } else {
      }
    }
    %scan3A_32 = arith.constant 40 : i32
    %dma_wait3A = arith.constant 78 : i32
    %dma_wait3A_33 = arith.constant 0 : i32
    %dma_wait3A_34 = arith.constant 0 : i32
    %dma_wait3A_35 = tpu.memref_slice %arg5[%add3A, %dma_wait3A, %dma_wait3A_33, %dma_wait3A_34] : memref<32x80x16x128xf32, #tpu.memory_space<hbm>> -> memref<1x1x16x128xf32, #tpu.memory_space<hbm>>
    %dma_wait3A_36 = tpu.memref_squeeze %dma_wait3A_35 : memref<1x1x16x128xf32, #tpu.memory_space<hbm>> -> memref<16x128xf32, #tpu.memory_space<hbm>>
    %dma_wait3A_37 = arith.constant 0 : i32
    %dma_wait3A_38 = arith.constant 0 : i32
    %dma_wait3A_39 = tpu.memref_slice %arg5[%add3A, %dma_wait3A, %dma_wait3A_37, %dma_wait3A_38] : memref<32x80x16x128xf32, #tpu.memory_space<hbm>> -> memref<1x1x16x128xf32, #tpu.memory_space<hbm>>
    %dma_wait3A_40 = tpu.memref_squeeze %dma_wait3A_39 : memref<1x1x16x128xf32, #tpu.memory_space<hbm>> -> memref<16x128xf32, #tpu.memory_space<hbm>>
    tpu.wait_dma2 semaphore(%arg16 : memref<!tpu.dma_semaphore, #tpu.memory_space<semaphore_mem>>) src(%arg12 : memref<16x128xf32, #tpu.memory_space<vmem>>) dst(%dma_wait3A_40 : memref<16x128xf32, #tpu.memory_space<hbm>>)
    %dma_wait3A_41 = arith.constant 79 : i32
    %dma_wait3A_42 = arith.constant 0 : i32
    %dma_wait3A_43 = arith.constant 0 : i32
    %dma_wait3A_44 = tpu.memref_slice %arg5[%add3A, %dma_wait3A_41, %dma_wait3A_42, %dma_wait3A_43] : memref<32x80x16x128xf32, #tpu.memory_space<hbm>> -> memref<1x1x16x128xf32, #tpu.memory_space<hbm>>
    %dma_wait3A_45 = tpu.memref_squeeze %dma_wait3A_44 : memref<1x1x16x128xf32, #tpu.memory_space<hbm>> -> memref<16x128xf32, #tpu.memory_space<hbm>>
    %dma_wait3A_46 = arith.constant 0 : i32
    %dma_wait3A_47 = arith.constant 0 : i32
    %dma_wait3A_48 = tpu.memref_slice %arg5[%add3A, %dma_wait3A_41, %dma_wait3A_46, %dma_wait3A_47] : memref<32x80x16x128xf32, #tpu.memory_space<hbm>> -> memref<1x1x16x128xf32, #tpu.memory_space<hbm>>
    %dma_wait3A_49 = tpu.memref_squeeze %dma_wait3A_48 : memref<1x1x16x128xf32, #tpu.memory_space<hbm>> -> memref<16x128xf32, #tpu.memory_space<hbm>>
    tpu.wait_dma2 semaphore(%arg17 : memref<!tpu.dma_semaphore, #tpu.memory_space<semaphore_mem>>) src(%arg13 : memref<16x128xf32, #tpu.memory_space<vmem>>) dst(%dma_wait3A_49 : memref<16x128xf32, #tpu.memory_space<hbm>>)
    return
  }
}

module attributes {stable_mosaic.version = 14 : i64} {
  func.func @_tc1_body(%arg0: i32, %arg1: memref<2048x2xf32, #tpu.memory_space<vmem>>, %arg2: memref<2048x128xf32, #tpu.memory_space<vmem>>, %arg3: memref<2048x128xf32, #tpu.memory_space<vmem>>, %arg4: memref<2048x1xf32, #tpu.memory_space<vmem>>) attributes {dimension_semantics = [#tpu.dimension_semantics<arbitrary>], iteration_bounds = array<i64: 5>, scalar_prefetch = 0 : i64, scratch_operands = 0 : i64, tpu.core_type = #tpu.core_type<tc>, window_params = [{transform_indices = @transform_0, window_bounds = array<i64: 2048, 2>}, {transform_indices = @transform_1, window_bounds = array<i64: 2048, 128>}, {transform_indices = @transform_2, window_bounds = array<i64: 2048, 128>}, {transform_indices = @transform_3, window_bounds = array<i64: 2048, 1>}]} {
    %get3A = arith.constant 0 : index
    %get3A_0 = arith.constant 0 : index
    %get3A_1 = vector.load %arg1[%get3A, %get3A_0] : memref<2048x2xf32, #tpu.memory_space<vmem>>, vector<2048x1xf32>
    %get3A_2 = arith.constant 0 : index
    %get3A_3 = arith.constant 1 : index
    %get3A_4 = vector.load %arg1[%get3A_2, %get3A_3] : memref<2048x2xf32, #tpu.memory_space<vmem>>, vector<2048x1xf32>
    %add3A = arith.addf %get3A_1, %get3A_4 : vector<2048x1xf32>
    %add3A_5 = arith.constant 1.000000e+00 : f32
    %add3A_6 = vector.broadcast %add3A_5 : f32 to vector<2048x1xf32>
    %add3A_7 = arith.addf %add3A, %add3A_6 : vector<2048x1xf32>
    %max3A = arith.constant 1.000000e+00 : f32
    %max3A_8 = vector.broadcast %max3A : f32 to vector<2048x1xf32>
    %max3A_9 = arith.maximumf %add3A_7, %max3A_8 : vector<2048x1xf32>
    %rsqrt3A = math.rsqrt %max3A_9 : vector<2048x1xf32>
    %get3A_10 = arith.constant 0 : index
    %get3A_11 = arith.constant 0 : index
    %get3A_12 = vector.load %arg2[%get3A_10, %get3A_11] : memref<2048x128xf32, #tpu.memory_space<vmem>>, vector<2048x128xf32>
    %log1p3A = math.log1p %get3A_12 : vector<2048x128xf32>
    %mul3A = vector.broadcast %rsqrt3A : vector<2048x1xf32> to vector<2048x128xf32>
    %mul3A_13 = arith.mulf %log1p3A, %mul3A : vector<2048x128xf32>
    %swap3A = arith.constant 0 : index
    %swap3A_14 = arith.constant 0 : index
    %swap3A_15 = vector.load %arg3[%swap3A, %swap3A_14] : memref<2048x128xf32, #tpu.memory_space<vmem>>, vector<2048x128xf32>
    tpu.vector_store %arg3[%swap3A, %swap3A_14], %mul3A_13 {strides = array<i32>} : memref<2048x128xf32, #tpu.memory_space<vmem>>, vector<2048x128xf32>,
    %swap3A_16 = arith.constant 0 : index
    %swap3A_17 = arith.constant 0 : index
    %swap3A_18 = vector.load %arg4[%swap3A_16, %swap3A_17] : memref<2048x1xf32, #tpu.memory_space<vmem>>, vector<2048x1xf32>
    tpu.vector_store %arg4[%swap3A_16, %swap3A_17], %rsqrt3A {strides = array<i32>} : memref<2048x1xf32, #tpu.memory_space<vmem>>, vector<2048x1xf32>,
    return
  }
  func.func @transform_0(%arg0: i32) -> (i32, i32) {
    %c0_i32 = arith.constant 0 : i32
    %c0_i32_0 = arith.constant 0 : i32
    return %arg0, %c0_i32 : i32, i32
  }
  func.func @transform_1(%arg0: i32) -> (i32, i32) {
    %c0_i32 = arith.constant 0 : i32
    %c0_i32_0 = arith.constant 0 : i32
    return %arg0, %c0_i32 : i32, i32
  }
  func.func @transform_2(%arg0: i32) -> (i32, i32) {
    %c0_i32 = arith.constant 0 : i32
    %c0_i32_0 = arith.constant 0 : i32
    return %arg0, %c0_i32 : i32, i32
  }
  func.func @transform_3(%arg0: i32) -> (i32, i32) {
    %c0_i32 = arith.constant 0 : i32
    %c0_i32_0 = arith.constant 0 : i32
    return %arg0, %c0_i32 : i32, i32
  }
}

module attributes {stable_mosaic.version = 14 : i64} {
  func.func @_tc2_body(%arg0: i32, %arg1: memref<2x2048x128xf32, #tpu.memory_space<vmem>>, %arg2: memref<2048x128xf32, #tpu.memory_space<vmem>>, %arg3: memref<2048x1xf32, #tpu.memory_space<vmem>>, %arg4: memref<128x256xf32, #tpu.memory_space<vmem>>, %arg5: memref<256x64xf32, #tpu.memory_space<vmem>>, %arg6: memref<256x64xf32, #tpu.memory_space<vmem>>, %arg7: memref<2048x128xf32, #tpu.memory_space<vmem>>) attributes {dimension_semantics = [#tpu.dimension_semantics<arbitrary>], iteration_bounds = array<i64: 5>, scalar_prefetch = 0 : i64, scratch_operands = 0 : i64, tpu.core_type = #tpu.core_type<tc>, window_params = [{transform_indices = @transform_0, window_bounds = array<i64: 2, 2048, 128>}, {transform_indices = @transform_1, window_bounds = array<i64: 2048, 128>}, {transform_indices = @transform_2, window_bounds = array<i64: 2048, 1>}, {pipeline_mode = #tpu.pipeline_mode<synchronous>, transform_indices = @transform_3, window_bounds = array<i64: 128, 256>}, {pipeline_mode = #tpu.pipeline_mode<synchronous>, transform_indices = @transform_4, window_bounds = array<i64: 256, 64>}, {pipeline_mode = #tpu.pipeline_mode<synchronous>, transform_indices = @transform_5, window_bounds = array<i64: 256, 64>}, {transform_indices = @transform_6, window_bounds = array<i64: 2048, 128>}]} {
    %get3A = arith.constant 0 : index
    %get3A_0 = arith.constant 0 : index
    %get3A_1 = vector.load %arg3[%get3A, %get3A_0] : memref<2048x1xf32, #tpu.memory_space<vmem>>, vector<2048x1xf32>
    %get3A_2 = arith.constant 0 : index
    %get3A_3 = arith.constant 0 : index
    %get3A_4 = arith.constant 0 : index
    %get3A_5 = vector.load %arg1[%get3A_2, %get3A_3, %get3A_4] : memref<2x2048x128xf32, #tpu.memory_space<vmem>>, vector<1x2048x128xf32>
    %get3A_6 = vector.shape_cast %get3A_5 : vector<1x2048x128xf32> to vector<2048x128xf32>
    %get3A_7 = arith.constant 1 : index
    %get3A_8 = arith.constant 0 : index
    %get3A_9 = arith.constant 0 : index
    %get3A_10 = vector.load %arg1[%get3A_7, %get3A_8, %get3A_9] : memref<2x2048x128xf32, #tpu.memory_space<vmem>>, vector<1x2048x128xf32>
    %get3A_11 = vector.shape_cast %get3A_10 : vector<1x2048x128xf32> to vector<2048x128xf32>
    %add3A = arith.addf %get3A_6, %get3A_11 : vector<2048x128xf32>
    %get3A_12 = arith.constant 0 : index
    %get3A_13 = arith.constant 0 : index
    %get3A_14 = vector.load %arg2[%get3A_12, %get3A_13] : memref<2048x128xf32, #tpu.memory_space<vmem>>, vector<2048x128xf32>
    %add3A_15 = arith.addf %add3A, %get3A_14 : vector<2048x128xf32>
    %mul3A = vector.broadcast %get3A_1 : vector<2048x1xf32> to vector<2048x128xf32>
    %mul3A_16 = arith.mulf %add3A_15, %mul3A : vector<2048x128xf32>
    %get3A_17 = arith.constant 0 : index
    %get3A_18 = arith.constant 0 : index
    %get3A_19 = vector.load %arg4[%get3A_17, %get3A_18] : memref<128x256xf32, #tpu.memory_space<vmem>>, vector<128x256xf32>
    %dot_general3A = arith.constant dense<0.000000e+00> : vector<2048x256xf32>
    %dot_general3A_20 = tpu.matmul %mul3A_16, %get3A_19, %dot_general3A {dimension_numbers = #tpu.dot_dimension_numbers<[1], [0], [0], [1], [0, 0, 1, 1], [], []>, transpose_lhs_hint = false} : vector<2048x128xf32>, vector<128x256xf32>, vector<2048x256xf32> -> vector<2048x256xf32>
    %max3A = arith.constant 0.000000e+00 : f32
    %max3A_21 = vector.broadcast %max3A : f32 to vector<2048x256xf32>
    %max3A_22 = arith.maximumf %dot_general3A_20, %max3A_21 : vector<2048x256xf32>
    %get3A_23 = arith.constant 0 : index
    %get3A_24 = arith.constant 0 : index
    %get3A_25 = vector.load %arg5[%get3A_23, %get3A_24] : memref<256x64xf32, #tpu.memory_space<vmem>>, vector<256x64xf32>
    %dot_general3A_26 = arith.constant dense<0.000000e+00> : vector<2048x64xf32>
    %dot_general3A_27 = tpu.matmul %max3A_22, %get3A_25, %dot_general3A_26 {dimension_numbers = #tpu.dot_dimension_numbers<[1], [0], [0], [1], [0, 0, 1, 1], [], []>, transpose_lhs_hint = false} : vector<2048x256xf32>, vector<256x64xf32>, vector<2048x64xf32> -> vector<2048x64xf32>
    %get3A_28 = arith.constant 0 : index
    %get3A_29 = arith.constant 0 : index
    %get3A_30 = vector.load %arg6[%get3A_28, %get3A_29] : memref<256x64xf32, #tpu.memory_space<vmem>>, vector<256x64xf32>
    %dot_general3A_31 = arith.constant dense<0.000000e+00> : vector<2048x64xf32>
    %dot_general3A_32 = tpu.matmul %max3A_22, %get3A_30, %dot_general3A_31 {dimension_numbers = #tpu.dot_dimension_numbers<[1], [0], [0], [1], [0, 0, 1, 1], [], []>, transpose_lhs_hint = false} : vector<2048x256xf32>, vector<256x64xf32>, vector<2048x64xf32> -> vector<2048x64xf32>
    %concatenate3A = tpu.concatenate %dot_general3A_27, %dot_general3A_32 in 1 : vector<2048x64xf32>, vector<2048x64xf32> -> vector<2048x128xf32>
    %mul3A_33 = vector.broadcast %get3A_1 : vector<2048x1xf32> to vector<2048x128xf32>
    %mul3A_34 = arith.mulf %concatenate3A, %mul3A_33 : vector<2048x128xf32>
    %swap3A = arith.constant 0 : index
    %swap3A_35 = arith.constant 0 : index
    %swap3A_36 = vector.load %arg7[%swap3A, %swap3A_35] : memref<2048x128xf32, #tpu.memory_space<vmem>>, vector<2048x128xf32>
    tpu.vector_store %arg7[%swap3A, %swap3A_35], %mul3A_34 {strides = array<i32>} : memref<2048x128xf32, #tpu.memory_space<vmem>>, vector<2048x128xf32>,
    return
  }
  func.func @transform_0(%arg0: i32) -> (i32, i32, i32) {
    %c0_i32 = arith.constant 0 : i32
    %c0_i32_0 = arith.constant 0 : i32
    %c0_i32_1 = arith.constant 0 : i32
    return %c0_i32, %arg0, %c0_i32_0 : i32, i32, i32
  }
  func.func @transform_1(%arg0: i32) -> (i32, i32) {
    %c0_i32 = arith.constant 0 : i32
    %c0_i32_0 = arith.constant 0 : i32
    return %arg0, %c0_i32 : i32, i32
  }
  func.func @transform_2(%arg0: i32) -> (i32, i32) {
    %c0_i32 = arith.constant 0 : i32
    %c0_i32_0 = arith.constant 0 : i32
    return %arg0, %c0_i32 : i32, i32
  }
  func.func @transform_3(%arg0: i32) -> (i32, i32) {
    %c0_i32 = arith.constant 0 : i32
    %c0_i32_0 = arith.constant 0 : i32
    %c0_i32_1 = arith.constant 0 : i32
    return %c0_i32, %c0_i32_0 : i32, i32
  }
  func.func @transform_4(%arg0: i32) -> (i32, i32) {
    %c0_i32 = arith.constant 0 : i32
    %c0_i32_0 = arith.constant 0 : i32
    %c0_i32_1 = arith.constant 0 : i32
    return %c0_i32, %c0_i32_0 : i32, i32
  }
  func.func @transform_5(%arg0: i32) -> (i32, i32) {
    %c0_i32 = arith.constant 0 : i32
    %c0_i32_0 = arith.constant 0 : i32
    %c0_i32_1 = arith.constant 0 : i32
    return %c0_i32, %c0_i32_0 : i32, i32
  }
  func.func @transform_6(%arg0: i32) -> (i32, i32) {
    %c0_i32 = arith.constant 0 : i32
    %c0_i32_0 = arith.constant 0 : i32
    return %arg0, %c0_i32 : i32, i32
  }
}

module attributes {stable_mosaic.version = 14 : i64} {
  func.func @_tc3_body(%arg0: i32, %arg1: memref<2x2048x128xf32, #tpu.memory_space<vmem>>, %arg2: memref<2048x128xf32, #tpu.memory_space<vmem>>, %arg3: memref<2048x1xf32, #tpu.memory_space<vmem>>, %arg4: memref<64x128xf32, #tpu.memory_space<vmem>>, %arg5: memref<64x128xf32, #tpu.memory_space<vmem>>, %arg6: memref<2048x64xf32, #tpu.memory_space<vmem>>, %arg7: memref<2048x64xf32, #tpu.memory_space<vmem>>, %arg8: memref<2048x128xf32, #tpu.memory_space<vmem>>, %arg9: memref<2048x128xf32, #tpu.memory_space<vmem>>) attributes {dimension_semantics = [#tpu.dimension_semantics<arbitrary>], iteration_bounds = array<i64: 5>, scalar_prefetch = 0 : i64, scratch_operands = 0 : i64, tpu.core_type = #tpu.core_type<tc>, window_params = [{transform_indices = @transform_0, window_bounds = array<i64: 2, 2048, 128>}, {transform_indices = @transform_1, window_bounds = array<i64: 2048, 128>}, {transform_indices = @transform_2, window_bounds = array<i64: 2048, 1>}, {pipeline_mode = #tpu.pipeline_mode<synchronous>, transform_indices = @transform_3, window_bounds = array<i64: 64, 128>}, {pipeline_mode = #tpu.pipeline_mode<synchronous>, transform_indices = @transform_4, window_bounds = array<i64: 64, 128>}, {transform_indices = @transform_5, window_bounds = array<i64: 2048, 64>}, {transform_indices = @transform_6, window_bounds = array<i64: 2048, 64>}, {transform_indices = @transform_7, window_bounds = array<i64: 2048, 128>}, {transform_indices = @transform_8, window_bounds = array<i64: 2048, 128>}]} {
    %get3A = arith.constant 0 : index
    %get3A_0 = arith.constant 0 : index
    %get3A_1 = vector.load %arg3[%get3A, %get3A_0] : memref<2048x1xf32, #tpu.memory_space<vmem>>, vector<2048x1xf32>
    %get3A_2 = arith.constant 0 : index
    %get3A_3 = arith.constant 0 : index
    %get3A_4 = arith.constant 0 : index
    %get3A_5 = vector.load %arg1[%get3A_2, %get3A_3, %get3A_4] : memref<2x2048x128xf32, #tpu.memory_space<vmem>>, vector<1x2048x128xf32>
    %get3A_6 = vector.shape_cast %get3A_5 : vector<1x2048x128xf32> to vector<2048x128xf32>
    %get3A_7 = arith.constant 1 : index
    %get3A_8 = arith.constant 0 : index
    %get3A_9 = arith.constant 0 : index
    %get3A_10 = vector.load %arg1[%get3A_7, %get3A_8, %get3A_9] : memref<2x2048x128xf32, #tpu.memory_space<vmem>>, vector<1x2048x128xf32>
    %get3A_11 = vector.shape_cast %get3A_10 : vector<1x2048x128xf32> to vector<2048x128xf32>
    %add3A = arith.addf %get3A_6, %get3A_11 : vector<2048x128xf32>
    %get3A_12 = arith.constant 0 : index
    %get3A_13 = arith.constant 0 : index
    %get3A_14 = vector.load %arg2[%get3A_12, %get3A_13] : memref<2048x128xf32, #tpu.memory_space<vmem>>, vector<2048x128xf32>
    %add3A_15 = arith.addf %add3A, %get3A_14 : vector<2048x128xf32>
    %mul3A = vector.broadcast %get3A_1 : vector<2048x1xf32> to vector<2048x128xf32>
    %mul3A_16 = arith.mulf %add3A_15, %mul3A : vector<2048x128xf32>
    %slice3A = vector.extract_strided_slice %mul3A_16 {offsets = [0, 0], sizes = [2048, 64], strides = [1, 1]} : vector<2048x128xf32> to vector<2048x64xf32>
    %slice3A_17 = vector.extract_strided_slice %mul3A_16 {offsets = [0, 64], sizes = [2048, 64], strides = [1, 1]} : vector<2048x128xf32> to vector<2048x64xf32>
    %mul3A_18 = arith.mulf %slice3A, %slice3A : vector<2048x64xf32>
    %reduce_sum3A = arith.constant dense<0.000000e+00> : vector<2048xf32>
    %reduce_sum3A_19 = vector.multi_reduction <add>, %mul3A_18, %reduce_sum3A [1] : vector<2048x64xf32> to vector<2048xf32>
    %broadcast_in_dim3A = vector.shape_cast %reduce_sum3A_19 : vector<2048xf32> to vector<2048x1xf32>
    %sqrt3A = math.sqrt %broadcast_in_dim3A : vector<2048x1xf32>
    %add3A_20 = arith.constant 9.99999993E-9 : f32
    %add3A_21 = vector.broadcast %add3A_20 : f32 to vector<2048x1xf32>
    %add3A_22 = arith.addf %sqrt3A, %add3A_21 : vector<2048x1xf32>
    %div3A = vector.broadcast %add3A_22 : vector<2048x1xf32> to vector<2048x64xf32>
    %div3A_23 = arith.divf %slice3A, %div3A : vector<2048x64xf32>
    %get3A_24 = arith.constant 0 : index
    %get3A_25 = arith.constant 0 : index
    %get3A_26 = vector.load %arg4[%get3A_24, %get3A_25] : memref<64x128xf32, #tpu.memory_space<vmem>>, vector<64x128xf32>
    %get3A_27 = arith.constant 0 : index
    %get3A_28 = arith.constant 0 : index
    %get3A_29 = vector.load %arg5[%get3A_27, %get3A_28] : memref<64x128xf32, #tpu.memory_space<vmem>>, vector<64x128xf32>
    %mul3A_30 = arith.mulf %get3A_26, %get3A_29 : vector<64x128xf32>
    %dot_general3A = arith.constant dense<0.000000e+00> : vector<2048x128xf32>
    %dot_general3A_31 = tpu.matmul %slice3A, %mul3A_30, %dot_general3A {dimension_numbers = #tpu.dot_dimension_numbers<[1], [0], [0], [1], [0, 0, 1, 1], [], []>, transpose_lhs_hint = false} : vector<2048x64xf32>, vector<64x128xf32>, vector<2048x128xf32> -> vector<2048x128xf32>
    %reduce_max3A = arith.constant dense<0xFF800000> : vector<2048xf32>
    %reduce_max3A_32 = vector.multi_reduction <maximumf>, %dot_general3A_31, %reduce_max3A [1] : vector<2048x128xf32> to vector<2048xf32>
    %broadcast_in_dim3A_33 = vector.shape_cast %reduce_max3A_32 : vector<2048xf32> to vector<2048x1xf32>
    %sub3A = vector.broadcast %broadcast_in_dim3A_33 : vector<2048x1xf32> to vector<2048x128xf32>
    %sub3A_34 = arith.subf %dot_general3A_31, %sub3A : vector<2048x128xf32>
    %exp3A = math.exp %sub3A_34 : vector<2048x128xf32>
    %reduce_sum3A_35 = arith.constant dense<0.000000e+00> : vector<2048xf32>
    %reduce_sum3A_36 = vector.multi_reduction <add>, %exp3A, %reduce_sum3A_35 [1] : vector<2048x128xf32> to vector<2048xf32>
    %broadcast_in_dim3A_37 = vector.shape_cast %reduce_sum3A_36 : vector<2048xf32> to vector<2048x1xf32>
    %div3A_38 = vector.broadcast %broadcast_in_dim3A_37 : vector<2048x1xf32> to vector<2048x128xf32>
    %div3A_39 = arith.divf %exp3A, %div3A_38 : vector<2048x128xf32>
    %swap3A = arith.constant 0 : index
    %swap3A_40 = arith.constant 0 : index
    %swap3A_41 = vector.load %arg6[%swap3A, %swap3A_40] : memref<2048x64xf32, #tpu.memory_space<vmem>>, vector<2048x64xf32>
    tpu.vector_store %arg6[%swap3A, %swap3A_40], %slice3A {strides = array<i32>} : memref<2048x64xf32, #tpu.memory_space<vmem>>, vector<2048x64xf32>,
    %swap3A_42 = arith.constant 0 : index
    %swap3A_43 = arith.constant 0 : index
    %swap3A_44 = vector.load %arg7[%swap3A_42, %swap3A_43] : memref<2048x64xf32, #tpu.memory_space<vmem>>, vector<2048x64xf32>
    tpu.vector_store %arg7[%swap3A_42, %swap3A_43], %slice3A_17 {strides = array<i32>} : memref<2048x64xf32, #tpu.memory_space<vmem>>, vector<2048x64xf32>,
    %broadcast_in_dim3A_45 = arith.constant 0.000000e+00 : f32
    %broadcast_in_dim3A_46 = vector.broadcast %broadcast_in_dim3A_45 : f32 to vector<2048x64xf32>
    %concatenate3A = tpu.concatenate %div3A_23, %broadcast_in_dim3A_46 in 1 : vector<2048x64xf32>, vector<2048x64xf32> -> vector<2048x128xf32>
    %swap3A_47 = arith.constant 0 : index
    %swap3A_48 = arith.constant 0 : index
    %swap3A_49 = vector.load %arg8[%swap3A_47, %swap3A_48] : memref<2048x128xf32, #tpu.memory_space<vmem>>, vector<2048x128xf32>
    tpu.vector_store %arg8[%swap3A_47, %swap3A_48], %concatenate3A {strides = array<i32>} : memref<2048x128xf32, #tpu.memory_space<vmem>>, vector<2048x128xf32>,
    %swap3A_50 = arith.constant 0 : index
    %swap3A_51 = arith.constant 0 : index
    %swap3A_52 = vector.load %arg9[%swap3A_50, %swap3A_51] : memref<2048x128xf32, #tpu.memory_space<vmem>>, vector<2048x128xf32>
    tpu.vector_store %arg9[%swap3A_50, %swap3A_51], %div3A_39 {strides = array<i32>} : memref<2048x128xf32, #tpu.memory_space<vmem>>, vector<2048x128xf32>,
    return
  }
  func.func @transform_0(%arg0: i32) -> (i32, i32, i32) {
    %c0_i32 = arith.constant 0 : i32
    %c0_i32_0 = arith.constant 0 : i32
    %c0_i32_1 = arith.constant 0 : i32
    return %c0_i32, %arg0, %c0_i32_0 : i32, i32, i32
  }
  func.func @transform_1(%arg0: i32) -> (i32, i32) {
    %c0_i32 = arith.constant 0 : i32
    %c0_i32_0 = arith.constant 0 : i32
    return %arg0, %c0_i32 : i32, i32
  }
  func.func @transform_2(%arg0: i32) -> (i32, i32) {
    %c0_i32 = arith.constant 0 : i32
    %c0_i32_0 = arith.constant 0 : i32
    return %arg0, %c0_i32 : i32, i32
  }
  func.func @transform_3(%arg0: i32) -> (i32, i32) {
    %c0_i32 = arith.constant 0 : i32
    %c0_i32_0 = arith.constant 0 : i32
    %c0_i32_1 = arith.constant 0 : i32
    return %c0_i32, %c0_i32_0 : i32, i32
  }
  func.func @transform_4(%arg0: i32) -> (i32, i32) {
    %c0_i32 = arith.constant 0 : i32
    %c0_i32_0 = arith.constant 0 : i32
    %c0_i32_1 = arith.constant 0 : i32
    return %c0_i32, %c0_i32_0 : i32, i32
  }
  func.func @transform_5(%arg0: i32) -> (i32, i32) {
    %c0_i32 = arith.constant 0 : i32
    %c0_i32_0 = arith.constant 0 : i32
    return %arg0, %c0_i32 : i32, i32
  }
  func.func @transform_6(%arg0: i32) -> (i32, i32) {
    %c0_i32 = arith.constant 0 : i32
    %c0_i32_0 = arith.constant 0 : i32
    return %arg0, %c0_i32 : i32, i32
  }
  func.func @transform_7(%arg0: i32) -> (i32, i32) {
    %c0_i32 = arith.constant 0 : i32
    %c0_i32_0 = arith.constant 0 : i32
    return %arg0, %c0_i32 : i32, i32
  }
  func.func @transform_8(%arg0: i32) -> (i32, i32) {
    %c0_i32 = arith.constant 0 : i32
    %c0_i32_0 = arith.constant 0 : i32
    return %arg0, %c0_i32 : i32, i32
  }
}

module attributes {stable_mosaic.version = 14 : i64} {
  func.func @_tc4_body(%arg0: i32, %arg1: memref<4096x128xf32, #tpu.memory_space<vmem>>, %arg2: memref<8x4096xf32, #tpu.memory_space<vmem>>) attributes {dimension_semantics = [#tpu.dimension_semantics<arbitrary>], iteration_bounds = array<i64: 10>, scalar_prefetch = 0 : i64, scratch_operands = 0 : i64, tpu.core_type = #tpu.core_type<tc>, window_params = [{transform_indices = @transform_0, window_bounds = array<i64: 4096, 128>}, {transform_indices = @transform_1, window_bounds = array<i64: 8, 4096>}]} {
    %get3A = arith.constant 0 : index
    %get3A_0 = arith.constant 0 : index
    %get3A_1 = vector.load %arg1[%get3A, %get3A_0] : memref<4096x128xf32, #tpu.memory_space<vmem>>, vector<4096x128xf32>
    %slice3A = vector.extract_strided_slice %get3A_1 {offsets = [0, 0], sizes = [4096, 16], strides = [1, 1]} : vector<4096x128xf32> to vector<4096x16xf32>
    %reduce_sum3A = arith.constant dense<0.000000e+00> : vector<4096xf32>
    %reduce_sum3A_2 = vector.multi_reduction <add>, %slice3A, %reduce_sum3A [1] : vector<4096x16xf32> to vector<4096xf32>
    %slice3A_3 = vector.extract_strided_slice %get3A_1 {offsets = [0, 16], sizes = [4096, 16], strides = [1, 1]} : vector<4096x128xf32> to vector<4096x16xf32>
    %reduce_sum3A_4 = arith.constant dense<0.000000e+00> : vector<4096xf32>
    %reduce_sum3A_5 = vector.multi_reduction <add>, %slice3A_3, %reduce_sum3A_4 [1] : vector<4096x16xf32> to vector<4096xf32>
    %slice3A_6 = vector.extract_strided_slice %get3A_1 {offsets = [0, 32], sizes = [4096, 16], strides = [1, 1]} : vector<4096x128xf32> to vector<4096x16xf32>
    %reduce_sum3A_7 = arith.constant dense<0.000000e+00> : vector<4096xf32>
    %reduce_sum3A_8 = vector.multi_reduction <add>, %slice3A_6, %reduce_sum3A_7 [1] : vector<4096x16xf32> to vector<4096xf32>
    %slice3A_9 = vector.extract_strided_slice %get3A_1 {offsets = [0, 48], sizes = [4096, 16], strides = [1, 1]} : vector<4096x128xf32> to vector<4096x16xf32>
    %reduce_sum3A_10 = arith.constant dense<0.000000e+00> : vector<4096xf32>
    %reduce_sum3A_11 = vector.multi_reduction <add>, %slice3A_9, %reduce_sum3A_10 [1] : vector<4096x16xf32> to vector<4096xf32>
    %slice3A_12 = vector.extract_strided_slice %get3A_1 {offsets = [0, 64], sizes = [4096, 16], strides = [1, 1]} : vector<4096x128xf32> to vector<4096x16xf32>
    %reduce_sum3A_13 = arith.constant dense<0.000000e+00> : vector<4096xf32>
    %reduce_sum3A_14 = vector.multi_reduction <add>, %slice3A_12, %reduce_sum3A_13 [1] : vector<4096x16xf32> to vector<4096xf32>
    %slice3A_15 = vector.extract_strided_slice %get3A_1 {offsets = [0, 80], sizes = [4096, 16], strides = [1, 1]} : vector<4096x128xf32> to vector<4096x16xf32>
    %reduce_sum3A_16 = arith.constant dense<0.000000e+00> : vector<4096xf32>
    %reduce_sum3A_17 = vector.multi_reduction <add>, %slice3A_15, %reduce_sum3A_16 [1] : vector<4096x16xf32> to vector<4096xf32>
    %slice3A_18 = vector.extract_strided_slice %get3A_1 {offsets = [0, 96], sizes = [4096, 16], strides = [1, 1]} : vector<4096x128xf32> to vector<4096x16xf32>
    %reduce_sum3A_19 = arith.constant dense<0.000000e+00> : vector<4096xf32>
    %reduce_sum3A_20 = vector.multi_reduction <add>, %slice3A_18, %reduce_sum3A_19 [1] : vector<4096x16xf32> to vector<4096xf32>
    %slice3A_21 = vector.extract_strided_slice %get3A_1 {offsets = [0, 112], sizes = [4096, 16], strides = [1, 1]} : vector<4096x128xf32> to vector<4096x16xf32>
    %reduce_sum3A_22 = arith.constant dense<0.000000e+00> : vector<4096xf32>
    %reduce_sum3A_23 = vector.multi_reduction <add>, %slice3A_21, %reduce_sum3A_22 [1] : vector<4096x16xf32> to vector<4096xf32>
    %stack3A = vector.shape_cast %reduce_sum3A_2 : vector<4096xf32> to vector<1x4096xf32>
    %stack3A_24 = vector.shape_cast %reduce_sum3A_5 : vector<4096xf32> to vector<1x4096xf32>
    %stack3A_25 = vector.shape_cast %reduce_sum3A_8 : vector<4096xf32> to vector<1x4096xf32>
    %stack3A_26 = vector.shape_cast %reduce_sum3A_11 : vector<4096xf32> to vector<1x4096xf32>
    %stack3A_27 = vector.shape_cast %reduce_sum3A_14 : vector<4096xf32> to vector<1x4096xf32>
    %stack3A_28 = vector.shape_cast %reduce_sum3A_17 : vector<4096xf32> to vector<1x4096xf32>
    %stack3A_29 = vector.shape_cast %reduce_sum3A_20 : vector<4096xf32> to vector<1x4096xf32>
    %stack3A_30 = vector.shape_cast %reduce_sum3A_23 : vector<4096xf32> to vector<1x4096xf32>
    %stack3A_31 = tpu.concatenate %stack3A, %stack3A_24, %stack3A_25, %stack3A_26, %stack3A_27, %stack3A_28, %stack3A_29, %stack3A_30 in 0 : vector<1x4096xf32>, vector<1x4096xf32>, vector<1x4096xf32>, vector<1x4096xf32>, vector<1x4096xf32>, vector<1x4096xf32>, vector<1x4096xf32>, vector<1x4096xf32> -> vector<8x4096xf32>
    %swap3A = arith.constant 0 : index
    %swap3A_32 = arith.constant 0 : index
    %swap3A_33 = vector.load %arg2[%swap3A, %swap3A_32] : memref<8x4096xf32, #tpu.memory_space<vmem>>, vector<8x4096xf32>
    tpu.vector_store %arg2[%swap3A, %swap3A_32], %stack3A_31 {strides = array<i32>} : memref<8x4096xf32, #tpu.memory_space<vmem>>, vector<8x4096xf32>,
    return
  }
  func.func @transform_0(%arg0: i32) -> (i32, i32) {
    %c0_i32 = arith.constant 0 : i32
    %c0_i32_0 = arith.constant 0 : i32
    return %arg0, %c0_i32 : i32, i32
  }
  func.func @transform_1(%arg0: i32) -> (i32, i32) {
    %c0_i32 = arith.constant 0 : i32
    %c0_i32_0 = arith.constant 0 : i32
    return %c0_i32, %arg0 : i32, i32
  }
}

</mosaic_0001>

<sc_bundles>
// kernel: kernel.10.cloned.1.call-start
scs
__scs_entry_jumppad:
0x0: {  	(pc) =	sbr.rel $0x88, $3  }
0x1: {  	(tag) =	ssettag $0x0;
	lr =	simm.s32 $0x1  }
0x2: {  	[smem:$0x3F9A] =	sst lr;
	_ =	strace $0xD0000000  }
0x3: {  	_ = 	snop  }
0x4: {  	_ = 	snop  }
0x5: {  	_ = 	snop  }
0x6: {  	_ = 	snop  }
0x7: {  	_ = 	snop  }
__scs_overlays_trampoline_lowered:
0x8: {  	[smem:$0x3FA9] =	sst s0  }
0x9: {  	[smem:$0x3FAA] =	sst s1  }
0xa: {  	[smem:$0x3FAB] =	sst s2  }
0xb: {  	[smem:$0x3FAC] =	sst s3  }
0xc: {  	[smem:$0x3FAD] =	sst s4  }
0xd: {  	[smem:$0x3FAE] =	sst s5  }
0xe: {  	[smem:$0x3FAF] =	sst s6  }
0xf: {  	[smem:$0x3FB0] =	sst s7  }
0x10: {  	[smem:$0x3FB1] =	sst s8  }
0x11: {  	[smem:$0x3FB2] =	sst s9;
	s0 =	simm.s32 @!p0 $0x0  }
0x12: {  	s1 =	sld [smem:$0x3F98];
	s0 =	simm.s32 @p0 $0x1  }
0x13: {  	[smem:$0x3FB3] =	sst s0;
	s0 =	simm.s32 @!p1 $0x0  }
0x14: {  	s2 =	sld [smem:$0x3F97];
	s0 =	simm.s32 @p1 $0x1  }
0x15: {  	[smem:$0x3FB4] =	sst s0;
	s0 =	simm.s32 @!p2 $0x0  }
0x16: {  	s3 =	sld [smem:$0x3FDB];
	s0 =	simm.s32 @p2 $0x1  }
0x17: {  	s4 =	simm.s32 $0x1BF5;
	[smem:$0x3FB6] =	sst s0  }
0x18: {  	s0 =	sld [smem:$0x3F99];
	_ =	swait.ge [sflag:s4], $0x0  }
0x19: {  	s7 =	sld [smem:$0x3F9A]  }
0x1a: {  	s8 =	sadd.s32 $0xFFFFE003, lr  }
0x1b: {  	s9 =	sadd.s32 $0xFFFFFEF7, lr;
	s5 =	simm.s32 $0xFFFFFFFF;
	p2 =	slt.u32 s8, $0xFFFFF086  }
0x1c: {  	p1 =	slt.u32 s9, $0xF7A;
	s5 =	simm.s32 @!p2 $0x0  }
0x1d: {  	s5 =	simm.s32 @p1 $0x1;
	p0 =	seq.s32 s7, s2  }
0x1e: {  	s7 =	smul.u32 @!p0 $0xF7A, s2;
	p2 =	seq.s32 @!p0 s5, $0x0  }
0x1f: {  	s9 =	smul.u32 $0xF7A, s1;
	s8 =	simm.s32 @!p0 $0x1BF5;
	p2 =	por !p2, p0  }
0x20: {  	[sflag:s8] =	ssyncset.s32 @!p0 $0xFFFFF086;
	s6 =	sadd.s32 @!p0 s3, s7;
	s7 =	simm.s32 @!p0 $0x108  }
0x21: {  	s3 =	sadd.s32 s3, s9;
	s6 =	sadd.s32 @!p0 $0x88, s6;
	s7 =	simm.s32 @p2 $0x1082  }
0x22: {  	[simem:s7], [sflag:s8] =	dma.local @!p0 [hbm:s6], $0xF7A  }
0x23: {  	s9 =	sor.u32 $0xD0000000, s2;
	s6 =	simm.s32 $0x108;
	_ =	swait.ge @!p0 [sflag:s8], $0x0  }
0x24: {  	s3 =	sadd.s32 $0x88, s3;
	s6 =	simm.s32 @!p1 $0x1082;
	[sflag:s4] =	ssyncset.s32 $0xFFFFF086  }
0x25: {  	[simem:s6], [sflag:s4] =	dma.local [hbm:s3], $0xF7A  }
0x26: {  	[smem:$0x3F9A] =	sst s1;
	(tag) =	ssettag s2;
	_ =	strace s9  }
0x27: {  	s1 =	sld [smem:$0x3FAA]  }
0x28: {  	s2 =	sld [smem:$0x3FAB]  }
0x29: {  	s4 =	sld [smem:$0x3FAD]  }
0x2a: {  	p0 =	seq.s32 s5, $0x0;
	s5 =	sld [smem:$0x3FAE]  }
0x2b: {  	s6 =	sld [smem:$0x3FAF]  }
0x2c: {  	s7 =	sld [smem:$0x3FB0]  }
0x2d: {  	s3 =	simm.s32 $0x108;
	s8 =	sld [smem:$0x3FB1]  }
0x2e: {  	s3 =	simm.s32 @!p0 $0x1082;
	s9 =	sld [smem:$0x3FB2]  }
0x2f: {  	lr =	sadd.s32 s0, s3;
	s0 =	sld [smem:$0x3FA9]  }
0x30: {  	s3 =	sld [smem:$0x3FAC]  }
0x31: {  	[smem:$0x3FB5] =	sst s10  }
0x32: {  	s10 =	sld [smem:$0x3FB3];
	_ =	sdelay $0x3  }
0x33: {  	p0 =	seq.s32 s10, $0x1;
	s10 =	sld [smem:$0x3FB5];
	_ =	sdelay $0x3  }
0x34: {  	[smem:$0x3FB5] =	sst s10  }
0x35: {  	s10 =	sld [smem:$0x3FB4];
	_ =	sdelay $0x3  }
0x36: {  	p1 =	seq.s32 s10, $0x1;
	s10 =	sld [smem:$0x3FB5];
	_ =	sdelay $0x3  }
0x37: {  	[smem:$0x3FB5] =	sst s10  }
0x38: {  	s10 =	sld [smem:$0x3FB6]  }
0x39: {  	_ = 	snop;
	(pc) =	sbr.ind lr, $3  }
0x3a: {  	_ = 	snop  }
0x3b: {  	_ = 	snop  }
0x3c: {  	p2 =	seq.s32 s10, $0x1;
	s10 =	sld [smem:$0x3FB5]  }
0x3d: {  	_ =	shalt  }
0x3e: {  	_ =	shalt  }
0x3f: {  	_ =	shalt  }
0x40: {  	_ =	shalt  }
0x41: {  	_ =	shalt  }
0x42: {  	_ =	shalt  }
0x43: {  	_ =	shalt  }
0x44: {  	_ =	shalt  }
0x45: {  	_ =	shalt  }
0x46: {  	_ =	shalt  }
0x47: {  	_ =	shalt  }
0x48: {  	_ =	shalt  }
0x49: {  	_ =	shalt  }
0x4a: {  	_ =	shalt  }
0x4b: {  	_ =	shalt  }
0x4c: {  	_ =	shalt  }
0x4d: {  	_ =	shalt  }
0x4e: {  	_ =	shalt  }
0x4f: {  	_ =	shalt  }
0x50: {  	_ =	shalt  }
0x51: {  	_ =	shalt  }
0x52: {  	_ =	shalt  }
0x53: {  	_ =	shalt  }
0x54: {  	_ =	shalt  }
0x55: {  	_ =	shalt  }
0x56: {  	_ =	shalt  }
0x57: {  	_ =	shalt  }
0x58: {  	_ =	shalt  }
0x59: {  	_ =	shalt  }
0x5a: {  	_ =	shalt  }
0x5b: {  	_ =	shalt  }
0x5c: {  	_ =	shalt  }
0x5d: {  	_ =	shalt  }
0x5e: {  	_ =	shalt  }
0x5f: {  	_ =	shalt  }
0x60: {  	_ =	shalt  }
0x61: {  	_ =	shalt  }
0x62: {  	_ =	shalt  }
0x63: {  	_ =	shalt  }
0x64: {  	_ =	shalt  }
0x65: {  	_ =	shalt  }
0x66: {  	_ =	shalt  }
0x67: {  	_ =	shalt  }
0x68: {  	_ =	shalt  }
0x69: {  	_ =	shalt  }
0x6a: {  	_ =	shalt  }
0x6b: {  	_ =	shalt  }
0x6c: {  	_ =	shalt  }
0x6d: {  	_ =	shalt  }
0x6e: {  	_ =	shalt  }
0x6f: {  	_ =	shalt  }
0x70: {  	_ =	shalt  }
0x71: {  	_ =	shalt  }
0x72: {  	_ =	shalt  }
0x73: {  	_ =	shalt  }
0x74: {  	_ =	shalt  }
0x75: {  	_ =	shalt  }
0x76: {  	_ =	shalt  }
0x77: {  	_ =	shalt  }
0x78: {  	_ =	shalt  }
0x79: {  	_ =	shalt  }
0x7a: {  	_ =	shalt  }
0x7b: {  	_ =	shalt  }
0x7c: {  	_ =	shalt  }
0x7d: {  	_ =	shalt  }
0x7e: {  	_ =	shalt  }
0x7f: {  	_ =	shalt  }
0x80: {  	_ =	shalt  }
0x81: {  	_ =	shalt  }
0x82: {  	_ =	shalt  }
0x83: {  	_ =	shalt  }
0x84: {  	_ =	shalt  }
0x85: {  	_ =	shalt  }
0x86: {  	_ =	shalt  }
0x87: {  	_ =	shalt  }
.Lfunc_end0:
.L_simem_size_0:
called_computation_lowered:
.L_overlay_start_0:
0x88: {  	s2 =	sld [smem:$0x3FD9]  }
0x89: {  	s3 =	sld [smem:$0x3FFE];
	_ =	sdelay $0x1  }
0x8a: {  	s1 =	srdreg.scid  }
0x8b: {  	s0 =	sand.u32 $0x1, s1  }
0x8c: {  	s14 =	sshll.u32 s0, $0xA;
	s2 =	sadd.s32 s3, s2  }
0x8d: {  	s2 =	sadd.s32 s2, s14  }
0x8e: {  	[smem:$0x3FC1] =	sst s2  }
0x8f: {  	_ = 	snop  }
0x90: {  	s2 =	sld [smem:$0x3FD0];
	_ =	sdelay $0x2  }
0x91: {  	s15 =	simm.s32 $0xA;
	s4 =	simm.s32 $0x10  }
0x92: {  	[smem:s4], [sflag:s15] =	dma.local [hbm:s2], $0x1  }
0x93: {  	_ =	swait.eq [sflag:s15], $0x1  }
0x94: {  	[sflag:s15] =	ssyncset.done $0x0  }
0x95: {  	[sflag:s15] =	ssyncadd.s32 $0xFFFFFFFF  }
0x96: {  	s16 =	sld [smem:$0x10];
	(tm) =	ssettm $0x1  }
0x97: {  	s17 =	sld [smem:$0x3FFB];
	_ =	sdelay $0x3  }
0x98: {  	_ =	strace s17  }
0x99: {  	s3 =	sld [smem:$0x3FFC];
	_ =	sdelay $0x3  }
0x9a: {  	_ =	strace s3  }
0x9b: {  	s3 =	sld [smem:$0x3FFD];
	_ =	sdelay $0x3  }
0x9c: {  	_ =	strace s3  }
0x9d: {  	_ =	strace $0x8FFFFFFF  }
0x9e: {  	s18 =	sld [smem:$0x3FDB];
	_ =	sdelay $0x1  }
0x9f: {  	s19 =	simm.s32 $_scs_section_size  }
0xa0: {  	s5 =	simm.s32 $_size__tile_overlayer_lowered;
	s6 =	simm.s32 $_tile_overlayer_lowered  }
0xa1: {  	s22 =	simm.s32 $0x1BFF;
	s21 =	sshll.u32 s6, $0x1;
	s3 =	sadd.s32 s19, s18  }
0xa2: {  	s7 =	simm.s32 $0x0;
	s20 =	sshll.u32 s5, $0x1;
	s5 =	sadd.s32 s21, s3  }
0xa3: {  	[timem:s7], [sflag:s22] =	dma.local [hbm:s5], s20  }
0xa4: {  	_ =	swait.ge [sflag:s22], s20  }
0xa5: {  	s4 =	ssub.s32 $0x0, s20;
	[sflag:s22] =	ssyncset.done $0x0  }
0xa6: {  	[sflag:s22] =	ssyncadd.s32 s4;
	_ =	sdelay $0x1  }
0xa7: {  	s23 =	simm.s32 $0x1B8B  }
0xa8: {  	_ =	swait.ge [sflag:s23], $0x1  }
0xa9: {  	[sflag:s23] =	ssyncset.done $0x0  }
0xaa: {  	s25 =	simm.s32 $0x1B8E;
	s24 =	sld [smem:$0x3FFE];
	[sflag:s23] =	ssyncadd.s32 $0xFFFFFFFF  }
0xab: {  	s26 =	simm.s32 $execute0_lowered;
	[smem:$0x3FD2] =	sst s25  }
0xac: {  	s5 =	sshll.u32 s26, $0x1;
	_ =	strace $0x80000046;
	[dreg:$0x1] =	wrdreg $0xFFFFFFFF  }
0xad: {  	s28 =	simm.s32 $_size_execute0_lowered;
	s3 =	sadd.s32 s3, s5;
	[dreg:$0x0] =	wrdreg $0x0  }
0xae: {  	s5 =	sshll.u32 s28, $0x1;
	[dreg:$0x2] =	wrdreg s3  }
0xaf: {  	[dreg:$0x3] =	wrdreg s5  }
0xb0: {  	[dreg:$0x4] =	wrdreg $0xC0  }
0xb1: {  	_ =	task [dreg:s7], $0x5FFFF  }
0xb2: {  	[dreg:$0x1] =	wrdreg $0xFFFFFFFF  }
0xb3: {  	[dreg:$0x0] =	wrdreg $0x60  }
0xb4: {  	[dreg:$0x2] =	wrdreg s24  }
0xb5: {  	[dreg:$0x3] =	wrdreg s16  }
0xb6: {  	[dreg:$0x4] =	wrdreg $0x2B000  }
0xb7: {  	[dreg:$0x5] =	wrdreg $0x9  }
0xb8: {  	_ =	task.clear_ibuf [dreg:s7], $0x6FFFF;
	_ =	strace $0x90000046  }
0xb9: {  	s29 =	simm.s32 $0x9;
	_ =	strace $0x80000048  }
0xba: {  	_ =	swait.ge [sflag:s29], $0x1  }
0xbb: {  	[sflag:s29] =	ssyncadd.s32 $0xFFFFFFFF  }
0xbc: {  	_ =	strace $0x90000048  }
0xbd: {  	_ =	sfence  }
0xbe: {  	s30 =	sld [smem:$0x0];
	_ =	sdelay $0x2  }
0xbf: {  	s31 =	sshll.u32 s1, $0xD;
	s1 =	sshrl.u32 s1, $0x2  }
0xc0: {  	s3 =	sand.u32 $0x4000, s31;
	s1 =	sadd.s32 s1, s30  }
0xc1: {  	s0 =	sor.u32 s3, s0;
	s1 =	sshll.u32 s1, $0x11  }
0xc2: {  	s0 =	sor.u32 s1, s0  }
0xc3: {  	s0 =	sadd.s32 $0x8F2B, s0  }
0xc4: {  	[sflag:s0] =	ssyncadd.remote.s32 $0x1  }
0xc5: {  	_ =	sfence.sel $0xFFFF  }
0xc6: {  	[dreg:$0x0] =	wrdreg $0xFFFFFFFF;
	(pc) =	sbr.abs _section_cstart, $3  }
0xc7: {  	[dreg:$0x1] =	wrdreg $0xFFFFFFFF  }
0xc8: {  	_ =	task.clear_ibuf [dreg:s7], $0x2FFFF;
	_ =	strace $0x9FFFFFFF  }
0xc9: {  	(tm) =	ssettm $0x7FFFFFFF  }
tec
execute0_lowered:
.L_overlay_start_1:
0x0: {  	(tag) =	ssettag $0x1  }
0x1: {  	s4 =	rddreg [dreg:$0x0]  }
0x2: {  	s1 =	srdreg.scid;
	s6 =	rddreg [dreg:$0x1]  }
0x3: {  	s0 =	stileid.u32;
	s2 =	rddreg [dreg:$0x2];
	s3 =	simm.s32 $0x0  }
0x4: {  	s11 =	simm.s32 $0x2800;
	s12 =	simm.s32 $0x100;
	s13 =	simm.s32 $0x0  }
0x5: {  	s5 =	sand.u32 $0x1, s1;
	s1 =	rddreg [dreg:$0x3];
	s8 =	smul.u32 $0xA00, s0  }
0x6: {  	s28 =	sshll.u32 s0, $0x1;
	[smem:$0x7FF] =	sst s3;
	s9 =	smul.u32 $0x500, s0  }
0x7: {  	s7 =	sor.u32 s5, s28;
	_ =	strace $0x80000047;
	s29 =	ssub.s32 $0x2, s5  }
0x8: {  	s5 =	sshll.u32 s5, $0x7;
	s7 =	smul.u32 $0x500, s7;
	s10 =	sshrl.u32 s29, $0x1  }
0x9: {  	s8 =	sshrl.u32 s8, $0x2;
	s5 =	sor.u32 s5, s9;
	s9 =	simm.s32 $0x1  }
0xa: {  	s30 =	ssub.s32 s29, s10;
	s31 =	sshrl.u32 s5, $0x3;
	s10 =	simm.s32 $0x80  }
0xb: {  	s7 =	sadd.s32 s7, s4;
	s4 =	sadd.s32 s8, s2;
	s6 =	sadd.s32 s6, s31  }
0xc: {  	v0 =	vimm.f32 $0.0e+00;
	v1 =	vimm.f32 $1.000000000e+00;
	s8 =	simm.s32 $0x2880;
	s5 =	sadd.s32 $0xD400, s7;
	s7 =	smax.u32 s30, $0x1  }
.LBB2_1:
0xd: {  	[tilespmem:$0x2880] =	vst v0  }
0xe: {  	[tilespmem:$0x2890] =	vst v0  }
0xf: {  	[tilespmem:$0x28A0] =	vst v0  }
0x10: {  	[tilespmem:$0x28B0] =	vst v0  }
0x11: {  	[tilespmem:$0x28C0] =	vst v0  }
0x12: {  	[tilespmem:$0x28D0] =	vst v0  }
0x13: {  	[tilespmem:$0x28E0] =	vst v0  }
0x14: {  	[tilespmem:$0x28F0] =	vst v0  }
0x15: {  	[tilespmem:$0x2900] =	vst v0  }
0x16: {  	[tilespmem:$0x2910] =	vst v0  }
0x17: {  	[tilespmem:$0x2920] =	vst v0  }
0x18: {  	[tilespmem:$0x2930] =	vst v0  }
0x19: {  	[tilespmem:$0x2940] =	vst v0  }
0x1a: {  	[tilespmem:$0x2950] =	vst v0  }
0x1b: {  	[tilespmem:$0x2960] =	vst v0  }
0x1c: {  	[tilespmem:$0x2970] =	vst v0  }
0x1d: {  	[tilespmem:$0x2980] =	vst v0  }
0x1e: {  	[tilespmem:$0x2990] =	vst v0  }
0x1f: {  	[tilespmem:$0x29A0] =	vst v0  }
0x20: {  	[tilespmem:$0x29B0] =	vst v0  }
0x21: {  	[tilespmem:$0x29C0] =	vst v0  }
0x22: {  	[tilespmem:$0x29D0] =	vst v0  }
0x23: {  	[tilespmem:$0x29E0] =	vst v0  }
0x24: {  	[tilespmem:$0x29F0] =	vst v0  }
0x25: {  	[tilespmem:$0x2A00] =	vst v0  }
0x26: {  	[tilespmem:$0x2A10] =	vst v0  }
0x27: {  	[tilespmem:$0x2A20] =	vst v0  }
0x28: {  	[tilespmem:$0x2A30] =	vst v0  }
0x29: {  	[tilespmem:$0x2A40] =	vst v0  }
0x2a: {  	[tilespmem:$0x2A50] =	vst v0  }
0x2b: {  	[tilespmem:$0x2A60] =	vst v0  }
0x2c: {  	[tilespmem:$0x2A70] =	vst v0  }
0x2d: {  	[tilespmem:$0x2A80] =	vst v0  }
0x2e: {  	[tilespmem:$0x2A90] =	vst v0  }
0x2f: {  	[tilespmem:$0x2AA0] =	vst v0  }
0x30: {  	[tilespmem:$0x2AB0] =	vst v0  }
0x31: {  	[tilespmem:$0x2AC0] =	vst v0  }
0x32: {  	[tilespmem:$0x2AD0] =	vst v0  }
0x33: {  	[tilespmem:$0x2AE0] =	vst v0  }
0x34: {  	[tilespmem:$0x2AF0] =	vst v0  }
0x35: {  	[tilespmem:$0x2800] =	vst v1  }
0x36: {  	[tilespmem:$0x2810] =	vst v1  }
0x37: {  	[tilespmem:$0x2820] =	vst v1  }
0x38: {  	[tilespmem:$0x2830] =	vst v1  }
0x39: {  	[tilespmem:$0x2840] =	vst v1  }
0x3a: {  	[tilespmem:$0x2850] =	vst v1  }
0x3b: {  	[tilespmem:$0x2860] =	vst v1  }
0x3c: {  	[tilespmem:$0x2870] =	vst v1  }
0x3d: {  	[spmem:s4] =	stream.linear.scatter [tilespmem:s8], [sflag:$0x1], $0x280, $0x38;
	[tilespmem:$0x2D80] =	vst v63  }
0x3e: {  	_ =	swait.ge [sflag:s9], $0x280  }
0x3f: {  	[sflag:s9] =	ssyncset.done $0x0  }
0x40: {  	[sflag:s9] =	ssyncadd.s32 $0xFFFFFD80  }
0x41: {  	[bflag:$0x0] =	sbarrier.arrive $0xFFFF  }
0x42: {  	[tilespmem:s3], [sflag:$0x1] =	stream.linear.gather [hbm4b:s5+s3], $0x2800, $0x38;
	[tilespmem:$0x2D80] =	vst v63  }
0x43: {  	_ =	swait.ge [sflag:s9], $0x2800  }
0x44: {  	[sflag:s9] =	ssyncset.done $0x0  }
0x45: {  	s14 =	simm.s32 $0x0;
	[sflag:s9] =	ssyncadd.s32 $0xFFFFD800  }
0x46: {  	[spmem:s2] =	stream.indirect.scatter.add.f32 [tilespmem:s11], [sflag:$0x1], $0x1, s14, s10, $0xb8;
	[tilespmem:$0x2D80] =	vst v63  }
0x47: {  	_ =	swait.ge [sflag:s9], $0x80  }
0x48: {  	s14 =	simm.s32 $0x200;
	[sflag:s9] =	ssyncset.done $0x0  }
.LBB2_2:
0x49: {  	s15 =	sshra.s32 s14, $0x2;
	[sflag:s9] =	ssyncadd.s32 $0xFFFFFF80;
	p0 =	sne.s32 s14, $0x9E00  }
0x4a: {  	[spmem:s2] =	stream.indirect.scatter.add.f32 [tilespmem:s11], [sflag:$0x1], $0x1, s15, s10, $0xb8;
	[tilespmem:$0x2D80] =	vst v63  }
.Ltmp0:
0x4b: {  	_ = 	snop;
	(pc) =	sbr.rel @p0 .LBB2_2-.Ltmp0, $4  }
0x4c: {  	_ = 	snop  }
0x4d: {  	s14 =	sadd.s32 $0x200, s14  }
0x4e: {  	_ =	swait.ge [sflag:s9], $0x80  }
0x4f: {  	[sflag:s9] =	ssyncset.done $0x0  }
0x50: {  	[sflag:s9] =	ssyncadd.s32 $0xFFFFFF80  }
0x51: {  	[bflag:$0x0] =	sbarrier.arrive $0xFFFF  }
0x52: {  	[tilespmem:s8], [sflag:$0x1] =	stream.linear.gather [spmem:s4], $0x280, $0x38;
	[tilespmem:$0x2D80] =	vst v63  }
0x53: {  	s13 =	sadd.s32 $0x1, s13;
	_ =	swait.ge [sflag:s9], $0x280  }
0x54: {  	p0 =	sne.s32 s13, s7;
	[sflag:s9] =	ssyncset.done $0x0  }
.Ltmp1:
0x55: {  	[sflag:s9] =	ssyncadd.s32 $0xFFFFFD80;
	(pc) =	sbr.rel @p0 .LBB2_1-.Ltmp1, $4  }
0x56: {  	[hbm4b:s6+s10] =	stream.strided.scatter [tilespmem:s8], [sflag:$0x1], $0x280, s12, s10, $0x38;
	[tilespmem:$0x2D80] =	vst v63  }
0x57: {  	_ =	swait.ge [sflag:s9], $0x280  }
0x58: {  	[sflag:s9] =	ssyncset.done $0x0  }
0x59: {  	[sflag:s9] =	ssyncadd.s32 $0xFFFFFD80  }
0x5a: {  	_ =	sfence.sel $0x180000  }
0x5b: {  	[bflag:$0x0] =	sbarrier.arrive $0xFFFF  }
0x5c: {  	p0 =	sne.s32 s0, $0x0;
	_ =	strace $0x90000047  }
0x5d: {  	s0 =	sadd.s32 @!p0 $0x100000, s1;
	[bflag:$0x2] =	sbarrier.arrive $0xFFFF  }
0x5e: {  	[sflag:s0] =	ssyncadd.tile.s32 @!p0 $0x1;
	_ =	shalt  }
.Lfunc_end2:
_tile_overlayer_lowered:
.L_overlay_start_2:
0x5f: {  	(tag) =	ssettag $0x2  }
0x60: {  	s0 =	rddreg [dreg:$0x0];
	s2 =	stileid.u32  }
0x61: {  	s1 =	rddreg [dreg:$0x1];
	p0 =	sne.s32 s2, $0x0  }
0x62: {  	s3 =	rddreg [dreg:$0x2];
	[bflag:$0x3] =	sbarrier.arrive $0xFFFF;
	s2 =	simm.s32 @!p0 $0x1C01  }
0x63: {  	[timem:s3], [sflag:s2] =	dma.local @!p0 [hbm:s0], s1  }
0x64: {  	s0 =	simm.s32 @!p0 $0x1  }
0x65: {  	_ =	swait.ge @!p0 [sflag:s0], s1  }
0x66: {  	s1 =	ssub.s32 @!p0 $0x0, s1;
	[sflag:s0] =	ssyncset.done @!p0 $0x0  }
0x67: {  	[sflag:s0] =	ssyncadd.s32 @!p0 s1  }
0x68: {  	[bflag:$0x3] =	sbarrier.arrive $0xFFFF  }
0x69: {  	_ =	shalt  }

// kernel: kernel.13.cloned.1.call-start
scs
__scs_entry_jumppad:
0x0: {  	(pc) =	sbr.rel $0x88, $3  }
0x1: {  	(tag) =	ssettag $0x0;
	lr =	simm.s32 $0x1  }
0x2: {  	[smem:$0x3F9A] =	sst lr;
	_ =	strace $0xD0000000  }
0x3: {  	_ = 	snop  }
0x4: {  	_ = 	snop  }
0x5: {  	_ = 	snop  }
0x6: {  	_ = 	snop  }
0x7: {  	_ = 	snop  }
__scs_overlays_trampoline_lowered:
0x8: {  	[smem:$0x3FA9] =	sst s0  }
0x9: {  	[smem:$0x3FAA] =	sst s1  }
0xa: {  	[smem:$0x3FAB] =	sst s2  }
0xb: {  	[smem:$0x3FAC] =	sst s3  }
0xc: {  	[smem:$0x3FAD] =	sst s4  }
0xd: {  	[smem:$0x3FAE] =	sst s5  }
0xe: {  	[smem:$0x3FAF] =	sst s6  }
0xf: {  	[smem:$0x3FB0] =	sst s7  }
0x10: {  	[smem:$0x3FB1] =	sst s8  }
0x11: {  	[smem:$0x3FB2] =	sst s9;
	s0 =	simm.s32 @!p0 $0x0  }
0x12: {  	s1 =	sld [smem:$0x3F98];
	s0 =	simm.s32 @p0 $0x1  }
0x13: {  	[smem:$0x3FB3] =	sst s0;
	s0 =	simm.s32 @!p1 $0x0  }
0x14: {  	s2 =	sld [smem:$0x3F97];
	s0 =	simm.s32 @p1 $0x1  }
0x15: {  	[smem:$0x3FB4] =	sst s0;
	s0 =	simm.s32 @!p2 $0x0  }
0x16: {  	s3 =	sld [smem:$0x3FDB];
	s0 =	simm.s32 @p2 $0x1  }
0x17: {  	s4 =	simm.s32 $0x1BF5;
	[smem:$0x3FB6] =	sst s0  }
0x18: {  	s0 =	sld [smem:$0x3F99];
	_ =	swait.ge [sflag:s4], $0x0  }
0x19: {  	s7 =	sld [smem:$0x3F9A]  }
0x1a: {  	s8 =	sadd.s32 $0xFFFFE003, lr  }
0x1b: {  	s9 =	sadd.s32 $0xFFFFFEF7, lr;
	s5 =	simm.s32 $0xFFFFFFFF;
	p2 =	slt.u32 s8, $0xFFFFF086  }
0x1c: {  	p1 =	slt.u32 s9, $0xF7A;
	s5 =	simm.s32 @!p2 $0x0  }
0x1d: {  	s5 =	simm.s32 @p1 $0x1;
	p0 =	seq.s32 s7, s2  }
0x1e: {  	s7 =	smul.u32 @!p0 $0xF7A, s2;
	p2 =	seq.s32 @!p0 s5, $0x0  }
0x1f: {  	s9 =	smul.u32 $0xF7A, s1;
	s8 =	simm.s32 @!p0 $0x1BF5;
	p2 =	por !p2, p0  }
0x20: {  	[sflag:s8] =	ssyncset.s32 @!p0 $0xFFFFF086;
	s6 =	sadd.s32 @!p0 s3, s7;
	s7 =	simm.s32 @!p0 $0x108  }
0x21: {  	s3 =	sadd.s32 s3, s9;
	s6 =	sadd.s32 @!p0 $0x88, s6;
	s7 =	simm.s32 @p2 $0x1082  }
0x22: {  	[simem:s7], [sflag:s8] =	dma.local @!p0 [hbm:s6], $0xF7A  }
0x23: {  	s9 =	sor.u32 $0xD0000000, s2;
	s6 =	simm.s32 $0x108;
	_ =	swait.ge @!p0 [sflag:s8], $0x0  }
0x24: {  	s3 =	sadd.s32 $0x88, s3;
	s6 =	simm.s32 @!p1 $0x1082;
	[sflag:s4] =	ssyncset.s32 $0xFFFFF086  }
0x25: {  	[simem:s6], [sflag:s4] =	dma.local [hbm:s3], $0xF7A  }
0x26: {  	[smem:$0x3F9A] =	sst s1;
	(tag) =	ssettag s2;
	_ =	strace s9  }
0x27: {  	s1 =	sld [smem:$0x3FAA]  }
0x28: {  	s2 =	sld [smem:$0x3FAB]  }
0x29: {  	s4 =	sld [smem:$0x3FAD]  }
0x2a: {  	p0 =	seq.s32 s5, $0x0;
	s5 =	sld [smem:$0x3FAE]  }
0x2b: {  	s6 =	sld [smem:$0x3FAF]  }
0x2c: {  	s7 =	sld [smem:$0x3FB0]  }
0x2d: {  	s3 =	simm.s32 $0x108;
	s8 =	sld [smem:$0x3FB1]  }
0x2e: {  	s3 =	simm.s32 @!p0 $0x1082;
	s9 =	sld [smem:$0x3FB2]  }
0x2f: {  	lr =	sadd.s32 s0, s3;
	s0 =	sld [smem:$0x3FA9]  }
0x30: {  	s3 =	sld [smem:$0x3FAC]  }
0x31: {  	[smem:$0x3FB5] =	sst s10  }
0x32: {  	s10 =	sld [smem:$0x3FB3];
	_ =	sdelay $0x3  }
0x33: {  	p0 =	seq.s32 s10, $0x1;
	s10 =	sld [smem:$0x3FB5];
	_ =	sdelay $0x3  }
0x34: {  	[smem:$0x3FB5] =	sst s10  }
0x35: {  	s10 =	sld [smem:$0x3FB4];
	_ =	sdelay $0x3  }
0x36: {  	p1 =	seq.s32 s10, $0x1;
	s10 =	sld [smem:$0x3FB5];
	_ =	sdelay $0x3  }
0x37: {  	[smem:$0x3FB5] =	sst s10  }
0x38: {  	s10 =	sld [smem:$0x3FB6]  }
0x39: {  	_ = 	snop;
	(pc) =	sbr.ind lr, $3  }
0x3a: {  	_ = 	snop  }
0x3b: {  	_ = 	snop  }
0x3c: {  	p2 =	seq.s32 s10, $0x1;
	s10 =	sld [smem:$0x3FB5]  }
0x3d: {  	_ =	shalt  }
0x3e: {  	_ =	shalt  }
0x3f: {  	_ =	shalt  }
0x40: {  	_ =	shalt  }
0x41: {  	_ =	shalt  }
0x42: {  	_ =	shalt  }
0x43: {  	_ =	shalt  }
0x44: {  	_ =	shalt  }
0x45: {  	_ =	shalt  }
0x46: {  	_ =	shalt  }
0x47: {  	_ =	shalt  }
0x48: {  	_ =	shalt  }
0x49: {  	_ =	shalt  }
0x4a: {  	_ =	shalt  }
0x4b: {  	_ =	shalt  }
0x4c: {  	_ =	shalt  }
0x4d: {  	_ =	shalt  }
0x4e: {  	_ =	shalt  }
0x4f: {  	_ =	shalt  }
0x50: {  	_ =	shalt  }
0x51: {  	_ =	shalt  }
0x52: {  	_ =	shalt  }
0x53: {  	_ =	shalt  }
0x54: {  	_ =	shalt  }
0x55: {  	_ =	shalt  }
0x56: {  	_ =	shalt  }
0x57: {  	_ =	shalt  }
0x58: {  	_ =	shalt  }
0x59: {  	_ =	shalt  }
0x5a: {  	_ =	shalt  }
0x5b: {  	_ =	shalt  }
0x5c: {  	_ =	shalt  }
0x5d: {  	_ =	shalt  }
0x5e: {  	_ =	shalt  }
0x5f: {  	_ =	shalt  }
0x60: {  	_ =	shalt  }
0x61: {  	_ =	shalt  }
0x62: {  	_ =	shalt  }
0x63: {  	_ =	shalt  }
0x64: {  	_ =	shalt  }
0x65: {  	_ =	shalt  }
0x66: {  	_ =	shalt  }
0x67: {  	_ =	shalt  }
0x68: {  	_ =	shalt  }
0x69: {  	_ =	shalt  }
0x6a: {  	_ =	shalt  }
0x6b: {  	_ =	shalt  }
0x6c: {  	_ =	shalt  }
0x6d: {  	_ =	shalt  }
0x6e: {  	_ =	shalt  }
0x6f: {  	_ =	shalt  }
0x70: {  	_ =	shalt  }
0x71: {  	_ =	shalt  }
0x72: {  	_ =	shalt  }
0x73: {  	_ =	shalt  }
0x74: {  	_ =	shalt  }
0x75: {  	_ =	shalt  }
0x76: {  	_ =	shalt  }
0x77: {  	_ =	shalt  }
0x78: {  	_ =	shalt  }
0x79: {  	_ =	shalt  }
0x7a: {  	_ =	shalt  }
0x7b: {  	_ =	shalt  }
0x7c: {  	_ =	shalt  }
0x7d: {  	_ =	shalt  }
0x7e: {  	_ =	shalt  }
0x7f: {  	_ =	shalt  }
0x80: {  	_ =	shalt  }
0x81: {  	_ =	shalt  }
0x82: {  	_ =	shalt  }
0x83: {  	_ =	shalt  }
0x84: {  	_ =	shalt  }
0x85: {  	_ =	shalt  }
0x86: {  	_ =	shalt  }
0x87: {  	_ =	shalt  }
.Lfunc_end0:
.L_simem_size_0:
called_computation.1_lowered:
.L_overlay_start_0:
0x88: {  	s2 =	sld [smem:$0x3FD9]  }
0x89: {  	s3 =	sld [smem:$0x3FFE];
	_ =	sdelay $0x1  }
0x8a: {  	s1 =	srdreg.scid  }
0x8b: {  	s0 =	sand.u32 $0x1, s1  }
0x8c: {  	s14 =	sshll.u32 s0, $0xA;
	s2 =	sadd.s32 s3, s2  }
0x8d: {  	s2 =	sadd.s32 s2, s14  }
0x8e: {  	[smem:$0x3FC1] =	sst s2  }
0x8f: {  	_ = 	snop  }
0x90: {  	s2 =	sld [smem:$0x3FD0];
	_ =	sdelay $0x2  }
0x91: {  	s15 =	simm.s32 $0xA;
	s4 =	simm.s32 $0x10  }
0x92: {  	[smem:s4], [sflag:s15] =	dma.local [hbm:s2], $0x1  }
0x93: {  	_ =	swait.eq [sflag:s15], $0x1  }
0x94: {  	[sflag:s15] =	ssyncset.done $0x0  }
0x95: {  	s16 =	sld [smem:$0x12];
	[sflag:s15] =	ssyncadd.s32 $0xFFFFFFFF  }
0x96: {  	s17 =	sld [smem:$0x13];
	(tm) =	ssettm $0x1  }
0x97: {  	s18 =	sld [smem:$0x3FFB];
	_ =	sdelay $0x3  }
0x98: {  	_ =	strace s18  }
0x99: {  	s4 =	sld [smem:$0x3FFC];
	_ =	sdelay $0x3  }
0x9a: {  	_ =	strace s4  }
0x9b: {  	s4 =	sld [smem:$0x3FFD];
	_ =	sdelay $0x3  }
0x9c: {  	_ =	strace s4  }
0x9d: {  	_ =	strace $0x8FFFFFFF  }
0x9e: {  	s19 =	sld [smem:$0x3FDB];
	_ =	sdelay $0x1  }
0x9f: {  	s5 =	simm.s32 $_scs_section_size  }
0xa0: {  	s6 =	simm.s32 $_size__tile_overlayer_lowered;
	s7 =	simm.s32 $_tile_overlayer_lowered  }
0xa1: {  	s22 =	simm.s32 $0x1BFF;
	s21 =	sshll.u32 s7, $0x1;
	s4 =	sadd.s32 s5, s19  }
0xa2: {  	s8 =	simm.s32 $0x0;
	s20 =	sshll.u32 s6, $0x1;
	s6 =	sadd.s32 s21, s4  }
0xa3: {  	[timem:s8], [sflag:s22] =	dma.local [hbm:s6], s20  }
0xa4: {  	_ =	swait.ge [sflag:s22], s20  }
0xa5: {  	s5 =	ssub.s32 $0x0, s20;
	[sflag:s22] =	ssyncset.done $0x0  }
0xa6: {  	[sflag:s22] =	ssyncadd.s32 s5;
	_ =	sdelay $0x1  }
0xa7: {  	s23 =	simm.s32 $0x1B8B  }
0xa8: {  	_ =	swait.ge [sflag:s23], $0x1  }
0xa9: {  	[sflag:s23] =	ssyncset.done $0x0  }
0xaa: {  	s25 =	simm.s32 $0x1B8E;
	s24 =	sld [smem:$0x3FFE];
	[sflag:s23] =	ssyncadd.s32 $0xFFFFFFFF  }
0xab: {  	s26 =	simm.s32 $execute0_lowered;
	[smem:$0x3FD2] =	sst s25  }
0xac: {  	s6 =	sshll.u32 s26, $0x1;
	_ =	strace $0x80000049;
	[dreg:$0x1] =	wrdreg $0xFFFFFFFF  }
0xad: {  	s28 =	simm.s32 $_size_execute0_lowered;
	s4 =	sadd.s32 s4, s6;
	[dreg:$0x0] =	wrdreg $0x0  }
0xae: {  	s6 =	sshll.u32 s28, $0x1;
	[dreg:$0x2] =	wrdreg s4  }
0xaf: {  	[dreg:$0x3] =	wrdreg s6  }
0xb0: {  	[dreg:$0x4] =	wrdreg $0xC0  }
0xb1: {  	_ =	task [dreg:s8], $0x5FFFF  }
0xb2: {  	[dreg:$0x1] =	wrdreg $0xFFFFFFFF  }
0xb3: {  	[dreg:$0x0] =	wrdreg $0x60  }
0xb4: {  	[dreg:$0x2] =	wrdreg s24  }
0xb5: {  	[dreg:$0x3] =	wrdreg s17  }
0xb6: {  	[dreg:$0x4] =	wrdreg s16  }
0xb7: {  	[dreg:$0x5] =	wrdreg $0xB8000  }
0xb8: {  	[dreg:$0x6] =	wrdreg $0x9  }
0xb9: {  	_ =	task.clear_ibuf [dreg:s8], $0x7FFFF;
	_ =	strace $0x90000049  }
0xba: {  	s29 =	simm.s32 $0x9;
	_ =	strace $0x8000004B  }
0xbb: {  	_ =	swait.ge [sflag:s29], $0x1  }
0xbc: {  	[sflag:s29] =	ssyncadd.s32 $0xFFFFFFFF  }
0xbd: {  	_ =	strace $0x9000004B  }
0xbe: {  	_ =	sfence  }
0xbf: {  	s30 =	sld [smem:$0x0];
	_ =	sdelay $0x2  }
0xc0: {  	s31 =	sshll.u32 s1, $0xD;
	s1 =	sshrl.u32 s1, $0x2  }
0xc1: {  	s3 =	sand.u32 $0x4000, s31;
	s1 =	sadd.s32 s1, s30  }
0xc2: {  	s0 =	sor.u32 s3, s0;
	s1 =	sshll.u32 s1, $0x11  }
0xc3: {  	s0 =	sor.u32 s1, s0  }
0xc4: {  	s0 =	sadd.s32 $0x8F2B, s0  }
0xc5: {  	[sflag:s0] =	ssyncadd.remote.s32 $0x1  }
0xc6: {  	_ =	sfence.sel $0xFFFF  }
0xc7: {  	[dreg:$0x0] =	wrdreg $0xFFFFFFFF;
	(pc) =	sbr.abs _section_cstart, $3  }
0xc8: {  	[dreg:$0x1] =	wrdreg $0xFFFFFFFF  }
0xc9: {  	_ =	task.clear_ibuf [dreg:s8], $0x2FFFF;
	_ =	strace $0x9FFFFFFF  }
0xca: {  	(tm) =	ssettm $0x7FFFFFFF  }
0xcb: {  	_ =	shalt  }
tec
execute0_lowered:
.L_overlay_start_1:
0x0: {  	(tag) =	ssettag $0x1  }
0x1: {  	s0 =	rddreg [dreg:$0x0]  }
0x2: {  	s1 =	rddreg [dreg:$0x1]  }
0x3: {  	s3 =	rddreg [dreg:$0x2]  }
0x4: {  	s4 =	rddreg [dreg:$0x3]  }
0x5: {  	s2 =	srdreg.scid;
	s20 =	stileid.u32;
	s5 =	simm.s32 $0x0  }
0x6: {  	s30 =	simm.s32 $0x400;
	s31 =	simm.s32 $0xA;
	s2 =	sand.u32 $0x1, s2  }
0x7: {  	s6 =	sshll.u32 s20, $0x1;
	[smem:$0x7FF] =	sst s5;
	s7 =	sadd.s32 $0x17400, s0  }
0x8: {  	s10 =	smul.u32 $0x14000, s20;
	s0 =	sadd.s32 $0x67400, s0;
	s6 =	sor.u32 s2, s6  }
0x9: {  	_ =	strace $0x8000004A;
	s8 =	ssub.s32 $0x2, s2;
	s2 =	smul.u32 $0x140000, s2  }
0xa: {  	s6 =	smul.u32 $0x2C00, s6;
	s9 =	sshrl.u32 s8, $0x1;
	s11 =	sor.u32 $0x2800, s10  }
0xb: {  	s12 =	sadd.s32 $0x5000, s10;
	s13 =	sadd.s32 $0x7800, s10;
	s14 =	sadd.s32 $0xA000, s10  }
0xc: {  	s15 =	sadd.s32 $0xC800, s10;
	s16 =	sadd.s32 $0xF000, s10;
	s8 =	ssub.s32 s8, s9  }
0xd: {  	s17 =	sadd.s32 s2, s10;
	s18 =	sadd.s32 s2, s11;
	s10 =	sadd.s32 $0x11800, s10  }
0xe: {  	s25 =	sadd.s32 s2, s12;
	s26 =	sadd.s32 s2, s13;
	s19 =	sadd.s32 s2, s14  }
0xf: {  	s23 =	sadd.s32 s2, s15;
	s28 =	sadd.s32 s16, s4;
	s9 =	sshrl.u32 s6, $0x3  }
0x10: {  	s17 =	sshrl.u32 s17, $0x3;
	s18 =	sshrl.u32 s18, $0x3;
	s21 =	sshrl.u32 s19, $0x3  }
0x11: {  	s29 =	sadd.s32 s10, s4;
	s17 =	sadd.s32 s0, s17;
	s24 =	sadd.s32 s0, s18  }
0x12: {  	s18 =	sshrl.u32 s26, $0x3;
	s22 =	sadd.s32 s0, s21;
	s26 =	smul.u32 $0x50000, s20  }
0x13: {  	s19 =	sor.u32 $0x10, s9;
	s20 =	smax.u32 s8, $0x1;
	[dreg:$0x5] =	wrdreg s17  }
0x14: {  	s21 =	sadd.s32 s12, s4;
	s8 =	simm.s32 $0x78;
	[dreg:$0x6] =	wrdreg s24  }
0x15: {  	s12 =	simm.s32 $0x1;
	s17 =	sshrl.u32 s25, $0x3;
	[dreg:$0x9] =	wrdreg s22  }
0x16: {  	s24 =	sadd.s32 s2, s16;
	s2 =	sadd.s32 s2, s10;
	[dreg:$0x11] =	wrdreg s20  }
0x17: {  	[dreg:$0x12] =	wrdreg s21;
	s22 =	sadd.s32 s13, s4;
	s10 =	simm.s32 $0x100  }
0x18: {  	s13 =	simm.s32 $0x9;
	s16 =	simm.s32 $0x4;
	s21 =	simm.s32 $0x8  }
0x19: {  	s17 =	sadd.s32 s0, s17;
	s25 =	sshrl.u32 s24, $0x3;
	[dreg:$0x13] =	wrdreg s22  }
0x1a: {  	s2 =	sshrl.u32 s2, $0x3;
	[dreg:$0x7] =	wrdreg s17;
	s17 =	sadd.s32 s0, s18  }
0x1b: {  	s18 =	sadd.s32 s3, s9;
	[dreg:$0x8] =	wrdreg s17;
	s17 =	sshrl.u32 s23, $0x3  }
0x1c: {  	s24 =	sadd.s32 s11, s4;
	[dreg:$0xe] =	wrdreg s18;
	s17 =	sadd.s32 s0, s17  }
0x1d: {  	s11 =	simm.s32 $0x300;
	[dreg:$0xa] =	wrdreg s17;
	s17 =	sadd.s32 s0, s25  }
0x1e: {  	s18 =	simm.s32 $0x3;
	s0 =	sadd.s32 s0, s2;
	[dreg:$0xb] =	wrdreg s17  }
0x1f: {  	s2 =	sadd.s32 s3, s19;
	s25 =	sadd.s32 s14, s4;
	[dreg:$0xc] =	wrdreg s0  }
0x20: {  	s14 =	simm.s32 $0x7C00;
	s17 =	sadd.s32 s1, s9;
	[dreg:$0x10] =	wrdreg s2  }
.Ltmp0:
0x21: {  	s9 =	sadd.s32 s1, s19;
	[dreg:$0x14] =	wrdreg s25;
	(pc) =	sbr.rel .LBB2_1-.Ltmp0, $4  }
0x22: {  	s0 =	sshrl.u32 s26, $0x2;
	s26 =	sadd.s32 s15, s4;
	[dreg:$0xd] =	wrdreg s17  }
0x23: {  	s2 =	simm.s32 $0x280;
	s15 =	simm.s32 $0x200;
	[dreg:$0xf] =	wrdreg s9  }
0x24: {  	s19 =	simm.s32 $0x0;
	s23 =	sadd.s32 s0, s4;
	[dreg:$0x15] =	wrdreg s26  }
0x25: {  	v0 =	vimm.f32 $0.0e+00;
	s0 =	simm.s32 $0x80;
	s9 =	simm.s32 $0x4000;
	s17 =	simm.s32 $0x5  }
.LBB2_6:
0x26: {  	_ =	swait.ge [sflag:s18], $0x3C00  }
0x27: {  	[sflag:s18] =	ssyncset.done $0x0  }
0x28: {  	s20 =	simm.s32 $0x6;
	[sflag:s18] =	ssyncadd.s32 $0xFFFFC400  }
0x29: {  	[spmem:s4] =	stream.indirect.scatter.add.f32 [tilespmem:s14], [sflag:$0x6], $0x80, s11, s8, $0xb8;
	[tilespmem:$0x1F800] =	vst v63  }
0x2a: {  	_ =	swait.ge [sflag:s20], $0x3C00  }
0x2b: {  	[sflag:s20] =	ssyncset.done $0x0  }
0x2c: {  	[sflag:s20] =	ssyncadd.s32 $0xFFFFC400  }
0x2d: {  	[bflag:$0x0] =	sbarrier.arrive $0xFFFF  }
0x2e: {  	[tilespmem:s30], [sflag:$0xA] =	stream.linear.gather [spmem:s25], $0x2800, $0x38;
	[tilespmem:$0x1F800] =	vst v63  }
0x2f: {  	_ =	swait.ge [sflag:s31], $0x2800  }
0x30: {  	[sflag:s31] =	ssyncset.done $0x0  }
0x31: {  	s23 =	smov.u32 s25;
	s25 =	rddreg [dreg:$0x5];
	[sflag:s31] =	ssyncadd.s32 $0xFFFFD800  }
0x32: {  	[hbm4b:s25+s5] =	stream.linear.scatter [tilespmem:s30], [sflag:$0xA], $0x2800, $0x38;
	[tilespmem:$0x1F800] =	vst v63  }
0x33: {  	_ =	swait.ge [sflag:s31], $0x2800  }
0x34: {  	[sflag:s31] =	ssyncset.done $0x0  }
0x35: {  	[sflag:s31] =	ssyncadd.s32 $0xFFFFD800  }
0x36: {  	[tilespmem:s30], [sflag:$0xA] =	stream.linear.gather [spmem:s26], $0x2800, $0x38;
	[tilespmem:$0x1F800] =	vst v63  }
0x37: {  	_ =	swait.ge [sflag:s31], $0x2800  }
0x38: {  	[sflag:s31] =	ssyncset.done $0x0  }
0x39: {  	s22 =	rddreg [dreg:$0x6];
	[sflag:s31] =	ssyncadd.s32 $0xFFFFD800  }
0x3a: {  	[hbm4b:s22+s5] =	stream.linear.scatter [tilespmem:s30], [sflag:$0xA], $0x2800, $0x38;
	[tilespmem:$0x1F800] =	vst v63  }
0x3b: {  	_ =	swait.ge [sflag:s31], $0x2800  }
0x3c: {  	[sflag:s31] =	ssyncset.done $0x0  }
0x3d: {  	s25 =	rddreg [dreg:$0x12];
	[sflag:s31] =	ssyncadd.s32 $0xFFFFD800  }
0x3e: {  	[tilespmem:s30], [sflag:$0xA] =	stream.linear.gather [spmem:s25], $0x2800, $0x38;
	[tilespmem:$0x1F800] =	vst v63  }
0x3f: {  	_ =	swait.ge [sflag:s31], $0x2800  }
0x40: {  	[sflag:s31] =	ssyncset.done $0x0  }
0x41: {  	s24 =	smov.u32 s26;
	s26 =	rddreg [dreg:$0x7];
	[sflag:s31] =	ssyncadd.s32 $0xFFFFD800  }
0x42: {  	[hbm4b:s26+s5] =	stream.linear.scatter [tilespmem:s30], [sflag:$0xA], $0x2800, $0x38;
	[tilespmem:$0x1F800] =	vst v63  }
0x43: {  	_ =	swait.ge [sflag:s31], $0x2800  }
0x44: {  	[sflag:s31] =	ssyncset.done $0x0  }
0x45: {  	s22 =	rddreg [dreg:$0x13];
	[sflag:s31] =	ssyncadd.s32 $0xFFFFD800  }
0x46: {  	[tilespmem:s30], [sflag:$0xA] =	stream.linear.gather [spmem:s22], $0x2800, $0x38;
	[tilespmem:$0x1F800] =	vst v63  }
0x47: {  	_ =	swait.ge [sflag:s31], $0x2800  }
0x48: {  	[sflag:s31] =	ssyncset.done $0x0  }
0x49: {  	s25 =	rddreg [dreg:$0x8];
	[sflag:s31] =	ssyncadd.s32 $0xFFFFD800  }
0x4a: {  	[hbm4b:s25+s5] =	stream.linear.scatter [tilespmem:s30], [sflag:$0xA], $0x2800, $0x38;
	[tilespmem:$0x1F800] =	vst v63  }
0x4b: {  	_ =	swait.ge [sflag:s31], $0x2800  }
0x4c: {  	[sflag:s31] =	ssyncset.done $0x0  }
0x4d: {  	s26 =	rddreg [dreg:$0x14];
	[sflag:s31] =	ssyncadd.s32 $0xFFFFD800  }
0x4e: {  	[tilespmem:s30], [sflag:$0xA] =	stream.linear.gather [spmem:s26], $0x2800, $0x38;
	[tilespmem:$0x1F800] =	vst v63  }
0x4f: {  	_ =	swait.ge [sflag:s31], $0x2800  }
0x50: {  	[sflag:s31] =	ssyncset.done $0x0  }
0x51: {  	s22 =	rddreg [dreg:$0x9];
	[sflag:s31] =	ssyncadd.s32 $0xFFFFD800  }
0x52: {  	[hbm4b:s22+s5] =	stream.linear.scatter [tilespmem:s30], [sflag:$0xA], $0x2800, $0x38;
	[tilespmem:$0x1F800] =	vst v63  }
0x53: {  	_ =	swait.ge [sflag:s31], $0x2800  }
0x54: {  	[sflag:s31] =	ssyncset.done $0x0  }
0x55: {  	s25 =	rddreg [dreg:$0x15];
	[sflag:s31] =	ssyncadd.s32 $0xFFFFD800  }
0x56: {  	[tilespmem:s30], [sflag:$0xA] =	stream.linear.gather [spmem:s25], $0x2800, $0x38;
	[tilespmem:$0x1F800] =	vst v63  }
0x57: {  	_ =	swait.ge [sflag:s31], $0x2800  }
0x58: {  	[sflag:s31] =	ssyncset.done $0x0  }
0x59: {  	s26 =	rddreg [dreg:$0xa];
	[sflag:s31] =	ssyncadd.s32 $0xFFFFD800  }
0x5a: {  	[hbm4b:s26+s5] =	stream.linear.scatter [tilespmem:s30], [sflag:$0xA], $0x2800, $0x38;
	[tilespmem:$0x1F800] =	vst v63  }
0x5b: {  	_ =	swait.ge [sflag:s31], $0x2800  }
0x5c: {  	[sflag:s31] =	ssyncset.done $0x0  }
0x5d: {  	[sflag:s31] =	ssyncadd.s32 $0xFFFFD800  }
0x5e: {  	[tilespmem:s30], [sflag:$0xA] =	stream.linear.gather [spmem:s28], $0x2800, $0x38;
	[tilespmem:$0x1F800] =	vst v63  }
0x5f: {  	_ =	swait.ge [sflag:s31], $0x2800  }
0x60: {  	[sflag:s31] =	ssyncset.done $0x0  }
0x61: {  	s22 =	rddreg [dreg:$0xb];
	[sflag:s31] =	ssyncadd.s32 $0xFFFFD800  }
0x62: {  	[hbm4b:s22+s5] =	stream.linear.scatter [tilespmem:s30], [sflag:$0xA], $0x2800, $0x38;
	[tilespmem:$0x1F800] =	vst v63  }
0x63: {  	_ =	swait.ge [sflag:s31], $0x2800  }
0x64: {  	[sflag:s31] =	ssyncset.done $0x0  }
0x65: {  	[sflag:s31] =	ssyncadd.s32 $0xFFFFD800  }
0x66: {  	[tilespmem:s30], [sflag:$0xA] =	stream.linear.gather [spmem:s29], $0x2800, $0x38;
	[tilespmem:$0x1F800] =	vst v63  }
0x67: {  	_ =	swait.ge [sflag:s31], $0x2800  }
0x68: {  	[sflag:s31] =	ssyncset.done $0x0  }
0x69: {  	s25 =	rddreg [dreg:$0xc];
	[sflag:s31] =	ssyncadd.s32 $0xFFFFD800  }
0x6a: {  	[hbm4b:s25+s5] =	stream.linear.scatter [tilespmem:s30], [sflag:$0xA], $0x2800, $0x38;
	[tilespmem:$0x1F800] =	vst v63  }
0x6b: {  	_ =	swait.ge [sflag:s31], $0x2800  }
0x6c: {  	s19 =	sadd.s32 $0x1, s19;
	s26 =	rddreg [dreg:$0x11]  }
0x6d: {  	p0 =	sne.s32 s19, s26  }
.Ltmp1:
0x6e: {  	_ = 	snop;
	(pc) =	sbr.rel @!p0 .LBB2_7-.Ltmp1, $3  }
0x6f: {  	_ =	sdelay $0x1  }
0x70: {  	[sflag:s31] =	ssyncset.done $0x0  }
0x71: {  	[sflag:s31] =	ssyncadd.s32 $0xFFFFD800  }
.LBB2_1:
0x72: {  	s20 =	simm.s32 $0x0;
	s22 =	simm.s32 $0x200  }
.LBB2_2:
0x73: {  	p0 =	sne.s32 s22, $0x9E00;
	[tilespmem:s20+$0x470] =	vst v0  }
0x74: {  	[tilespmem:s20+$0x400] =	vst v0  }
0x75: {  	[tilespmem:s20+$0x410] =	vst v0  }
.Ltmp2:
0x76: {  	[tilespmem:s20+$0x420] =	vst v0;
	(pc) =	sbr.rel @p0 .LBB2_2-.Ltmp2, $4  }
0x77: {  	[tilespmem:s20+$0x430] =	vst v0  }
0x78: {  	[tilespmem:s20+$0x440] =	vst v0  }
0x79: {  	[tilespmem:s20+$0x450] =	vst v0  }
0x7a: {  	[tilespmem:s20+$0x460] =	vst v0;
	s20 =	sshra.s32 s22, $0x2;
	s22 =	sadd.s32 $0x200, s22  }
0x7b: {  	[tilespmem:s20+$0x470] =	vst v0  }
0x7c: {  	[tilespmem:s20+$0x400] =	vst v0  }
0x7d: {  	[tilespmem:s20+$0x410] =	vst v0  }
0x7e: {  	[tilespmem:s20+$0x420] =	vst v0  }
0x7f: {  	[tilespmem:s20+$0x430] =	vst v0  }
0x80: {  	[tilespmem:s20+$0x440] =	vst v0  }
0x81: {  	[tilespmem:s20+$0x450] =	vst v0  }
0x82: {  	[tilespmem:s20+$0x460] =	vst v0  }
0x83: {  	[spmem:s23] =	stream.linear.scatter [tilespmem:s30], [sflag:$0xA], $0x2800, $0x38;
	[tilespmem:$0x1F800] =	vst v63  }
0x84: {  	_ =	swait.ge [sflag:s31], $0x2800  }
0x85: {  	[sflag:s31] =	ssyncset.done $0x0  }
0x86: {  	[sflag:s31] =	ssyncadd.s32 $0xFFFFD800  }
0x87: {  	[spmem:s24] =	stream.linear.scatter [tilespmem:s30], [sflag:$0xA], $0x2800, $0x38;
	[tilespmem:$0x1F800] =	vst v63  }
0x88: {  	_ =	swait.ge [sflag:s31], $0x2800  }
0x89: {  	[sflag:s31] =	ssyncset.done $0x0  }
0x8a: {  	s26 =	smov.u32 s24;
	s24 =	rddreg [dreg:$0x12];
	[sflag:s31] =	ssyncadd.s32 $0xFFFFD800  }
0x8b: {  	[spmem:s24] =	stream.linear.scatter [tilespmem:s30], [sflag:$0xA], $0x2800, $0x38;
	[tilespmem:$0x1F800] =	vst v63  }
0x8c: {  	_ =	swait.ge [sflag:s31], $0x2800  }
0x8d: {  	[sflag:s31] =	ssyncset.done $0x0  }
0x8e: {  	s22 =	rddreg [dreg:$0x13];
	[sflag:s31] =	ssyncadd.s32 $0xFFFFD800  }
0x8f: {  	[spmem:s22] =	stream.linear.scatter [tilespmem:s30], [sflag:$0xA], $0x2800, $0x38;
	[tilespmem:$0x1F800] =	vst v63  }
0x90: {  	_ =	swait.ge [sflag:s31], $0x2800  }
0x91: {  	[sflag:s31] =	ssyncset.done $0x0  }
0x92: {  	s25 =	smov.u32 s23;
	s23 =	rddreg [dreg:$0x14];
	[sflag:s31] =	ssyncadd.s32 $0xFFFFD800  }
0x93: {  	[spmem:s23] =	stream.linear.scatter [tilespmem:s30], [sflag:$0xA], $0x2800, $0x38;
	[tilespmem:$0x1F800] =	vst v63  }
0x94: {  	_ =	swait.ge [sflag:s31], $0x2800  }
0x95: {  	[sflag:s31] =	ssyncset.done $0x0  }
0x96: {  	s24 =	rddreg [dreg:$0x15];
	[sflag:s31] =	ssyncadd.s32 $0xFFFFD800  }
0x97: {  	[spmem:s24] =	stream.linear.scatter [tilespmem:s30], [sflag:$0xA], $0x2800, $0x38;
	[tilespmem:$0x1F800] =	vst v63  }
0x98: {  	_ =	swait.ge [sflag:s31], $0x2800  }
0x99: {  	[sflag:s31] =	ssyncset.done $0x0  }
0x9a: {  	[sflag:s31] =	ssyncadd.s32 $0xFFFFD800  }
0x9b: {  	[spmem:s28] =	stream.linear.scatter [tilespmem:s30], [sflag:$0xA], $0x2800, $0x38;
	[tilespmem:$0x1F800] =	vst v63  }
0x9c: {  	_ =	swait.ge [sflag:s31], $0x2800  }
0x9d: {  	[sflag:s31] =	ssyncset.done $0x0  }
0x9e: {  	[sflag:s31] =	ssyncadd.s32 $0xFFFFD800  }
0x9f: {  	[spmem:s29] =	stream.linear.scatter [tilespmem:s30], [sflag:$0xA], $0x2800, $0x38;
	[tilespmem:$0x1F800] =	vst v63  }
0xa0: {  	_ =	swait.ge [sflag:s31], $0x2800  }
0xa1: {  	[sflag:s31] =	ssyncset.done $0x0  }
0xa2: {  	[sflag:s31] =	ssyncadd.s32 $0xFFFFD800  }
0xa3: {  	[bflag:$0x0] =	sbarrier.arrive $0xFFFF  }
0xa4: {  	s22 =	rddreg [dreg:$0xd]  }
0xa5: {  	[tilespmem:s5], [sflag:$0xA] =	stream.linear.gather [hbm4b:s22+s5], $0x80, $0x38;
	[tilespmem:$0x1F800] =	vst v63  }
0xa6: {  	_ =	swait.ge [sflag:s31], $0x80  }
0xa7: {  	[sflag:s31] =	ssyncset.done $0x0  }
0xa8: {  	s20 =	simm.s32 $0x200;
	s22 =	rddreg [dreg:$0xe];
	[sflag:s31] =	ssyncadd.s32 $0xFFFFFF80  }
0xa9: {  	[tilespmem:s20], [sflag:$0xA] =	stream.linear.gather [hbm4b:s22+s5], $0x80, $0x38;
	[tilespmem:$0x1F800] =	vst v63  }
0xaa: {  	_ =	swait.ge [sflag:s31], $0x80  }
0xab: {  	[sflag:s31] =	ssyncset.done $0x0  }
0xac: {  	s23 =	rddreg [dreg:$0xf];
	[sflag:s31] =	ssyncadd.s32 $0xFFFFFF80  }
0xad: {  	[tilespmem:s0], [sflag:$0xA] =	stream.linear.gather [hbm4b:s23+s5], $0x80, $0x38;
	[tilespmem:$0x1F800] =	vst v63  }
0xae: {  	_ =	swait.ge [sflag:s31], $0x80  }
0xaf: {  	[sflag:s31] =	ssyncset.done $0x0  }
0xb0: {  	s24 =	rddreg [dreg:$0x10];
	[sflag:s31] =	ssyncadd.s32 $0xFFFFFF80  }
0xb1: {  	[tilespmem:s2], [sflag:$0xA] =	stream.linear.gather [hbm4b:s24+s5], $0x80, $0x38;
	[tilespmem:$0x1F800] =	vst v63  }
0xb2: {  	_ =	swait.ge [sflag:s31], $0x80  }
0xb3: {  	[sflag:s31] =	ssyncset.done $0x0  }
0xb4: {  	[sflag:s31] =	ssyncadd.s32 $0xFFFFFF80  }
0xb5: {  	[tilespmem:s30], [sflag:$0x1] =	stream.indirect.gather [hbm4b:s7+s8], $0x80, s5, s8, $0xb8;
	[tilespmem:$0x1F800] =	vst v63  }
0xb6: {  	_ = 	snop  }
0xb7: {  	[tilespmem:s9], [sflag:$0x2] =	stream.indirect.gather [hbm4b:s7+s8], $0x80, s0, s8, $0xb8;
	[tilespmem:$0x1F800] =	vst v63  }
.LBB2_4:
0xb8: {  	s22 =	sadd.s32 $0xFFFFFF00, s20  }
0xb9: {  	p0 =	seq.s32 s20, $0x200;
	s23 =	sand.u32 $0x7C00, s22  }
0xba: {  	s24 =	simm.s32 @!p0 $0x6;
	s22 =	sand.u32 $0x380, s22;
	s23 =	sadd.s32 s6, s23  }
0xbb: {  	_ =	swait.ge @!p0 [sflag:s24], $0x3C00;
	s22 =	sor.u32 s22, s23  }
0xbc: {  	[sflag:s24] =	ssyncset.done @!p0 $0x0;
	s22 =	sshrl.u32 s22, $0x3  }
0xbd: {  	[sflag:s24] =	ssyncadd.s32 @!p0 $0xFFFFC400;
	s24 =	sadd.s32 s1, s22  }
0xbe: {  	[tilespmem:s10], [sflag:$0x9] =	stream.linear.gather [hbm4b:s24+s5], $0x80, $0x38;
	[tilespmem:$0x1F800] =	vst v63  }
0xbf: {  	s22 =	sadd.s32 s3, s22  }
0xc0: {  	[tilespmem:s11], [sflag:$0x9] =	stream.linear.gather [hbm4b:s22+s5], $0x80, $0x38;
	[tilespmem:$0x1F800] =	vst v63  }
0xc1: {  	_ =	swait.ge [sflag:s12], $0x3C00  }
0xc2: {  	[sflag:s12] =	ssyncset.done $0x0  }
0xc3: {  	[sflag:s12] =	ssyncadd.s32 $0xFFFFC400  }
0xc4: {  	_ =	swait.ge [sflag:s13], $0x80  }
0xc5: {  	[sflag:s13] =	ssyncset.done $0x0  }
0xc6: {  	[sflag:s13] =	ssyncadd.s32 $0xFFFFFF80  }
0xc7: {  	_ =	swait.ge [sflag:s13], $0x80  }
0xc8: {  	[sflag:s13] =	ssyncset.done $0x0  }
0xc9: {  	[sflag:s13] =	ssyncadd.s32 $0xFFFFFF80  }
0xca: {  	[tilespmem:s14], [sflag:$0x3] =	stream.indirect.gather [hbm4b:s7+s8], $0x80, s10, s8, $0xb8;
	[tilespmem:$0x1F800] =	vst v63  }
0xcb: {  	p0 =	seq.s32 s20, $0x2A80  }
0xcc: {  	[spmem:s4] =	stream.indirect.scatter.add.f32 [tilespmem:s30], [sflag:$0x4], $0x80, s15, s8, $0xb8;
	[tilespmem:$0x1F800] =	vst v63  }
0xcd: {  	s22 =	sadd.s32 @!p0 $0xFFFFFF80, s20;
	_ =	swait.ge [sflag:s16], $0x3C00  }
0xce: {  	s24 =	simm.s32 @p0 $0x2;
	s23 =	sand.u32 @!p0 $0x7C00, s22;
	[sflag:s16] =	ssyncset.done $0x0  }
0xcf: {  	s22 =	sand.u32 @!p0 $0x380, s22;
	s23 =	sadd.s32 @!p0 s6, s23;
	[sflag:s16] =	ssyncadd.s32 $0xFFFFC400  }
0xd0: {  	s22 =	sor.u32 @!p0 s22, s23;
	_ =	swait.ge @p0 [sflag:s24], $0x3C00  }
0xd1: {  	s22 =	sshrl.u32 @!p0 s22, $0x3;
	[sflag:s24] =	ssyncset.done @p0 $0x0  }
0xd2: {  	s23 =	sadd.s32 @!p0 s1, s22;
	[sflag:s24] =	ssyncadd.s32 @p0 $0xFFFFC400;
	s24 =	simm.s32 @!p0 $0x0  }
0xd3: {  	[tilespmem:s24], [sflag:$0x7] =	stream.linear.gather @!p0 [hbm4b:s23+s24], $0x80, $0x38;
	[tilespmem:$0x1F800] =	vst v63  }
0xd4: {  	s22 =	sadd.s32 @!p0 s3, s22;
	s23 =	simm.s32 @!p0 $0x200  }
0xd5: {  	[tilespmem:s23], [sflag:$0x7] =	stream.linear.gather @!p0 [hbm4b:s22+s24], $0x80, $0x38;
	[tilespmem:$0x1F800] =	vst v63  }
0xd6: {  	s22 =	simm.s32 @!p0 $0x2  }
0xd7: {  	_ =	swait.ge @!p0 [sflag:s22], $0x3C00  }
0xd8: {  	[sflag:s22] =	ssyncset.done @!p0 $0x0  }
0xd9: {  	[sflag:s22] =	ssyncadd.s32 @!p0 $0xFFFFC400;
	s22 =	simm.s32 @!p0 $0x7  }
0xda: {  	_ =	swait.ge @!p0 [sflag:s22], $0x80  }
0xdb: {  	[sflag:s22] =	ssyncset.done @!p0 $0x0  }
0xdc: {  	[sflag:s22] =	ssyncadd.s32 @!p0 $0xFFFFFF80  }
0xdd: {  	_ =	swait.ge @!p0 [sflag:s22], $0x80  }
0xde: {  	[sflag:s22] =	ssyncset.done @!p0 $0x0  }
0xdf: {  	s23 =	simm.s32 @!p0 $0x400;
	[sflag:s22] =	ssyncadd.s32 @!p0 $0xFFFFFF80;
	s22 =	simm.s32 @!p0 $0x78  }
0xe0: {  	[tilespmem:s23], [sflag:$0x1] =	stream.indirect.gather @!p0 [hbm4b:s7+s22], $0x80, s24, s22, $0xb8;
	[tilespmem:$0x1F800] =	vst v63  }
.Ltmp3:
0xe1: {  	_ = 	snop;
	(pc) =	sbr.rel @p0 .LBB2_6-.Ltmp3, $4  }
0xe2: {  	[spmem:s4] =	stream.indirect.scatter.add.f32 [tilespmem:s9], [sflag:$0x5], $0x80, s2, s8, $0xb8;
	[tilespmem:$0x1F800] =	vst v63  }
0xe3: {  	_ =	swait.ge [sflag:s17], $0x3C00  }
0xe4: {  	[sflag:s17] =	ssyncset.done $0x0  }
0xe5: {  	[sflag:s17] =	ssyncadd.s32 $0xFFFFC400  }
0xe6: {  	s22 =	sand.u32 $0x7C00, s20  }
0xe7: {  	s23 =	sand.u32 $0x380, s20;
	s22 =	sadd.s32 s6, s22  }
0xe8: {  	s22 =	sor.u32 s23, s22  }
0xe9: {  	s22 =	sshrl.u32 s22, $0x3  }
0xea: {  	s24 =	sadd.s32 s1, s22  }
0xeb: {  	[tilespmem:s0], [sflag:$0x8] =	stream.linear.gather [hbm4b:s24+s5], $0x80, $0x38;
	[tilespmem:$0x1F800] =	vst v63  }
0xec: {  	s22 =	sadd.s32 s3, s22  }
0xed: {  	[tilespmem:s2], [sflag:$0x8] =	stream.linear.gather [hbm4b:s22+s5], $0x80, $0x38;
	[tilespmem:$0x1F800] =	vst v63  }
0xee: {  	_ =	swait.ge [sflag:s18], $0x3C00  }
0xef: {  	[sflag:s18] =	ssyncset.done $0x0  }
0xf0: {  	[sflag:s18] =	ssyncadd.s32 $0xFFFFC400  }
0xf1: {  	_ =	swait.ge [sflag:s21], $0x80  }
0xf2: {  	[sflag:s21] =	ssyncset.done $0x0  }
0xf3: {  	[sflag:s21] =	ssyncadd.s32 $0xFFFFFF80  }
0xf4: {  	_ =	swait.ge [sflag:s21], $0x80  }
.Ltmp4:
0xf5: {  	[sflag:s21] =	ssyncset.done $0x0;
	(pc) =	sbr.rel .LBB2_4-.Ltmp4, $4  }
0xf6: {  	[sflag:s21] =	ssyncadd.s32 $0xFFFFFF80  }
0xf7: {  	[tilespmem:s9], [sflag:$0x2] =	stream.indirect.gather [hbm4b:s7+s8], $0x80, s0, s8, $0xb8;
	[tilespmem:$0x1F800] =	vst v63  }
0xf8: {  	s20 =	sadd.s32 $0x180, s20  }
0xf9: {  	[spmem:s4] =	stream.indirect.scatter.add.f32 [tilespmem:s14], [sflag:$0x6], $0x80, s11, s8, $0xb8;
	[tilespmem:$0x1F800] =	vst v63  }
.LBB2_7:
0xfa: {  	_ =	sfence.sel $0x180000  }
0xfb: {  	[bflag:$0x0] =	sbarrier.arrive $0xFFFF  }
0xfc: {  	_ =	strace $0x9000004A  }
0xfd: {  	s0 =	stileid.u32;
	[bflag:$0x2] =	sbarrier.arrive $0xFFFF  }
0xfe: {  	p0 =	sne.s32 s0, $0x0;
	s0 =	rddreg [dreg:$0x4]  }
0xff: {  	s0 =	sadd.s32 @!p0 $0x100000, s0  }
0x100: {  	[sflag:s0] =	ssyncadd.tile.s32 @!p0 $0x1;
	_ =	shalt  }
.Lfunc_end2:
_tile_overlayer_lowered:
.L_overlay_start_2:
0x101: {  	(tag) =	ssettag $0x2  }
0x102: {  	s0 =	rddreg [dreg:$0x0];
	s2 =	stileid.u32  }
0x103: {  	s1 =	rddreg [dreg:$0x1];
	p0 =	sne.s32 s2, $0x0  }
0x104: {  	s3 =	rddreg [dreg:$0x2];
	[bflag:$0x3] =	sbarrier.arrive $0xFFFF;
	s2 =	simm.s32 @!p0 $0x1C0A  }
0x105: {  	[timem:s3], [sflag:s2] =	dma.local @!p0 [hbm:s0], s1  }
0x106: {  	s0 =	simm.s32 @!p0 $0xA  }
0x107: {  	_ =	swait.ge @!p0 [sflag:s0], s1  }
0x108: {  	s1 =	ssub.s32 @!p0 $0x0, s1;
	[sflag:s0] =	ssyncset.done @!p0 $0x0  }
0x109: {  	[sflag:s0] =	ssyncadd.s32 @!p0 s1  }
0x10a: {  	[bflag:$0x3] =	sbarrier.arrive $0xFFFF  }
0x10b: {  	_ =	shalt  }

// kernel: kernel.16.cloned.1.call-start
scs
__scs_entry_jumppad:
0x0: {  	(pc) =	sbr.rel $0x88, $3  }
0x1: {  	(tag) =	ssettag $0x0;
	lr =	simm.s32 $0x1  }
0x2: {  	[smem:$0x3F9A] =	sst lr;
	_ =	strace $0xD0000000  }
0x3: {  	_ = 	snop  }
0x4: {  	_ = 	snop  }
0x5: {  	_ = 	snop  }
0x6: {  	_ = 	snop  }
0x7: {  	_ = 	snop  }
__scs_overlays_trampoline_lowered:
0x8: {  	[smem:$0x3FA9] =	sst s0  }
0x9: {  	[smem:$0x3FAA] =	sst s1  }
0xa: {  	[smem:$0x3FAB] =	sst s2  }
0xb: {  	[smem:$0x3FAC] =	sst s3  }
0xc: {  	[smem:$0x3FAD] =	sst s4  }
0xd: {  	[smem:$0x3FAE] =	sst s5  }
0xe: {  	[smem:$0x3FAF] =	sst s6  }
0xf: {  	[smem:$0x3FB0] =	sst s7  }
0x10: {  	[smem:$0x3FB1] =	sst s8  }
0x11: {  	[smem:$0x3FB2] =	sst s9;
	s0 =	simm.s32 @!p0 $0x0  }
0x12: {  	s1 =	sld [smem:$0x3F98];
	s0 =	simm.s32 @p0 $0x1  }
0x13: {  	[smem:$0x3FB3] =	sst s0;
	s0 =	simm.s32 @!p1 $0x0  }
0x14: {  	s2 =	sld [smem:$0x3F97];
	s0 =	simm.s32 @p1 $0x1  }
0x15: {  	[smem:$0x3FB4] =	sst s0;
	s0 =	simm.s32 @!p2 $0x0  }
0x16: {  	s3 =	sld [smem:$0x3FDB];
	s0 =	simm.s32 @p2 $0x1  }
0x17: {  	s4 =	simm.s32 $0x1BF5;
	[smem:$0x3FB6] =	sst s0  }
0x18: {  	s0 =	sld [smem:$0x3F99];
	_ =	swait.ge [sflag:s4], $0x0  }
0x19: {  	s7 =	sld [smem:$0x3F9A]  }
0x1a: {  	s8 =	sadd.s32 $0xFFFFE003, lr  }
0x1b: {  	s9 =	sadd.s32 $0xFFFFFEF7, lr;
	s5 =	simm.s32 $0xFFFFFFFF;
	p2 =	slt.u32 s8, $0xFFFFF086  }
0x1c: {  	p1 =	slt.u32 s9, $0xF7A;
	s5 =	simm.s32 @!p2 $0x0  }
0x1d: {  	s5 =	simm.s32 @p1 $0x1;
	p0 =	seq.s32 s7, s2  }
0x1e: {  	s7 =	smul.u32 @!p0 $0xF7A, s2;
	p2 =	seq.s32 @!p0 s5, $0x0  }
0x1f: {  	s9 =	smul.u32 $0xF7A, s1;
	s8 =	simm.s32 @!p0 $0x1BF5;
	p2 =	por !p2, p0  }
0x20: {  	[sflag:s8] =	ssyncset.s32 @!p0 $0xFFFFF086;
	s6 =	sadd.s32 @!p0 s3, s7;
	s7 =	simm.s32 @!p0 $0x108  }
0x21: {  	s3 =	sadd.s32 s3, s9;
	s6 =	sadd.s32 @!p0 $0x88, s6;
	s7 =	simm.s32 @p2 $0x1082  }
0x22: {  	[simem:s7], [sflag:s8] =	dma.local @!p0 [hbm:s6], $0xF7A  }
0x23: {  	s9 =	sor.u32 $0xD0000000, s2;
	s6 =	simm.s32 $0x108;
	_ =	swait.ge @!p0 [sflag:s8], $0x0  }
0x24: {  	s3 =	sadd.s32 $0x88, s3;
	s6 =	simm.s32 @!p1 $0x1082;
	[sflag:s4] =	ssyncset.s32 $0xFFFFF086  }
0x25: {  	[simem:s6], [sflag:s4] =	dma.local [hbm:s3], $0xF7A  }
0x26: {  	[smem:$0x3F9A] =	sst s1;
	(tag) =	ssettag s2;
	_ =	strace s9  }
0x27: {  	s1 =	sld [smem:$0x3FAA]  }
0x28: {  	s2 =	sld [smem:$0x3FAB]  }
0x29: {  	s4 =	sld [smem:$0x3FAD]  }
0x2a: {  	p0 =	seq.s32 s5, $0x0;
	s5 =	sld [smem:$0x3FAE]  }
0x2b: {  	s6 =	sld [smem:$0x3FAF]  }
0x2c: {  	s7 =	sld [smem:$0x3FB0]  }
0x2d: {  	s3 =	simm.s32 $0x108;
	s8 =	sld [smem:$0x3FB1]  }
0x2e: {  	s3 =	simm.s32 @!p0 $0x1082;
	s9 =	sld [smem:$0x3FB2]  }
0x2f: {  	lr =	sadd.s32 s0, s3;
	s0 =	sld [smem:$0x3FA9]  }
0x30: {  	s3 =	sld [smem:$0x3FAC]  }
0x31: {  	[smem:$0x3FB5] =	sst s10  }
0x32: {  	s10 =	sld [smem:$0x3FB3];
	_ =	sdelay $0x3  }
0x33: {  	p0 =	seq.s32 s10, $0x1;
	s10 =	sld [smem:$0x3FB5];
	_ =	sdelay $0x3  }
0x34: {  	[smem:$0x3FB5] =	sst s10  }
0x35: {  	s10 =	sld [smem:$0x3FB4];
	_ =	sdelay $0x3  }
0x36: {  	p1 =	seq.s32 s10, $0x1;
	s10 =	sld [smem:$0x3FB5];
	_ =	sdelay $0x3  }
0x37: {  	[smem:$0x3FB5] =	sst s10  }
0x38: {  	s10 =	sld [smem:$0x3FB6]  }
0x39: {  	_ = 	snop;
	(pc) =	sbr.ind lr, $3  }
0x3a: {  	_ = 	snop  }
0x3b: {  	_ = 	snop  }
0x3c: {  	p2 =	seq.s32 s10, $0x1;
	s10 =	sld [smem:$0x3FB5]  }
0x3d: {  	_ =	shalt  }
0x3e: {  	_ =	shalt  }
0x3f: {  	_ =	shalt  }
0x40: {  	_ =	shalt  }
0x41: {  	_ =	shalt  }
0x42: {  	_ =	shalt  }
0x43: {  	_ =	shalt  }
0x44: {  	_ =	shalt  }
0x45: {  	_ =	shalt  }
0x46: {  	_ =	shalt  }
0x47: {  	_ =	shalt  }
0x48: {  	_ =	shalt  }
0x49: {  	_ =	shalt  }
0x4a: {  	_ =	shalt  }
0x4b: {  	_ =	shalt  }
0x4c: {  	_ =	shalt  }
0x4d: {  	_ =	shalt  }
0x4e: {  	_ =	shalt  }
0x4f: {  	_ =	shalt  }
0x50: {  	_ =	shalt  }
0x51: {  	_ =	shalt  }
0x52: {  	_ =	shalt  }
0x53: {  	_ =	shalt  }
0x54: {  	_ =	shalt  }
0x55: {  	_ =	shalt  }
0x56: {  	_ =	shalt  }
0x57: {  	_ =	shalt  }
0x58: {  	_ =	shalt  }
0x59: {  	_ =	shalt  }
0x5a: {  	_ =	shalt  }
0x5b: {  	_ =	shalt  }
0x5c: {  	_ =	shalt  }
0x5d: {  	_ =	shalt  }
0x5e: {  	_ =	shalt  }
0x5f: {  	_ =	shalt  }
0x60: {  	_ =	shalt  }
0x61: {  	_ =	shalt  }
0x62: {  	_ =	shalt  }
0x63: {  	_ =	shalt  }
0x64: {  	_ =	shalt  }
0x65: {  	_ =	shalt  }
0x66: {  	_ =	shalt  }
0x67: {  	_ =	shalt  }
0x68: {  	_ =	shalt  }
0x69: {  	_ =	shalt  }
0x6a: {  	_ =	shalt  }
0x6b: {  	_ =	shalt  }
0x6c: {  	_ =	shalt  }
0x6d: {  	_ =	shalt  }
0x6e: {  	_ =	shalt  }
0x6f: {  	_ =	shalt  }
0x70: {  	_ =	shalt  }
0x71: {  	_ =	shalt  }
0x72: {  	_ =	shalt  }
0x73: {  	_ =	shalt  }
0x74: {  	_ =	shalt  }
0x75: {  	_ =	shalt  }
0x76: {  	_ =	shalt  }
0x77: {  	_ =	shalt  }
0x78: {  	_ =	shalt  }
0x79: {  	_ =	shalt  }
0x7a: {  	_ =	shalt  }
0x7b: {  	_ =	shalt  }
0x7c: {  	_ =	shalt  }
0x7d: {  	_ =	shalt  }
0x7e: {  	_ =	shalt  }
0x7f: {  	_ =	shalt  }
0x80: {  	_ =	shalt  }
0x81: {  	_ =	shalt  }
0x82: {  	_ =	shalt  }
0x83: {  	_ =	shalt  }
0x84: {  	_ =	shalt  }
0x85: {  	_ =	shalt  }
0x86: {  	_ =	shalt  }
0x87: {  	_ =	shalt  }
.Lfunc_end0:
.L_simem_size_0:
called_computation.2_lowered:
.L_overlay_start_0:
0x88: {  	s2 =	sld [smem:$0x3FD9]  }
0x89: {  	s3 =	sld [smem:$0x3FFE];
	_ =	sdelay $0x1  }
0x8a: {  	s1 =	srdreg.scid  }
0x8b: {  	s0 =	sand.u32 $0x1, s1  }
0x8c: {  	s14 =	sshll.u32 s0, $0xA;
	s2 =	sadd.s32 s3, s2  }
0x8d: {  	s2 =	sadd.s32 s2, s14  }
0x8e: {  	[smem:$0x3FC1] =	sst s2  }
0x8f: {  	_ = 	snop  }
0x90: {  	s2 =	sld [smem:$0x3FD0];
	_ =	sdelay $0x2  }
0x91: {  	s15 =	simm.s32 $0xA;
	s4 =	simm.s32 $0x10  }
0x92: {  	[smem:s4], [sflag:s15] =	dma.local [hbm:s2], $0x1  }
0x93: {  	_ =	swait.eq [sflag:s15], $0x1  }
0x94: {  	[sflag:s15] =	ssyncset.done $0x0  }
0x95: {  	s16 =	sld [smem:$0x12];
	[sflag:s15] =	ssyncadd.s32 $0xFFFFFFFF  }
0x96: {  	s17 =	sld [smem:$0x13];
	(tm) =	ssettm $0x1  }
0x97: {  	s18 =	sld [smem:$0x3FFB];
	_ =	sdelay $0x3  }
0x98: {  	_ =	strace s18  }
0x99: {  	s4 =	sld [smem:$0x3FFC];
	_ =	sdelay $0x3  }
0x9a: {  	_ =	strace s4  }
0x9b: {  	s4 =	sld [smem:$0x3FFD];
	_ =	sdelay $0x3  }
0x9c: {  	_ =	strace s4  }
0x9d: {  	_ =	strace $0x8FFFFFFF  }
0x9e: {  	s19 =	sld [smem:$0x3FDB];
	_ =	sdelay $0x1  }
0x9f: {  	s5 =	simm.s32 $_scs_section_size  }
0xa0: {  	s6 =	simm.s32 $_size__tile_overlayer_lowered;
	s7 =	simm.s32 $_tile_overlayer_lowered  }
0xa1: {  	s22 =	simm.s32 $0x1BFF;
	s21 =	sshll.u32 s7, $0x1;
	s4 =	sadd.s32 s5, s19  }
0xa2: {  	s8 =	simm.s32 $0x0;
	s20 =	sshll.u32 s6, $0x1;
	s6 =	sadd.s32 s21, s4  }
0xa3: {  	[timem:s8], [sflag:s22] =	dma.local [hbm:s6], s20  }
0xa4: {  	_ =	swait.ge [sflag:s22], s20  }
0xa5: {  	s5 =	ssub.s32 $0x0, s20;
	[sflag:s22] =	ssyncset.done $0x0  }
0xa6: {  	[sflag:s22] =	ssyncadd.s32 s5;
	_ =	sdelay $0x1  }
0xa7: {  	s23 =	simm.s32 $0x1B8B  }
0xa8: {  	_ =	swait.ge [sflag:s23], $0x1  }
0xa9: {  	[sflag:s23] =	ssyncset.done $0x0  }
0xaa: {  	s25 =	simm.s32 $0x1B8E;
	s24 =	sld [smem:$0x3FFE];
	[sflag:s23] =	ssyncadd.s32 $0xFFFFFFFF  }
0xab: {  	s26 =	simm.s32 $execute0_lowered;
	[smem:$0x3FD2] =	sst s25  }
0xac: {  	s6 =	sshll.u32 s26, $0x1;
	_ =	strace $0x8000004C;
	[dreg:$0x1] =	wrdreg $0xFFFFFFFF  }
0xad: {  	s28 =	simm.s32 $_size_execute0_lowered;
	s4 =	sadd.s32 s4, s6;
	[dreg:$0x0] =	wrdreg $0x0  }
0xae: {  	s6 =	sshll.u32 s28, $0x1;
	[dreg:$0x2] =	wrdreg s4  }
0xaf: {  	[dreg:$0x3] =	wrdreg s6  }
0xb0: {  	[dreg:$0x4] =	wrdreg $0xC0  }
0xb1: {  	_ =	task [dreg:s8], $0x5FFFF  }
0xb2: {  	[dreg:$0x1] =	wrdreg $0xFFFFFFFF  }
0xb3: {  	[dreg:$0x0] =	wrdreg $0x60  }
0xb4: {  	[dreg:$0x2] =	wrdreg s24  }
0xb5: {  	[dreg:$0x3] =	wrdreg s17  }
0xb6: {  	[dreg:$0x4] =	wrdreg s16  }
0xb7: {  	[dreg:$0x5] =	wrdreg $0xB8000  }
0xb8: {  	[dreg:$0x6] =	wrdreg $0x9  }
0xb9: {  	_ =	task.clear_ibuf [dreg:s8], $0x7FFFF;
	_ =	strace $0x9000004C  }
0xba: {  	s29 =	simm.s32 $0x9;
	_ =	strace $0x8000004E  }
0xbb: {  	_ =	swait.ge [sflag:s29], $0x1  }
0xbc: {  	[sflag:s29] =	ssyncadd.s32 $0xFFFFFFFF  }
0xbd: {  	_ =	strace $0x9000004E  }
0xbe: {  	_ =	sfence  }
0xbf: {  	s30 =	sld [smem:$0x0];
	_ =	sdelay $0x2  }
0xc0: {  	s31 =	sshll.u32 s1, $0xD;
	s1 =	sshrl.u32 s1, $0x2  }
0xc1: {  	s3 =	sand.u32 $0x4000, s31;
	s1 =	sadd.s32 s1, s30  }
0xc2: {  	s0 =	sor.u32 s3, s0;
	s1 =	sshll.u32 s1, $0x11  }
0xc3: {  	s0 =	sor.u32 s1, s0  }
0xc4: {  	s0 =	sadd.s32 $0x8F2B, s0  }
0xc5: {  	[sflag:s0] =	ssyncadd.remote.s32 $0x1  }
0xc6: {  	_ =	sfence.sel $0xFFFF  }
0xc7: {  	[dreg:$0x0] =	wrdreg $0xFFFFFFFF;
	(pc) =	sbr.abs _section_cstart, $3  }
0xc8: {  	[dreg:$0x1] =	wrdreg $0xFFFFFFFF  }
0xc9: {  	_ =	task.clear_ibuf [dreg:s8], $0x2FFFF;
	_ =	strace $0x9FFFFFFF  }
0xca: {  	(tm) =	ssettm $0x7FFFFFFF  }
0xcb: {  	_ =	shalt  }
tec
execute0_lowered:
.L_overlay_start_1:
0x0: {  	(tag) =	ssettag $0x1  }
0x1: {  	s0 =	rddreg [dreg:$0x0]  }
0x2: {  	s1 =	rddreg [dreg:$0x1]  }
0x3: {  	s3 =	rddreg [dreg:$0x2]  }
0x4: {  	s4 =	rddreg [dreg:$0x3]  }
0x5: {  	s2 =	srdreg.scid;
	s20 =	stileid.u32;
	s5 =	simm.s32 $0x0  }
0x6: {  	s30 =	simm.s32 $0x400;
	s31 =	simm.s32 $0xA;
	s2 =	sand.u32 $0x1, s2  }
0x7: {  	s6 =	sshll.u32 s20, $0x1;
	[smem:$0x7FF] =	sst s5;
	s7 =	sadd.s32 $0x17400, s0  }
0x8: {  	s10 =	smul.u32 $0x14000, s20;
	s0 =	sadd.s32 $0x67400, s0;
	s6 =	sor.u32 s2, s6  }
0x9: {  	_ =	strace $0x8000004D;
	s8 =	ssub.s32 $0x2, s2;
	s2 =	smul.u32 $0x140000, s2  }
0xa: {  	s6 =	smul.u32 $0x2C00, s6;
	s9 =	sshrl.u32 s8, $0x1;
	s11 =	sor.u32 $0x2800, s10  }
0xb: {  	s12 =	sadd.s32 $0x5000, s10;
	s13 =	sadd.s32 $0x7800, s10;
	s14 =	sadd.s32 $0xA000, s10  }
0xc: {  	s15 =	sadd.s32 $0xC800, s10;
	s16 =	sadd.s32 $0xF000, s10;
	s8 =	ssub.s32 s8, s9  }
0xd: {  	s17 =	sadd.s32 s2, s10;
	s18 =	sadd.s32 s2, s11;
	s10 =	sadd.s32 $0x11800, s10  }
0xe: {  	s25 =	sadd.s32 s2, s12;
	s26 =	sadd.s32 s2, s13;
	s19 =	sadd.s32 s2, s14  }
0xf: {  	s23 =	sadd.s32 s2, s15;
	s28 =	sadd.s32 s16, s4;
	s9 =	sshrl.u32 s6, $0x3  }
0x10: {  	s17 =	sshrl.u32 s17, $0x3;
	s18 =	sshrl.u32 s18, $0x3;
	s21 =	sshrl.u32 s19, $0x3  }
0x11: {  	s29 =	sadd.s32 s10, s4;
	s17 =	sadd.s32 s0, s17;
	s24 =	sadd.s32 s0, s18  }
0x12: {  	s18 =	sshrl.u32 s26, $0x3;
	s22 =	sadd.s32 s0, s21;
	s26 =	smul.u32 $0x50000, s20  }
0x13: {  	s19 =	sor.u32 $0x10, s9;
	s20 =	smax.u32 s8, $0x1;
	[dreg:$0x5] =	wrdreg s17  }
0x14: {  	s21 =	sadd.s32 s12, s4;
	s8 =	simm.s32 $0x78;
	[dreg:$0x6] =	wrdreg s24  }
0x15: {  	s12 =	simm.s32 $0x1;
	s17 =	sshrl.u32 s25, $0x3;
	[dreg:$0x9] =	wrdreg s22  }
0x16: {  	s24 =	sadd.s32 s2, s16;
	s2 =	sadd.s32 s2, s10;
	[dreg:$0x11] =	wrdreg s20  }
0x17: {  	[dreg:$0x12] =	wrdreg s21;
	s22 =	sadd.s32 s13, s4;
	s10 =	simm.s32 $0x100  }
0x18: {  	s13 =	simm.s32 $0x9;
	s16 =	simm.s32 $0x4;
	s21 =	simm.s32 $0x8  }
0x19: {  	s17 =	sadd.s32 s0, s17;
	s25 =	sshrl.u32 s24, $0x3;
	[dreg:$0x13] =	wrdreg s22  }
0x1a: {  	s2 =	sshrl.u32 s2, $0x3;
	[dreg:$0x7] =	wrdreg s17;
	s17 =	sadd.s32 s0, s18  }
0x1b: {  	s18 =	sadd.s32 s3, s9;
	[dreg:$0x8] =	wrdreg s17;
	s17 =	sshrl.u32 s23, $0x3  }
0x1c: {  	s24 =	sadd.s32 s11, s4;
	[dreg:$0xe] =	wrdreg s18;
	s17 =	sadd.s32 s0, s17  }
0x1d: {  	s11 =	simm.s32 $0x300;
	[dreg:$0xa] =	wrdreg s17;
	s17 =	sadd.s32 s0, s25  }
0x1e: {  	s18 =	simm.s32 $0x3;
	s0 =	sadd.s32 s0, s2;
	[dreg:$0xb] =	wrdreg s17  }
0x1f: {  	s2 =	sadd.s32 s3, s19;
	s25 =	sadd.s32 s14, s4;
	[dreg:$0xc] =	wrdreg s0  }
0x20: {  	s14 =	simm.s32 $0x7C00;
	s17 =	sadd.s32 s1, s9;
	[dreg:$0x10] =	wrdreg s2  }
.Ltmp0:
0x21: {  	s9 =	sadd.s32 s1, s19;
	[dreg:$0x14] =	wrdreg s25;
	(pc) =	sbr.rel .LBB2_1-.Ltmp0, $4  }
0x22: {  	s0 =	sshrl.u32 s26, $0x2;
	s26 =	sadd.s32 s15, s4;
	[dreg:$0xd] =	wrdreg s17  }
0x23: {  	s2 =	simm.s32 $0x280;
	s15 =	simm.s32 $0x200;
	[dreg:$0xf] =	wrdreg s9  }
0x24: {  	s19 =	simm.s32 $0x0;
	s23 =	sadd.s32 s0, s4;
	[dreg:$0x15] =	wrdreg s26  }
0x25: {  	v0 =	vimm.f32 $0.0e+00;
	s0 =	simm.s32 $0x80;
	s9 =	simm.s32 $0x4000;
	s17 =	simm.s32 $0x5  }
.LBB2_6:
0x26: {  	_ =	swait.ge [sflag:s18], $0x3C00  }
0x27: {  	[sflag:s18] =	ssyncset.done $0x0  }
0x28: {  	s20 =	simm.s32 $0x6;
	[sflag:s18] =	ssyncadd.s32 $0xFFFFC400  }
0x29: {  	[spmem:s4] =	stream.indirect.scatter.add.f32 [tilespmem:s14], [sflag:$0x6], $0x80, s11, s8, $0xb8;
	[tilespmem:$0x1F800] =	vst v63  }
0x2a: {  	_ =	swait.ge [sflag:s20], $0x3C00  }
0x2b: {  	[sflag:s20] =	ssyncset.done $0x0  }
0x2c: {  	[sflag:s20] =	ssyncadd.s32 $0xFFFFC400  }
0x2d: {  	[bflag:$0x0] =	sbarrier.arrive $0xFFFF  }
0x2e: {  	[tilespmem:s30], [sflag:$0xA] =	stream.linear.gather [spmem:s25], $0x2800, $0x38;
	[tilespmem:$0x1F800] =	vst v63  }
0x2f: {  	_ =	swait.ge [sflag:s31], $0x2800  }
0x30: {  	[sflag:s31] =	ssyncset.done $0x0  }
0x31: {  	s23 =	smov.u32 s25;
	s25 =	rddreg [dreg:$0x5];
	[sflag:s31] =	ssyncadd.s32 $0xFFFFD800  }
0x32: {  	[hbm4b:s25+s5] =	stream.linear.scatter [tilespmem:s30], [sflag:$0xA], $0x2800, $0x38;
	[tilespmem:$0x1F800] =	vst v63  }
0x33: {  	_ =	swait.ge [sflag:s31], $0x2800  }
0x34: {  	[sflag:s31] =	ssyncset.done $0x0  }
0x35: {  	[sflag:s31] =	ssyncadd.s32 $0xFFFFD800  }
0x36: {  	[tilespmem:s30], [sflag:$0xA] =	stream.linear.gather [spmem:s26], $0x2800, $0x38;
	[tilespmem:$0x1F800] =	vst v63  }
0x37: {  	_ =	swait.ge [sflag:s31], $0x2800  }
0x38: {  	[sflag:s31] =	ssyncset.done $0x0  }
0x39: {  	s22 =	rddreg [dreg:$0x6];
	[sflag:s31] =	ssyncadd.s32 $0xFFFFD800  }
0x3a: {  	[hbm4b:s22+s5] =	stream.linear.scatter [tilespmem:s30], [sflag:$0xA], $0x2800, $0x38;
	[tilespmem:$0x1F800] =	vst v63  }
0x3b: {  	_ =	swait.ge [sflag:s31], $0x2800  }
0x3c: {  	[sflag:s31] =	ssyncset.done $0x0  }
0x3d: {  	s25 =	rddreg [dreg:$0x12];
	[sflag:s31] =	ssyncadd.s32 $0xFFFFD800  }
0x3e: {  	[tilespmem:s30], [sflag:$0xA] =	stream.linear.gather [spmem:s25], $0x2800, $0x38;
	[tilespmem:$0x1F800] =	vst v63  }
0x3f: {  	_ =	swait.ge [sflag:s31], $0x2800  }
0x40: {  	[sflag:s31] =	ssyncset.done $0x0  }
0x41: {  	s24 =	smov.u32 s26;
	s26 =	rddreg [dreg:$0x7];
	[sflag:s31] =	ssyncadd.s32 $0xFFFFD800  }
0x42: {  	[hbm4b:s26+s5] =	stream.linear.scatter [tilespmem:s30], [sflag:$0xA], $0x2800, $0x38;
	[tilespmem:$0x1F800] =	vst v63  }
0x43: {  	_ =	swait.ge [sflag:s31], $0x2800  }
0x44: {  	[sflag:s31] =	ssyncset.done $0x0  }
0x45: {  	s22 =	rddreg [dreg:$0x13];
	[sflag:s31] =	ssyncadd.s32 $0xFFFFD800  }
0x46: {  	[tilespmem:s30], [sflag:$0xA] =	stream.linear.gather [spmem:s22], $0x2800, $0x38;
	[tilespmem:$0x1F800] =	vst v63  }
0x47: {  	_ =	swait.ge [sflag:s31], $0x2800  }
0x48: {  	[sflag:s31] =	ssyncset.done $0x0  }
0x49: {  	s25 =	rddreg [dreg:$0x8];
	[sflag:s31] =	ssyncadd.s32 $0xFFFFD800  }
0x4a: {  	[hbm4b:s25+s5] =	stream.linear.scatter [tilespmem:s30], [sflag:$0xA], $0x2800, $0x38;
	[tilespmem:$0x1F800] =	vst v63  }
0x4b: {  	_ =	swait.ge [sflag:s31], $0x2800  }
0x4c: {  	[sflag:s31] =	ssyncset.done $0x0  }
0x4d: {  	s26 =	rddreg [dreg:$0x14];
	[sflag:s31] =	ssyncadd.s32 $0xFFFFD800  }
0x4e: {  	[tilespmem:s30], [sflag:$0xA] =	stream.linear.gather [spmem:s26], $0x2800, $0x38;
	[tilespmem:$0x1F800] =	vst v63  }
0x4f: {  	_ =	swait.ge [sflag:s31], $0x2800  }
0x50: {  	[sflag:s31] =	ssyncset.done $0x0  }
0x51: {  	s22 =	rddreg [dreg:$0x9];
	[sflag:s31] =	ssyncadd.s32 $0xFFFFD800  }
0x52: {  	[hbm4b:s22+s5] =	stream.linear.scatter [tilespmem:s30], [sflag:$0xA], $0x2800, $0x38;
	[tilespmem:$0x1F800] =	vst v63  }
0x53: {  	_ =	swait.ge [sflag:s31], $0x2800  }
0x54: {  	[sflag:s31] =	ssyncset.done $0x0  }
0x55: {  	s25 =	rddreg [dreg:$0x15];
	[sflag:s31] =	ssyncadd.s32 $0xFFFFD800  }
0x56: {  	[tilespmem:s30], [sflag:$0xA] =	stream.linear.gather [spmem:s25], $0x2800, $0x38;
	[tilespmem:$0x1F800] =	vst v63  }
0x57: {  	_ =	swait.ge [sflag:s31], $0x2800  }
0x58: {  	[sflag:s31] =	ssyncset.done $0x0  }
0x59: {  	s26 =	rddreg [dreg:$0xa];
	[sflag:s31] =	ssyncadd.s32 $0xFFFFD800  }
0x5a: {  	[hbm4b:s26+s5] =	stream.linear.scatter [tilespmem:s30], [sflag:$0xA], $0x2800, $0x38;
	[tilespmem:$0x1F800] =	vst v63  }
0x5b: {  	_ =	swait.ge [sflag:s31], $0x2800  }
0x5c: {  	[sflag:s31] =	ssyncset.done $0x0  }
0x5d: {  	[sflag:s31] =	ssyncadd.s32 $0xFFFFD800  }
0x5e: {  	[tilespmem:s30], [sflag:$0xA] =	stream.linear.gather [spmem:s28], $0x2800, $0x38;
	[tilespmem:$0x1F800] =	vst v63  }
0x5f: {  	_ =	swait.ge [sflag:s31], $0x2800  }
0x60: {  	[sflag:s31] =	ssyncset.done $0x0  }
0x61: {  	s22 =	rddreg [dreg:$0xb];
	[sflag:s31] =	ssyncadd.s32 $0xFFFFD800  }
0x62: {  	[hbm4b:s22+s5] =	stream.linear.scatter [tilespmem:s30], [sflag:$0xA], $0x2800, $0x38;
	[tilespmem:$0x1F800] =	vst v63  }
0x63: {  	_ =	swait.ge [sflag:s31], $0x2800  }
0x64: {  	[sflag:s31] =	ssyncset.done $0x0  }
0x65: {  	[sflag:s31] =	ssyncadd.s32 $0xFFFFD800  }
0x66: {  	[tilespmem:s30], [sflag:$0xA] =	stream.linear.gather [spmem:s29], $0x2800, $0x38;
	[tilespmem:$0x1F800] =	vst v63  }
0x67: {  	_ =	swait.ge [sflag:s31], $0x2800  }
0x68: {  	[sflag:s31] =	ssyncset.done $0x0  }
0x69: {  	s25 =	rddreg [dreg:$0xc];
	[sflag:s31] =	ssyncadd.s32 $0xFFFFD800  }
0x6a: {  	[hbm4b:s25+s5] =	stream.linear.scatter [tilespmem:s30], [sflag:$0xA], $0x2800, $0x38;
	[tilespmem:$0x1F800] =	vst v63  }
0x6b: {  	_ =	swait.ge [sflag:s31], $0x2800  }
0x6c: {  	s19 =	sadd.s32 $0x1, s19;
	s26 =	rddreg [dreg:$0x11]  }
0x6d: {  	p0 =	sne.s32 s19, s26  }
.Ltmp1:
0x6e: {  	_ = 	snop;
	(pc) =	sbr.rel @!p0 .LBB2_7-.Ltmp1, $3  }
0x6f: {  	_ =	sdelay $0x1  }
0x70: {  	[sflag:s31] =	ssyncset.done $0x0  }
0x71: {  	[sflag:s31] =	ssyncadd.s32 $0xFFFFD800  }
.LBB2_1:
0x72: {  	s20 =	simm.s32 $0x0;
	s22 =	simm.s32 $0x200  }
.LBB2_2:
0x73: {  	p0 =	sne.s32 s22, $0x9E00;
	[tilespmem:s20+$0x470] =	vst v0  }
0x74: {  	[tilespmem:s20+$0x400] =	vst v0  }
0x75: {  	[tilespmem:s20+$0x410] =	vst v0  }
.Ltmp2:
0x76: {  	[tilespmem:s20+$0x420] =	vst v0;
	(pc) =	sbr.rel @p0 .LBB2_2-.Ltmp2, $4  }
0x77: {  	[tilespmem:s20+$0x430] =	vst v0  }
0x78: {  	[tilespmem:s20+$0x440] =	vst v0  }
0x79: {  	[tilespmem:s20+$0x450] =	vst v0  }
0x7a: {  	[tilespmem:s20+$0x460] =	vst v0;
	s20 =	sshra.s32 s22, $0x2;
	s22 =	sadd.s32 $0x200, s22  }
0x7b: {  	[tilespmem:s20+$0x470] =	vst v0  }
0x7c: {  	[tilespmem:s20+$0x400] =	vst v0  }
0x7d: {  	[tilespmem:s20+$0x410] =	vst v0  }
0x7e: {  	[tilespmem:s20+$0x420] =	vst v0  }
0x7f: {  	[tilespmem:s20+$0x430] =	vst v0  }
0x80: {  	[tilespmem:s20+$0x440] =	vst v0  }
0x81: {  	[tilespmem:s20+$0x450] =	vst v0  }
0x82: {  	[tilespmem:s20+$0x460] =	vst v0  }
0x83: {  	[spmem:s23] =	stream.linear.scatter [tilespmem:s30], [sflag:$0xA], $0x2800, $0x38;
	[tilespmem:$0x1F800] =	vst v63  }
0x84: {  	_ =	swait.ge [sflag:s31], $0x2800  }
0x85: {  	[sflag:s31] =	ssyncset.done $0x0  }
0x86: {  	[sflag:s31] =	ssyncadd.s32 $0xFFFFD800  }
0x87: {  	[spmem:s24] =	stream.linear.scatter [tilespmem:s30], [sflag:$0xA], $0x2800, $0x38;
	[tilespmem:$0x1F800] =	vst v63  }
0x88: {  	_ =	swait.ge [sflag:s31], $0x2800  }
0x89: {  	[sflag:s31] =	ssyncset.done $0x0  }
0x8a: {  	s26 =	smov.u32 s24;
	s24 =	rddreg [dreg:$0x12];
	[sflag:s31] =	ssyncadd.s32 $0xFFFFD800  }
0x8b: {  	[spmem:s24] =	stream.linear.scatter [tilespmem:s30], [sflag:$0xA], $0x2800, $0x38;
	[tilespmem:$0x1F800] =	vst v63  }
0x8c: {  	_ =	swait.ge [sflag:s31], $0x2800  }
0x8d: {  	[sflag:s31] =	ssyncset.done $0x0  }
0x8e: {  	s22 =	rddreg [dreg:$0x13];
	[sflag:s31] =	ssyncadd.s32 $0xFFFFD800  }
0x8f: {  	[spmem:s22] =	stream.linear.scatter [tilespmem:s30], [sflag:$0xA], $0x2800, $0x38;
	[tilespmem:$0x1F800] =	vst v63  }
0x90: {  	_ =	swait.ge [sflag:s31], $0x2800  }
0x91: {  	[sflag:s31] =	ssyncset.done $0x0  }
0x92: {  	s25 =	smov.u32 s23;
	s23 =	rddreg [dreg:$0x14];
	[sflag:s31] =	ssyncadd.s32 $0xFFFFD800  }
0x93: {  	[spmem:s23] =	stream.linear.scatter [tilespmem:s30], [sflag:$0xA], $0x2800, $0x38;
	[tilespmem:$0x1F800] =	vst v63  }
0x94: {  	_ =	swait.ge [sflag:s31], $0x2800  }
0x95: {  	[sflag:s31] =	ssyncset.done $0x0  }
0x96: {  	s24 =	rddreg [dreg:$0x15];
	[sflag:s31] =	ssyncadd.s32 $0xFFFFD800  }
0x97: {  	[spmem:s24] =	stream.linear.scatter [tilespmem:s30], [sflag:$0xA], $0x2800, $0x38;
	[tilespmem:$0x1F800] =	vst v63  }
0x98: {  	_ =	swait.ge [sflag:s31], $0x2800  }
0x99: {  	[sflag:s31] =	ssyncset.done $0x0  }
0x9a: {  	[sflag:s31] =	ssyncadd.s32 $0xFFFFD800  }
0x9b: {  	[spmem:s28] =	stream.linear.scatter [tilespmem:s30], [sflag:$0xA], $0x2800, $0x38;
	[tilespmem:$0x1F800] =	vst v63  }
0x9c: {  	_ =	swait.ge [sflag:s31], $0x2800  }
0x9d: {  	[sflag:s31] =	ssyncset.done $0x0  }
0x9e: {  	[sflag:s31] =	ssyncadd.s32 $0xFFFFD800  }
0x9f: {  	[spmem:s29] =	stream.linear.scatter [tilespmem:s30], [sflag:$0xA], $0x2800, $0x38;
	[tilespmem:$0x1F800] =	vst v63  }
0xa0: {  	_ =	swait.ge [sflag:s31], $0x2800  }
0xa1: {  	[sflag:s31] =	ssyncset.done $0x0  }
0xa2: {  	[sflag:s31] =	ssyncadd.s32 $0xFFFFD800  }
0xa3: {  	[bflag:$0x0] =	sbarrier.arrive $0xFFFF  }
0xa4: {  	s22 =	rddreg [dreg:$0xd]  }
0xa5: {  	[tilespmem:s5], [sflag:$0xA] =	stream.linear.gather [hbm4b:s22+s5], $0x80, $0x38;
	[tilespmem:$0x1F800] =	vst v63  }
0xa6: {  	_ =	swait.ge [sflag:s31], $0x80  }
0xa7: {  	[sflag:s31] =	ssyncset.done $0x0  }
0xa8: {  	s20 =	simm.s32 $0x200;
	s22 =	rddreg [dreg:$0xe];
	[sflag:s31] =	ssyncadd.s32 $0xFFFFFF80  }
0xa9: {  	[tilespmem:s20], [sflag:$0xA] =	stream.linear.gather [hbm4b:s22+s5], $0x80, $0x38;
	[tilespmem:$0x1F800] =	vst v63  }
0xaa: {  	_ =	swait.ge [sflag:s31], $0x80  }
0xab: {  	[sflag:s31] =	ssyncset.done $0x0  }
0xac: {  	s23 =	rddreg [dreg:$0xf];
	[sflag:s31] =	ssyncadd.s32 $0xFFFFFF80  }
0xad: {  	[tilespmem:s0], [sflag:$0xA] =	stream.linear.gather [hbm4b:s23+s5], $0x80, $0x38;
	[tilespmem:$0x1F800] =	vst v63  }
0xae: {  	_ =	swait.ge [sflag:s31], $0x80  }
0xaf: {  	[sflag:s31] =	ssyncset.done $0x0  }
0xb0: {  	s24 =	rddreg [dreg:$0x10];
	[sflag:s31] =	ssyncadd.s32 $0xFFFFFF80  }
0xb1: {  	[tilespmem:s2], [sflag:$0xA] =	stream.linear.gather [hbm4b:s24+s5], $0x80, $0x38;
	[tilespmem:$0x1F800] =	vst v63  }
0xb2: {  	_ =	swait.ge [sflag:s31], $0x80  }
0xb3: {  	[sflag:s31] =	ssyncset.done $0x0  }
0xb4: {  	[sflag:s31] =	ssyncadd.s32 $0xFFFFFF80  }
0xb5: {  	[tilespmem:s30], [sflag:$0x1] =	stream.indirect.gather [hbm4b:s7+s8], $0x80, s5, s8, $0xb8;
	[tilespmem:$0x1F800] =	vst v63  }
0xb6: {  	_ = 	snop  }
0xb7: {  	[tilespmem:s9], [sflag:$0x2] =	stream.indirect.gather [hbm4b:s7+s8], $0x80, s0, s8, $0xb8;
	[tilespmem:$0x1F800] =	vst v63  }
.LBB2_4:
0xb8: {  	s22 =	sadd.s32 $0xFFFFFF00, s20  }
0xb9: {  	p0 =	seq.s32 s20, $0x200;
	s23 =	sand.u32 $0x7C00, s22  }
0xba: {  	s24 =	simm.s32 @!p0 $0x6;
	s22 =	sand.u32 $0x380, s22;
	s23 =	sadd.s32 s6, s23  }
0xbb: {  	_ =	swait.ge @!p0 [sflag:s24], $0x3C00;
	s22 =	sor.u32 s22, s23  }
0xbc: {  	[sflag:s24] =	ssyncset.done @!p0 $0x0;
	s22 =	sshrl.u32 s22, $0x3  }
0xbd: {  	[sflag:s24] =	ssyncadd.s32 @!p0 $0xFFFFC400;
	s24 =	sadd.s32 s1, s22  }
0xbe: {  	[tilespmem:s10], [sflag:$0x9] =	stream.linear.gather [hbm4b:s24+s5], $0x80, $0x38;
	[tilespmem:$0x1F800] =	vst v63  }
0xbf: {  	s22 =	sadd.s32 s3, s22  }
0xc0: {  	[tilespmem:s11], [sflag:$0x9] =	stream.linear.gather [hbm4b:s22+s5], $0x80, $0x38;
	[tilespmem:$0x1F800] =	vst v63  }
0xc1: {  	_ =	swait.ge [sflag:s12], $0x3C00  }
0xc2: {  	[sflag:s12] =	ssyncset.done $0x0  }
0xc3: {  	[sflag:s12] =	ssyncadd.s32 $0xFFFFC400  }
0xc4: {  	_ =	swait.ge [sflag:s13], $0x80  }
0xc5: {  	[sflag:s13] =	ssyncset.done $0x0  }
0xc6: {  	[sflag:s13] =	ssyncadd.s32 $0xFFFFFF80  }
0xc7: {  	_ =	swait.ge [sflag:s13], $0x80  }
0xc8: {  	[sflag:s13] =	ssyncset.done $0x0  }
0xc9: {  	[sflag:s13] =	ssyncadd.s32 $0xFFFFFF80  }
0xca: {  	[tilespmem:s14], [sflag:$0x3] =	stream.indirect.gather [hbm4b:s7+s8], $0x80, s10, s8, $0xb8;
	[tilespmem:$0x1F800] =	vst v63  }
0xcb: {  	p0 =	seq.s32 s20, $0x2A80  }
0xcc: {  	[spmem:s4] =	stream.indirect.scatter.add.f32 [tilespmem:s30], [sflag:$0x4], $0x80, s15, s8, $0xb8;
	[tilespmem:$0x1F800] =	vst v63  }
0xcd: {  	s22 =	sadd.s32 @!p0 $0xFFFFFF80, s20;
	_ =	swait.ge [sflag:s16], $0x3C00  }
0xce: {  	s24 =	simm.s32 @p0 $0x2;
	s23 =	sand.u32 @!p0 $0x7C00, s22;
	[sflag:s16] =	ssyncset.done $0x0  }
0xcf: {  	s22 =	sand.u32 @!p0 $0x380, s22;
	s23 =	sadd.s32 @!p0 s6, s23;
	[sflag:s16] =	ssyncadd.s32 $0xFFFFC400  }
0xd0: {  	s22 =	sor.u32 @!p0 s22, s23;
	_ =	swait.ge @p0 [sflag:s24], $0x3C00  }
0xd1: {  	s22 =	sshrl.u32 @!p0 s22, $0x3;
	[sflag:s24] =	ssyncset.done @p0 $0x0  }
0xd2: {  	s23 =	sadd.s32 @!p0 s1, s22;
	[sflag:s24] =	ssyncadd.s32 @p0 $0xFFFFC400;
	s24 =	simm.s32 @!p0 $0x0  }
0xd3: {  	[tilespmem:s24], [sflag:$0x7] =	stream.linear.gather @!p0 [hbm4b:s23+s24], $0x80, $0x38;
	[tilespmem:$0x1F800] =	vst v63  }
0xd4: {  	s22 =	sadd.s32 @!p0 s3, s22;
	s23 =	simm.s32 @!p0 $0x200  }
0xd5: {  	[tilespmem:s23], [sflag:$0x7] =	stream.linear.gather @!p0 [hbm4b:s22+s24], $0x80, $0x38;
	[tilespmem:$0x1F800] =	vst v63  }
0xd6: {  	s22 =	simm.s32 @!p0 $0x2  }
0xd7: {  	_ =	swait.ge @!p0 [sflag:s22], $0x3C00  }
0xd8: {  	[sflag:s22] =	ssyncset.done @!p0 $0x0  }
0xd9: {  	[sflag:s22] =	ssyncadd.s32 @!p0 $0xFFFFC400;
	s22 =	simm.s32 @!p0 $0x7  }
0xda: {  	_ =	swait.ge @!p0 [sflag:s22], $0x80  }
0xdb: {  	[sflag:s22] =	ssyncset.done @!p0 $0x0  }
0xdc: {  	[sflag:s22] =	ssyncadd.s32 @!p0 $0xFFFFFF80  }
0xdd: {  	_ =	swait.ge @!p0 [sflag:s22], $0x80  }
0xde: {  	[sflag:s22] =	ssyncset.done @!p0 $0x0  }
0xdf: {  	s23 =	simm.s32 @!p0 $0x400;
	[sflag:s22] =	ssyncadd.s32 @!p0 $0xFFFFFF80;
	s22 =	simm.s32 @!p0 $0x78  }
0xe0: {  	[tilespmem:s23], [sflag:$0x1] =	stream.indirect.gather @!p0 [hbm4b:s7+s22], $0x80, s24, s22, $0xb8;
	[tilespmem:$0x1F800] =	vst v63  }
.Ltmp3:
0xe1: {  	_ = 	snop;
	(pc) =	sbr.rel @p0 .LBB2_6-.Ltmp3, $4  }
0xe2: {  	[spmem:s4] =	stream.indirect.scatter.add.f32 [tilespmem:s9], [sflag:$0x5], $0x80, s2, s8, $0xb8;
	[tilespmem:$0x1F800] =	vst v63  }
0xe3: {  	_ =	swait.ge [sflag:s17], $0x3C00  }
0xe4: {  	[sflag:s17] =	ssyncset.done $0x0  }
0xe5: {  	[sflag:s17] =	ssyncadd.s32 $0xFFFFC400  }
0xe6: {  	s22 =	sand.u32 $0x7C00, s20  }
0xe7: {  	s23 =	sand.u32 $0x380, s20;
	s22 =	sadd.s32 s6, s22  }
0xe8: {  	s22 =	sor.u32 s23, s22  }
0xe9: {  	s22 =	sshrl.u32 s22, $0x3  }
0xea: {  	s24 =	sadd.s32 s1, s22  }
0xeb: {  	[tilespmem:s0], [sflag:$0x8] =	stream.linear.gather [hbm4b:s24+s5], $0x80, $0x38;
	[tilespmem:$0x1F800] =	vst v63  }
0xec: {  	s22 =	sadd.s32 s3, s22  }
0xed: {  	[tilespmem:s2], [sflag:$0x8] =	stream.linear.gather [hbm4b:s22+s5], $0x80, $0x38;
	[tilespmem:$0x1F800] =	vst v63  }
0xee: {  	_ =	swait.ge [sflag:s18], $0x3C00  }
0xef: {  	[sflag:s18] =	ssyncset.done $0x0  }
0xf0: {  	[sflag:s18] =	ssyncadd.s32 $0xFFFFC400  }
0xf1: {  	_ =	swait.ge [sflag:s21], $0x80  }
0xf2: {  	[sflag:s21] =	ssyncset.done $0x0  }
0xf3: {  	[sflag:s21] =	ssyncadd.s32 $0xFFFFFF80  }
0xf4: {  	_ =	swait.ge [sflag:s21], $0x80  }
.Ltmp4:
0xf5: {  	[sflag:s21] =	ssyncset.done $0x0;
	(pc) =	sbr.rel .LBB2_4-.Ltmp4, $4  }
0xf6: {  	[sflag:s21] =	ssyncadd.s32 $0xFFFFFF80  }
0xf7: {  	[tilespmem:s9], [sflag:$0x2] =	stream.indirect.gather [hbm4b:s7+s8], $0x80, s0, s8, $0xb8;
	[tilespmem:$0x1F800] =	vst v63  }
0xf8: {  	s20 =	sadd.s32 $0x180, s20  }
0xf9: {  	[spmem:s4] =	stream.indirect.scatter.add.f32 [tilespmem:s14], [sflag:$0x6], $0x80, s11, s8, $0xb8;
	[tilespmem:$0x1F800] =	vst v63  }
.LBB2_7:
0xfa: {  	_ =	sfence.sel $0x180000  }
0xfb: {  	[bflag:$0x0] =	sbarrier.arrive $0xFFFF  }
0xfc: {  	_ =	strace $0x9000004D  }
0xfd: {  	s0 =	stileid.u32;
	[bflag:$0x2] =	sbarrier.arrive $0xFFFF  }
0xfe: {  	p0 =	sne.s32 s0, $0x0;
	s0 =	rddreg [dreg:$0x4]  }
0xff: {  	s0 =	sadd.s32 @!p0 $0x100000, s0  }
0x100: {  	[sflag:s0] =	ssyncadd.tile.s32 @!p0 $0x1;
	_ =	shalt  }
.Lfunc_end2:
_tile_overlayer_lowered:
.L_overlay_start_2:
0x101: {  	(tag) =	ssettag $0x2  }
0x102: {  	s0 =	rddreg [dreg:$0x0];
	s2 =	stileid.u32  }
0x103: {  	s1 =	rddreg [dreg:$0x1];
	p0 =	sne.s32 s2, $0x0  }
0x104: {  	s3 =	rddreg [dreg:$0x2];
	[bflag:$0x3] =	sbarrier.arrive $0xFFFF;
	s2 =	simm.s32 @!p0 $0x1C0A  }
0x105: {  	[timem:s3], [sflag:s2] =	dma.local @!p0 [hbm:s0], s1  }
0x106: {  	s0 =	simm.s32 @!p0 $0xA  }
0x107: {  	_ =	swait.ge @!p0 [sflag:s0], s1  }
0x108: {  	s1 =	ssub.s32 @!p0 $0x0, s1;
	[sflag:s0] =	ssyncset.done @!p0 $0x0  }
0x109: {  	[sflag:s0] =	ssyncadd.s32 @!p0 s1  }
0x10a: {  	[bflag:$0x3] =	sbarrier.arrive $0xFFFF  }
0x10b: {  	_ =	shalt  }

// kernel: kernel.19.cloned.1.call-start
scs
__scs_entry_jumppad:
0x0: {  	(pc) =	sbr.rel $0x88, $3  }
0x1: {  	(tag) =	ssettag $0x0;
	lr =	simm.s32 $0x1  }
0x2: {  	[smem:$0x3F9A] =	sst lr;
	_ =	strace $0xD0000000  }
0x3: {  	_ = 	snop  }
0x4: {  	_ = 	snop  }
0x5: {  	_ = 	snop  }
0x6: {  	_ = 	snop  }
0x7: {  	_ = 	snop  }
__scs_overlays_trampoline_lowered:
0x8: {  	[smem:$0x3FA9] =	sst s0  }
0x9: {  	[smem:$0x3FAA] =	sst s1  }
0xa: {  	[smem:$0x3FAB] =	sst s2  }
0xb: {  	[smem:$0x3FAC] =	sst s3  }
0xc: {  	[smem:$0x3FAD] =	sst s4  }
0xd: {  	[smem:$0x3FAE] =	sst s5  }
0xe: {  	[smem:$0x3FAF] =	sst s6  }
0xf: {  	[smem:$0x3FB0] =	sst s7  }
0x10: {  	[smem:$0x3FB1] =	sst s8  }
0x11: {  	[smem:$0x3FB2] =	sst s9;
	s0 =	simm.s32 @!p0 $0x0  }
0x12: {  	s1 =	sld [smem:$0x3F98];
	s0 =	simm.s32 @p0 $0x1  }
0x13: {  	[smem:$0x3FB3] =	sst s0;
	s0 =	simm.s32 @!p1 $0x0  }
0x14: {  	s2 =	sld [smem:$0x3F97];
	s0 =	simm.s32 @p1 $0x1  }
0x15: {  	[smem:$0x3FB4] =	sst s0;
	s0 =	simm.s32 @!p2 $0x0  }
0x16: {  	s3 =	sld [smem:$0x3FDB];
	s0 =	simm.s32 @p2 $0x1  }
0x17: {  	s4 =	simm.s32 $0x1BF5;
	[smem:$0x3FB6] =	sst s0  }
0x18: {  	s0 =	sld [smem:$0x3F99];
	_ =	swait.ge [sflag:s4], $0x0  }
0x19: {  	s7 =	sld [smem:$0x3F9A]  }
0x1a: {  	s8 =	sadd.s32 $0xFFFFE003, lr  }
0x1b: {  	s9 =	sadd.s32 $0xFFFFFEF7, lr;
	s5 =	simm.s32 $0xFFFFFFFF;
	p2 =	slt.u32 s8, $0xFFFFF086  }
0x1c: {  	p1 =	slt.u32 s9, $0xF7A;
	s5 =	simm.s32 @!p2 $0x0  }
0x1d: {  	s5 =	simm.s32 @p1 $0x1;
	p0 =	seq.s32 s7, s2  }
0x1e: {  	s7 =	smul.u32 @!p0 $0xF7A, s2;
	p2 =	seq.s32 @!p0 s5, $0x0  }
0x1f: {  	s9 =	smul.u32 $0xF7A, s1;
	s8 =	simm.s32 @!p0 $0x1BF5;
	p2 =	por !p2, p0  }
0x20: {  	[sflag:s8] =	ssyncset.s32 @!p0 $0xFFFFF086;
	s6 =	sadd.s32 @!p0 s3, s7;
	s7 =	simm.s32 @!p0 $0x108  }
0x21: {  	s3 =	sadd.s32 s3, s9;
	s6 =	sadd.s32 @!p0 $0x88, s6;
	s7 =	simm.s32 @p2 $0x1082  }
0x22: {  	[simem:s7], [sflag:s8] =	dma.local @!p0 [hbm:s6], $0xF7A  }
0x23: {  	s9 =	sor.u32 $0xD0000000, s2;
	s6 =	simm.s32 $0x108;
	_ =	swait.ge @!p0 [sflag:s8], $0x0  }
0x24: {  	s3 =	sadd.s32 $0x88, s3;
	s6 =	simm.s32 @!p1 $0x1082;
	[sflag:s4] =	ssyncset.s32 $0xFFFFF086  }
0x25: {  	[simem:s6], [sflag:s4] =	dma.local [hbm:s3], $0xF7A  }
0x26: {  	[smem:$0x3F9A] =	sst s1;
	(tag) =	ssettag s2;
	_ =	strace s9  }
0x27: {  	s1 =	sld [smem:$0x3FAA]  }
0x28: {  	s2 =	sld [smem:$0x3FAB]  }
0x29: {  	s4 =	sld [smem:$0x3FAD]  }
0x2a: {  	p0 =	seq.s32 s5, $0x0;
	s5 =	sld [smem:$0x3FAE]  }
0x2b: {  	s6 =	sld [smem:$0x3FAF]  }
0x2c: {  	s7 =	sld [smem:$0x3FB0]  }
0x2d: {  	s3 =	simm.s32 $0x108;
	s8 =	sld [smem:$0x3FB1]  }
0x2e: {  	s3 =	simm.s32 @!p0 $0x1082;
	s9 =	sld [smem:$0x3FB2]  }
0x2f: {  	lr =	sadd.s32 s0, s3;
	s0 =	sld [smem:$0x3FA9]  }
0x30: {  	s3 =	sld [smem:$0x3FAC]  }
0x31: {  	[smem:$0x3FB5] =	sst s10  }
0x32: {  	s10 =	sld [smem:$0x3FB3];
	_ =	sdelay $0x3  }
0x33: {  	p0 =	seq.s32 s10, $0x1;
	s10 =	sld [smem:$0x3FB5];
	_ =	sdelay $0x3  }
0x34: {  	[smem:$0x3FB5] =	sst s10  }
0x35: {  	s10 =	sld [smem:$0x3FB4];
	_ =	sdelay $0x3  }
0x36: {  	p1 =	seq.s32 s10, $0x1;
	s10 =	sld [smem:$0x3FB5];
	_ =	sdelay $0x3  }
0x37: {  	[smem:$0x3FB5] =	sst s10  }
0x38: {  	s10 =	sld [smem:$0x3FB6]  }
0x39: {  	_ = 	snop;
	(pc) =	sbr.ind lr, $3  }
0x3a: {  	_ = 	snop  }
0x3b: {  	_ = 	snop  }
0x3c: {  	p2 =	seq.s32 s10, $0x1;
	s10 =	sld [smem:$0x3FB5]  }
0x3d: {  	_ =	shalt  }
0x3e: {  	_ =	shalt  }
0x3f: {  	_ =	shalt  }
0x40: {  	_ =	shalt  }
0x41: {  	_ =	shalt  }
0x42: {  	_ =	shalt  }
0x43: {  	_ =	shalt  }
0x44: {  	_ =	shalt  }
0x45: {  	_ =	shalt  }
0x46: {  	_ =	shalt  }
0x47: {  	_ =	shalt  }
0x48: {  	_ =	shalt  }
0x49: {  	_ =	shalt  }
0x4a: {  	_ =	shalt  }
0x4b: {  	_ =	shalt  }
0x4c: {  	_ =	shalt  }
0x4d: {  	_ =	shalt  }
0x4e: {  	_ =	shalt  }
0x4f: {  	_ =	shalt  }
0x50: {  	_ =	shalt  }
0x51: {  	_ =	shalt  }
0x52: {  	_ =	shalt  }
0x53: {  	_ =	shalt  }
0x54: {  	_ =	shalt  }
0x55: {  	_ =	shalt  }
0x56: {  	_ =	shalt  }
0x57: {  	_ =	shalt  }
0x58: {  	_ =	shalt  }
0x59: {  	_ =	shalt  }
0x5a: {  	_ =	shalt  }
0x5b: {  	_ =	shalt  }
0x5c: {  	_ =	shalt  }
0x5d: {  	_ =	shalt  }
0x5e: {  	_ =	shalt  }
0x5f: {  	_ =	shalt  }
0x60: {  	_ =	shalt  }
0x61: {  	_ =	shalt  }
0x62: {  	_ =	shalt  }
0x63: {  	_ =	shalt  }
0x64: {  	_ =	shalt  }
0x65: {  	_ =	shalt  }
0x66: {  	_ =	shalt  }
0x67: {  	_ =	shalt  }
0x68: {  	_ =	shalt  }
0x69: {  	_ =	shalt  }
0x6a: {  	_ =	shalt  }
0x6b: {  	_ =	shalt  }
0x6c: {  	_ =	shalt  }
0x6d: {  	_ =	shalt  }
0x6e: {  	_ =	shalt  }
0x6f: {  	_ =	shalt  }
0x70: {  	_ =	shalt  }
0x71: {  	_ =	shalt  }
0x72: {  	_ =	shalt  }
0x73: {  	_ =	shalt  }
0x74: {  	_ =	shalt  }
0x75: {  	_ =	shalt  }
0x76: {  	_ =	shalt  }
0x77: {  	_ =	shalt  }
0x78: {  	_ =	shalt  }
0x79: {  	_ =	shalt  }
0x7a: {  	_ =	shalt  }
0x7b: {  	_ =	shalt  }
0x7c: {  	_ =	shalt  }
0x7d: {  	_ =	shalt  }
0x7e: {  	_ =	shalt  }
0x7f: {  	_ =	shalt  }
0x80: {  	_ =	shalt  }
0x81: {  	_ =	shalt  }
0x82: {  	_ =	shalt  }
0x83: {  	_ =	shalt  }
0x84: {  	_ =	shalt  }
0x85: {  	_ =	shalt  }
0x86: {  	_ =	shalt  }
0x87: {  	_ =	shalt  }
.Lfunc_end0:
.L_simem_size_0:
called_computation.3_lowered:
.L_overlay_start_0:
0x88: {  	s2 =	sld [smem:$0x3FD9]  }
0x89: {  	s3 =	sld [smem:$0x3FFE];
	_ =	sdelay $0x1  }
0x8a: {  	s1 =	srdreg.scid  }
0x8b: {  	s0 =	sand.u32 $0x1, s1  }
0x8c: {  	s16 =	sshll.u32 s0, $0xA;
	s2 =	sadd.s32 s3, s2  }
0x8d: {  	s2 =	sadd.s32 s2, s16  }
0x8e: {  	[smem:$0x3FC1] =	sst s2  }
0x8f: {  	_ = 	snop  }
0x90: {  	(tm) =	ssettm $0x1  }
0x91: {  	s17 =	sld [smem:$0x3FFB];
	_ =	sdelay $0x3  }
0x92: {  	_ =	strace s17  }
0x93: {  	s2 =	sld [smem:$0x3FFC];
	_ =	sdelay $0x3  }
0x94: {  	_ =	strace s2  }
0x95: {  	s2 =	sld [smem:$0x3FFD];
	_ =	sdelay $0x3  }
0x96: {  	_ =	strace s2  }
0x97: {  	_ =	strace $0x8FFFFFFF  }
0x98: {  	s18 =	sld [smem:$0x3FDB];
	_ =	sdelay $0x1  }
0x99: {  	s19 =	simm.s32 $_scs_section_size  }
0x9a: {  	s4 =	simm.s32 $_size__tile_overlayer_lowered;
	s5 =	simm.s32 $_tile_overlayer_lowered  }
0x9b: {  	s22 =	simm.s32 $0x1BFF;
	s21 =	sshll.u32 s5, $0x1;
	s2 =	sadd.s32 s19, s18  }
0x9c: {  	s6 =	simm.s32 $0x0;
	s20 =	sshll.u32 s4, $0x1;
	s4 =	sadd.s32 s21, s2  }
0x9d: {  	[timem:s6], [sflag:s22] =	dma.local [hbm:s4], s20  }
0x9e: {  	_ =	swait.ge [sflag:s22], s20  }
0x9f: {  	s3 =	ssub.s32 $0x0, s20;
	[sflag:s22] =	ssyncset.done $0x0  }
0xa0: {  	[sflag:s22] =	ssyncadd.s32 s3;
	_ =	sdelay $0x1  }
0xa1: {  	s23 =	simm.s32 $0x1B8B  }
0xa2: {  	_ =	swait.ge [sflag:s23], $0x1  }
0xa3: {  	[sflag:s23] =	ssyncset.done $0x0  }
0xa4: {  	s25 =	simm.s32 $0x1B8E;
	s24 =	sld [smem:$0x3FFE];
	[sflag:s23] =	ssyncadd.s32 $0xFFFFFFFF  }
0xa5: {  	s26 =	simm.s32 $execute0_lowered;
	[smem:$0x3FD2] =	sst s25  }
0xa6: {  	s4 =	sshll.u32 s26, $0x1;
	_ =	strace $0x8000004F;
	[dreg:$0x1] =	wrdreg $0xFFFFFFFF  }
0xa7: {  	s28 =	simm.s32 $_size_execute0_lowered;
	s2 =	sadd.s32 s2, s4;
	[dreg:$0x0] =	wrdreg $0x0  }
0xa8: {  	s4 =	sshll.u32 s28, $0x1;
	[dreg:$0x2] =	wrdreg s2  }
0xa9: {  	[dreg:$0x3] =	wrdreg s4  }
0xaa: {  	[dreg:$0x4] =	wrdreg $0xC0  }
0xab: {  	_ =	task [dreg:s6], $0x5FFFF  }
0xac: {  	[dreg:$0x1] =	wrdreg $0xFFFFFFFF  }
0xad: {  	[dreg:$0x0] =	wrdreg $0x60  }
0xae: {  	[dreg:$0x2] =	wrdreg s24  }
0xaf: {  	[dreg:$0x3] =	wrdreg $0x9  }
0xb0: {  	_ =	task.clear_ibuf [dreg:s6], $0x4FFFF;
	_ =	strace $0x9000004F  }
0xb1: {  	s29 =	simm.s32 $0x9;
	_ =	strace $0x80000051  }
0xb2: {  	_ =	swait.ge [sflag:s29], $0x1  }
0xb3: {  	[sflag:s29] =	ssyncadd.s32 $0xFFFFFFFF  }
0xb4: {  	_ =	strace $0x90000051  }
0xb5: {  	_ =	sfence  }
0xb6: {  	s30 =	sld [smem:$0x0];
	_ =	sdelay $0x2  }
0xb7: {  	s31 =	sshll.u32 s1, $0xD;
	s1 =	sshrl.u32 s1, $0x2  }
0xb8: {  	s3 =	sand.u32 $0x4000, s31;
	s1 =	sadd.s32 s1, s30  }
0xb9: {  	s0 =	sor.u32 s3, s0;
	s1 =	sshll.u32 s1, $0x11  }
0xba: {  	s0 =	sor.u32 s1, s0  }
0xbb: {  	s0 =	sadd.s32 $0x8F2B, s0  }
0xbc: {  	[sflag:s0] =	ssyncadd.remote.s32 $0x1  }
0xbd: {  	_ =	sfence.sel $0xFFFF  }
0xbe: {  	[dreg:$0x0] =	wrdreg $0xFFFFFFFF;
	(pc) =	sbr.abs _section_cstart, $3  }
0xbf: {  	[dreg:$0x1] =	wrdreg $0xFFFFFFFF  }
0xc0: {  	_ =	task.clear_ibuf [dreg:s6], $0x2FFFF;
	_ =	strace $0x9FFFFFFF  }
0xc1: {  	(tm) =	ssettm $0x7FFFFFFF  }
tec
execute0_lowered:
.L_overlay_start_1:
0x0: {  	(tag) =	ssettag $0x1  }
0x1: {  	s0 =	srdreg.scid  }
0x2: {  	s2 =	stileid.u32;
	s1 =	rddreg [dreg:$0x0];
	s10 =	simm.s32 $0x5  }
0x3: {  	s11 =	simm.s32 $0x2800;
	s12 =	simm.s32 $0x80;
	s15 =	simm.s32 $0xD000  }
0x4: {  	s17 =	simm.s32 $0x11000;
	s18 =	simm.s32 $0x1;
	s19 =	simm.s32 $0x15000  }
0x5: {  	s20 =	simm.s32 $0x2;
	s0 =	sand.u32 $0x1, s0;
	s3 =	sshll.u32 s2, $0x1  }
0x6: {  	s21 =	simm.s32 $0x15800;
	s22 =	simm.s32 $0x3;
	s4 =	sor.u32 s0, s3  }
0x7: {  	s23 =	simm.s32 $0x4;
	s24 =	simm.s32 $0x0;
	s5 =	smul.u32 $0x500, s4  }
.Ltmp0:
0x8: {  	s2 =	simm.s32 $0x0;
	s0 =	ssub.s32 $0x2, s0;
	(pc) =	sbr.rel .LBB2_1-.Ltmp0, $4  }
0x9: {  	[smem:$0x7FF] =	sst s2;
	s6 =	sshrl.u32 s0, $0x1;
	s4 =	smul.u32 $0x28000, s4  }
0xa: {  	s3 =	sadd.s32 $0x17400, s1;
	_ =	strace $0x80000050;
	s0 =	ssub.s32 s0, s6  }
0xb: {  	s7 =	sadd.s32 s5, s1;
	s5 =	sadd.s32 $0x3F400, s1;
	s8 =	sor.u32 $0x800, s4  }
0xc: {  	s9 =	smax.u32 s0, $0x1;
	s6 =	sadd.s32 $0x3400, s7;
	s7 =	sadd.s32 $0xD400, s7  }
.LBB2_8:
0xd: {  	s24 =	sadd.s32 $0x1, s24  }
0xe: {  	_ =	swait.ge [sflag:s22], $0x800;
	p0 =	sne.s32 s24, s9  }
.Ltmp1:
0xf: {  	[sflag:s22] =	ssyncset.done $0x0;
	(pc) =	sbr.rel @!p0 .LBB2_9-.Ltmp1, $4  }
0x10: {  	[sflag:s22] =	ssyncadd.s32 $0xFFFFF800  }
0x11: {  	_ =	swait.ge [sflag:s23], $0x800  }
0x12: {  	[sflag:s23] =	ssyncset.done $0x0  }
0x13: {  	[sflag:s23] =	ssyncadd.s32 $0xFFFFF800  }
.LBB2_1:
0x14: {  	[tilespmem:s2], [sflag:$0x5] =	stream.linear.gather [hbm4b:s6+s2], $0x2800, $0x38;
	[tilespmem:$0x16000] =	vst v63  }
0x15: {  	_ =	swait.ge [sflag:s10], $0x2800  }
0x16: {  	[sflag:s10] =	ssyncset.done $0x0  }
0x17: {  	[sflag:s10] =	ssyncadd.s32 $0xFFFFD800  }
0x18: {  	[tilespmem:s11], [sflag:$0x5] =	stream.linear.gather [hbm4b:s7+s2], $0x2800, $0x38;
	[tilespmem:$0x16000] =	vst v63  }
0x19: {  	_ =	swait.ge [sflag:s10], $0x2800  }
0x1a: {  	[sflag:s10] =	ssyncset.done $0x0  }
0x1b: {  	s0 =	simm.s32 $0x5000;
	[sflag:s10] =	ssyncadd.s32 $0xFFFFD800  }
0x1c: {  	[tilespmem:s0], [sflag:$0x1] =	stream.indirect.gather [hbm4b:s3+s12], $0x80, s2, s12, $0xb8;
	[tilespmem:$0x16000] =	vst v63  }
0x1d: {  	s30 =	simm.s32 $0x9000  }
0x1e: {  	[tilespmem:s30], [sflag:$0x1] =	stream.indirect.gather [hbm4b:s3+s12], $0x80, s11, s12, $0xb8;
	[tilespmem:$0x16000] =	vst v63  }
0x1f: {  	_ = 	snop  }
0x20: {  	[tilespmem:s15], [sflag:$0x2] =	stream.indirect.gather [hbm4b:s3+s12], $0x80, s12, s12, $0xb8;
	[tilespmem:$0x16000] =	vst v63  }
0x21: {  	s31 =	simm.s32 $0x2880;
	s25 =	simm.s32 $0x0  }
0x22: {  	[tilespmem:s17], [sflag:$0x2] =	stream.indirect.gather [hbm4b:s3+s12], $0x80, s31, s12, $0xb8;
	[tilespmem:$0x16000] =	vst v63  }
.LBB2_2:
0x23: {  	_ =	swait.ge [sflag:s18], $0x4000  }
0x24: {  	[sflag:s18] =	ssyncset.done $0x0  }
0x25: {  	[sflag:s18] =	ssyncadd.s32 $0xFFFFC000  }
0x26: {  	_ =	swait.ge [sflag:s18], $0x4000  }
0x27: {  	p0 =	seq.s32 s25, $0x0;
	[sflag:s18] =	ssyncset.done $0x0  }
0x28: {  	s0 =	simm.s32 @!p0 $0x3;
	[sflag:s18] =	ssyncadd.s32 $0xFFFFC000  }
0x29: {  	_ =	swait.ge @!p0 [sflag:s0], $0x800  }
0x2a: {  	[sflag:s0] =	ssyncset.done @!p0 $0x0  }
0x2b: {  	s26 =	sshll.u32 s25, $0x8;
	s28 =	simm.s32 $0x0;
	[sflag:s0] =	ssyncadd.s32 @!p0 $0xFFFFF800  }
.LBB2_3:
0x2c: {  	s0 =	sshll.u32 s28, $0xA  }
0x2d: {  	v0 =	vld [tilespmem:s0+$0x5000]  }
0x2e: {  	v1 =	vld [tilespmem:s0+$0x9000]  }
0x2f: {  	v2 =	vld [tilespmem:s0+$0x5010]  }
0x30: {  	v3 =	vld [tilespmem:s0+$0x9010]  }
0x31: {  	v4 =	vld [tilespmem:s0+$0x5020]  }
0x32: {  	v5 =	vld [tilespmem:s0+$0x9020]  }
0x33: {  	v6 =	vld [tilespmem:s0+$0x5030]  }
0x34: {  	s1 =	sor.u32 $0x1, s28;
	v7 =	vld [tilespmem:s0+$0x9030]  }
0x35: {  	s31 =	sshll.u32 s1, $0xA;
	v0 =	vmul.f32 v1, v0;
	v58 =	vmul.f32 v3, v2  }
0x36: {  	v59 =	vld [tilespmem:s31+$0x5000]  }
0x37: {  	v60 =	vld [tilespmem:s31+$0x9000];
	v61 =	vmul.f32 v5, v4;
	v0 =	vadd.f32 v58, v0  }
0x38: {  	v62 =	vld [tilespmem:s31+$0x5010]  }
0x39: {  	v63 =	vld [tilespmem:s31+$0x9010];
	v12 =	vmul.f32 v7, v6;
	v0 =	vadd.f32 v61, v0  }
0x3a: {  	v13 =	vld [tilespmem:s31+$0x5020]  }
0x3b: {  	s13 =	sshll.u32 s28, $0x7;
	v14 =	vld [tilespmem:s31+$0x9020];
	v0 =	vadd.f32 v12, v0  }
0x3c: {  	s29 =	sand.u32 $0x3FFFFF80, s13;
	v15 =	vld [tilespmem:s31+$0x5030]  }
0x3d: {  	v8 =	vld [tilespmem:s31+$0x9030];
	[tilespmem:s29+$0x15000] =	vst v0  }
0x3e: {  	v16 =	vmul.f32 v60, v59;
	v17 =	vmul.f32 v63, v62;
	v18 =	vld [tilespmem:s0+$0x5080]  }
0x3f: {  	v19 =	vld [tilespmem:s0+$0x9080]  }
0x40: {  	v20 =	vmul.f32 v14, v13;
	v0 =	vadd.f32 v17, v16;
	v21 =	vld [tilespmem:s0+$0x5090]  }
0x41: {  	v22 =	vld [tilespmem:s0+$0x9090]  }
0x42: {  	v1 =	vmul.f32 v8, v15;
	v23 =	vld [tilespmem:s0+$0x50A0];
	v0 =	vadd.f32 v20, v0  }
0x43: {  	v24 =	vld [tilespmem:s0+$0x90A0]  }
0x44: {  	s1 =	sshll.u32 s1, $0x7;
	v25 =	vld [tilespmem:s0+$0x50B0];
	v0 =	vadd.f32 v1, v0  }
0x45: {  	s30 =	sand.u32 $0x3FFFFF80, s1;
	v26 =	vld [tilespmem:s0+$0x90B0]  }
0x46: {  	[tilespmem:s30+$0x15000] =	vst v0;
	v27 =	vmul.f32 v19, v18;
	v28 =	vmul.f32 v22, v21  }
0x47: {  	v29 =	vld [tilespmem:s31+$0x5080]  }
0x48: {  	v2 =	vmul.f32 v24, v23;
	v30 =	vld [tilespmem:s31+$0x9080];
	v0 =	vadd.f32 v28, v27  }
0x49: {  	v31 =	vld [tilespmem:s31+$0x5090]  }
0x4a: {  	v1 =	vmul.f32 v26, v25;
	v32 =	vld [tilespmem:s31+$0x9090];
	v0 =	vadd.f32 v2, v0  }
0x4b: {  	v33 =	vld [tilespmem:s31+$0x50A0]  }
0x4c: {  	v34 =	vld [tilespmem:s31+$0x90A0];
	v0 =	vadd.f32 v1, v0  }
0x4d: {  	v35 =	vld [tilespmem:s31+$0x50B0]  }
0x4e: {  	v36 =	vld [tilespmem:s31+$0x90B0];
	[tilespmem:s29+$0x15010] =	vst v0  }
0x4f: {  	v37 =	vmul.f32 v30, v29;
	v3 =	vmul.f32 v32, v31;
	v38 =	vld [tilespmem:s0+$0x5100]  }
0x50: {  	v39 =	vld [tilespmem:s0+$0x9100]  }
0x51: {  	v2 =	vmul.f32 v34, v33;
	v0 =	vadd.f32 v3, v37;
	v40 =	vld [tilespmem:s0+$0x5110]  }
0x52: {  	v41 =	vld [tilespmem:s0+$0x9110]  }
0x53: {  	v1 =	vmul.f32 v36, v35;
	v42 =	vld [tilespmem:s0+$0x5120];
	v0 =	vadd.f32 v2, v0  }
0x54: {  	v43 =	vld [tilespmem:s0+$0x9120]  }
0x55: {  	v44 =	vld [tilespmem:s0+$0x5130];
	v0 =	vadd.f32 v1, v0  }
0x56: {  	v45 =	vld [tilespmem:s0+$0x9130]  }
0x57: {  	[tilespmem:s30+$0x15010] =	vst v0;
	v46 =	vmul.f32 v39, v38;
	v3 =	vmul.f32 v41, v40  }
0x58: {  	v47 =	vld [tilespmem:s31+$0x5100]  }
0x59: {  	v2 =	vmul.f32 v43, v42;
	v48 =	vld [tilespmem:s31+$0x9100];
	v0 =	vadd.f32 v3, v46  }
0x5a: {  	v49 =	vld [tilespmem:s31+$0x5110]  }
0x5b: {  	v1 =	vmul.f32 v45, v44;
	v50 =	vld [tilespmem:s31+$0x9110];
	v0 =	vadd.f32 v2, v0  }
0x5c: {  	v51 =	vld [tilespmem:s31+$0x5120]  }
0x5d: {  	v52 =	vld [tilespmem:s31+$0x9120];
	v0 =	vadd.f32 v1, v0  }
0x5e: {  	v53 =	vld [tilespmem:s31+$0x5130]  }
0x5f: {  	v54 =	vld [tilespmem:s31+$0x9130];
	[tilespmem:s29+$0x15020] =	vst v0  }
0x60: {  	v55 =	vmul.f32 v48, v47;
	v3 =	vmul.f32 v50, v49;
	v56 =	vld [tilespmem:s0+$0x5180]  }
0x61: {  	v57 =	vld [tilespmem:s0+$0x9180]  }
0x62: {  	v2 =	vmul.f32 v52, v51;
	v0 =	vadd.f32 v3, v55;
	v58 =	vld [tilespmem:s0+$0x5190]  }
0x63: {  	v59 =	vld [tilespmem:s0+$0x9190]  }
0x64: {  	v1 =	vmul.f32 v54, v53;
	v60 =	vld [tilespmem:s0+$0x51A0];
	v0 =	vadd.f32 v2, v0  }
0x65: {  	v61 =	vld [tilespmem:s0+$0x91A0]  }
0x66: {  	v62 =	vld [tilespmem:s0+$0x51B0];
	v0 =	vadd.f32 v1, v0  }
0x67: {  	v63 =	vld [tilespmem:s0+$0x91B0]  }
0x68: {  	[tilespmem:s30+$0x15020] =	vst v0;
	v12 =	vmul.f32 v57, v56;
	v3 =	vmul.f32 v59, v58  }
0x69: {  	v13 =	vld [tilespmem:s31+$0x5180]  }
0x6a: {  	v2 =	vmul.f32 v61, v60;
	v14 =	vld [tilespmem:s31+$0x9180];
	v0 =	vadd.f32 v3, v12  }
0x6b: {  	v15 =	vld [tilespmem:s31+$0x5190]  }
0x6c: {  	v1 =	vmul.f32 v63, v62;
	v16 =	vld [tilespmem:s31+$0x9190];
	v0 =	vadd.f32 v2, v0  }
0x6d: {  	v17 =	vld [tilespmem:s31+$0x51A0]  }
0x6e: {  	v18 =	vld [tilespmem:s31+$0x91A0];
	v0 =	vadd.f32 v1, v0  }
0x6f: {  	v19 =	vld [tilespmem:s31+$0x51B0]  }
0x70: {  	v20 =	vld [tilespmem:s31+$0x91B0];
	[tilespmem:s29+$0x15030] =	vst v0  }
0x71: {  	v21 =	vmul.f32 v14, v13;
	v3 =	vmul.f32 v16, v15;
	v22 =	vld [tilespmem:s0+$0x5200]  }
0x72: {  	v23 =	vld [tilespmem:s0+$0x9200]  }
0x73: {  	v2 =	vmul.f32 v18, v17;
	v0 =	vadd.f32 v3, v21;
	v24 =	vld [tilespmem:s0+$0x5210]  }
0x74: {  	v25 =	vld [tilespmem:s0+$0x9210]  }
0x75: {  	v1 =	vmul.f32 v20, v19;
	v26 =	vld [tilespmem:s0+$0x5220];
	v0 =	vadd.f32 v2, v0  }
0x76: {  	v27 =	vld [tilespmem:s0+$0x9220]  }
0x77: {  	v28 =	vld [tilespmem:s0+$0x5230];
	v0 =	vadd.f32 v1, v0  }
0x78: {  	v29 =	vld [tilespmem:s0+$0x9230]  }
0x79: {  	[tilespmem:s30+$0x15030] =	vst v0;
	v30 =	vmul.f32 v23, v22;
	v3 =	vmul.f32 v25, v24  }
0x7a: {  	v31 =	vld [tilespmem:s31+$0x5200]  }
0x7b: {  	v2 =	vmul.f32 v27, v26;
	v32 =	vld [tilespmem:s31+$0x9200];
	v0 =	vadd.f32 v3, v30  }
0x7c: {  	v33 =	vld [tilespmem:s31+$0x5210]  }
0x7d: {  	v1 =	vmul.f32 v29, v28;
	v34 =	vld [tilespmem:s31+$0x9210];
	v0 =	vadd.f32 v2, v0  }
0x7e: {  	v35 =	vld [tilespmem:s31+$0x5220]  }
0x7f: {  	v36 =	vld [tilespmem:s31+$0x9220];
	v0 =	vadd.f32 v1, v0  }
0x80: {  	v37 =	vld [tilespmem:s31+$0x5230]  }
0x81: {  	v38 =	vld [tilespmem:s31+$0x9230];
	[tilespmem:s29+$0x15040] =	vst v0  }
0x82: {  	v39 =	vmul.f32 v32, v31;
	v3 =	vmul.f32 v34, v33;
	v40 =	vld [tilespmem:s0+$0x5280]  }
0x83: {  	v41 =	vld [tilespmem:s0+$0x9280]  }
0x84: {  	v2 =	vmul.f32 v36, v35;
	v0 =	vadd.f32 v3, v39;
	v42 =	vld [tilespmem:s0+$0x5290]  }
0x85: {  	v43 =	vld [tilespmem:s0+$0x9290]  }
0x86: {  	v1 =	vmul.f32 v38, v37;
	v44 =	vld [tilespmem:s0+$0x52A0];
	v0 =	vadd.f32 v2, v0  }
0x87: {  	v45 =	vld [tilespmem:s0+$0x92A0]  }
0x88: {  	v46 =	vld [tilespmem:s0+$0x52B0];
	v0 =	vadd.f32 v1, v0  }
0x89: {  	v47 =	vld [tilespmem:s0+$0x92B0]  }
0x8a: {  	[tilespmem:s30+$0x15040] =	vst v0;
	v48 =	vmul.f32 v41, v40;
	v3 =	vmul.f32 v43, v42  }
0x8b: {  	v49 =	vld [tilespmem:s31+$0x5280]  }
0x8c: {  	v2 =	vmul.f32 v45, v44;
	v50 =	vld [tilespmem:s31+$0x9280];
	v0 =	vadd.f32 v3, v48  }
0x8d: {  	v51 =	vld [tilespmem:s31+$0x5290]  }
0x8e: {  	v1 =	vmul.f32 v47, v46;
	v52 =	vld [tilespmem:s31+$0x9290];
	v0 =	vadd.f32 v2, v0  }
0x8f: {  	v53 =	vld [tilespmem:s31+$0x52A0]  }
0x90: {  	v54 =	vld [tilespmem:s31+$0x92A0];
	v0 =	vadd.f32 v1, v0  }
0x91: {  	v55 =	vld [tilespmem:s31+$0x52B0]  }
0x92: {  	v56 =	vld [tilespmem:s31+$0x92B0];
	[tilespmem:s29+$0x15050] =	vst v0  }
0x93: {  	v57 =	vmul.f32 v50, v49;
	v3 =	vmul.f32 v52, v51;
	v58 =	vld [tilespmem:s0+$0x5300]  }
0x94: {  	v59 =	vld [tilespmem:s0+$0x9300]  }
0x95: {  	v2 =	vmul.f32 v54, v53;
	v0 =	vadd.f32 v3, v57;
	v60 =	vld [tilespmem:s0+$0x5310]  }
0x96: {  	v61 =	vld [tilespmem:s0+$0x9310]  }
0x97: {  	v1 =	vmul.f32 v56, v55;
	v62 =	vld [tilespmem:s0+$0x5320];
	v0 =	vadd.f32 v2, v0  }
0x98: {  	v63 =	vld [tilespmem:s0+$0x9320]  }
0x99: {  	s14 =	sor.u32 $0x3, s28;
	v12 =	vld [tilespmem:s0+$0x5330];
	v0 =	vadd.f32 v1, v0  }
0x9a: {  	s16 =	sshll.u32 s14, $0xA;
	v13 =	vld [tilespmem:s0+$0x9330]  }
0x9b: {  	v26 =	vld [tilespmem:s16+$0x5000];
	[tilespmem:s30+$0x15050] =	vst v0;
	v14 =	vmul.f32 v59, v58;
	v3 =	vmul.f32 v61, v60  }
0x9c: {  	v15 =	vld [tilespmem:s31+$0x5300]  }
0x9d: {  	v2 =	vmul.f32 v63, v62;
	v16 =	vld [tilespmem:s31+$0x9300];
	v0 =	vadd.f32 v3, v14  }
0x9e: {  	v17 =	vld [tilespmem:s31+$0x5310]  }
0x9f: {  	v1 =	vmul.f32 v13, v12;
	v18 =	vld [tilespmem:s31+$0x9310];
	v0 =	vadd.f32 v2, v0  }
0xa0: {  	v19 =	vld [tilespmem:s31+$0x5320]  }
0xa1: {  	v20 =	vld [tilespmem:s31+$0x9320];
	v0 =	vadd.f32 v1, v0  }
0xa2: {  	v21 =	vld [tilespmem:s31+$0x5330]  }
0xa3: {  	v9 =	vld [tilespmem:s31+$0x9330];
	[tilespmem:s29+$0x15060] =	vst v0  }
0xa4: {  	v0 =	vld [tilespmem:s0+$0x5380]  }
0xa5: {  	v4 =	vmul.f32 v16, v15;
	v3 =	vmul.f32 v18, v17;
	v1 =	vld [tilespmem:s0+$0x9380]  }
0xa6: {  	v2 =	vld [tilespmem:s0+$0x5390]  }
0xa7: {  	v22 =	vmul.f32 v20, v19;
	v3 =	vadd.f32 v3, v4;
	v4 =	vld [tilespmem:s0+$0x9390]  }
0xa8: {  	v6 =	vld [tilespmem:s0+$0x53A0]  }
0xa9: {  	v23 =	vmul.f32 v9, v21;
	v7 =	vld [tilespmem:s0+$0x93A0];
	v3 =	vadd.f32 v22, v3  }
0xaa: {  	s13 =	sor.u32 $0x2, s28;
	v5 =	vld [tilespmem:s0+$0x93B0]  }
0xab: {  	v8 =	vadd.f32 v23, v3;
	v3 =	vld [tilespmem:s0+$0x53B0];
	s0 =	sshll.u32 s13, $0xA  }
0xac: {  	v24 =	vld [tilespmem:s0+$0x5000]  }
0xad: {  	v10 =	vld [tilespmem:s0+$0x9000]  }
0xae: {  	v11 =	vld [tilespmem:s0+$0x5010]  }
0xaf: {  	v12 =	vld [tilespmem:s0+$0x9010]  }
0xb0: {  	v13 =	vld [tilespmem:s0+$0x5020]  }
0xb1: {  	v14 =	vld [tilespmem:s0+$0x9020]  }
0xb2: {  	v15 =	vld [tilespmem:s0+$0x5030]  }
0xb3: {  	v16 =	vld [tilespmem:s0+$0x9030]  }
0xb4: {  	v27 =	vld [tilespmem:s16+$0x9000];
	v9 =	vmul.f32 v10, v24;
	v25 =	vmul.f32 v12, v11  }
0xb5: {  	v29 =	vld [tilespmem:s16+$0x5010]  }
0xb6: {  	v30 =	vld [tilespmem:s16+$0x9010];
	v28 =	vmul.f32 v14, v13;
	v9 =	vadd.f32 v25, v9  }
0xb7: {  	v32 =	vld [tilespmem:s16+$0x5020]  }
0xb8: {  	v33 =	vld [tilespmem:s16+$0x9020];
	v31 =	vmul.f32 v16, v15;
	v9 =	vadd.f32 v28, v9  }
0xb9: {  	v17 =	vld [tilespmem:s16+$0x5030]  }
0xba: {  	s1 =	sshll.u32 s13, $0x7;
	v18 =	vld [tilespmem:s16+$0x9030];
	[tilespmem:s30+$0x15060] =	vst v8;
	v10 =	vadd.f32 v31, v9  }
0xbb: {  	s1 =	sand.u32 $0x3FFFFF80, s1;
	v8 =	vld [tilespmem:s31+$0x5380]  }
0xbc: {  	v34 =	vmul.f32 v27, v26;
	v35 =	vmul.f32 v30, v29;
	v9 =	vld [tilespmem:s31+$0x9380];
	[tilespmem:s1+$0x15000] =	vst v10  }
0xbd: {  	v36 =	vld [tilespmem:s0+$0x5080]  }
0xbe: {  	v38 =	vmul.f32 v33, v32;
	v10 =	vadd.f32 v35, v34;
	v37 =	vld [tilespmem:s0+$0x9080]  }
0xbf: {  	v39 =	vld [tilespmem:s0+$0x5090]  }
0xc0: {  	v41 =	vmul.f32 v18, v17;
	v40 =	vld [tilespmem:s0+$0x9090];
	v10 =	vadd.f32 v38, v10  }
0xc1: {  	v42 =	vld [tilespmem:s0+$0x50A0]  }
0xc2: {  	s14 =	sshll.u32 s14, $0x7;
	v43 =	vld [tilespmem:s0+$0x90A0];
	v10 =	vadd.f32 v41, v10  }
0xc3: {  	s14 =	sand.u32 $0x3FFFFF80, s14;
	v44 =	vld [tilespmem:s0+$0x50B0]  }
0xc4: {  	v45 =	vld [tilespmem:s0+$0x90B0];
	[tilespmem:s14+$0x15000] =	vst v10  }
0xc5: {  	v46 =	vmul.f32 v37, v36;
	v47 =	vmul.f32 v40, v39;
	v48 =	vld [tilespmem:s16+$0x5080]  }
0xc6: {  	v49 =	vld [tilespmem:s16+$0x9080]  }
0xc7: {  	v50 =	vmul.f32 v43, v42;
	v51 =	vld [tilespmem:s16+$0x5090];
	v10 =	vadd.f32 v47, v46  }
0xc8: {  	v52 =	vld [tilespmem:s16+$0x9090]  }
0xc9: {  	v11 =	vmul.f32 v45, v44;
	v53 =	vld [tilespmem:s16+$0x50A0];
	v10 =	vadd.f32 v50, v10  }
0xca: {  	v54 =	vld [tilespmem:s16+$0x90A0]  }
0xcb: {  	v55 =	vld [tilespmem:s16+$0x50B0];
	v11 =	vadd.f32 v11, v10  }
0xcc: {  	v19 =	vld [tilespmem:s16+$0x90B0]  }
0xcd: {  	v10 =	vld [tilespmem:s31+$0x5390];
	v56 =	vmul.f32 v49, v48;
	v57 =	vmul.f32 v52, v51;
	[tilespmem:s1+$0x15010] =	vst v11  }
0xce: {  	v58 =	vld [tilespmem:s0+$0x5100]  }
0xcf: {  	v12 =	vmul.f32 v54, v53;
	v11 =	vadd.f32 v57, v56;
	v59 =	vld [tilespmem:s0+$0x9100]  }
0xd0: {  	v60 =	vld [tilespmem:s0+$0x5110]  }
0xd1: {  	v62 =	vmul.f32 v19, v55;
	v61 =	vld [tilespmem:s0+$0x9110];
	v11 =	vadd.f32 v12, v11  }
0xd2: {  	v63 =	vld [tilespmem:s0+$0x5120]  }
0xd3: {  	v21 =	vld [tilespmem:s0+$0x9120];
	v11 =	vadd.f32 v62, v11  }
0xd4: {  	v22 =	vld [tilespmem:s0+$0x5130]  }
0xd5: {  	v23 =	vld [tilespmem:s0+$0x9130];
	[tilespmem:s14+$0x15010] =	vst v11  }
0xd6: {  	v24 =	vmul.f32 v59, v58;
	v13 =	vmul.f32 v61, v60;
	v25 =	vld [tilespmem:s16+$0x5100]  }
0xd7: {  	v26 =	vld [tilespmem:s16+$0x9100]  }
0xd8: {  	v27 =	vmul.f32 v21, v63;
	v28 =	vld [tilespmem:s16+$0x5110];
	v11 =	vadd.f32 v13, v24  }
0xd9: {  	v29 =	vld [tilespmem:s16+$0x9110]  }
0xda: {  	v12 =	vmul.f32 v23, v22;
	v30 =	vld [tilespmem:s16+$0x5120];
	v11 =	vadd.f32 v27, v11  }
0xdb: {  	v31 =	vld [tilespmem:s16+$0x9120]  }
0xdc: {  	v32 =	vld [tilespmem:s16+$0x5130];
	v12 =	vadd.f32 v12, v11  }
0xdd: {  	v20 =	vld [tilespmem:s16+$0x9130]  }
0xde: {  	v22 =	vld [tilespmem:s31+$0x93A0];
	v33 =	vmul.f32 v26, v25;
	v34 =	vmul.f32 v29, v28;
	[tilespmem:s1+$0x15020] =	vst v12  }
0xdf: {  	v35 =	vld [tilespmem:s0+$0x5180]  }
0xe0: {  	v13 =	vmul.f32 v31, v30;
	v12 =	vadd.f32 v34, v33;
	v36 =	vld [tilespmem:s0+$0x9180]  }
0xe1: {  	v37 =	vld [tilespmem:s0+$0x5190]  }
0xe2: {  	v39 =	vmul.f32 v20, v32;
	v38 =	vld [tilespmem:s0+$0x9190];
	v12 =	vadd.f32 v13, v12  }
0xe3: {  	v40 =	vld [tilespmem:s0+$0x51A0]  }
0xe4: {  	v41 =	vld [tilespmem:s0+$0x91A0];
	v12 =	vadd.f32 v39, v12  }
0xe5: {  	v42 =	vld [tilespmem:s0+$0x51B0]  }
0xe6: {  	v43 =	vld [tilespmem:s0+$0x91B0];
	[tilespmem:s14+$0x15020] =	vst v12  }
0xe7: {  	v44 =	vmul.f32 v36, v35;
	v14 =	vmul.f32 v38, v37;
	v45 =	vld [tilespmem:s16+$0x5180]  }
0xe8: {  	v46 =	vld [tilespmem:s16+$0x9180]  }
0xe9: {  	v47 =	vmul.f32 v41, v40;
	v48 =	vld [tilespmem:s16+$0x5190];
	v12 =	vadd.f32 v14, v44  }
0xea: {  	v49 =	vld [tilespmem:s16+$0x9190]  }
0xeb: {  	v13 =	vmul.f32 v43, v42;
	v50 =	vld [tilespmem:s16+$0x51A0];
	v12 =	vadd.f32 v47, v12  }
0xec: {  	v51 =	vld [tilespmem:s16+$0x91A0]  }
0xed: {  	v52 =	vld [tilespmem:s16+$0x51B0];
	v13 =	vadd.f32 v13, v12  }
0xee: {  	v21 =	vld [tilespmem:s16+$0x91B0]  }
0xef: {  	v11 =	vld [tilespmem:s31+$0x9390];
	v53 =	vmul.f32 v46, v45;
	v54 =	vmul.f32 v49, v48;
	[tilespmem:s1+$0x15030] =	vst v13  }
0xf0: {  	v55 =	vld [tilespmem:s0+$0x5200]  }
0xf1: {  	v14 =	vmul.f32 v51, v50;
	v13 =	vadd.f32 v54, v53;
	v56 =	vld [tilespmem:s0+$0x9200]  }
0xf2: {  	v57 =	vld [tilespmem:s0+$0x5210]  }
0xf3: {  	v59 =	vmul.f32 v21, v52;
	v58 =	vld [tilespmem:s0+$0x9210];
	v13 =	vadd.f32 v14, v13  }
0xf4: {  	v60 =	vld [tilespmem:s0+$0x5220]  }
0xf5: {  	v61 =	vld [tilespmem:s0+$0x9220];
	v13 =	vadd.f32 v59, v13  }
0xf6: {  	v62 =	vld [tilespmem:s0+$0x5230]  }
0xf7: {  	v63 =	vld [tilespmem:s0+$0x9230];
	[tilespmem:s14+$0x15030] =	vst v13  }
0xf8: {  	v23 =	vmul.f32 v56, v55;
	v15 =	vmul.f32 v58, v57;
	v24 =	vld [tilespmem:s16+$0x5200]  }
0xf9: {  	v25 =	vld [tilespmem:s16+$0x9200]  }
0xfa: {  	v26 =	vmul.f32 v61, v60;
	v27 =	vld [tilespmem:s16+$0x5210];
	v13 =	vadd.f32 v15, v23  }
0xfb: {  	v28 =	vld [tilespmem:s16+$0x9210]  }
0xfc: {  	v14 =	vmul.f32 v63, v62;
	v29 =	vld [tilespmem:s16+$0x5220];
	v13 =	vadd.f32 v26, v13  }
0xfd: {  	v30 =	vld [tilespmem:s16+$0x9220]  }
0xfe: {  	v31 =	vld [tilespmem:s16+$0x5230];
	v13 =	vadd.f32 v14, v13  }
0xff: {  	v32 =	vld [tilespmem:s16+$0x9230]  }
0x100: {  	v12 =	vld [tilespmem:s31+$0x53A0];
	v33 =	vmul.f32 v25, v24;
	v34 =	vmul.f32 v28, v27;
	[tilespmem:s1+$0x15040] =	vst v13  }
0x101: {  	v35 =	vld [tilespmem:s0+$0x5280]  }
0x102: {  	v15 =	vmul.f32 v30, v29;
	v13 =	vadd.f32 v34, v33;
	v36 =	vld [tilespmem:s0+$0x9280]  }
0x103: {  	v37 =	vld [tilespmem:s0+$0x5290]  }
0x104: {  	v14 =	vmul.f32 v32, v31;
	v38 =	vld [tilespmem:s0+$0x9290];
	v13 =	vadd.f32 v15, v13  }
0x105: {  	v39 =	vld [tilespmem:s0+$0x52A0]  }
0x106: {  	v40 =	vld [tilespmem:s0+$0x92A0];
	v13 =	vadd.f32 v14, v13  }
0x107: {  	v41 =	vld [tilespmem:s0+$0x52B0]  }
0x108: {  	v42 =	vld [tilespmem:s0+$0x92B0];
	[tilespmem:s14+$0x15040] =	vst v13  }
0x109: {  	v43 =	vmul.f32 v36, v35;
	v16 =	vmul.f32 v38, v37;
	v44 =	vld [tilespmem:s16+$0x5280]  }
0x10a: {  	v45 =	vld [tilespmem:s16+$0x9280]  }
0x10b: {  	v15 =	vmul.f32 v40, v39;
	v46 =	vld [tilespmem:s16+$0x5290];
	v13 =	vadd.f32 v16, v43  }
0x10c: {  	v47 =	vld [tilespmem:s16+$0x9290]  }
0x10d: {  	v14 =	vmul.f32 v42, v41;
	v48 =	vld [tilespmem:s16+$0x52A0];
	v13 =	vadd.f32 v15, v13  }
0x10e: {  	v49 =	vld [tilespmem:s16+$0x92A0]  }
0x10f: {  	v50 =	vld [tilespmem:s16+$0x52B0];
	v13 =	vadd.f32 v14, v13  }
0x110: {  	v51 =	vld [tilespmem:s16+$0x92B0]  }
0x111: {  	v23 =	vld [tilespmem:s31+$0x53B0];
	v52 =	vmul.f32 v45, v44;
	v16 =	vmul.f32 v47, v46;
	[tilespmem:s1+$0x15050] =	vst v13  }
0x112: {  	v53 =	vld [tilespmem:s0+$0x5300]  }
0x113: {  	v15 =	vmul.f32 v49, v48;
	v13 =	vadd.f32 v16, v52;
	v54 =	vld [tilespmem:s0+$0x9300]  }
0x114: {  	v55 =	vld [tilespmem:s0+$0x5310]  }
0x115: {  	v14 =	vmul.f32 v51, v50;
	v56 =	vld [tilespmem:s0+$0x9310];
	v13 =	vadd.f32 v15, v13  }
0x116: {  	v57 =	vld [tilespmem:s0+$0x5320]  }
0x117: {  	v58 =	vld [tilespmem:s0+$0x9320];
	v13 =	vadd.f32 v14, v13  }
0x118: {  	v59 =	vld [tilespmem:s0+$0x5330]  }
0x119: {  	v60 =	vld [tilespmem:s0+$0x9330];
	[tilespmem:s14+$0x15050] =	vst v13  }
0x11a: {  	v61 =	vmul.f32 v54, v53;
	v16 =	vmul.f32 v56, v55;
	v62 =	vld [tilespmem:s16+$0x5300]  }
0x11b: {  	v63 =	vld [tilespmem:s16+$0x9300]  }
0x11c: {  	v15 =	vmul.f32 v58, v57;
	v28 =	vld [tilespmem:s16+$0x5310];
	v13 =	vadd.f32 v16, v61  }
0x11d: {  	v29 =	vld [tilespmem:s16+$0x9310]  }
0x11e: {  	v14 =	vmul.f32 v60, v59;
	v30 =	vld [tilespmem:s16+$0x5320];
	v13 =	vadd.f32 v15, v13  }
0x11f: {  	v31 =	vld [tilespmem:s16+$0x9320]  }
0x120: {  	v32 =	vld [tilespmem:s16+$0x5330];
	v13 =	vadd.f32 v14, v13  }
0x121: {  	v33 =	vld [tilespmem:s16+$0x9330]  }
0x122: {  	v24 =	vld [tilespmem:s31+$0x93B0];
	v34 =	vmul.f32 v63, v62;
	v16 =	vmul.f32 v29, v28;
	[tilespmem:s1+$0x15060] =	vst v13  }
0x123: {  	v35 =	vld [tilespmem:s0+$0x5380]  }
0x124: {  	v15 =	vmul.f32 v31, v30;
	v13 =	vadd.f32 v16, v34;
	v36 =	vld [tilespmem:s0+$0x9380]  }
0x125: {  	v37 =	vld [tilespmem:s0+$0x5390]  }
0x126: {  	v14 =	vmul.f32 v33, v32;
	v38 =	vld [tilespmem:s0+$0x9390];
	v13 =	vadd.f32 v15, v13  }
0x127: {  	v39 =	vld [tilespmem:s0+$0x53A0]  }
0x128: {  	v40 =	vld [tilespmem:s0+$0x93A0];
	v13 =	vadd.f32 v14, v13  }
0x129: {  	v41 =	vld [tilespmem:s0+$0x53B0]  }
0x12a: {  	v42 =	vld [tilespmem:s0+$0x93B0];
	[tilespmem:s14+$0x15060] =	vst v13  }
0x12b: {  	v13 =	vld [tilespmem:s16+$0x5380]  }
0x12c: {  	v25 =	vld [tilespmem:s16+$0x9380]  }
0x12d: {  	v26 =	vld [tilespmem:s16+$0x5390]  }
0x12e: {  	v0 =	vmul.f32 v1, v0;
	v43 =	vld [tilespmem:s16+$0x9390]  }
0x12f: {  	v2 =	vmul.f32 v4, v2;
	v44 =	vmul.f32 v7, v6;
	v45 =	vld [tilespmem:s16+$0x53A0]  }
0x130: {  	v46 =	vmul.f32 v9, v8;
	v47 =	vmul.f32 v11, v10;
	v48 =	vld [tilespmem:s16+$0x93A0]  }
0x131: {  	v0 =	vadd.f32 v2, v0;
	v49 =	vmul.f32 v5, v3;
	v50 =	vmul.f32 v22, v12;
	v51 =	vld [tilespmem:s16+$0x53B0]  }
0x132: {  	v7 =	vadd.f32 v47, v46;
	v53 =	vmul.f32 v36, v35;
	v54 =	vmul.f32 v38, v37;
	v52 =	vld [tilespmem:s16+$0x93B0]  }
0x133: {  	v0 =	vadd.f32 v44, v0;
	v55 =	vmul.f32 v25, v13;
	v1 =	vmul.f32 v43, v26  }
0x134: {  	v3 =	vadd.f32 v50, v7;
	v57 =	vmul.f32 v40, v39;
	v56 =	vadd.f32 v54, v53  }
0x135: {  	v58 =	vmul.f32 v24, v23;
	v59 =	vmul.f32 v48, v45;
	v1 =	vadd.f32 v1, v55  }
0x136: {  	p1 =	slt.u32 s28, $0xC;
	v0 =	vadd.f32 v49, v0;
	v61 =	vmul.f32 v42, v41;
	v60 =	vadd.f32 v57, v56  }
.Ltmp2:
0x137: {  	v3 =	vadd.f32 v58, v3;
	v62 =	vmul.f32 v52, v51;
	v1 =	vadd.f32 v59, v1;
	(pc) =	sbr.rel @p1 .LBB2_3-.Ltmp2, $4  }
0x138: {  	[tilespmem:s29+$0x15070] =	vst v0;
	v63 =	vadd.f32 v61, v60  }
0x139: {  	[tilespmem:s30+$0x15070] =	vst v3;
	v1 =	vadd.f32 v62, v1  }
0x13a: {  	s31 =	sadd.s32 $0x4, s28;
	[tilespmem:s1+$0x15070] =	vst v63  }
0x13b: {  	s28 =	smov.u32 s31;
	[tilespmem:s14+$0x15070] =	vst v1  }
0x13c: {  	s28 =	sshll.u32 s25, $0xC  }
0x13d: {  	s0 =	sadd.s32 s4, s28  }
0x13e: {  	s0 =	sshrl.u32 s0, $0x3  }
0x13f: {  	p1 =	seq.s32 s25, $0x27;
	s0 =	sadd.s32 s5, s0  }
0x140: {  	[hbm4b:s0+s2] =	stream.linear.scatter [tilespmem:s19], [sflag:$0x3], $0x800, $0x38;
	[tilespmem:$0x16000] =	vst v63  }
0x141: {  	s1 =	simm.s32 @!p1 $0x80;
	s13 =	simm.s32 @!p1 $0x5000;
	s0 =	sadd.s32 @!p1 $0x100, s26  }
0x142: {  	[tilespmem:s13], [sflag:$0x1] =	stream.indirect.gather @!p1 [hbm4b:s3+s1], $0x80, s0, s1, $0xb8;
	[tilespmem:$0x16000] =	vst v63  }
0x143: {  	s0 =	sadd.s32 @!p1 $0x2900, s26;
	s13 =	simm.s32 @!p1 $0x9000  }
0x144: {  	[tilespmem:s13], [sflag:$0x1] =	stream.indirect.gather @!p1 [hbm4b:s3+s1], $0x80, s0, s1, $0xb8;
	[tilespmem:$0x16000] =	vst v63  }
0x145: {  	_ =	swait.ge [sflag:s20], $0x4000  }
0x146: {  	[sflag:s20] =	ssyncset.done $0x0  }
0x147: {  	[sflag:s20] =	ssyncadd.s32 $0xFFFFC000  }
0x148: {  	_ =	swait.ge [sflag:s20], $0x4000  }
0x149: {  	[sflag:s20] =	ssyncset.done $0x0  }
0x14a: {  	s0 =	simm.s32 @!p0 $0x4;
	[sflag:s20] =	ssyncadd.s32 $0xFFFFC000  }
0x14b: {  	_ =	swait.ge @!p0 [sflag:s0], $0x800  }
0x14c: {  	[sflag:s0] =	ssyncset.done @!p0 $0x0  }
0x14d: {  	s29 =	simm.s32 $0x0;
	[sflag:s0] =	ssyncadd.s32 @!p0 $0xFFFFF800  }
.LBB2_5:
0x14e: {  	s0 =	sshll.u32 s29, $0xA  }
0x14f: {  	v0 =	vld [tilespmem:s0+$0xD000]  }
0x150: {  	v1 =	vld [tilespmem:s0+$0x11000]  }
0x151: {  	v2 =	vld [tilespmem:s0+$0xD010]  }
0x152: {  	v3 =	vld [tilespmem:s0+$0x11010]  }
0x153: {  	v4 =	vld [tilespmem:s0+$0xD020]  }
0x154: {  	v5 =	vld [tilespmem:s0+$0x11020]  }
0x155: {  	v6 =	vld [tilespmem:s0+$0xD030]  }
0x156: {  	s13 =	sor.u32 $0x1, s29;
	v7 =	vld [tilespmem:s0+$0x11030]  }
0x157: {  	s1 =	sshll.u32 s13, $0xA;
	v0 =	vmul.f32 v1, v0;
	v58 =	vmul.f32 v3, v2  }
0x158: {  	v59 =	vld [tilespmem:s1+$0xD000]  }
0x159: {  	v60 =	vld [tilespmem:s1+$0x11000];
	v61 =	vmul.f32 v5, v4;
	v0 =	vadd.f32 v58, v0  }
0x15a: {  	v62 =	vld [tilespmem:s1+$0xD010]  }
0x15b: {  	v63 =	vld [tilespmem:s1+$0x11010];
	v12 =	vmul.f32 v7, v6;
	v0 =	vadd.f32 v61, v0  }
0x15c: {  	v13 =	vld [tilespmem:s1+$0xD020]  }
0x15d: {  	s14 =	sshll.u32 s29, $0x7;
	v14 =	vld [tilespmem:s1+$0x11020];
	v0 =	vadd.f32 v12, v0  }
0x15e: {  	s30 =	sand.u32 $0x3FFFFF80, s14;
	v15 =	vld [tilespmem:s1+$0xD030]  }
0x15f: {  	v8 =	vld [tilespmem:s1+$0x11030];
	[tilespmem:s30+$0x15800] =	vst v0  }
0x160: {  	v16 =	vmul.f32 v60, v59;
	v17 =	vmul.f32 v63, v62;
	v18 =	vld [tilespmem:s0+$0xD080]  }
0x161: {  	v19 =	vld [tilespmem:s0+$0x11080]  }
0x162: {  	v20 =	vmul.f32 v14, v13;
	v0 =	vadd.f32 v17, v16;
	v21 =	vld [tilespmem:s0+$0xD090]  }
0x163: {  	v22 =	vld [tilespmem:s0+$0x11090]  }
0x164: {  	v1 =	vmul.f32 v8, v15;
	v23 =	vld [tilespmem:s0+$0xD0A0];
	v0 =	vadd.f32 v20, v0  }
0x165: {  	v24 =	vld [tilespmem:s0+$0x110A0]  }
0x166: {  	s13 =	sshll.u32 s13, $0x7;
	v25 =	vld [tilespmem:s0+$0xD0B0];
	v0 =	vadd.f32 v1, v0  }
0x167: {  	s31 =	sand.u32 $0x3FFFFF80, s13;
	v26 =	vld [tilespmem:s0+$0x110B0]  }
0x168: {  	[tilespmem:s31+$0x15800] =	vst v0;
	v27 =	vmul.f32 v19, v18;
	v28 =	vmul.f32 v22, v21  }
0x169: {  	v29 =	vld [tilespmem:s1+$0xD080]  }
0x16a: {  	v2 =	vmul.f32 v24, v23;
	v30 =	vld [tilespmem:s1+$0x11080];
	v0 =	vadd.f32 v28, v27  }
0x16b: {  	v31 =	vld [tilespmem:s1+$0xD090]  }
0x16c: {  	v1 =	vmul.f32 v26, v25;
	v32 =	vld [tilespmem:s1+$0x11090];
	v0 =	vadd.f32 v2, v0  }
0x16d: {  	v33 =	vld [tilespmem:s1+$0xD0A0]  }
0x16e: {  	v34 =	vld [tilespmem:s1+$0x110A0];
	v0 =	vadd.f32 v1, v0  }
0x16f: {  	v35 =	vld [tilespmem:s1+$0xD0B0]  }
0x170: {  	v36 =	vld [tilespmem:s1+$0x110B0];
	[tilespmem:s30+$0x15810] =	vst v0  }
0x171: {  	v37 =	vmul.f32 v30, v29;
	v3 =	vmul.f32 v32, v31;
	v38 =	vld [tilespmem:s0+$0xD100]  }
0x172: {  	v39 =	vld [tilespmem:s0+$0x11100]  }
0x173: {  	v2 =	vmul.f32 v34, v33;
	v0 =	vadd.f32 v3, v37;
	v40 =	vld [tilespmem:s0+$0xD110]  }
0x174: {  	v41 =	vld [tilespmem:s0+$0x11110]  }
0x175: {  	v1 =	vmul.f32 v36, v35;
	v42 =	vld [tilespmem:s0+$0xD120];
	v0 =	vadd.f32 v2, v0  }
0x176: {  	v43 =	vld [tilespmem:s0+$0x11120]  }
0x177: {  	v44 =	vld [tilespmem:s0+$0xD130];
	v0 =	vadd.f32 v1, v0  }
0x178: {  	v45 =	vld [tilespmem:s0+$0x11130]  }
0x179: {  	[tilespmem:s31+$0x15810] =	vst v0;
	v46 =	vmul.f32 v39, v38;
	v3 =	vmul.f32 v41, v40  }
0x17a: {  	v47 =	vld [tilespmem:s1+$0xD100]  }
0x17b: {  	v2 =	vmul.f32 v43, v42;
	v48 =	vld [tilespmem:s1+$0x11100];
	v0 =	vadd.f32 v3, v46  }
0x17c: {  	v49 =	vld [tilespmem:s1+$0xD110]  }
0x17d: {  	v1 =	vmul.f32 v45, v44;
	v50 =	vld [tilespmem:s1+$0x11110];
	v0 =	vadd.f32 v2, v0  }
0x17e: {  	v51 =	vld [tilespmem:s1+$0xD120]  }
0x17f: {  	v52 =	vld [tilespmem:s1+$0x11120];
	v0 =	vadd.f32 v1, v0  }
0x180: {  	v53 =	vld [tilespmem:s1+$0xD130]  }
0x181: {  	v54 =	vld [tilespmem:s1+$0x11130];
	[tilespmem:s30+$0x15820] =	vst v0  }
0x182: {  	v55 =	vmul.f32 v48, v47;
	v3 =	vmul.f32 v50, v49;
	v56 =	vld [tilespmem:s0+$0xD180]  }
0x183: {  	v57 =	vld [tilespmem:s0+$0x11180]  }
0x184: {  	v2 =	vmul.f32 v52, v51;
	v0 =	vadd.f32 v3, v55;
	v58 =	vld [tilespmem:s0+$0xD190]  }
0x185: {  	v59 =	vld [tilespmem:s0+$0x11190]  }
0x186: {  	v1 =	vmul.f32 v54, v53;
	v60 =	vld [tilespmem:s0+$0xD1A0];
	v0 =	vadd.f32 v2, v0  }
0x187: {  	v61 =	vld [tilespmem:s0+$0x111A0]  }
0x188: {  	v62 =	vld [tilespmem:s0+$0xD1B0];
	v0 =	vadd.f32 v1, v0  }
0x189: {  	v63 =	vld [tilespmem:s0+$0x111B0]  }
0x18a: {  	[tilespmem:s31+$0x15820] =	vst v0;
	v12 =	vmul.f32 v57, v56;
	v3 =	vmul.f32 v59, v58  }
0x18b: {  	v13 =	vld [tilespmem:s1+$0xD180]  }
0x18c: {  	v2 =	vmul.f32 v61, v60;
	v14 =	vld [tilespmem:s1+$0x11180];
	v0 =	vadd.f32 v3, v12  }
0x18d: {  	v15 =	vld [tilespmem:s1+$0xD190]  }
0x18e: {  	v1 =	vmul.f32 v63, v62;
	v16 =	vld [tilespmem:s1+$0x11190];
	v0 =	vadd.f32 v2, v0  }
0x18f: {  	v17 =	vld [tilespmem:s1+$0xD1A0]  }
0x190: {  	v18 =	vld [tilespmem:s1+$0x111A0];
	v0 =	vadd.f32 v1, v0  }
0x191: {  	v19 =	vld [tilespmem:s1+$0xD1B0]  }
0x192: {  	v20 =	vld [tilespmem:s1+$0x111B0];
	[tilespmem:s30+$0x15830] =	vst v0  }
0x193: {  	v21 =	vmul.f32 v14, v13;
	v3 =	vmul.f32 v16, v15;
	v22 =	vld [tilespmem:s0+$0xD200]  }
0x194: {  	v23 =	vld [tilespmem:s0+$0x11200]  }
0x195: {  	v2 =	vmul.f32 v18, v17;
	v0 =	vadd.f32 v3, v21;
	v24 =	vld [tilespmem:s0+$0xD210]  }
0x196: {  	v25 =	vld [tilespmem:s0+$0x11210]  }
0x197: {  	v1 =	vmul.f32 v20, v19;
	v26 =	vld [tilespmem:s0+$0xD220];
	v0 =	vadd.f32 v2, v0  }
0x198: {  	v27 =	vld [tilespmem:s0+$0x11220]  }
0x199: {  	v28 =	vld [tilespmem:s0+$0xD230];
	v0 =	vadd.f32 v1, v0  }
0x19a: {  	v29 =	vld [tilespmem:s0+$0x11230]  }
0x19b: {  	[tilespmem:s31+$0x15830] =	vst v0;
	v30 =	vmul.f32 v23, v22;
	v3 =	vmul.f32 v25, v24  }
0x19c: {  	v31 =	vld [tilespmem:s1+$0xD200]  }
0x19d: {  	v2 =	vmul.f32 v27, v26;
	v32 =	vld [tilespmem:s1+$0x11200];
	v0 =	vadd.f32 v3, v30  }
0x19e: {  	v33 =	vld [tilespmem:s1+$0xD210]  }
0x19f: {  	v1 =	vmul.f32 v29, v28;
	v34 =	vld [tilespmem:s1+$0x11210];
	v0 =	vadd.f32 v2, v0  }
0x1a0: {  	v35 =	vld [tilespmem:s1+$0xD220]  }
0x1a1: {  	v36 =	vld [tilespmem:s1+$0x11220];
	v0 =	vadd.f32 v1, v0  }
0x1a2: {  	v37 =	vld [tilespmem:s1+$0xD230]  }
0x1a3: {  	v38 =	vld [tilespmem:s1+$0x11230];
	[tilespmem:s30+$0x15840] =	vst v0  }
0x1a4: {  	v39 =	vmul.f32 v32, v31;
	v3 =	vmul.f32 v34, v33;
	v40 =	vld [tilespmem:s0+$0xD280]  }
0x1a5: {  	v41 =	vld [tilespmem:s0+$0x11280]  }
0x1a6: {  	v2 =	vmul.f32 v36, v35;
	v0 =	vadd.f32 v3, v39;
	v42 =	vld [tilespmem:s0+$0xD290]  }
0x1a7: {  	v43 =	vld [tilespmem:s0+$0x11290]  }
0x1a8: {  	v1 =	vmul.f32 v38, v37;
	v44 =	vld [tilespmem:s0+$0xD2A0];
	v0 =	vadd.f32 v2, v0  }
0x1a9: {  	v45 =	vld [tilespmem:s0+$0x112A0]  }
0x1aa: {  	v46 =	vld [tilespmem:s0+$0xD2B0];
	v0 =	vadd.f32 v1, v0  }
0x1ab: {  	v47 =	vld [tilespmem:s0+$0x112B0]  }
0x1ac: {  	[tilespmem:s31+$0x15840] =	vst v0;
	v48 =	vmul.f32 v41, v40;
	v3 =	vmul.f32 v43, v42  }
0x1ad: {  	v49 =	vld [tilespmem:s1+$0xD280]  }
0x1ae: {  	v2 =	vmul.f32 v45, v44;
	v50 =	vld [tilespmem:s1+$0x11280];
	v0 =	vadd.f32 v3, v48  }
0x1af: {  	v51 =	vld [tilespmem:s1+$0xD290]  }
0x1b0: {  	v1 =	vmul.f32 v47, v46;
	v52 =	vld [tilespmem:s1+$0x11290];
	v0 =	vadd.f32 v2, v0  }
0x1b1: {  	v53 =	vld [tilespmem:s1+$0xD2A0]  }
0x1b2: {  	v54 =	vld [tilespmem:s1+$0x112A0];
	v0 =	vadd.f32 v1, v0  }
0x1b3: {  	v55 =	vld [tilespmem:s1+$0xD2B0]  }
0x1b4: {  	v56 =	vld [tilespmem:s1+$0x112B0];
	[tilespmem:s30+$0x15850] =	vst v0  }
0x1b5: {  	v57 =	vmul.f32 v50, v49;
	v3 =	vmul.f32 v52, v51;
	v58 =	vld [tilespmem:s0+$0xD300]  }
0x1b6: {  	v59 =	vld [tilespmem:s0+$0x11300]  }
0x1b7: {  	v2 =	vmul.f32 v54, v53;
	v0 =	vadd.f32 v3, v57;
	v60 =	vld [tilespmem:s0+$0xD310]  }
0x1b8: {  	v61 =	vld [tilespmem:s0+$0x11310]  }
0x1b9: {  	v1 =	vmul.f32 v56, v55;
	v62 =	vld [tilespmem:s0+$0xD320];
	v0 =	vadd.f32 v2, v0  }
0x1ba: {  	v63 =	vld [tilespmem:s0+$0x11320]  }
0x1bb: {  	v12 =	vld [tilespmem:s0+$0xD330];
	v0 =	vadd.f32 v1, v0  }
0x1bc: {  	v13 =	vld [tilespmem:s0+$0x11330]  }
0x1bd: {  	[tilespmem:s31+$0x15850] =	vst v0;
	v14 =	vmul.f32 v59, v58;
	v3 =	vmul.f32 v61, v60  }
0x1be: {  	v15 =	vld [tilespmem:s1+$0xD300]  }
0x1bf: {  	v2 =	vmul.f32 v63, v62;
	v16 =	vld [tilespmem:s1+$0x11300];
	v0 =	vadd.f32 v3, v14  }
0x1c0: {  	v17 =	vld [tilespmem:s1+$0xD310]  }
0x1c1: {  	v1 =	vmul.f32 v13, v12;
	v18 =	vld [tilespmem:s1+$0x11310];
	v0 =	vadd.f32 v2, v0  }
0x1c2: {  	v19 =	vld [tilespmem:s1+$0xD320]  }
0x1c3: {  	v20 =	vld [tilespmem:s1+$0x11320];
	v0 =	vadd.f32 v1, v0  }
0x1c4: {  	v21 =	vld [tilespmem:s1+$0xD330]  }
0x1c5: {  	v9 =	vld [tilespmem:s1+$0x11330];
	[tilespmem:s30+$0x15860] =	vst v0  }
0x1c6: {  	v0 =	vld [tilespmem:s0+$0xD380]  }
0x1c7: {  	v4 =	vmul.f32 v16, v15;
	v3 =	vmul.f32 v18, v17;
	v1 =	vld [tilespmem:s0+$0x11380]  }
0x1c8: {  	v2 =	vld [tilespmem:s0+$0xD390]  }
0x1c9: {  	v22 =	vmul.f32 v20, v19;
	v3 =	vadd.f32 v3, v4;
	v4 =	vld [tilespmem:s0+$0x11390]  }
0x1ca: {  	v6 =	vld [tilespmem:s0+$0xD3A0]  }
0x1cb: {  	v23 =	vmul.f32 v9, v21;
	v7 =	vld [tilespmem:s0+$0x113A0];
	v3 =	vadd.f32 v22, v3  }
0x1cc: {  	s16 =	sor.u32 $0x3, s29;
	v5 =	vld [tilespmem:s0+$0x113B0]  }
0x1cd: {  	s13 =	sshll.u32 s16, $0xA;
	v8 =	vadd.f32 v23, v3;
	v3 =	vld [tilespmem:s0+$0xD3B0];
	s0 =	sor.u32 $0x2, s29  }
0x1ce: {  	v26 =	vld [tilespmem:s13+$0xD000];
	s14 =	sshll.u32 s0, $0xA  }
0x1cf: {  	v24 =	vld [tilespmem:s14+$0xD000]  }
0x1d0: {  	v10 =	vld [tilespmem:s14+$0x11000]  }
0x1d1: {  	v11 =	vld [tilespmem:s14+$0xD010]  }
0x1d2: {  	v12 =	vld [tilespmem:s14+$0x11010]  }
0x1d3: {  	v13 =	vld [tilespmem:s14+$0xD020]  }
0x1d4: {  	v14 =	vld [tilespmem:s14+$0x11020]  }
0x1d5: {  	v15 =	vld [tilespmem:s14+$0xD030]  }
0x1d6: {  	v16 =	vld [tilespmem:s14+$0x11030]  }
0x1d7: {  	v27 =	vld [tilespmem:s13+$0x11000];
	v9 =	vmul.f32 v10, v24;
	v25 =	vmul.f32 v12, v11  }
0x1d8: {  	v29 =	vld [tilespmem:s13+$0xD010]  }
0x1d9: {  	v30 =	vld [tilespmem:s13+$0x11010];
	v28 =	vmul.f32 v14, v13;
	v9 =	vadd.f32 v25, v9  }
0x1da: {  	v32 =	vld [tilespmem:s13+$0xD020]  }
0x1db: {  	v33 =	vld [tilespmem:s13+$0x11020];
	v31 =	vmul.f32 v16, v15;
	v9 =	vadd.f32 v28, v9  }
0x1dc: {  	v17 =	vld [tilespmem:s13+$0xD030]  }
0x1dd: {  	v18 =	vld [tilespmem:s13+$0x11030];
	s0 =	sshll.u32 s0, $0x7;
	[tilespmem:s31+$0x15860] =	vst v8;
	v10 =	vadd.f32 v31, v9  }
0x1de: {  	s0 =	sand.u32 $0x3FFFFF80, s0;
	v8 =	vld [tilespmem:s1+$0xD380]  }
0x1df: {  	v34 =	vmul.f32 v27, v26;
	v35 =	vmul.f32 v30, v29;
	v9 =	vld [tilespmem:s1+$0x11380];
	[tilespmem:s0+$0x15800] =	vst v10  }
0x1e0: {  	v36 =	vld [tilespmem:s14+$0xD080]  }
0x1e1: {  	v38 =	vmul.f32 v33, v32;
	v10 =	vadd.f32 v35, v34;
	v37 =	vld [tilespmem:s14+$0x11080]  }
0x1e2: {  	v39 =	vld [tilespmem:s14+$0xD090]  }
0x1e3: {  	v41 =	vmul.f32 v18, v17;
	v40 =	vld [tilespmem:s14+$0x11090];
	v10 =	vadd.f32 v38, v10  }
0x1e4: {  	v42 =	vld [tilespmem:s14+$0xD0A0]  }
0x1e5: {  	s16 =	sshll.u32 s16, $0x7;
	v43 =	vld [tilespmem:s14+$0x110A0];
	v10 =	vadd.f32 v41, v10  }
0x1e6: {  	s16 =	sand.u32 $0x3FFFFF80, s16;
	v44 =	vld [tilespmem:s14+$0xD0B0]  }
0x1e7: {  	v45 =	vld [tilespmem:s14+$0x110B0];
	[tilespmem:s16+$0x15800] =	vst v10  }
0x1e8: {  	v46 =	vmul.f32 v37, v36;
	v47 =	vmul.f32 v40, v39;
	v48 =	vld [tilespmem:s13+$0xD080]  }
0x1e9: {  	v49 =	vld [tilespmem:s13+$0x11080]  }
0x1ea: {  	v50 =	vmul.f32 v43, v42;
	v51 =	vld [tilespmem:s13+$0xD090];
	v10 =	vadd.f32 v47, v46  }
0x1eb: {  	v52 =	vld [tilespmem:s13+$0x11090]  }
0x1ec: {  	v11 =	vmul.f32 v45, v44;
	v53 =	vld [tilespmem:s13+$0xD0A0];
	v10 =	vadd.f32 v50, v10  }
0x1ed: {  	v54 =	vld [tilespmem:s13+$0x110A0]  }
0x1ee: {  	v55 =	vld [tilespmem:s13+$0xD0B0];
	v11 =	vadd.f32 v11, v10  }
0x1ef: {  	v19 =	vld [tilespmem:s13+$0x110B0]  }
0x1f0: {  	v10 =	vld [tilespmem:s1+$0xD390];
	v56 =	vmul.f32 v49, v48;
	v57 =	vmul.f32 v52, v51;
	[tilespmem:s0+$0x15810] =	vst v11  }
0x1f1: {  	v58 =	vld [tilespmem:s14+$0xD100]  }
0x1f2: {  	v12 =	vmul.f32 v54, v53;
	v11 =	vadd.f32 v57, v56;
	v59 =	vld [tilespmem:s14+$0x11100]  }
0x1f3: {  	v60 =	vld [tilespmem:s14+$0xD110]  }
0x1f4: {  	v62 =	vmul.f32 v19, v55;
	v61 =	vld [tilespmem:s14+$0x11110];
	v11 =	vadd.f32 v12, v11  }
0x1f5: {  	v63 =	vld [tilespmem:s14+$0xD120]  }
0x1f6: {  	v21 =	vld [tilespmem:s14+$0x11120];
	v11 =	vadd.f32 v62, v11  }
0x1f7: {  	v22 =	vld [tilespmem:s14+$0xD130]  }
0x1f8: {  	v23 =	vld [tilespmem:s14+$0x11130];
	[tilespmem:s16+$0x15810] =	vst v11  }
0x1f9: {  	v24 =	vmul.f32 v59, v58;
	v13 =	vmul.f32 v61, v60;
	v25 =	vld [tilespmem:s13+$0xD100]  }
0x1fa: {  	v26 =	vld [tilespmem:s13+$0x11100]  }
0x1fb: {  	v27 =	vmul.f32 v21, v63;
	v28 =	vld [tilespmem:s13+$0xD110];
	v11 =	vadd.f32 v13, v24  }
0x1fc: {  	v29 =	vld [tilespmem:s13+$0x11110]  }
0x1fd: {  	v12 =	vmul.f32 v23, v22;
	v30 =	vld [tilespmem:s13+$0xD120];
	v11 =	vadd.f32 v27, v11  }
0x1fe: {  	v31 =	vld [tilespmem:s13+$0x11120]  }
0x1ff: {  	v32 =	vld [tilespmem:s13+$0xD130];
	v12 =	vadd.f32 v12, v11  }
0x200: {  	v20 =	vld [tilespmem:s13+$0x11130]  }
0x201: {  	v22 =	vld [tilespmem:s1+$0x113A0];
	v33 =	vmul.f32 v26, v25;
	v34 =	vmul.f32 v29, v28;
	[tilespmem:s0+$0x15820] =	vst v12  }
0x202: {  	v35 =	vld [tilespmem:s14+$0xD180]  }
0x203: {  	v13 =	vmul.f32 v31, v30;
	v12 =	vadd.f32 v34, v33;
	v36 =	vld [tilespmem:s14+$0x11180]  }
0x204: {  	v37 =	vld [tilespmem:s14+$0xD190]  }
0x205: {  	v39 =	vmul.f32 v20, v32;
	v38 =	vld [tilespmem:s14+$0x11190];
	v12 =	vadd.f32 v13, v12  }
0x206: {  	v40 =	vld [tilespmem:s14+$0xD1A0]  }
0x207: {  	v41 =	vld [tilespmem:s14+$0x111A0];
	v12 =	vadd.f32 v39, v12  }
0x208: {  	v42 =	vld [tilespmem:s14+$0xD1B0]  }
0x209: {  	v43 =	vld [tilespmem:s14+$0x111B0];
	[tilespmem:s16+$0x15820] =	vst v12  }
0x20a: {  	v44 =	vmul.f32 v36, v35;
	v14 =	vmul.f32 v38, v37;
	v45 =	vld [tilespmem:s13+$0xD180]  }
0x20b: {  	v46 =	vld [tilespmem:s13+$0x11180]  }
0x20c: {  	v47 =	vmul.f32 v41, v40;
	v48 =	vld [tilespmem:s13+$0xD190];
	v12 =	vadd.f32 v14, v44  }
0x20d: {  	v49 =	vld [tilespmem:s13+$0x11190]  }
0x20e: {  	v13 =	vmul.f32 v43, v42;
	v50 =	vld [tilespmem:s13+$0xD1A0];
	v12 =	vadd.f32 v47, v12  }
0x20f: {  	v51 =	vld [tilespmem:s13+$0x111A0]  }
0x210: {  	v52 =	vld [tilespmem:s13+$0xD1B0];
	v13 =	vadd.f32 v13, v12  }
0x211: {  	v21 =	vld [tilespmem:s13+$0x111B0]  }
0x212: {  	v11 =	vld [tilespmem:s1+$0x11390];
	v53 =	vmul.f32 v46, v45;
	v54 =	vmul.f32 v49, v48;
	[tilespmem:s0+$0x15830] =	vst v13  }
0x213: {  	v55 =	vld [tilespmem:s14+$0xD200]  }
0x214: {  	v14 =	vmul.f32 v51, v50;
	v13 =	vadd.f32 v54, v53;
	v56 =	vld [tilespmem:s14+$0x11200]  }
0x215: {  	v57 =	vld [tilespmem:s14+$0xD210]  }
0x216: {  	v59 =	vmul.f32 v21, v52;
	v58 =	vld [tilespmem:s14+$0x11210];
	v13 =	vadd.f32 v14, v13  }
0x217: {  	v60 =	vld [tilespmem:s14+$0xD220]  }
0x218: {  	v61 =	vld [tilespmem:s14+$0x11220];
	v13 =	vadd.f32 v59, v13  }
0x219: {  	v62 =	vld [tilespmem:s14+$0xD230]  }
0x21a: {  	v63 =	vld [tilespmem:s14+$0x11230];
	[tilespmem:s16+$0x15830] =	vst v13  }
0x21b: {  	v23 =	vmul.f32 v56, v55;
	v15 =	vmul.f32 v58, v57;
	v24 =	vld [tilespmem:s13+$0xD200]  }
0x21c: {  	v25 =	vld [tilespmem:s13+$0x11200]  }
0x21d: {  	v26 =	vmul.f32 v61, v60;
	v27 =	vld [tilespmem:s13+$0xD210];
	v13 =	vadd.f32 v15, v23  }
0x21e: {  	v28 =	vld [tilespmem:s13+$0x11210]  }
0x21f: {  	v14 =	vmul.f32 v63, v62;
	v29 =	vld [tilespmem:s13+$0xD220];
	v13 =	vadd.f32 v26, v13  }
0x220: {  	v30 =	vld [tilespmem:s13+$0x11220]  }
0x221: {  	v31 =	vld [tilespmem:s13+$0xD230];
	v13 =	vadd.f32 v14, v13  }
0x222: {  	v32 =	vld [tilespmem:s13+$0x11230]  }
0x223: {  	v12 =	vld [tilespmem:s1+$0xD3A0];
	v33 =	vmul.f32 v25, v24;
	v34 =	vmul.f32 v28, v27;
	[tilespmem:s0+$0x15840] =	vst v13  }
0x224: {  	v35 =	vld [tilespmem:s14+$0xD280]  }
0x225: {  	v15 =	vmul.f32 v30, v29;
	v13 =	vadd.f32 v34, v33;
	v36 =	vld [tilespmem:s14+$0x11280]  }
0x226: {  	v37 =	vld [tilespmem:s14+$0xD290]  }
0x227: {  	v14 =	vmul.f32 v32, v31;
	v38 =	vld [tilespmem:s14+$0x11290];
	v13 =	vadd.f32 v15, v13  }
0x228: {  	v39 =	vld [tilespmem:s14+$0xD2A0]  }
0x229: {  	v40 =	vld [tilespmem:s14+$0x112A0];
	v13 =	vadd.f32 v14, v13  }
0x22a: {  	v41 =	vld [tilespmem:s14+$0xD2B0]  }
0x22b: {  	v42 =	vld [tilespmem:s14+$0x112B0];
	[tilespmem:s16+$0x15840] =	vst v13  }
0x22c: {  	v43 =	vmul.f32 v36, v35;
	v16 =	vmul.f32 v38, v37;
	v44 =	vld [tilespmem:s13+$0xD280]  }
0x22d: {  	v45 =	vld [tilespmem:s13+$0x11280]  }
0x22e: {  	v15 =	vmul.f32 v40, v39;
	v46 =	vld [tilespmem:s13+$0xD290];
	v13 =	vadd.f32 v16, v43  }
0x22f: {  	v47 =	vld [tilespmem:s13+$0x11290]  }
0x230: {  	v14 =	vmul.f32 v42, v41;
	v48 =	vld [tilespmem:s13+$0xD2A0];
	v13 =	vadd.f32 v15, v13  }
0x231: {  	v49 =	vld [tilespmem:s13+$0x112A0]  }
0x232: {  	v50 =	vld [tilespmem:s13+$0xD2B0];
	v13 =	vadd.f32 v14, v13  }
0x233: {  	v51 =	vld [tilespmem:s13+$0x112B0]  }
0x234: {  	v23 =	vld [tilespmem:s1+$0xD3B0];
	v52 =	vmul.f32 v45, v44;
	v16 =	vmul.f32 v47, v46;
	[tilespmem:s0+$0x15850] =	vst v13  }
0x235: {  	v53 =	vld [tilespmem:s14+$0xD300]  }
0x236: {  	v15 =	vmul.f32 v49, v48;
	v13 =	vadd.f32 v16, v52;
	v54 =	vld [tilespmem:s14+$0x11300]  }
0x237: {  	v55 =	vld [tilespmem:s14+$0xD310]  }
0x238: {  	v14 =	vmul.f32 v51, v50;
	v56 =	vld [tilespmem:s14+$0x11310];
	v13 =	vadd.f32 v15, v13  }
0x239: {  	v57 =	vld [tilespmem:s14+$0xD320]  }
0x23a: {  	v58 =	vld [tilespmem:s14+$0x11320];
	v13 =	vadd.f32 v14, v13  }
0x23b: {  	v59 =	vld [tilespmem:s14+$0xD330]  }
0x23c: {  	v60 =	vld [tilespmem:s14+$0x11330];
	[tilespmem:s16+$0x15850] =	vst v13  }
0x23d: {  	v61 =	vmul.f32 v54, v53;
	v16 =	vmul.f32 v56, v55;
	v62 =	vld [tilespmem:s13+$0xD300]  }
0x23e: {  	v63 =	vld [tilespmem:s13+$0x11300]  }
0x23f: {  	v15 =	vmul.f32 v58, v57;
	v28 =	vld [tilespmem:s13+$0xD310];
	v13 =	vadd.f32 v16, v61  }
0x240: {  	v29 =	vld [tilespmem:s13+$0x11310]  }
0x241: {  	v14 =	vmul.f32 v60, v59;
	v30 =	vld [tilespmem:s13+$0xD320];
	v13 =	vadd.f32 v15, v13  }
0x242: {  	v31 =	vld [tilespmem:s13+$0x11320]  }
0x243: {  	v32 =	vld [tilespmem:s13+$0xD330];
	v13 =	vadd.f32 v14, v13  }
0x244: {  	v33 =	vld [tilespmem:s13+$0x11330]  }
0x245: {  	v24 =	vld [tilespmem:s1+$0x113B0];
	v34 =	vmul.f32 v63, v62;
	v16 =	vmul.f32 v29, v28;
	[tilespmem:s0+$0x15860] =	vst v13  }
0x246: {  	v35 =	vld [tilespmem:s14+$0xD380]  }
0x247: {  	v15 =	vmul.f32 v31, v30;
	v13 =	vadd.f32 v16, v34;
	v36 =	vld [tilespmem:s14+$0x11380]  }
0x248: {  	v37 =	vld [tilespmem:s14+$0xD390]  }
0x249: {  	v14 =	vmul.f32 v33, v32;
	v38 =	vld [tilespmem:s14+$0x11390];
	v13 =	vadd.f32 v15, v13  }
0x24a: {  	v39 =	vld [tilespmem:s14+$0xD3A0]  }
0x24b: {  	v40 =	vld [tilespmem:s14+$0x113A0];
	v13 =	vadd.f32 v14, v13  }
0x24c: {  	v41 =	vld [tilespmem:s14+$0xD3B0]  }
0x24d: {  	v42 =	vld [tilespmem:s14+$0x113B0];
	[tilespmem:s16+$0x15860] =	vst v13  }
0x24e: {  	v13 =	vld [tilespmem:s13+$0xD380]  }
0x24f: {  	v25 =	vld [tilespmem:s13+$0x11380]  }
0x250: {  	v26 =	vld [tilespmem:s13+$0xD390]  }
0x251: {  	v0 =	vmul.f32 v1, v0;
	v43 =	vld [tilespmem:s13+$0x11390]  }
0x252: {  	v2 =	vmul.f32 v4, v2;
	v44 =	vmul.f32 v7, v6;
	v45 =	vld [tilespmem:s13+$0xD3A0]  }
0x253: {  	v46 =	vmul.f32 v9, v8;
	v47 =	vmul.f32 v11, v10;
	v48 =	vld [tilespmem:s13+$0x113A0]  }
0x254: {  	v0 =	vadd.f32 v2, v0;
	v49 =	vmul.f32 v5, v3;
	v50 =	vmul.f32 v22, v12;
	v51 =	vld [tilespmem:s13+$0xD3B0]  }
0x255: {  	v7 =	vadd.f32 v47, v46;
	v53 =	vmul.f32 v36, v35;
	v54 =	vmul.f32 v38, v37;
	v52 =	vld [tilespmem:s13+$0x113B0]  }
0x256: {  	v0 =	vadd.f32 v44, v0;
	v55 =	vmul.f32 v25, v13;
	v1 =	vmul.f32 v43, v26  }
0x257: {  	v3 =	vadd.f32 v50, v7;
	v57 =	vmul.f32 v40, v39;
	v56 =	vadd.f32 v54, v53  }
0x258: {  	v58 =	vmul.f32 v24, v23;
	v59 =	vmul.f32 v48, v45;
	v1 =	vadd.f32 v1, v55  }
0x259: {  	p0 =	slt.u32 s29, $0xC;
	v0 =	vadd.f32 v49, v0;
	v61 =	vmul.f32 v42, v41;
	v60 =	vadd.f32 v57, v56  }
.Ltmp3:
0x25a: {  	v3 =	vadd.f32 v58, v3;
	v62 =	vmul.f32 v52, v51;
	v1 =	vadd.f32 v59, v1;
	(pc) =	sbr.rel @p0 .LBB2_5-.Ltmp3, $4  }
0x25b: {  	[tilespmem:s30+$0x15870] =	vst v0;
	v63 =	vadd.f32 v61, v60  }
0x25c: {  	[tilespmem:s31+$0x15870] =	vst v3;
	v1 =	vadd.f32 v62, v1  }
0x25d: {  	s31 =	sadd.s32 $0x4, s29;
	[tilespmem:s0+$0x15870] =	vst v63  }
0x25e: {  	s29 =	smov.u32 s31;
	[tilespmem:s16+$0x15870] =	vst v1  }
.Ltmp4:
0x25f: {  	(pc) =	sbr.rel @p1 .LBB2_8-.Ltmp4, $4  }
0x260: {  	s0 =	sadd.s32 s28, s8  }
0x261: {  	s0 =	sshrl.u32 s0, $0x3  }
0x262: {  	s0 =	sadd.s32 s5, s0  }
0x263: {  	[hbm4b:s0+s2] =	stream.linear.scatter [tilespmem:s21], [sflag:$0x4], $0x800, $0x38;
	[tilespmem:$0x16000] =	vst v63  }
.Ltmp5:
0x264: {  	(pc) =	sbr.rel .LBB2_2-.Ltmp5, $4  }
0x265: {  	s0 =	sadd.s32 $0x180, s26  }
0x266: {  	[tilespmem:s15], [sflag:$0x2] =	stream.indirect.gather [hbm4b:s3+s12], $0x80, s0, s12, $0xb8;
	[tilespmem:$0x16000] =	vst v63  }
0x267: {  	s31 =	sadd.s32 $0x2980, s26;
	s25 =	sadd.s32 $0x1, s25  }
0x268: {  	[tilespmem:s17], [sflag:$0x2] =	stream.indirect.gather [hbm4b:s3+s12], $0x80, s31, s12, $0xb8;
	[tilespmem:$0x16000] =	vst v63  }
.LBB2_9:
0x269: {  	_ =	sfence.sel $0x180000  }
0x26a: {  	[bflag:$0x0] =	sbarrier.arrive $0xFFFF  }
0x26b: {  	_ =	strace $0x90000050  }
0x26c: {  	s0 =	stileid.u32;
	[bflag:$0x2] =	sbarrier.arrive $0xFFFF  }
0x26d: {  	p0 =	sne.s32 s0, $0x0;
	s0 =	rddreg [dreg:$0x1]  }
0x26e: {  	s0 =	sadd.s32 @!p0 $0x100000, s0  }
0x26f: {  	[sflag:s0] =	ssyncadd.tile.s32 @!p0 $0x1;
	_ =	shalt  }
.Lfunc_end2:
_tile_overlayer_lowered:
.L_overlay_start_2:
0x270: {  	(tag) =	ssettag $0x2  }
0x271: {  	s0 =	rddreg [dreg:$0x0];
	s2 =	stileid.u32  }
0x272: {  	s1 =	rddreg [dreg:$0x1];
	p0 =	sne.s32 s2, $0x0  }
0x273: {  	s3 =	rddreg [dreg:$0x2];
	[bflag:$0x3] =	sbarrier.arrive $0xFFFF;
	s2 =	simm.s32 @!p0 $0x1C05  }
0x274: {  	[timem:s3], [sflag:s2] =	dma.local @!p0 [hbm:s0], s1  }
0x275: {  	s0 =	simm.s32 @!p0 $0x5  }
0x276: {  	_ =	swait.ge @!p0 [sflag:s0], s1  }
0x277: {  	s1 =	ssub.s32 @!p0 $0x0, s1;
	[sflag:s0] =	ssyncset.done @!p0 $0x0  }
0x278: {  	[sflag:s0] =	ssyncadd.s32 @!p0 s1  }
0x279: {  	[bflag:$0x3] =	sbarrier.arrive $0xFFFF  }
0x27a: {  	_ =	shalt  }

</sc_bundles>
